<compile_context>
chip_gen: v7x
topology: tpu7x:2x2x1
jax: 0.10.2.dev20260603
libtpu: 0.0.44.dev20260713+nightly
codegen_flags: <defaults>
</compile_context>

<pallas_src>
import functools

import jax
import jax.numpy as jnp
from jax import lax
from jax.experimental import pallas as pl
from jax.experimental.pallas import tpu as pltpu
from jax.experimental.pallas import tpu_sc as plsc

_N = 10000
_E = 320000
_DH = 64
_B = 64
_NUM_LAYERS = 8

_NC = 2
_NS = 16
_NW = _NC * _NS
_CHUNK = 128
_EPW = -(-_E // _NW)
_NCH = -(-_EPW // _CHUNK)
_EPAD = _NW * _NCH * _CHUNK
_NACC = 10112
_RPS = _NACC // _NS

_DW = 128
_ROWBLK = 1000
_NBLK = _N // _ROWBLK



def _prop_body(m_hbm, srcs_hbm, dsts_hbm, zeros_hbm, out0, out1,
               src_v, dst_v, rows_v, acc, sem):
    c = lax.axis_index("c")
    s = lax.axis_index("s")
    w = s * _NC + c

    pltpu.sync_copy(srcs_hbm.at[w], src_v)
    pltpu.sync_copy(dsts_hbm.at[w], dst_v)
    pltpu.sync_copy(zeros_hbm.at[pl.ds(s * _RPS, _RPS)],
                    acc.at[pl.ds(s * _RPS, _RPS)])
    plsc.subcore_barrier()

    def chunk(j, carry):
        pltpu.async_copy(m_hbm.at[src_v.at[j]], rows_v, sem).wait()
        pltpu.sync_copy(rows_v, acc.at[dst_v.at[j]], add=True)
        return carry

    lax.fori_loop(0, _NCH, chunk, 0)
    plsc.subcore_barrier()

    @pl.when(c == 0)
    def _():
        pltpu.sync_copy(acc.at[pl.ds(s * _RPS, _RPS)],
                        out0.at[pl.ds(s * _RPS, _RPS)])

    @pl.when(c == 1)
    def _():
        pltpu.sync_copy(acc.at[pl.ds(s * _RPS, _RPS)],
                        out1.at[pl.ds(s * _RPS, _RPS)])


@functools.cache
def _get_propagate():
    return pl.kernel(
        _prop_body,
        out_type=(jax.ShapeDtypeStruct((_NACC, _DW), jnp.float32),
                  jax.ShapeDtypeStruct((_NACC, _DW), jnp.float32)),
        mesh=plsc.VectorSubcoreMesh(core_axis_name="c", subcore_axis_name="s",
                                    num_cores=_NC, num_subcores=_NS),
        scratch_types=[
            pltpu.VMEM((_NCH, _CHUNK), jnp.int32),
            pltpu.VMEM((_NCH, _CHUNK), jnp.int32),
            pltpu.VMEM((_CHUNK, _DW), jnp.float32),
            pltpu.VMEM_SHARED((_NACC, _DW), jnp.float32),
            pltpu.SemaphoreType.DMA,
        ],
    )



def _dot(a, b):
    return lax.dot_general(a, b, (((1,), (0,)), ((), ())),
                           precision=lax.Precision.HIGHEST,
                           preferred_element_type=jnp.float32)


def _first_body(x_ref, w_ref, d0_ref, d1_ref, m_ref, dinv_ref):
    dinv = lax.rsqrt(1.0 + d0_ref[...][:, :1] + d1_ref[...][:, :1])
    mv = _dot(x_ref[...], w_ref[...]) * dinv
    m_ref[...] = jnp.concatenate([mv, jnp.zeros_like(mv)], axis=1)
    dinv_ref[...] = dinv


def _first_call(x, w, d0, d1):
    d_in = x.shape[1]
    return pl.pallas_call(
        _first_body,
        grid=(_NBLK,),
        in_specs=[
            pl.BlockSpec((_ROWBLK, d_in), lambda i: (i, 0)),
            pl.BlockSpec((d_in, _DH), lambda i: (0, 0)),
            pl.BlockSpec((_ROWBLK, _DW), lambda i: (i, 0)),
            pl.BlockSpec((_ROWBLK, _DW), lambda i: (i, 0)),
        ],
        out_specs=[
            pl.BlockSpec((_ROWBLK, _DW), lambda i: (i, 0)),
            pl.BlockSpec((_ROWBLK, 1), lambda i: (i, 0)),
        ],
        out_shape=[
            jax.ShapeDtypeStruct((_NACC, _DW), jnp.float32),
            jax.ShapeDtypeStruct((_N, 1), jnp.float32),
        ],
    )(x, w, d0, d1)


def _r64(ref):
    v = ref[...]
    return v[:, :_DH]


def _layer_body(p0_ref, p1_ref, m_ref, hp_ref, dinv_ref, b_ref, g_ref,
                be_ref, wn_ref, h_ref, mn_ref, *, use_res):
    dinv = dinv_ref[...]
    a = dinv * (_r64(p0_ref) + _r64(p1_ref) + _r64(m_ref)) + b_ref[...]
    mu = jnp.mean(a, axis=-1, keepdims=True)
    var = jnp.mean((a - mu) ** 2, axis=-1, keepdims=True)
    hn = (a - mu) * lax.rsqrt(var + 1e-5) * g_ref[...] + be_ref[...]
    h = jnp.maximum(hn, 0.0)
    if use_res:
        h = h + _r64(hp_ref)
    h_ref[...] = h
    mn = _dot(h, wn_ref[...]) * dinv
    mn_ref[...] = jnp.concatenate([mn, jnp.zeros_like(mn)], axis=1)


def _layer_call(p0, p1, m, hp, dinv, b, g, be, wn, use_res):
    return pl.pallas_call(
        functools.partial(_layer_body, use_res=use_res),
        grid=(_NBLK,),
        in_specs=[
            pl.BlockSpec((_ROWBLK, _DW), lambda i: (i, 0)),
            pl.BlockSpec((_ROWBLK, _DW), lambda i: (i, 0)),
            pl.BlockSpec((_ROWBLK, _DW), lambda i: (i, 0)),
            pl.BlockSpec((_ROWBLK, hp.shape[1]), lambda i: (i, 0)),
            pl.BlockSpec((_ROWBLK, 1), lambda i: (i, 0)),
            pl.BlockSpec((1, _DH), lambda i: (0, 0)),
            pl.BlockSpec((1, _DH), lambda i: (0, 0)),
            pl.BlockSpec((1, _DH), lambda i: (0, 0)),
            pl.BlockSpec((_DH, _DH), lambda i: (0, 0)),
        ],
        out_specs=[
            pl.BlockSpec((_ROWBLK, _DH), lambda i: (i, 0)),
            pl.BlockSpec((_ROWBLK, _DW), lambda i: (i, 0)),
        ],
        out_shape=[
            jax.ShapeDtypeStruct((_N, _DH), jnp.float32),
            jax.ShapeDtypeStruct((_NACC, _DW), jnp.float32),
        ],
    )(p0, p1, m, hp, dinv, b, g, be, wn)


def _pool_body(h_ref, batch_ref, fc1w_ref, fc1b_ref, fc2w_ref, fc2b_ref,
               out_ref, sums, counts):
    i = pl.program_id(0)

    @pl.when(i == 0)
    def _():
        sums[...] = jnp.zeros_like(sums)
        counts[...] = jnp.zeros_like(counts)

    gid = lax.broadcasted_iota(jnp.int32, (1, _B), 1)
    onehot = (batch_ref[...] == gid).astype(jnp.float32)
    sums[...] += lax.dot_general(onehot, h_ref[...],
                                 (((0,), (0,)), ((), ())),
                                 precision=lax.Precision.HIGHEST,
                                 preferred_element_type=jnp.float32)
    ones_col = jnp.ones((_ROWBLK, 1), jnp.float32)
    counts[...] += lax.dot_general(onehot, ones_col,
                                   (((0,), (0,)), ((), ())),
                                   precision=lax.Precision.HIGHEST,
                                   preferred_element_type=jnp.float32)

    @pl.when(i == _NBLK - 1)
    def _():
        pooled = sums[...] / jnp.maximum(counts[...], 1.0)
        z = jnp.maximum(_dot(pooled, fc1w_ref[...]) + fc1b_ref[...], 0.0)
        out_ref[...] = _dot(z, fc2w_ref[...]) + fc2b_ref[...]


def _pool_call(h, batch2d, fc1w, fc1b, fc2w, fc2b):
    return pl.pallas_call(
        _pool_body,
        grid=(_NBLK,),
        in_specs=[
            pl.BlockSpec((_ROWBLK, _DH), lambda i: (i, 0)),
            pl.BlockSpec((_ROWBLK, 1), lambda i: (i, 0)),
            pl.BlockSpec((_DH, _DH), lambda i: (0, 0)),
            pl.BlockSpec((1, _DH), lambda i: (0, 0)),
            pl.BlockSpec((_DH, 1), lambda i: (0, 0)),
            pl.BlockSpec((1, 1), lambda i: (0, 0)),
        ],
        out_specs=pl.BlockSpec((_B, 1), lambda i: (0, 0)),
        out_shape=jax.ShapeDtypeStruct((_B, 1), jnp.float32),
        scratch_shapes=[
            pltpu.VMEM((_B, _DH), jnp.float32),
            pltpu.VMEM((_B, 1), jnp.float32),
        ],
    )(h, batch2d, fc1w, fc1b, fc2w, fc2b)



def kernel(x, edge_index, batch, W_in, b_in, g_in, be_in, W_mid, b_mid,
           g_mid, be_mid, W_out, b_out, g_out, be_out, fc1_W, fc1_b,
           fc2_W, fc2_b):
    src, dst = edge_index[0], edge_index[1]
    pad = _EPAD - _E
    srcs = jnp.concatenate(
        [src, jnp.zeros((pad,), src.dtype)]).reshape(_NW, _NCH, _CHUNK)
    dsts = jnp.concatenate(
        [dst, jnp.full((pad,), _N, dst.dtype)]).reshape(_NW, _NCH, _CHUNK)
    zeros_acc = jnp.zeros((_NACC, _DW), jnp.float32)
    ones_n = jnp.ones((_NACC, _DW), jnp.float32)

    d0, d1 = _get_propagate()(ones_n, srcs, dsts, zeros_acc)

    m, dinv = _first_call(x, W_in, d0, d1)

    params = ([(b_in, g_in, be_in)]
              + [(b_mid, g_mid, be_mid)] * (_NUM_LAYERS - 2)
              + [(b_out, g_out, be_out)])
    h = m
    for l in range(_NUM_LAYERS):
        p0, p1 = _get_propagate()(m, srcs, dsts, zeros_acc)
        b, g, be = params[l]
        wn = W_out if l == _NUM_LAYERS - 2 else W_mid
        use_res = l in (2, 4, 6)
        h_new, m_new = _layer_call(p0, p1, m, h, dinv,
                                   b.reshape(1, _DH), g.reshape(1, _DH),
                                   be.reshape(1, _DH), wn, use_res)
        h, m = h_new, m_new

    return _pool_call(h, batch.reshape(_N, 1), fc1_W,
                      fc1_b.reshape(1, _DH), fc2_W, fc2_b.reshape(1, 1))

# --- scband reference (transcript-rebuilt; emitter-appended) ---
"""Pipeline reference for scband-memory-efficient-gnn-63814624084745 (READ-ONLY COPY).

The authoritative reference and input builder live on the scoring server;
editing this copy changes nothing except your own understanding.
"""

import jax, jax.numpy as jnp
import numpy as np

N = 10000
E = 320000
D_IN = 128
D_H = 64
D_OUT = 1
B = 64
NUM_LAYERS = 8


def gcn_conv(x, src, dst, W, b, n):
    # GCNConv with symmetric normalization and self loops:
    # out = D^{-1/2} (A + I) D^{-1/2} X W + b
    h = x @ W
    loop = jnp.arange(n, dtype=src.dtype)
    s = jnp.concatenate([src, loop])
    d = jnp.concatenate([dst, loop])
    deg = jnp.zeros((n,), x.dtype).at[d].add(1.0)
    dinv = jnp.where(deg > 0, jax.lax.rsqrt(deg), 0.0)
    norm = dinv[s] * dinv[d]
    msg = h[s] * norm[:, None]
    out = jnp.zeros((n, W.shape[1]), x.dtype).at[d].add(msg)
    return out + b


def layer_norm(x, g, b, eps=1e-5):
    mu = jnp.mean(x, axis=-1, keepdims=True)
    var = jnp.mean((x - mu) ** 2, axis=-1, keepdims=True)
    return (x - mu) * jax.lax.rsqrt(var + eps) * g + b


def setup_inputs(seed: int = 0) -> dict:
    key = jax.random.key(seed)
    ks = jax.random.split(key, 20)
    x = jax.random.normal(ks[0], (N, D_IN), jnp.float32)
    edge_index = jax.random.randint(ks[1], (2, E), 0, N, jnp.int32)
    batch = jnp.sort(jax.random.randint(ks[2], (N,), 0, B, jnp.int32))
    sc = 0.05
    return {
        "x": x,
        "edge_index": edge_index,
        "batch": batch,
        "W_in": sc * jax.random.normal(ks[3], (D_IN, D_H), jnp.float32),
        "b_in": jnp.zeros((D_H,), jnp.float32),
        "g_in": jnp.ones((D_H,), jnp.float32),
        "be_in": jnp.zeros((D_H,), jnp.float32),
        "W_mid": sc * jax.random.normal(ks[4], (D_H, D_H), jnp.float32),
        "b_mid": jnp.zeros((D_H,), jnp.float32),
        "g_mid": jnp.ones((D_H,), jnp.float32),
        "be_mid": jnp.zeros((D_H,), jnp.float32),
        "W_out": sc * jax.random.normal(ks[5], (D_H, D_H), jnp.float32),
        "b_out": jnp.zeros((D_H,), jnp.float32),
        "g_out": jnp.ones((D_H,), jnp.float32),
        "be_out": jnp.zeros((D_H,), jnp.float32),
        "fc1_W": sc * jax.random.normal(ks[6], (D_H, 64), jnp.float32),
        "fc1_b": jnp.zeros((64,), jnp.float32),
        "fc2_W": sc * jax.random.normal(ks[7], (64, D_OUT), jnp.float32),
        "fc2_b": jnp.zeros((D_OUT,), jnp.float32),
    }


def reference(x, edge_index, batch, W_in, b_in, g_in, be_in, W_mid, b_mid, g_mid, be_mid, W_out, b_out, g_out, be_out, fc1_W, fc1_b, fc2_W, fc2_b):
    src, dst = edge_index[0], edge_index[1]
    # layer 0
    h = jax.nn.relu(layer_norm(gcn_conv(x, src, dst, W_in, b_in, N), g_in, be_in))
    # middle layers 1..num_layers-2 (shared middle conv params)
    for i in range(1, NUM_LAYERS - 1):
        blk = jax.nn.relu(layer_norm(gcn_conv(h, src, dst, W_mid, b_mid, N), g_mid, be_mid))
        if i % 2 == 0:
            h = blk + h
        else:
            h = blk
    # last layer
    h = jax.nn.relu(layer_norm(gcn_conv(h, src, dst, W_out, b_out, N), g_out, be_out))
    # global mean pool over graphs
    sums = jnp.zeros((B, D_H), h.dtype).at[batch].add(h)
    counts = jnp.zeros((B,), h.dtype).at[batch].add(1.0)
    pooled = sums / jnp.maximum(counts, 1.0)[:, None]
    z = jax.nn.relu(pooled @ fc1_W + fc1_b)
    # dropout is identity in inference
    return z @ fc2_W + fc2_b

if __name__ == "__main__":
    import jax
    _d = setup_inputs()
    print(jax.jit(kernel)(*tuple(_d.values())))

</pallas_src>

<mosaic_0001>
#map = affine_map<(d0, d1) -> (0, 0)>
#map1 = affine_map<(d0, d1) -> (0, 0, 0)>
module attributes {stable_mosaic.version = 14 : i64} {
  func.func @_prop_body(%arg0: i32, %arg1: i32, %arg2: memref<10112x128xf32, #tpu.memory_space<hbm>>, %arg3: memref<32x79x128xi32, #tpu.memory_space<hbm>>, %arg4: memref<32x79x128xi32, #tpu.memory_space<hbm>>, %arg5: memref<10112x128xf32, #tpu.memory_space<hbm>>, %arg6: memref<10112x128xf32, #tpu.memory_space<hbm>>, %arg7: memref<10112x128xf32, #tpu.memory_space<hbm>>, %arg8: memref<79x128xi32, #tpu.memory_space<vmem>>, %arg9: memref<79x128xi32, #tpu.memory_space<vmem>>, %arg10: memref<128x128xf32, #tpu.memory_space<vmem>>, %arg11: memref<10112x128xf32, #tpu.memory_space<vmem_shared>>, %arg12: memref<!tpu.dma_semaphore, #tpu.memory_space<semaphore_mem>>) attributes {dimension_semantics = [#tpu.dimension_semantics<core_parallel>, #tpu.dimension_semantics<subcore_parallel>], iteration_bounds = array<i64: 2, 16>, scalar_prefetch = 0 : i64, scratch_operands = 5 : i64, tpu.core_type = #tpu.core_type<sc_vector_subcore>, window_params = [{transform_indices = #map}, {transform_indices = #map1}, {transform_indices = #map1}, {transform_indices = #map}, {transform_indices = #map}, {transform_indices = #map}]} {
    %mul3A = arith.constant 2 : i32
    %mul3A_0 = arith.muli %arg1, %mul3A : i32
    %add3A = arith.addi %mul3A_0, %arg0 : i32
    "tpu.region"() ({
      %run_scoped3A = tpu.sem_alloc : memref<!tpu.dma_semaphore, #tpu.memory_space<semaphore_mem>>
      %dma_start3A = arith.constant 0 : i32
      %dma_start3A_18 = arith.constant 0 : i32
      %dma_start3A_19 = tpu.memref_slice %arg3[%add3A, %dma_start3A, %dma_start3A_18] : memref<32x79x128xi32, #tpu.memory_space<hbm>> -> memref<1x79x128xi32, #tpu.memory_space<hbm>>
      %dma_start3A_20 = tpu.memref_squeeze %dma_start3A_19 : memref<1x79x128xi32, #tpu.memory_space<hbm>> -> memref<79x128xi32, #tpu.memory_space<hbm>>
      %dma_start3A_21 = arith.constant 0 : i32
      %dma_start3A_22 = arith.constant 0 : i32
      %dma_start3A_23 = tpu.memref_slice %arg3[%add3A, %dma_start3A_21, %dma_start3A_22] : memref<32x79x128xi32, #tpu.memory_space<hbm>> -> memref<1x79x128xi32, #tpu.memory_space<hbm>>
      %dma_start3A_24 = tpu.memref_squeeze %dma_start3A_23 : memref<1x79x128xi32, #tpu.memory_space<hbm>> -> memref<79x128xi32, #tpu.memory_space<hbm>>
      tpu.enqueue_dma source(%dma_start3A_24 : memref<79x128xi32, #tpu.memory_space<hbm>>) target(%arg8 : memref<79x128xi32, #tpu.memory_space<vmem>>) target_semaphore(%run_scoped3A : memref<!tpu.dma_semaphore, #tpu.memory_space<semaphore_mem>>)
      %dma_wait3A = arith.constant 0 : i32
      %dma_wait3A_25 = arith.constant 0 : i32
      %dma_wait3A_26 = tpu.memref_slice %arg3[%add3A, %dma_wait3A, %dma_wait3A_25] : memref<32x79x128xi32, #tpu.memory_space<hbm>> -> memref<1x79x128xi32, #tpu.memory_space<hbm>>
      %dma_wait3A_27 = tpu.memref_squeeze %dma_wait3A_26 : memref<1x79x128xi32, #tpu.memory_space<hbm>> -> memref<79x128xi32, #tpu.memory_space<hbm>>
      %dma_wait3A_28 = arith.constant 0 : i32
      %dma_wait3A_29 = arith.constant 0 : i32
      %dma_wait3A_30 = tpu.memref_slice %arg3[%add3A, %dma_wait3A_28, %dma_wait3A_29] : memref<32x79x128xi32, #tpu.memory_space<hbm>> -> memref<1x79x128xi32, #tpu.memory_space<hbm>>
      %dma_wait3A_31 = tpu.memref_squeeze %dma_wait3A_30 : memref<1x79x128xi32, #tpu.memory_space<hbm>> -> memref<79x128xi32, #tpu.memory_space<hbm>>
      tpu.wait_dma2 semaphore(%run_scoped3A : memref<!tpu.dma_semaphore, #tpu.memory_space<semaphore_mem>>) src(%dma_wait3A_31 : memref<79x128xi32, #tpu.memory_space<hbm>>) dst(%arg8 : memref<79x128xi32, #tpu.memory_space<vmem>>)
      tpu.yield
    }) : () -> ()
    "tpu.region"() ({
      %run_scoped3A = tpu.sem_alloc : memref<!tpu.dma_semaphore, #tpu.memory_space<semaphore_mem>>
      %dma_start3A = arith.constant 0 : i32
      %dma_start3A_18 = arith.constant 0 : i32
      %dma_start3A_19 = tpu.memref_slice %arg4[%add3A, %dma_start3A, %dma_start3A_18] : memref<32x79x128xi32, #tpu.memory_space<hbm>> -> memref<1x79x128xi32, #tpu.memory_space<hbm>>
      %dma_start3A_20 = tpu.memref_squeeze %dma_start3A_19 : memref<1x79x128xi32, #tpu.memory_space<hbm>> -> memref<79x128xi32, #tpu.memory_space<hbm>>
      %dma_start3A_21 = arith.constant 0 : i32
      %dma_start3A_22 = arith.constant 0 : i32
      %dma_start3A_23 = tpu.memref_slice %arg4[%add3A, %dma_start3A_21, %dma_start3A_22] : memref<32x79x128xi32, #tpu.memory_space<hbm>> -> memref<1x79x128xi32, #tpu.memory_space<hbm>>
      %dma_start3A_24 = tpu.memref_squeeze %dma_start3A_23 : memref<1x79x128xi32, #tpu.memory_space<hbm>> -> memref<79x128xi32, #tpu.memory_space<hbm>>
      tpu.enqueue_dma source(%dma_start3A_24 : memref<79x128xi32, #tpu.memory_space<hbm>>) target(%arg9 : memref<79x128xi32, #tpu.memory_space<vmem>>) target_semaphore(%run_scoped3A : memref<!tpu.dma_semaphore, #tpu.memory_space<semaphore_mem>>)
      %dma_wait3A = arith.constant 0 : i32
      %dma_wait3A_25 = arith.constant 0 : i32
      %dma_wait3A_26 = tpu.memref_slice %arg4[%add3A, %dma_wait3A, %dma_wait3A_25] : memref<32x79x128xi32, #tpu.memory_space<hbm>> -> memref<1x79x128xi32, #tpu.memory_space<hbm>>
      %dma_wait3A_27 = tpu.memref_squeeze %dma_wait3A_26 : memref<1x79x128xi32, #tpu.memory_space<hbm>> -> memref<79x128xi32, #tpu.memory_space<hbm>>
      %dma_wait3A_28 = arith.constant 0 : i32
      %dma_wait3A_29 = arith.constant 0 : i32
      %dma_wait3A_30 = tpu.memref_slice %arg4[%add3A, %dma_wait3A_28, %dma_wait3A_29] : memref<32x79x128xi32, #tpu.memory_space<hbm>> -> memref<1x79x128xi32, #tpu.memory_space<hbm>>
      %dma_wait3A_31 = tpu.memref_squeeze %dma_wait3A_30 : memref<1x79x128xi32, #tpu.memory_space<hbm>> -> memref<79x128xi32, #tpu.memory_space<hbm>>
      tpu.wait_dma2 semaphore(%run_scoped3A : memref<!tpu.dma_semaphore, #tpu.memory_space<semaphore_mem>>) src(%dma_wait3A_31 : memref<79x128xi32, #tpu.memory_space<hbm>>) dst(%arg9 : memref<79x128xi32, #tpu.memory_space<vmem>>)
      tpu.yield
    }) : () -> ()
    %mul3A_1 = arith.constant 632 : i32
    %mul3A_2 = arith.muli %arg1, %mul3A_1 : i32
    %mul3A_3 = arith.constant 632 : i32
    %mul3A_4 = arith.muli %arg1, %mul3A_3 : i32
    "tpu.region"() ({
      %run_scoped3A = tpu.sem_alloc : memref<!tpu.dma_semaphore, #tpu.memory_space<semaphore_mem>>
      %dma_start3A = arith.constant 0 : i32
      %dma_start3A_18 = tpu.memref_slice %arg11[%mul3A_4, %dma_start3A] : memref<10112x128xf32, #tpu.memory_space<vmem_shared>> -> memref<632x128xf32, #tpu.memory_space<vmem_shared>>
      %dma_start3A_19 = arith.constant 0 : i32
      %dma_start3A_20 = tpu.memref_slice %arg5[%mul3A_2, %dma_start3A_19] : memref<10112x128xf32, #tpu.memory_space<hbm>> -> memref<632x128xf32, #tpu.memory_space<hbm>>
      tpu.enqueue_dma source(%dma_start3A_20 : memref<632x128xf32, #tpu.memory_space<hbm>>) target(%dma_start3A_18 : memref<632x128xf32, #tpu.memory_space<vmem_shared>>) target_semaphore(%run_scoped3A : memref<!tpu.dma_semaphore, #tpu.memory_space<semaphore_mem>>)
      %dma_wait3A = arith.constant 0 : i32
      %dma_wait3A_21 = tpu.memref_slice %arg11[%mul3A_4, %dma_wait3A] : memref<10112x128xf32, #tpu.memory_space<vmem_shared>> -> memref<632x128xf32, #tpu.memory_space<vmem_shared>>
      %dma_wait3A_22 = arith.constant 0 : i32
      %dma_wait3A_23 = tpu.memref_slice %arg5[%mul3A_2, %dma_wait3A_22] : memref<10112x128xf32, #tpu.memory_space<hbm>> -> memref<632x128xf32, #tpu.memory_space<hbm>>
      tpu.wait_dma2 semaphore(%run_scoped3A : memref<!tpu.dma_semaphore, #tpu.memory_space<semaphore_mem>>) src(%dma_wait3A_23 : memref<632x128xf32, #tpu.memory_space<hbm>>) dst(%dma_wait3A_21 : memref<632x128xf32, #tpu.memory_space<vmem_shared>>)
      tpu.yield
    }) : () -> ()
    %barrier3A = arith.constant 0 : index
    tpu.barrier barrier_id(%barrier3A)
    %scan3A = arith.constant 0 : i32
    %scan3A_5 = arith.constant 0 : i32
    %scan3A_6 = arith.constant 79 : i32
    %scan3A_7 = arith.addi %scan3A_5, %scan3A_6 : i32
    %scan3A_8 = arith.constant 1 : i32
    scf.for %scan3A_18 = %scan3A_5 to %scan3A_7 step %scan3A_8  : i32 {
      %dma_start3A = arith.constant 0 : i32
      %dma_start3A_19 = tpu.memref_slice %arg8[%scan3A_18, %dma_start3A] : memref<79x128xi32, #tpu.memory_space<vmem>> -> memref<1x128xi32, #tpu.memory_space<vmem>>
      %dma_start3A_20 = tpu.memref_squeeze %dma_start3A_19 : memref<1x128xi32, #tpu.memory_space<vmem>> -> memref<128xi32, #tpu.memory_space<vmem>>
      %dma_start3A_21 = arith.constant 0 : i32
      %dma_start3A_22 = arith.constant 0 : i32
      %dma_start3A_23 = tpu.memref_slice %arg2[%dma_start3A_21, %dma_start3A_22] : memref<10112x128xf32, #tpu.memory_space<hbm>> -> memref<10112x128xf32, #tpu.memory_space<hbm>>
      tpu.enqueue_indirect_dma source(%dma_start3A_23 : memref<10112x128xf32, #tpu.memory_space<hbm>>) target(%arg10 : memref<128x128xf32, #tpu.memory_space<vmem>>) offsets(%dma_start3A_20 : memref<128xi32, #tpu.memory_space<vmem>>) semaphore(%arg12 : memref<!tpu.dma_semaphore, #tpu.memory_space<semaphore_mem>>)
      %dma_wait3A = arith.constant 0 : i32
      %dma_wait3A_24 = tpu.memref_slice %arg8[%scan3A_18, %dma_wait3A] : memref<79x128xi32, #tpu.memory_space<vmem>> -> memref<1x128xi32, #tpu.memory_space<vmem>>
      %dma_wait3A_25 = tpu.memref_squeeze %dma_wait3A_24 : memref<1x128xi32, #tpu.memory_space<vmem>> -> memref<128xi32, #tpu.memory_space<vmem>>
      %dma_wait3A_26 = arith.constant 0 : i32
      %dma_wait3A_27 = arith.constant 0 : i32
      %dma_wait3A_28 = tpu.memref_slice %arg2[%dma_wait3A_26, %dma_wait3A_27] : memref<10112x128xf32, #tpu.memory_space<hbm>> -> memref<10112x128xf32, #tpu.memory_space<hbm>>
      tpu.wait_indirect_dma semaphore(%arg12 : memref<!tpu.dma_semaphore, #tpu.memory_space<semaphore_mem>>) src(%dma_wait3A_28 : memref<10112x128xf32, #tpu.memory_space<hbm>>) dst(%arg10 : memref<128x128xf32, #tpu.memory_space<vmem>>)
      "tpu.region"() ({
        %run_scoped3A = tpu.sem_alloc : memref<!tpu.dma_semaphore, #tpu.memory_space<semaphore_mem>>
        %dma_start3A_29 = arith.constant 0 : i32
        %dma_start3A_30 = tpu.memref_slice %arg9[%scan3A_18, %dma_start3A_29] : memref<79x128xi32, #tpu.memory_space<vmem>> -> memref<1x128xi32, #tpu.memory_space<vmem>>
        %dma_start3A_31 = tpu.memref_squeeze %dma_start3A_30 : memref<1x128xi32, #tpu.memory_space<vmem>> -> memref<128xi32, #tpu.memory_space<vmem>>
        %dma_start3A_32 = arith.constant 0 : i32
        %dma_start3A_33 = arith.constant 0 : i32
        %dma_start3A_34 = tpu.memref_slice %arg11[%dma_start3A_32, %dma_start3A_33] : memref<10112x128xf32, #tpu.memory_space<vmem_shared>> -> memref<10112x128xf32, #tpu.memory_space<vmem_shared>>
        tpu.enqueue_indirect_dma source(%arg10 : memref<128x128xf32, #tpu.memory_space<vmem>>) target(%dma_start3A_34 : memref<10112x128xf32, #tpu.memory_space<vmem_shared>>) offsets(%dma_start3A_31 : memref<128xi32, #tpu.memory_space<vmem>>) semaphore(%run_scoped3A : memref<!tpu.dma_semaphore, #tpu.memory_space<semaphore_mem>>) {add = true}
        %dma_wait3A_35 = arith.constant 0 : i32
        %dma_wait3A_36 = tpu.memref_slice %arg9[%scan3A_18, %dma_wait3A_35] : memref<79x128xi32, #tpu.memory_space<vmem>> -> memref<1x128xi32, #tpu.memory_space<vmem>>
        %dma_wait3A_37 = tpu.memref_squeeze %dma_wait3A_36 : memref<1x128xi32, #tpu.memory_space<vmem>> -> memref<128xi32, #tpu.memory_space<vmem>>
        %dma_wait3A_38 = arith.constant 0 : i32
        %dma_wait3A_39 = arith.constant 0 : i32
        %dma_wait3A_40 = tpu.memref_slice %arg11[%dma_wait3A_38, %dma_wait3A_39] : memref<10112x128xf32, #tpu.memory_space<vmem_shared>> -> memref<10112x128xf32, #tpu.memory_space<vmem_shared>>
        tpu.wait_indirect_dma semaphore(%run_scoped3A : memref<!tpu.dma_semaphore, #tpu.memory_space<semaphore_mem>>) src(%arg10 : memref<128x128xf32, #tpu.memory_space<vmem>>) dst(%dma_wait3A_40 : memref<10112x128xf32, #tpu.memory_space<vmem_shared>>)
        tpu.yield
      }) : () -> ()
    }
    %scan3A_9 = arith.constant 79 : i32
    %barrier3A_10 = arith.constant 0 : index
    tpu.barrier barrier_id(%barrier3A_10)
    %eq3A = arith.constant 0 : i32
    %eq3A_11 = arith.cmpi eq, %arg0, %eq3A : i32
    %convert_element_type3A = arith.extui %eq3A_11 : i1 to i32
    %cond3A = arith.constant 0 : i32
    %cond3A_12 = arith.cmpi ne, %convert_element_type3A, %cond3A : i32
    scf.if %cond3A_12 {
      %mul3A_18 = arith.constant 632 : i32
      %mul3A_19 = arith.muli %arg1, %mul3A_18 : i32
      %mul3A_20 = arith.constant 632 : i32
      %mul3A_21 = arith.muli %arg1, %mul3A_20 : i32
      "tpu.region"() ({
        %run_scoped3A = tpu.sem_alloc : memref<!tpu.dma_semaphore, #tpu.memory_space<semaphore_mem>>
        %dma_start3A = arith.constant 0 : i32
        %dma_start3A_22 = tpu.memref_slice %arg6[%mul3A_21, %dma_start3A] : memref<10112x128xf32, #tpu.memory_space<hbm>> -> memref<632x128xf32, #tpu.memory_space<hbm>>
        %dma_start3A_23 = arith.constant 0 : i32
        %dma_start3A_24 = tpu.memref_slice %arg11[%mul3A_19, %dma_start3A_23] : memref<10112x128xf32, #tpu.memory_space<vmem_shared>> -> memref<632x128xf32, #tpu.memory_space<vmem_shared>>
        tpu.enqueue_dma source(%dma_start3A_24 : memref<632x128xf32, #tpu.memory_space<vmem_shared>>) target(%dma_start3A_22 : memref<632x128xf32, #tpu.memory_space<hbm>>) target_semaphore(%run_scoped3A : memref<!tpu.dma_semaphore, #tpu.memory_space<semaphore_mem>>)
        %dma_wait3A = arith.constant 0 : i32
        %dma_wait3A_25 = tpu.memref_slice %arg6[%mul3A_21, %dma_wait3A] : memref<10112x128xf32, #tpu.memory_space<hbm>> -> memref<632x128xf32, #tpu.memory_space<hbm>>
        %dma_wait3A_26 = arith.constant 0 : i32
        %dma_wait3A_27 = tpu.memref_slice %arg11[%mul3A_19, %dma_wait3A_26] : memref<10112x128xf32, #tpu.memory_space<vmem_shared>> -> memref<632x128xf32, #tpu.memory_space<vmem_shared>>
        tpu.wait_dma2 semaphore(%run_scoped3A : memref<!tpu.dma_semaphore, #tpu.memory_space<semaphore_mem>>) src(%dma_wait3A_27 : memref<632x128xf32, #tpu.memory_space<vmem_shared>>) dst(%dma_wait3A_25 : memref<632x128xf32, #tpu.memory_space<hbm>>)
        tpu.yield
      }) : () -> ()
    } else {
    }
    %eq3A_13 = arith.constant 1 : i32
    %eq3A_14 = arith.cmpi eq, %arg0, %eq3A_13 : i32
    %convert_element_type3A_15 = arith.extui %eq3A_14 : i1 to i32
    %cond3A_16 = arith.constant 0 : i32
    %cond3A_17 = arith.cmpi ne, %convert_element_type3A_15, %cond3A_16 : i32
    scf.if %cond3A_17 {
      %mul3A_18 = arith.constant 632 : i32
      %mul3A_19 = arith.muli %arg1, %mul3A_18 : i32
      %mul3A_20 = arith.constant 632 : i32
      %mul3A_21 = arith.muli %arg1, %mul3A_20 : i32
      "tpu.region"() ({
        %run_scoped3A = tpu.sem_alloc : memref<!tpu.dma_semaphore, #tpu.memory_space<semaphore_mem>>
        %dma_start3A = arith.constant 0 : i32
        %dma_start3A_22 = tpu.memref_slice %arg7[%mul3A_21, %dma_start3A] : memref<10112x128xf32, #tpu.memory_space<hbm>> -> memref<632x128xf32, #tpu.memory_space<hbm>>
        %dma_start3A_23 = arith.constant 0 : i32
        %dma_start3A_24 = tpu.memref_slice %arg11[%mul3A_19, %dma_start3A_23] : memref<10112x128xf32, #tpu.memory_space<vmem_shared>> -> memref<632x128xf32, #tpu.memory_space<vmem_shared>>
        tpu.enqueue_dma source(%dma_start3A_24 : memref<632x128xf32, #tpu.memory_space<vmem_shared>>) target(%dma_start3A_22 : memref<632x128xf32, #tpu.memory_space<hbm>>) target_semaphore(%run_scoped3A : memref<!tpu.dma_semaphore, #tpu.memory_space<semaphore_mem>>)
        %dma_wait3A = arith.constant 0 : i32
        %dma_wait3A_25 = tpu.memref_slice %arg7[%mul3A_21, %dma_wait3A] : memref<10112x128xf32, #tpu.memory_space<hbm>> -> memref<632x128xf32, #tpu.memory_space<hbm>>
        %dma_wait3A_26 = arith.constant 0 : i32
        %dma_wait3A_27 = tpu.memref_slice %arg11[%mul3A_19, %dma_wait3A_26] : memref<10112x128xf32, #tpu.memory_space<vmem_shared>> -> memref<632x128xf32, #tpu.memory_space<vmem_shared>>
        tpu.wait_dma2 semaphore(%run_scoped3A : memref<!tpu.dma_semaphore, #tpu.memory_space<semaphore_mem>>) src(%dma_wait3A_27 : memref<632x128xf32, #tpu.memory_space<vmem_shared>>) dst(%dma_wait3A_25 : memref<632x128xf32, #tpu.memory_space<hbm>>)
        tpu.yield
      }) : () -> ()
    } else {
    }
    return
  }
}

#map = affine_map<(d0, d1) -> (0, 0)>
#map1 = affine_map<(d0, d1) -> (0, 0, 0)>
module attributes {stable_mosaic.version = 14 : i64} {
  func.func @_prop_body(%arg0: i32, %arg1: i32, %arg2: memref<10112x128xf32, #tpu.memory_space<hbm>>, %arg3: memref<32x79x128xi32, #tpu.memory_space<hbm>>, %arg4: memref<32x79x128xi32, #tpu.memory_space<hbm>>, %arg5: memref<10112x128xf32, #tpu.memory_space<hbm>>, %arg6: memref<10112x128xf32, #tpu.memory_space<hbm>>, %arg7: memref<10112x128xf32, #tpu.memory_space<hbm>>, %arg8: memref<79x128xi32, #tpu.memory_space<vmem>>, %arg9: memref<79x128xi32, #tpu.memory_space<vmem>>, %arg10: memref<128x128xf32, #tpu.memory_space<vmem>>, %arg11: memref<10112x128xf32, #tpu.memory_space<vmem_shared>>, %arg12: memref<!tpu.dma_semaphore, #tpu.memory_space<semaphore_mem>>) attributes {dimension_semantics = [#tpu.dimension_semantics<core_parallel>, #tpu.dimension_semantics<subcore_parallel>], iteration_bounds = array<i64: 2, 16>, scalar_prefetch = 0 : i64, scratch_operands = 5 : i64, tpu.core_type = #tpu.core_type<sc_vector_subcore>, window_params = [{transform_indices = #map}, {transform_indices = #map1}, {transform_indices = #map1}, {transform_indices = #map}, {transform_indices = #map}, {transform_indices = #map}]} {
    %mul3A = arith.constant 2 : i32
    %mul3A_0 = arith.muli %arg1, %mul3A : i32
    %add3A = arith.addi %mul3A_0, %arg0 : i32
    "tpu.region"() ({
      %run_scoped3A = tpu.sem_alloc : memref<!tpu.dma_semaphore, #tpu.memory_space<semaphore_mem>>
      %dma_start3A = arith.constant 0 : i32
      %dma_start3A_18 = arith.constant 0 : i32
      %dma_start3A_19 = tpu.memref_slice %arg3[%add3A, %dma_start3A, %dma_start3A_18] : memref<32x79x128xi32, #tpu.memory_space<hbm>> -> memref<1x79x128xi32, #tpu.memory_space<hbm>>
      %dma_start3A_20 = tpu.memref_squeeze %dma_start3A_19 : memref<1x79x128xi32, #tpu.memory_space<hbm>> -> memref<79x128xi32, #tpu.memory_space<hbm>>
      %dma_start3A_21 = arith.constant 0 : i32
      %dma_start3A_22 = arith.constant 0 : i32
      %dma_start3A_23 = tpu.memref_slice %arg3[%add3A, %dma_start3A_21, %dma_start3A_22] : memref<32x79x128xi32, #tpu.memory_space<hbm>> -> memref<1x79x128xi32, #tpu.memory_space<hbm>>
      %dma_start3A_24 = tpu.memref_squeeze %dma_start3A_23 : memref<1x79x128xi32, #tpu.memory_space<hbm>> -> memref<79x128xi32, #tpu.memory_space<hbm>>
      tpu.enqueue_dma source(%dma_start3A_24 : memref<79x128xi32, #tpu.memory_space<hbm>>) target(%arg8 : memref<79x128xi32, #tpu.memory_space<vmem>>) target_semaphore(%run_scoped3A : memref<!tpu.dma_semaphore, #tpu.memory_space<semaphore_mem>>)
      %dma_wait3A = arith.constant 0 : i32
      %dma_wait3A_25 = arith.constant 0 : i32
      %dma_wait3A_26 = tpu.memref_slice %arg3[%add3A, %dma_wait3A, %dma_wait3A_25] : memref<32x79x128xi32, #tpu.memory_space<hbm>> -> memref<1x79x128xi32, #tpu.memory_space<hbm>>
      %dma_wait3A_27 = tpu.memref_squeeze %dma_wait3A_26 : memref<1x79x128xi32, #tpu.memory_space<hbm>> -> memref<79x128xi32, #tpu.memory_space<hbm>>
      %dma_wait3A_28 = arith.constant 0 : i32
      %dma_wait3A_29 = arith.constant 0 : i32
      %dma_wait3A_30 = tpu.memref_slice %arg3[%add3A, %dma_wait3A_28, %dma_wait3A_29] : memref<32x79x128xi32, #tpu.memory_space<hbm>> -> memref<1x79x128xi32, #tpu.memory_space<hbm>>
      %dma_wait3A_31 = tpu.memref_squeeze %dma_wait3A_30 : memref<1x79x128xi32, #tpu.memory_space<hbm>> -> memref<79x128xi32, #tpu.memory_space<hbm>>
      tpu.wait_dma2 semaphore(%run_scoped3A : memref<!tpu.dma_semaphore, #tpu.memory_space<semaphore_mem>>) src(%dma_wait3A_31 : memref<79x128xi32, #tpu.memory_space<hbm>>) dst(%arg8 : memref<79x128xi32, #tpu.memory_space<vmem>>)
      tpu.yield
    }) : () -> ()
    "tpu.region"() ({
      %run_scoped3A = tpu.sem_alloc : memref<!tpu.dma_semaphore, #tpu.memory_space<semaphore_mem>>
      %dma_start3A = arith.constant 0 : i32
      %dma_start3A_18 = arith.constant 0 : i32
      %dma_start3A_19 = tpu.memref_slice %arg4[%add3A, %dma_start3A, %dma_start3A_18] : memref<32x79x128xi32, #tpu.memory_space<hbm>> -> memref<1x79x128xi32, #tpu.memory_space<hbm>>
      %dma_start3A_20 = tpu.memref_squeeze %dma_start3A_19 : memref<1x79x128xi32, #tpu.memory_space<hbm>> -> memref<79x128xi32, #tpu.memory_space<hbm>>
      %dma_start3A_21 = arith.constant 0 : i32
      %dma_start3A_22 = arith.constant 0 : i32
      %dma_start3A_23 = tpu.memref_slice %arg4[%add3A, %dma_start3A_21, %dma_start3A_22] : memref<32x79x128xi32, #tpu.memory_space<hbm>> -> memref<1x79x128xi32, #tpu.memory_space<hbm>>
      %dma_start3A_24 = tpu.memref_squeeze %dma_start3A_23 : memref<1x79x128xi32, #tpu.memory_space<hbm>> -> memref<79x128xi32, #tpu.memory_space<hbm>>
      tpu.enqueue_dma source(%dma_start3A_24 : memref<79x128xi32, #tpu.memory_space<hbm>>) target(%arg9 : memref<79x128xi32, #tpu.memory_space<vmem>>) target_semaphore(%run_scoped3A : memref<!tpu.dma_semaphore, #tpu.memory_space<semaphore_mem>>)
      %dma_wait3A = arith.constant 0 : i32
      %dma_wait3A_25 = arith.constant 0 : i32
      %dma_wait3A_26 = tpu.memref_slice %arg4[%add3A, %dma_wait3A, %dma_wait3A_25] : memref<32x79x128xi32, #tpu.memory_space<hbm>> -> memref<1x79x128xi32, #tpu.memory_space<hbm>>
      %dma_wait3A_27 = tpu.memref_squeeze %dma_wait3A_26 : memref<1x79x128xi32, #tpu.memory_space<hbm>> -> memref<79x128xi32, #tpu.memory_space<hbm>>
      %dma_wait3A_28 = arith.constant 0 : i32
      %dma_wait3A_29 = arith.constant 0 : i32
      %dma_wait3A_30 = tpu.memref_slice %arg4[%add3A, %dma_wait3A_28, %dma_wait3A_29] : memref<32x79x128xi32, #tpu.memory_space<hbm>> -> memref<1x79x128xi32, #tpu.memory_space<hbm>>
      %dma_wait3A_31 = tpu.memref_squeeze %dma_wait3A_30 : memref<1x79x128xi32, #tpu.memory_space<hbm>> -> memref<79x128xi32, #tpu.memory_space<hbm>>
      tpu.wait_dma2 semaphore(%run_scoped3A : memref<!tpu.dma_semaphore, #tpu.memory_space<semaphore_mem>>) src(%dma_wait3A_31 : memref<79x128xi32, #tpu.memory_space<hbm>>) dst(%arg9 : memref<79x128xi32, #tpu.memory_space<vmem>>)
      tpu.yield
    }) : () -> ()
    %mul3A_1 = arith.constant 632 : i32
    %mul3A_2 = arith.muli %arg1, %mul3A_1 : i32
    %mul3A_3 = arith.constant 632 : i32
    %mul3A_4 = arith.muli %arg1, %mul3A_3 : i32
    "tpu.region"() ({
      %run_scoped3A = tpu.sem_alloc : memref<!tpu.dma_semaphore, #tpu.memory_space<semaphore_mem>>
      %dma_start3A = arith.constant 0 : i32
      %dma_start3A_18 = tpu.memref_slice %arg11[%mul3A_4, %dma_start3A] : memref<10112x128xf32, #tpu.memory_space<vmem_shared>> -> memref<632x128xf32, #tpu.memory_space<vmem_shared>>
      %dma_start3A_19 = arith.constant 0 : i32
      %dma_start3A_20 = tpu.memref_slice %arg5[%mul3A_2, %dma_start3A_19] : memref<10112x128xf32, #tpu.memory_space<hbm>> -> memref<632x128xf32, #tpu.memory_space<hbm>>
      tpu.enqueue_dma source(%dma_start3A_20 : memref<632x128xf32, #tpu.memory_space<hbm>>) target(%dma_start3A_18 : memref<632x128xf32, #tpu.memory_space<vmem_shared>>) target_semaphore(%run_scoped3A : memref<!tpu.dma_semaphore, #tpu.memory_space<semaphore_mem>>)
      %dma_wait3A = arith.constant 0 : i32
      %dma_wait3A_21 = tpu.memref_slice %arg11[%mul3A_4, %dma_wait3A] : memref<10112x128xf32, #tpu.memory_space<vmem_shared>> -> memref<632x128xf32, #tpu.memory_space<vmem_shared>>
      %dma_wait3A_22 = arith.constant 0 : i32
      %dma_wait3A_23 = tpu.memref_slice %arg5[%mul3A_2, %dma_wait3A_22] : memref<10112x128xf32, #tpu.memory_space<hbm>> -> memref<632x128xf32, #tpu.memory_space<hbm>>
      tpu.wait_dma2 semaphore(%run_scoped3A : memref<!tpu.dma_semaphore, #tpu.memory_space<semaphore_mem>>) src(%dma_wait3A_23 : memref<632x128xf32, #tpu.memory_space<hbm>>) dst(%dma_wait3A_21 : memref<632x128xf32, #tpu.memory_space<vmem_shared>>)
      tpu.yield
    }) : () -> ()
    %barrier3A = arith.constant 0 : index
    tpu.barrier barrier_id(%barrier3A)
    %scan3A = arith.constant 0 : i32
    %scan3A_5 = arith.constant 0 : i32
    %scan3A_6 = arith.constant 79 : i32
    %scan3A_7 = arith.addi %scan3A_5, %scan3A_6 : i32
    %scan3A_8 = arith.constant 1 : i32
    scf.for %scan3A_18 = %scan3A_5 to %scan3A_7 step %scan3A_8  : i32 {
      %dma_start3A = arith.constant 0 : i32
      %dma_start3A_19 = tpu.memref_slice %arg8[%scan3A_18, %dma_start3A] : memref<79x128xi32, #tpu.memory_space<vmem>> -> memref<1x128xi32, #tpu.memory_space<vmem>>
      %dma_start3A_20 = tpu.memref_squeeze %dma_start3A_19 : memref<1x128xi32, #tpu.memory_space<vmem>> -> memref<128xi32, #tpu.memory_space<vmem>>
      %dma_start3A_21 = arith.constant 0 : i32
      %dma_start3A_22 = arith.constant 0 : i32
      %dma_start3A_23 = tpu.memref_slice %arg2[%dma_start3A_21, %dma_start3A_22] : memref<10112x128xf32, #tpu.memory_space<hbm>> -> memref<10112x128xf32, #tpu.memory_space<hbm>>
      tpu.enqueue_indirect_dma source(%dma_start3A_23 : memref<10112x128xf32, #tpu.memory_space<hbm>>) target(%arg10 : memref<128x128xf32, #tpu.memory_space<vmem>>) offsets(%dma_start3A_20 : memref<128xi32, #tpu.memory_space<vmem>>) semaphore(%arg12 : memref<!tpu.dma_semaphore, #tpu.memory_space<semaphore_mem>>)
      %dma_wait3A = arith.constant 0 : i32
      %dma_wait3A_24 = tpu.memref_slice %arg8[%scan3A_18, %dma_wait3A] : memref<79x128xi32, #tpu.memory_space<vmem>> -> memref<1x128xi32, #tpu.memory_space<vmem>>
      %dma_wait3A_25 = tpu.memref_squeeze %dma_wait3A_24 : memref<1x128xi32, #tpu.memory_space<vmem>> -> memref<128xi32, #tpu.memory_space<vmem>>
      %dma_wait3A_26 = arith.constant 0 : i32
      %dma_wait3A_27 = arith.constant 0 : i32
      %dma_wait3A_28 = tpu.memref_slice %arg2[%dma_wait3A_26, %dma_wait3A_27] : memref<10112x128xf32, #tpu.memory_space<hbm>> -> memref<10112x128xf32, #tpu.memory_space<hbm>>
      tpu.wait_indirect_dma semaphore(%arg12 : memref<!tpu.dma_semaphore, #tpu.memory_space<semaphore_mem>>) src(%dma_wait3A_28 : memref<10112x128xf32, #tpu.memory_space<hbm>>) dst(%arg10 : memref<128x128xf32, #tpu.memory_space<vmem>>)
      "tpu.region"() ({
        %run_scoped3A = tpu.sem_alloc : memref<!tpu.dma_semaphore, #tpu.memory_space<semaphore_mem>>
        %dma_start3A_29 = arith.constant 0 : i32
        %dma_start3A_30 = tpu.memref_slice %arg9[%scan3A_18, %dma_start3A_29] : memref<79x128xi32, #tpu.memory_space<vmem>> -> memref<1x128xi32, #tpu.memory_space<vmem>>
        %dma_start3A_31 = tpu.memref_squeeze %dma_start3A_30 : memref<1x128xi32, #tpu.memory_space<vmem>> -> memref<128xi32, #tpu.memory_space<vmem>>
        %dma_start3A_32 = arith.constant 0 : i32
        %dma_start3A_33 = arith.constant 0 : i32
        %dma_start3A_34 = tpu.memref_slice %arg11[%dma_start3A_32, %dma_start3A_33] : memref<10112x128xf32, #tpu.memory_space<vmem_shared>> -> memref<10112x128xf32, #tpu.memory_space<vmem_shared>>
        tpu.enqueue_indirect_dma source(%arg10 : memref<128x128xf32, #tpu.memory_space<vmem>>) target(%dma_start3A_34 : memref<10112x128xf32, #tpu.memory_space<vmem_shared>>) offsets(%dma_start3A_31 : memref<128xi32, #tpu.memory_space<vmem>>) semaphore(%run_scoped3A : memref<!tpu.dma_semaphore, #tpu.memory_space<semaphore_mem>>) {add = true}
        %dma_wait3A_35 = arith.constant 0 : i32
        %dma_wait3A_36 = tpu.memref_slice %arg9[%scan3A_18, %dma_wait3A_35] : memref<79x128xi32, #tpu.memory_space<vmem>> -> memref<1x128xi32, #tpu.memory_space<vmem>>
        %dma_wait3A_37 = tpu.memref_squeeze %dma_wait3A_36 : memref<1x128xi32, #tpu.memory_space<vmem>> -> memref<128xi32, #tpu.memory_space<vmem>>
        %dma_wait3A_38 = arith.constant 0 : i32
        %dma_wait3A_39 = arith.constant 0 : i32
        %dma_wait3A_40 = tpu.memref_slice %arg11[%dma_wait3A_38, %dma_wait3A_39] : memref<10112x128xf32, #tpu.memory_space<vmem_shared>> -> memref<10112x128xf32, #tpu.memory_space<vmem_shared>>
        tpu.wait_indirect_dma semaphore(%run_scoped3A : memref<!tpu.dma_semaphore, #tpu.memory_space<semaphore_mem>>) src(%arg10 : memref<128x128xf32, #tpu.memory_space<vmem>>) dst(%dma_wait3A_40 : memref<10112x128xf32, #tpu.memory_space<vmem_shared>>)
        tpu.yield
      }) : () -> ()
    }
    %scan3A_9 = arith.constant 79 : i32
    %barrier3A_10 = arith.constant 0 : index
    tpu.barrier barrier_id(%barrier3A_10)
    %eq3A = arith.constant 0 : i32
    %eq3A_11 = arith.cmpi eq, %arg0, %eq3A : i32
    %convert_element_type3A = arith.extui %eq3A_11 : i1 to i32
    %cond3A = arith.constant 0 : i32
    %cond3A_12 = arith.cmpi ne, %convert_element_type3A, %cond3A : i32
    scf.if %cond3A_12 {
      %mul3A_18 = arith.constant 632 : i32
      %mul3A_19 = arith.muli %arg1, %mul3A_18 : i32
      %mul3A_20 = arith.constant 632 : i32
      %mul3A_21 = arith.muli %arg1, %mul3A_20 : i32
      "tpu.region"() ({
        %run_scoped3A = tpu.sem_alloc : memref<!tpu.dma_semaphore, #tpu.memory_space<semaphore_mem>>
        %dma_start3A = arith.constant 0 : i32
        %dma_start3A_22 = tpu.memref_slice %arg6[%mul3A_21, %dma_start3A] : memref<10112x128xf32, #tpu.memory_space<hbm>> -> memref<632x128xf32, #tpu.memory_space<hbm>>
        %dma_start3A_23 = arith.constant 0 : i32
        %dma_start3A_24 = tpu.memref_slice %arg11[%mul3A_19, %dma_start3A_23] : memref<10112x128xf32, #tpu.memory_space<vmem_shared>> -> memref<632x128xf32, #tpu.memory_space<vmem_shared>>
        tpu.enqueue_dma source(%dma_start3A_24 : memref<632x128xf32, #tpu.memory_space<vmem_shared>>) target(%dma_start3A_22 : memref<632x128xf32, #tpu.memory_space<hbm>>) target_semaphore(%run_scoped3A : memref<!tpu.dma_semaphore, #tpu.memory_space<semaphore_mem>>)
        %dma_wait3A = arith.constant 0 : i32
        %dma_wait3A_25 = tpu.memref_slice %arg6[%mul3A_21, %dma_wait3A] : memref<10112x128xf32, #tpu.memory_space<hbm>> -> memref<632x128xf32, #tpu.memory_space<hbm>>
        %dma_wait3A_26 = arith.constant 0 : i32
        %dma_wait3A_27 = tpu.memref_slice %arg11[%mul3A_19, %dma_wait3A_26] : memref<10112x128xf32, #tpu.memory_space<vmem_shared>> -> memref<632x128xf32, #tpu.memory_space<vmem_shared>>
        tpu.wait_dma2 semaphore(%run_scoped3A : memref<!tpu.dma_semaphore, #tpu.memory_space<semaphore_mem>>) src(%dma_wait3A_27 : memref<632x128xf32, #tpu.memory_space<vmem_shared>>) dst(%dma_wait3A_25 : memref<632x128xf32, #tpu.memory_space<hbm>>)
        tpu.yield
      }) : () -> ()
    } else {
    }
    %eq3A_13 = arith.constant 1 : i32
    %eq3A_14 = arith.cmpi eq, %arg0, %eq3A_13 : i32
    %convert_element_type3A_15 = arith.extui %eq3A_14 : i1 to i32
    %cond3A_16 = arith.constant 0 : i32
    %cond3A_17 = arith.cmpi ne, %convert_element_type3A_15, %cond3A_16 : i32
    scf.if %cond3A_17 {
      %mul3A_18 = arith.constant 632 : i32
      %mul3A_19 = arith.muli %arg1, %mul3A_18 : i32
      %mul3A_20 = arith.constant 632 : i32
      %mul3A_21 = arith.muli %arg1, %mul3A_20 : i32
      "tpu.region"() ({
        %run_scoped3A = tpu.sem_alloc : memref<!tpu.dma_semaphore, #tpu.memory_space<semaphore_mem>>
        %dma_start3A = arith.constant 0 : i32
        %dma_start3A_22 = tpu.memref_slice %arg7[%mul3A_21, %dma_start3A] : memref<10112x128xf32, #tpu.memory_space<hbm>> -> memref<632x128xf32, #tpu.memory_space<hbm>>
        %dma_start3A_23 = arith.constant 0 : i32
        %dma_start3A_24 = tpu.memref_slice %arg11[%mul3A_19, %dma_start3A_23] : memref<10112x128xf32, #tpu.memory_space<vmem_shared>> -> memref<632x128xf32, #tpu.memory_space<vmem_shared>>
        tpu.enqueue_dma source(%dma_start3A_24 : memref<632x128xf32, #tpu.memory_space<vmem_shared>>) target(%dma_start3A_22 : memref<632x128xf32, #tpu.memory_space<hbm>>) target_semaphore(%run_scoped3A : memref<!tpu.dma_semaphore, #tpu.memory_space<semaphore_mem>>)
        %dma_wait3A = arith.constant 0 : i32
        %dma_wait3A_25 = tpu.memref_slice %arg7[%mul3A_21, %dma_wait3A] : memref<10112x128xf32, #tpu.memory_space<hbm>> -> memref<632x128xf32, #tpu.memory_space<hbm>>
        %dma_wait3A_26 = arith.constant 0 : i32
        %dma_wait3A_27 = tpu.memref_slice %arg11[%mul3A_19, %dma_wait3A_26] : memref<10112x128xf32, #tpu.memory_space<vmem_shared>> -> memref<632x128xf32, #tpu.memory_space<vmem_shared>>
        tpu.wait_dma2 semaphore(%run_scoped3A : memref<!tpu.dma_semaphore, #tpu.memory_space<semaphore_mem>>) src(%dma_wait3A_27 : memref<632x128xf32, #tpu.memory_space<vmem_shared>>) dst(%dma_wait3A_25 : memref<632x128xf32, #tpu.memory_space<hbm>>)
        tpu.yield
      }) : () -> ()
    } else {
    }
    return
  }
}

#map = affine_map<(d0, d1) -> (0, 0)>
#map1 = affine_map<(d0, d1) -> (0, 0, 0)>
module attributes {stable_mosaic.version = 14 : i64} {
  func.func @_prop_body(%arg0: i32, %arg1: i32, %arg2: memref<10112x128xf32, #tpu.memory_space<hbm>>, %arg3: memref<32x79x128xi32, #tpu.memory_space<hbm>>, %arg4: memref<32x79x128xi32, #tpu.memory_space<hbm>>, %arg5: memref<10112x128xf32, #tpu.memory_space<hbm>>, %arg6: memref<10112x128xf32, #tpu.memory_space<hbm>>, %arg7: memref<10112x128xf32, #tpu.memory_space<hbm>>, %arg8: memref<79x128xi32, #tpu.memory_space<vmem>>, %arg9: memref<79x128xi32, #tpu.memory_space<vmem>>, %arg10: memref<128x128xf32, #tpu.memory_space<vmem>>, %arg11: memref<10112x128xf32, #tpu.memory_space<vmem_shared>>, %arg12: memref<!tpu.dma_semaphore, #tpu.memory_space<semaphore_mem>>) attributes {dimension_semantics = [#tpu.dimension_semantics<core_parallel>, #tpu.dimension_semantics<subcore_parallel>], iteration_bounds = array<i64: 2, 16>, scalar_prefetch = 0 : i64, scratch_operands = 5 : i64, tpu.core_type = #tpu.core_type<sc_vector_subcore>, window_params = [{transform_indices = #map}, {transform_indices = #map1}, {transform_indices = #map1}, {transform_indices = #map}, {transform_indices = #map}, {transform_indices = #map}]} {
    %mul3A = arith.constant 2 : i32
    %mul3A_0 = arith.muli %arg1, %mul3A : i32
    %add3A = arith.addi %mul3A_0, %arg0 : i32
    "tpu.region"() ({
      %run_scoped3A = tpu.sem_alloc : memref<!tpu.dma_semaphore, #tpu.memory_space<semaphore_mem>>
      %dma_start3A = arith.constant 0 : i32
      %dma_start3A_18 = arith.constant 0 : i32
      %dma_start3A_19 = tpu.memref_slice %arg3[%add3A, %dma_start3A, %dma_start3A_18] : memref<32x79x128xi32, #tpu.memory_space<hbm>> -> memref<1x79x128xi32, #tpu.memory_space<hbm>>
      %dma_start3A_20 = tpu.memref_squeeze %dma_start3A_19 : memref<1x79x128xi32, #tpu.memory_space<hbm>> -> memref<79x128xi32, #tpu.memory_space<hbm>>
      %dma_start3A_21 = arith.constant 0 : i32
      %dma_start3A_22 = arith.constant 0 : i32
      %dma_start3A_23 = tpu.memref_slice %arg3[%add3A, %dma_start3A_21, %dma_start3A_22] : memref<32x79x128xi32, #tpu.memory_space<hbm>> -> memref<1x79x128xi32, #tpu.memory_space<hbm>>
      %dma_start3A_24 = tpu.memref_squeeze %dma_start3A_23 : memref<1x79x128xi32, #tpu.memory_space<hbm>> -> memref<79x128xi32, #tpu.memory_space<hbm>>
      tpu.enqueue_dma source(%dma_start3A_24 : memref<79x128xi32, #tpu.memory_space<hbm>>) target(%arg8 : memref<79x128xi32, #tpu.memory_space<vmem>>) target_semaphore(%run_scoped3A : memref<!tpu.dma_semaphore, #tpu.memory_space<semaphore_mem>>)
      %dma_wait3A = arith.constant 0 : i32
      %dma_wait3A_25 = arith.constant 0 : i32
      %dma_wait3A_26 = tpu.memref_slice %arg3[%add3A, %dma_wait3A, %dma_wait3A_25] : memref<32x79x128xi32, #tpu.memory_space<hbm>> -> memref<1x79x128xi32, #tpu.memory_space<hbm>>
      %dma_wait3A_27 = tpu.memref_squeeze %dma_wait3A_26 : memref<1x79x128xi32, #tpu.memory_space<hbm>> -> memref<79x128xi32, #tpu.memory_space<hbm>>
      %dma_wait3A_28 = arith.constant 0 : i32
      %dma_wait3A_29 = arith.constant 0 : i32
      %dma_wait3A_30 = tpu.memref_slice %arg3[%add3A, %dma_wait3A_28, %dma_wait3A_29] : memref<32x79x128xi32, #tpu.memory_space<hbm>> -> memref<1x79x128xi32, #tpu.memory_space<hbm>>
      %dma_wait3A_31 = tpu.memref_squeeze %dma_wait3A_30 : memref<1x79x128xi32, #tpu.memory_space<hbm>> -> memref<79x128xi32, #tpu.memory_space<hbm>>
      tpu.wait_dma2 semaphore(%run_scoped3A : memref<!tpu.dma_semaphore, #tpu.memory_space<semaphore_mem>>) src(%dma_wait3A_31 : memref<79x128xi32, #tpu.memory_space<hbm>>) dst(%arg8 : memref<79x128xi32, #tpu.memory_space<vmem>>)
      tpu.yield
    }) : () -> ()
    "tpu.region"() ({
      %run_scoped3A = tpu.sem_alloc : memref<!tpu.dma_semaphore, #tpu.memory_space<semaphore_mem>>
      %dma_start3A = arith.constant 0 : i32
      %dma_start3A_18 = arith.constant 0 : i32
      %dma_start3A_19 = tpu.memref_slice %arg4[%add3A, %dma_start3A, %dma_start3A_18] : memref<32x79x128xi32, #tpu.memory_space<hbm>> -> memref<1x79x128xi32, #tpu.memory_space<hbm>>
      %dma_start3A_20 = tpu.memref_squeeze %dma_start3A_19 : memref<1x79x128xi32, #tpu.memory_space<hbm>> -> memref<79x128xi32, #tpu.memory_space<hbm>>
      %dma_start3A_21 = arith.constant 0 : i32
      %dma_start3A_22 = arith.constant 0 : i32
      %dma_start3A_23 = tpu.memref_slice %arg4[%add3A, %dma_start3A_21, %dma_start3A_22] : memref<32x79x128xi32, #tpu.memory_space<hbm>> -> memref<1x79x128xi32, #tpu.memory_space<hbm>>
      %dma_start3A_24 = tpu.memref_squeeze %dma_start3A_23 : memref<1x79x128xi32, #tpu.memory_space<hbm>> -> memref<79x128xi32, #tpu.memory_space<hbm>>
      tpu.enqueue_dma source(%dma_start3A_24 : memref<79x128xi32, #tpu.memory_space<hbm>>) target(%arg9 : memref<79x128xi32, #tpu.memory_space<vmem>>) target_semaphore(%run_scoped3A : memref<!tpu.dma_semaphore, #tpu.memory_space<semaphore_mem>>)
      %dma_wait3A = arith.constant 0 : i32
      %dma_wait3A_25 = arith.constant 0 : i32
      %dma_wait3A_26 = tpu.memref_slice %arg4[%add3A, %dma_wait3A, %dma_wait3A_25] : memref<32x79x128xi32, #tpu.memory_space<hbm>> -> memref<1x79x128xi32, #tpu.memory_space<hbm>>
      %dma_wait3A_27 = tpu.memref_squeeze %dma_wait3A_26 : memref<1x79x128xi32, #tpu.memory_space<hbm>> -> memref<79x128xi32, #tpu.memory_space<hbm>>
      %dma_wait3A_28 = arith.constant 0 : i32
      %dma_wait3A_29 = arith.constant 0 : i32
      %dma_wait3A_30 = tpu.memref_slice %arg4[%add3A, %dma_wait3A_28, %dma_wait3A_29] : memref<32x79x128xi32, #tpu.memory_space<hbm>> -> memref<1x79x128xi32, #tpu.memory_space<hbm>>
      %dma_wait3A_31 = tpu.memref_squeeze %dma_wait3A_30 : memref<1x79x128xi32, #tpu.memory_space<hbm>> -> memref<79x128xi32, #tpu.memory_space<hbm>>
      tpu.wait_dma2 semaphore(%run_scoped3A : memref<!tpu.dma_semaphore, #tpu.memory_space<semaphore_mem>>) src(%dma_wait3A_31 : memref<79x128xi32, #tpu.memory_space<hbm>>) dst(%arg9 : memref<79x128xi32, #tpu.memory_space<vmem>>)
      tpu.yield
    }) : () -> ()
    %mul3A_1 = arith.constant 632 : i32
    %mul3A_2 = arith.muli %arg1, %mul3A_1 : i32
    %mul3A_3 = arith.constant 632 : i32
    %mul3A_4 = arith.muli %arg1, %mul3A_3 : i32
    "tpu.region"() ({
      %run_scoped3A = tpu.sem_alloc : memref<!tpu.dma_semaphore, #tpu.memory_space<semaphore_mem>>
      %dma_start3A = arith.constant 0 : i32
      %dma_start3A_18 = tpu.memref_slice %arg11[%mul3A_4, %dma_start3A] : memref<10112x128xf32, #tpu.memory_space<vmem_shared>> -> memref<632x128xf32, #tpu.memory_space<vmem_shared>>
      %dma_start3A_19 = arith.constant 0 : i32
      %dma_start3A_20 = tpu.memref_slice %arg5[%mul3A_2, %dma_start3A_19] : memref<10112x128xf32, #tpu.memory_space<hbm>> -> memref<632x128xf32, #tpu.memory_space<hbm>>
      tpu.enqueue_dma source(%dma_start3A_20 : memref<632x128xf32, #tpu.memory_space<hbm>>) target(%dma_start3A_18 : memref<632x128xf32, #tpu.memory_space<vmem_shared>>) target_semaphore(%run_scoped3A : memref<!tpu.dma_semaphore, #tpu.memory_space<semaphore_mem>>)
      %dma_wait3A = arith.constant 0 : i32
      %dma_wait3A_21 = tpu.memref_slice %arg11[%mul3A_4, %dma_wait3A] : memref<10112x128xf32, #tpu.memory_space<vmem_shared>> -> memref<632x128xf32, #tpu.memory_space<vmem_shared>>
      %dma_wait3A_22 = arith.constant 0 : i32
      %dma_wait3A_23 = tpu.memref_slice %arg5[%mul3A_2, %dma_wait3A_22] : memref<10112x128xf32, #tpu.memory_space<hbm>> -> memref<632x128xf32, #tpu.memory_space<hbm>>
      tpu.wait_dma2 semaphore(%run_scoped3A : memref<!tpu.dma_semaphore, #tpu.memory_space<semaphore_mem>>) src(%dma_wait3A_23 : memref<632x128xf32, #tpu.memory_space<hbm>>) dst(%dma_wait3A_21 : memref<632x128xf32, #tpu.memory_space<vmem_shared>>)
      tpu.yield
    }) : () -> ()
    %barrier3A = arith.constant 0 : index
    tpu.barrier barrier_id(%barrier3A)
    %scan3A = arith.constant 0 : i32
    %scan3A_5 = arith.constant 0 : i32
    %scan3A_6 = arith.constant 79 : i32
    %scan3A_7 = arith.addi %scan3A_5, %scan3A_6 : i32
    %scan3A_8 = arith.constant 1 : i32
    scf.for %scan3A_18 = %scan3A_5 to %scan3A_7 step %scan3A_8  : i32 {
      %dma_start3A = arith.constant 0 : i32
      %dma_start3A_19 = tpu.memref_slice %arg8[%scan3A_18, %dma_start3A] : memref<79x128xi32, #tpu.memory_space<vmem>> -> memref<1x128xi32, #tpu.memory_space<vmem>>
      %dma_start3A_20 = tpu.memref_squeeze %dma_start3A_19 : memref<1x128xi32, #tpu.memory_space<vmem>> -> memref<128xi32, #tpu.memory_space<vmem>>
      %dma_start3A_21 = arith.constant 0 : i32
      %dma_start3A_22 = arith.constant 0 : i32
      %dma_start3A_23 = tpu.memref_slice %arg2[%dma_start3A_21, %dma_start3A_22] : memref<10112x128xf32, #tpu.memory_space<hbm>> -> memref<10112x128xf32, #tpu.memory_space<hbm>>
      tpu.enqueue_indirect_dma source(%dma_start3A_23 : memref<10112x128xf32, #tpu.memory_space<hbm>>) target(%arg10 : memref<128x128xf32, #tpu.memory_space<vmem>>) offsets(%dma_start3A_20 : memref<128xi32, #tpu.memory_space<vmem>>) semaphore(%arg12 : memref<!tpu.dma_semaphore, #tpu.memory_space<semaphore_mem>>)
      %dma_wait3A = arith.constant 0 : i32
      %dma_wait3A_24 = tpu.memref_slice %arg8[%scan3A_18, %dma_wait3A] : memref<79x128xi32, #tpu.memory_space<vmem>> -> memref<1x128xi32, #tpu.memory_space<vmem>>
      %dma_wait3A_25 = tpu.memref_squeeze %dma_wait3A_24 : memref<1x128xi32, #tpu.memory_space<vmem>> -> memref<128xi32, #tpu.memory_space<vmem>>
      %dma_wait3A_26 = arith.constant 0 : i32
      %dma_wait3A_27 = arith.constant 0 : i32
      %dma_wait3A_28 = tpu.memref_slice %arg2[%dma_wait3A_26, %dma_wait3A_27] : memref<10112x128xf32, #tpu.memory_space<hbm>> -> memref<10112x128xf32, #tpu.memory_space<hbm>>
      tpu.wait_indirect_dma semaphore(%arg12 : memref<!tpu.dma_semaphore, #tpu.memory_space<semaphore_mem>>) src(%dma_wait3A_28 : memref<10112x128xf32, #tpu.memory_space<hbm>>) dst(%arg10 : memref<128x128xf32, #tpu.memory_space<vmem>>)
      "tpu.region"() ({
        %run_scoped3A = tpu.sem_alloc : memref<!tpu.dma_semaphore, #tpu.memory_space<semaphore_mem>>
        %dma_start3A_29 = arith.constant 0 : i32
        %dma_start3A_30 = tpu.memref_slice %arg9[%scan3A_18, %dma_start3A_29] : memref<79x128xi32, #tpu.memory_space<vmem>> -> memref<1x128xi32, #tpu.memory_space<vmem>>
        %dma_start3A_31 = tpu.memref_squeeze %dma_start3A_30 : memref<1x128xi32, #tpu.memory_space<vmem>> -> memref<128xi32, #tpu.memory_space<vmem>>
        %dma_start3A_32 = arith.constant 0 : i32
        %dma_start3A_33 = arith.constant 0 : i32
        %dma_start3A_34 = tpu.memref_slice %arg11[%dma_start3A_32, %dma_start3A_33] : memref<10112x128xf32, #tpu.memory_space<vmem_shared>> -> memref<10112x128xf32, #tpu.memory_space<vmem_shared>>
        tpu.enqueue_indirect_dma source(%arg10 : memref<128x128xf32, #tpu.memory_space<vmem>>) target(%dma_start3A_34 : memref<10112x128xf32, #tpu.memory_space<vmem_shared>>) offsets(%dma_start3A_31 : memref<128xi32, #tpu.memory_space<vmem>>) semaphore(%run_scoped3A : memref<!tpu.dma_semaphore, #tpu.memory_space<semaphore_mem>>) {add = true}
        %dma_wait3A_35 = arith.constant 0 : i32
        %dma_wait3A_36 = tpu.memref_slice %arg9[%scan3A_18, %dma_wait3A_35] : memref<79x128xi32, #tpu.memory_space<vmem>> -> memref<1x128xi32, #tpu.memory_space<vmem>>
        %dma_wait3A_37 = tpu.memref_squeeze %dma_wait3A_36 : memref<1x128xi32, #tpu.memory_space<vmem>> -> memref<128xi32, #tpu.memory_space<vmem>>
        %dma_wait3A_38 = arith.constant 0 : i32
        %dma_wait3A_39 = arith.constant 0 : i32
        %dma_wait3A_40 = tpu.memref_slice %arg11[%dma_wait3A_38, %dma_wait3A_39] : memref<10112x128xf32, #tpu.memory_space<vmem_shared>> -> memref<10112x128xf32, #tpu.memory_space<vmem_shared>>
        tpu.wait_indirect_dma semaphore(%run_scoped3A : memref<!tpu.dma_semaphore, #tpu.memory_space<semaphore_mem>>) src(%arg10 : memref<128x128xf32, #tpu.memory_space<vmem>>) dst(%dma_wait3A_40 : memref<10112x128xf32, #tpu.memory_space<vmem_shared>>)
        tpu.yield
      }) : () -> ()
    }
    %scan3A_9 = arith.constant 79 : i32
    %barrier3A_10 = arith.constant 0 : index
    tpu.barrier barrier_id(%barrier3A_10)
    %eq3A = arith.constant 0 : i32
    %eq3A_11 = arith.cmpi eq, %arg0, %eq3A : i32
    %convert_element_type3A = arith.extui %eq3A_11 : i1 to i32
    %cond3A = arith.constant 0 : i32
    %cond3A_12 = arith.cmpi ne, %convert_element_type3A, %cond3A : i32
    scf.if %cond3A_12 {
      %mul3A_18 = arith.constant 632 : i32
      %mul3A_19 = arith.muli %arg1, %mul3A_18 : i32
      %mul3A_20 = arith.constant 632 : i32
      %mul3A_21 = arith.muli %arg1, %mul3A_20 : i32
      "tpu.region"() ({
        %run_scoped3A = tpu.sem_alloc : memref<!tpu.dma_semaphore, #tpu.memory_space<semaphore_mem>>
        %dma_start3A = arith.constant 0 : i32
        %dma_start3A_22 = tpu.memref_slice %arg6[%mul3A_21, %dma_start3A] : memref<10112x128xf32, #tpu.memory_space<hbm>> -> memref<632x128xf32, #tpu.memory_space<hbm>>
        %dma_start3A_23 = arith.constant 0 : i32
        %dma_start3A_24 = tpu.memref_slice %arg11[%mul3A_19, %dma_start3A_23] : memref<10112x128xf32, #tpu.memory_space<vmem_shared>> -> memref<632x128xf32, #tpu.memory_space<vmem_shared>>
        tpu.enqueue_dma source(%dma_start3A_24 : memref<632x128xf32, #tpu.memory_space<vmem_shared>>) target(%dma_start3A_22 : memref<632x128xf32, #tpu.memory_space<hbm>>) target_semaphore(%run_scoped3A : memref<!tpu.dma_semaphore, #tpu.memory_space<semaphore_mem>>)
        %dma_wait3A = arith.constant 0 : i32
        %dma_wait3A_25 = tpu.memref_slice %arg6[%mul3A_21, %dma_wait3A] : memref<10112x128xf32, #tpu.memory_space<hbm>> -> memref<632x128xf32, #tpu.memory_space<hbm>>
        %dma_wait3A_26 = arith.constant 0 : i32
        %dma_wait3A_27 = tpu.memref_slice %arg11[%mul3A_19, %dma_wait3A_26] : memref<10112x128xf32, #tpu.memory_space<vmem_shared>> -> memref<632x128xf32, #tpu.memory_space<vmem_shared>>
        tpu.wait_dma2 semaphore(%run_scoped3A : memref<!tpu.dma_semaphore, #tpu.memory_space<semaphore_mem>>) src(%dma_wait3A_27 : memref<632x128xf32, #tpu.memory_space<vmem_shared>>) dst(%dma_wait3A_25 : memref<632x128xf32, #tpu.memory_space<hbm>>)
        tpu.yield
      }) : () -> ()
    } else {
    }
    %eq3A_13 = arith.constant 1 : i32
    %eq3A_14 = arith.cmpi eq, %arg0, %eq3A_13 : i32
    %convert_element_type3A_15 = arith.extui %eq3A_14 : i1 to i32
    %cond3A_16 = arith.constant 0 : i32
    %cond3A_17 = arith.cmpi ne, %convert_element_type3A_15, %cond3A_16 : i32
    scf.if %cond3A_17 {
      %mul3A_18 = arith.constant 632 : i32
      %mul3A_19 = arith.muli %arg1, %mul3A_18 : i32
      %mul3A_20 = arith.constant 632 : i32
      %mul3A_21 = arith.muli %arg1, %mul3A_20 : i32
      "tpu.region"() ({
        %run_scoped3A = tpu.sem_alloc : memref<!tpu.dma_semaphore, #tpu.memory_space<semaphore_mem>>
        %dma_start3A = arith.constant 0 : i32
        %dma_start3A_22 = tpu.memref_slice %arg7[%mul3A_21, %dma_start3A] : memref<10112x128xf32, #tpu.memory_space<hbm>> -> memref<632x128xf32, #tpu.memory_space<hbm>>
        %dma_start3A_23 = arith.constant 0 : i32
        %dma_start3A_24 = tpu.memref_slice %arg11[%mul3A_19, %dma_start3A_23] : memref<10112x128xf32, #tpu.memory_space<vmem_shared>> -> memref<632x128xf32, #tpu.memory_space<vmem_shared>>
        tpu.enqueue_dma source(%dma_start3A_24 : memref<632x128xf32, #tpu.memory_space<vmem_shared>>) target(%dma_start3A_22 : memref<632x128xf32, #tpu.memory_space<hbm>>) target_semaphore(%run_scoped3A : memref<!tpu.dma_semaphore, #tpu.memory_space<semaphore_mem>>)
        %dma_wait3A = arith.constant 0 : i32
        %dma_wait3A_25 = tpu.memref_slice %arg7[%mul3A_21, %dma_wait3A] : memref<10112x128xf32, #tpu.memory_space<hbm>> -> memref<632x128xf32, #tpu.memory_space<hbm>>
        %dma_wait3A_26 = arith.constant 0 : i32
        %dma_wait3A_27 = tpu.memref_slice %arg11[%mul3A_19, %dma_wait3A_26] : memref<10112x128xf32, #tpu.memory_space<vmem_shared>> -> memref<632x128xf32, #tpu.memory_space<vmem_shared>>
        tpu.wait_dma2 semaphore(%run_scoped3A : memref<!tpu.dma_semaphore, #tpu.memory_space<semaphore_mem>>) src(%dma_wait3A_27 : memref<632x128xf32, #tpu.memory_space<vmem_shared>>) dst(%dma_wait3A_25 : memref<632x128xf32, #tpu.memory_space<hbm>>)
        tpu.yield
      }) : () -> ()
    } else {
    }
    return
  }
}

#map = affine_map<(d0, d1) -> (0, 0)>
#map1 = affine_map<(d0, d1) -> (0, 0, 0)>
module attributes {stable_mosaic.version = 14 : i64} {
  func.func @_prop_body(%arg0: i32, %arg1: i32, %arg2: memref<10112x128xf32, #tpu.memory_space<hbm>>, %arg3: memref<32x79x128xi32, #tpu.memory_space<hbm>>, %arg4: memref<32x79x128xi32, #tpu.memory_space<hbm>>, %arg5: memref<10112x128xf32, #tpu.memory_space<hbm>>, %arg6: memref<10112x128xf32, #tpu.memory_space<hbm>>, %arg7: memref<10112x128xf32, #tpu.memory_space<hbm>>, %arg8: memref<79x128xi32, #tpu.memory_space<vmem>>, %arg9: memref<79x128xi32, #tpu.memory_space<vmem>>, %arg10: memref<128x128xf32, #tpu.memory_space<vmem>>, %arg11: memref<10112x128xf32, #tpu.memory_space<vmem_shared>>, %arg12: memref<!tpu.dma_semaphore, #tpu.memory_space<semaphore_mem>>) attributes {dimension_semantics = [#tpu.dimension_semantics<core_parallel>, #tpu.dimension_semantics<subcore_parallel>], iteration_bounds = array<i64: 2, 16>, scalar_prefetch = 0 : i64, scratch_operands = 5 : i64, tpu.core_type = #tpu.core_type<sc_vector_subcore>, window_params = [{transform_indices = #map}, {transform_indices = #map1}, {transform_indices = #map1}, {transform_indices = #map}, {transform_indices = #map}, {transform_indices = #map}]} {
    %mul3A = arith.constant 2 : i32
    %mul3A_0 = arith.muli %arg1, %mul3A : i32
    %add3A = arith.addi %mul3A_0, %arg0 : i32
    "tpu.region"() ({
      %run_scoped3A = tpu.sem_alloc : memref<!tpu.dma_semaphore, #tpu.memory_space<semaphore_mem>>
      %dma_start3A = arith.constant 0 : i32
      %dma_start3A_18 = arith.constant 0 : i32
      %dma_start3A_19 = tpu.memref_slice %arg3[%add3A, %dma_start3A, %dma_start3A_18] : memref<32x79x128xi32, #tpu.memory_space<hbm>> -> memref<1x79x128xi32, #tpu.memory_space<hbm>>
      %dma_start3A_20 = tpu.memref_squeeze %dma_start3A_19 : memref<1x79x128xi32, #tpu.memory_space<hbm>> -> memref<79x128xi32, #tpu.memory_space<hbm>>
      %dma_start3A_21 = arith.constant 0 : i32
      %dma_start3A_22 = arith.constant 0 : i32
      %dma_start3A_23 = tpu.memref_slice %arg3[%add3A, %dma_start3A_21, %dma_start3A_22] : memref<32x79x128xi32, #tpu.memory_space<hbm>> -> memref<1x79x128xi32, #tpu.memory_space<hbm>>
      %dma_start3A_24 = tpu.memref_squeeze %dma_start3A_23 : memref<1x79x128xi32, #tpu.memory_space<hbm>> -> memref<79x128xi32, #tpu.memory_space<hbm>>
      tpu.enqueue_dma source(%dma_start3A_24 : memref<79x128xi32, #tpu.memory_space<hbm>>) target(%arg8 : memref<79x128xi32, #tpu.memory_space<vmem>>) target_semaphore(%run_scoped3A : memref<!tpu.dma_semaphore, #tpu.memory_space<semaphore_mem>>)
      %dma_wait3A = arith.constant 0 : i32
      %dma_wait3A_25 = arith.constant 0 : i32
      %dma_wait3A_26 = tpu.memref_slice %arg3[%add3A, %dma_wait3A, %dma_wait3A_25] : memref<32x79x128xi32, #tpu.memory_space<hbm>> -> memref<1x79x128xi32, #tpu.memory_space<hbm>>
      %dma_wait3A_27 = tpu.memref_squeeze %dma_wait3A_26 : memref<1x79x128xi32, #tpu.memory_space<hbm>> -> memref<79x128xi32, #tpu.memory_space<hbm>>
      %dma_wait3A_28 = arith.constant 0 : i32
      %dma_wait3A_29 = arith.constant 0 : i32
      %dma_wait3A_30 = tpu.memref_slice %arg3[%add3A, %dma_wait3A_28, %dma_wait3A_29] : memref<32x79x128xi32, #tpu.memory_space<hbm>> -> memref<1x79x128xi32, #tpu.memory_space<hbm>>
      %dma_wait3A_31 = tpu.memref_squeeze %dma_wait3A_30 : memref<1x79x128xi32, #tpu.memory_space<hbm>> -> memref<79x128xi32, #tpu.memory_space<hbm>>
      tpu.wait_dma2 semaphore(%run_scoped3A : memref<!tpu.dma_semaphore, #tpu.memory_space<semaphore_mem>>) src(%dma_wait3A_31 : memref<79x128xi32, #tpu.memory_space<hbm>>) dst(%arg8 : memref<79x128xi32, #tpu.memory_space<vmem>>)
      tpu.yield
    }) : () -> ()
    "tpu.region"() ({
      %run_scoped3A = tpu.sem_alloc : memref<!tpu.dma_semaphore, #tpu.memory_space<semaphore_mem>>
      %dma_start3A = arith.constant 0 : i32
      %dma_start3A_18 = arith.constant 0 : i32
      %dma_start3A_19 = tpu.memref_slice %arg4[%add3A, %dma_start3A, %dma_start3A_18] : memref<32x79x128xi32, #tpu.memory_space<hbm>> -> memref<1x79x128xi32, #tpu.memory_space<hbm>>
      %dma_start3A_20 = tpu.memref_squeeze %dma_start3A_19 : memref<1x79x128xi32, #tpu.memory_space<hbm>> -> memref<79x128xi32, #tpu.memory_space<hbm>>
      %dma_start3A_21 = arith.constant 0 : i32
      %dma_start3A_22 = arith.constant 0 : i32
      %dma_start3A_23 = tpu.memref_slice %arg4[%add3A, %dma_start3A_21, %dma_start3A_22] : memref<32x79x128xi32, #tpu.memory_space<hbm>> -> memref<1x79x128xi32, #tpu.memory_space<hbm>>
      %dma_start3A_24 = tpu.memref_squeeze %dma_start3A_23 : memref<1x79x128xi32, #tpu.memory_space<hbm>> -> memref<79x128xi32, #tpu.memory_space<hbm>>
      tpu.enqueue_dma source(%dma_start3A_24 : memref<79x128xi32, #tpu.memory_space<hbm>>) target(%arg9 : memref<79x128xi32, #tpu.memory_space<vmem>>) target_semaphore(%run_scoped3A : memref<!tpu.dma_semaphore, #tpu.memory_space<semaphore_mem>>)
      %dma_wait3A = arith.constant 0 : i32
      %dma_wait3A_25 = arith.constant 0 : i32
      %dma_wait3A_26 = tpu.memref_slice %arg4[%add3A, %dma_wait3A, %dma_wait3A_25] : memref<32x79x128xi32, #tpu.memory_space<hbm>> -> memref<1x79x128xi32, #tpu.memory_space<hbm>>
      %dma_wait3A_27 = tpu.memref_squeeze %dma_wait3A_26 : memref<1x79x128xi32, #tpu.memory_space<hbm>> -> memref<79x128xi32, #tpu.memory_space<hbm>>
      %dma_wait3A_28 = arith.constant 0 : i32
      %dma_wait3A_29 = arith.constant 0 : i32
      %dma_wait3A_30 = tpu.memref_slice %arg4[%add3A, %dma_wait3A_28, %dma_wait3A_29] : memref<32x79x128xi32, #tpu.memory_space<hbm>> -> memref<1x79x128xi32, #tpu.memory_space<hbm>>
      %dma_wait3A_31 = tpu.memref_squeeze %dma_wait3A_30 : memref<1x79x128xi32, #tpu.memory_space<hbm>> -> memref<79x128xi32, #tpu.memory_space<hbm>>
      tpu.wait_dma2 semaphore(%run_scoped3A : memref<!tpu.dma_semaphore, #tpu.memory_space<semaphore_mem>>) src(%dma_wait3A_31 : memref<79x128xi32, #tpu.memory_space<hbm>>) dst(%arg9 : memref<79x128xi32, #tpu.memory_space<vmem>>)
      tpu.yield
    }) : () -> ()
    %mul3A_1 = arith.constant 632 : i32
    %mul3A_2 = arith.muli %arg1, %mul3A_1 : i32
    %mul3A_3 = arith.constant 632 : i32
    %mul3A_4 = arith.muli %arg1, %mul3A_3 : i32
    "tpu.region"() ({
      %run_scoped3A = tpu.sem_alloc : memref<!tpu.dma_semaphore, #tpu.memory_space<semaphore_mem>>
      %dma_start3A = arith.constant 0 : i32
      %dma_start3A_18 = tpu.memref_slice %arg11[%mul3A_4, %dma_start3A] : memref<10112x128xf32, #tpu.memory_space<vmem_shared>> -> memref<632x128xf32, #tpu.memory_space<vmem_shared>>
      %dma_start3A_19 = arith.constant 0 : i32
      %dma_start3A_20 = tpu.memref_slice %arg5[%mul3A_2, %dma_start3A_19] : memref<10112x128xf32, #tpu.memory_space<hbm>> -> memref<632x128xf32, #tpu.memory_space<hbm>>
      tpu.enqueue_dma source(%dma_start3A_20 : memref<632x128xf32, #tpu.memory_space<hbm>>) target(%dma_start3A_18 : memref<632x128xf32, #tpu.memory_space<vmem_shared>>) target_semaphore(%run_scoped3A : memref<!tpu.dma_semaphore, #tpu.memory_space<semaphore_mem>>)
      %dma_wait3A = arith.constant 0 : i32
      %dma_wait3A_21 = tpu.memref_slice %arg11[%mul3A_4, %dma_wait3A] : memref<10112x128xf32, #tpu.memory_space<vmem_shared>> -> memref<632x128xf32, #tpu.memory_space<vmem_shared>>
      %dma_wait3A_22 = arith.constant 0 : i32
      %dma_wait3A_23 = tpu.memref_slice %arg5[%mul3A_2, %dma_wait3A_22] : memref<10112x128xf32, #tpu.memory_space<hbm>> -> memref<632x128xf32, #tpu.memory_space<hbm>>
      tpu.wait_dma2 semaphore(%run_scoped3A : memref<!tpu.dma_semaphore, #tpu.memory_space<semaphore_mem>>) src(%dma_wait3A_23 : memref<632x128xf32, #tpu.memory_space<hbm>>) dst(%dma_wait3A_21 : memref<632x128xf32, #tpu.memory_space<vmem_shared>>)
      tpu.yield
    }) : () -> ()
    %barrier3A = arith.constant 0 : index
    tpu.barrier barrier_id(%barrier3A)
    %scan3A = arith.constant 0 : i32
    %scan3A_5 = arith.constant 0 : i32
    %scan3A_6 = arith.constant 79 : i32
    %scan3A_7 = arith.addi %scan3A_5, %scan3A_6 : i32
    %scan3A_8 = arith.constant 1 : i32
    scf.for %scan3A_18 = %scan3A_5 to %scan3A_7 step %scan3A_8  : i32 {
      %dma_start3A = arith.constant 0 : i32
      %dma_start3A_19 = tpu.memref_slice %arg8[%scan3A_18, %dma_start3A] : memref<79x128xi32, #tpu.memory_space<vmem>> -> memref<1x128xi32, #tpu.memory_space<vmem>>
      %dma_start3A_20 = tpu.memref_squeeze %dma_start3A_19 : memref<1x128xi32, #tpu.memory_space<vmem>> -> memref<128xi32, #tpu.memory_space<vmem>>
      %dma_start3A_21 = arith.constant 0 : i32
      %dma_start3A_22 = arith.constant 0 : i32
      %dma_start3A_23 = tpu.memref_slice %arg2[%dma_start3A_21, %dma_start3A_22] : memref<10112x128xf32, #tpu.memory_space<hbm>> -> memref<10112x128xf32, #tpu.memory_space<hbm>>
      tpu.enqueue_indirect_dma source(%dma_start3A_23 : memref<10112x128xf32, #tpu.memory_space<hbm>>) target(%arg10 : memref<128x128xf32, #tpu.memory_space<vmem>>) offsets(%dma_start3A_20 : memref<128xi32, #tpu.memory_space<vmem>>) semaphore(%arg12 : memref<!tpu.dma_semaphore, #tpu.memory_space<semaphore_mem>>)
      %dma_wait3A = arith.constant 0 : i32
      %dma_wait3A_24 = tpu.memref_slice %arg8[%scan3A_18, %dma_wait3A] : memref<79x128xi32, #tpu.memory_space<vmem>> -> memref<1x128xi32, #tpu.memory_space<vmem>>
      %dma_wait3A_25 = tpu.memref_squeeze %dma_wait3A_24 : memref<1x128xi32, #tpu.memory_space<vmem>> -> memref<128xi32, #tpu.memory_space<vmem>>
      %dma_wait3A_26 = arith.constant 0 : i32
      %dma_wait3A_27 = arith.constant 0 : i32
      %dma_wait3A_28 = tpu.memref_slice %arg2[%dma_wait3A_26, %dma_wait3A_27] : memref<10112x128xf32, #tpu.memory_space<hbm>> -> memref<10112x128xf32, #tpu.memory_space<hbm>>
      tpu.wait_indirect_dma semaphore(%arg12 : memref<!tpu.dma_semaphore, #tpu.memory_space<semaphore_mem>>) src(%dma_wait3A_28 : memref<10112x128xf32, #tpu.memory_space<hbm>>) dst(%arg10 : memref<128x128xf32, #tpu.memory_space<vmem>>)
      "tpu.region"() ({
        %run_scoped3A = tpu.sem_alloc : memref<!tpu.dma_semaphore, #tpu.memory_space<semaphore_mem>>
        %dma_start3A_29 = arith.constant 0 : i32
        %dma_start3A_30 = tpu.memref_slice %arg9[%scan3A_18, %dma_start3A_29] : memref<79x128xi32, #tpu.memory_space<vmem>> -> memref<1x128xi32, #tpu.memory_space<vmem>>
        %dma_start3A_31 = tpu.memref_squeeze %dma_start3A_30 : memref<1x128xi32, #tpu.memory_space<vmem>> -> memref<128xi32, #tpu.memory_space<vmem>>
        %dma_start3A_32 = arith.constant 0 : i32
        %dma_start3A_33 = arith.constant 0 : i32
        %dma_start3A_34 = tpu.memref_slice %arg11[%dma_start3A_32, %dma_start3A_33] : memref<10112x128xf32, #tpu.memory_space<vmem_shared>> -> memref<10112x128xf32, #tpu.memory_space<vmem_shared>>
        tpu.enqueue_indirect_dma source(%arg10 : memref<128x128xf32, #tpu.memory_space<vmem>>) target(%dma_start3A_34 : memref<10112x128xf32, #tpu.memory_space<vmem_shared>>) offsets(%dma_start3A_31 : memref<128xi32, #tpu.memory_space<vmem>>) semaphore(%run_scoped3A : memref<!tpu.dma_semaphore, #tpu.memory_space<semaphore_mem>>) {add = true}
        %dma_wait3A_35 = arith.constant 0 : i32
        %dma_wait3A_36 = tpu.memref_slice %arg9[%scan3A_18, %dma_wait3A_35] : memref<79x128xi32, #tpu.memory_space<vmem>> -> memref<1x128xi32, #tpu.memory_space<vmem>>
        %dma_wait3A_37 = tpu.memref_squeeze %dma_wait3A_36 : memref<1x128xi32, #tpu.memory_space<vmem>> -> memref<128xi32, #tpu.memory_space<vmem>>
        %dma_wait3A_38 = arith.constant 0 : i32
        %dma_wait3A_39 = arith.constant 0 : i32
        %dma_wait3A_40 = tpu.memref_slice %arg11[%dma_wait3A_38, %dma_wait3A_39] : memref<10112x128xf32, #tpu.memory_space<vmem_shared>> -> memref<10112x128xf32, #tpu.memory_space<vmem_shared>>
        tpu.wait_indirect_dma semaphore(%run_scoped3A : memref<!tpu.dma_semaphore, #tpu.memory_space<semaphore_mem>>) src(%arg10 : memref<128x128xf32, #tpu.memory_space<vmem>>) dst(%dma_wait3A_40 : memref<10112x128xf32, #tpu.memory_space<vmem_shared>>)
        tpu.yield
      }) : () -> ()
    }
    %scan3A_9 = arith.constant 79 : i32
    %barrier3A_10 = arith.constant 0 : index
    tpu.barrier barrier_id(%barrier3A_10)
    %eq3A = arith.constant 0 : i32
    %eq3A_11 = arith.cmpi eq, %arg0, %eq3A : i32
    %convert_element_type3A = arith.extui %eq3A_11 : i1 to i32
    %cond3A = arith.constant 0 : i32
    %cond3A_12 = arith.cmpi ne, %convert_element_type3A, %cond3A : i32
    scf.if %cond3A_12 {
      %mul3A_18 = arith.constant 632 : i32
      %mul3A_19 = arith.muli %arg1, %mul3A_18 : i32
      %mul3A_20 = arith.constant 632 : i32
      %mul3A_21 = arith.muli %arg1, %mul3A_20 : i32
      "tpu.region"() ({
        %run_scoped3A = tpu.sem_alloc : memref<!tpu.dma_semaphore, #tpu.memory_space<semaphore_mem>>
        %dma_start3A = arith.constant 0 : i32
        %dma_start3A_22 = tpu.memref_slice %arg6[%mul3A_21, %dma_start3A] : memref<10112x128xf32, #tpu.memory_space<hbm>> -> memref<632x128xf32, #tpu.memory_space<hbm>>
        %dma_start3A_23 = arith.constant 0 : i32
        %dma_start3A_24 = tpu.memref_slice %arg11[%mul3A_19, %dma_start3A_23] : memref<10112x128xf32, #tpu.memory_space<vmem_shared>> -> memref<632x128xf32, #tpu.memory_space<vmem_shared>>
        tpu.enqueue_dma source(%dma_start3A_24 : memref<632x128xf32, #tpu.memory_space<vmem_shared>>) target(%dma_start3A_22 : memref<632x128xf32, #tpu.memory_space<hbm>>) target_semaphore(%run_scoped3A : memref<!tpu.dma_semaphore, #tpu.memory_space<semaphore_mem>>)
        %dma_wait3A = arith.constant 0 : i32
        %dma_wait3A_25 = tpu.memref_slice %arg6[%mul3A_21, %dma_wait3A] : memref<10112x128xf32, #tpu.memory_space<hbm>> -> memref<632x128xf32, #tpu.memory_space<hbm>>
        %dma_wait3A_26 = arith.constant 0 : i32
        %dma_wait3A_27 = tpu.memref_slice %arg11[%mul3A_19, %dma_wait3A_26] : memref<10112x128xf32, #tpu.memory_space<vmem_shared>> -> memref<632x128xf32, #tpu.memory_space<vmem_shared>>
        tpu.wait_dma2 semaphore(%run_scoped3A : memref<!tpu.dma_semaphore, #tpu.memory_space<semaphore_mem>>) src(%dma_wait3A_27 : memref<632x128xf32, #tpu.memory_space<vmem_shared>>) dst(%dma_wait3A_25 : memref<632x128xf32, #tpu.memory_space<hbm>>)
        tpu.yield
      }) : () -> ()
    } else {
    }
    %eq3A_13 = arith.constant 1 : i32
    %eq3A_14 = arith.cmpi eq, %arg0, %eq3A_13 : i32
    %convert_element_type3A_15 = arith.extui %eq3A_14 : i1 to i32
    %cond3A_16 = arith.constant 0 : i32
    %cond3A_17 = arith.cmpi ne, %convert_element_type3A_15, %cond3A_16 : i32
    scf.if %cond3A_17 {
      %mul3A_18 = arith.constant 632 : i32
      %mul3A_19 = arith.muli %arg1, %mul3A_18 : i32
      %mul3A_20 = arith.constant 632 : i32
      %mul3A_21 = arith.muli %arg1, %mul3A_20 : i32
      "tpu.region"() ({
        %run_scoped3A = tpu.sem_alloc : memref<!tpu.dma_semaphore, #tpu.memory_space<semaphore_mem>>
        %dma_start3A = arith.constant 0 : i32
        %dma_start3A_22 = tpu.memref_slice %arg7[%mul3A_21, %dma_start3A] : memref<10112x128xf32, #tpu.memory_space<hbm>> -> memref<632x128xf32, #tpu.memory_space<hbm>>
        %dma_start3A_23 = arith.constant 0 : i32
        %dma_start3A_24 = tpu.memref_slice %arg11[%mul3A_19, %dma_start3A_23] : memref<10112x128xf32, #tpu.memory_space<vmem_shared>> -> memref<632x128xf32, #tpu.memory_space<vmem_shared>>
        tpu.enqueue_dma source(%dma_start3A_24 : memref<632x128xf32, #tpu.memory_space<vmem_shared>>) target(%dma_start3A_22 : memref<632x128xf32, #tpu.memory_space<hbm>>) target_semaphore(%run_scoped3A : memref<!tpu.dma_semaphore, #tpu.memory_space<semaphore_mem>>)
        %dma_wait3A = arith.constant 0 : i32
        %dma_wait3A_25 = tpu.memref_slice %arg7[%mul3A_21, %dma_wait3A] : memref<10112x128xf32, #tpu.memory_space<hbm>> -> memref<632x128xf32, #tpu.memory_space<hbm>>
        %dma_wait3A_26 = arith.constant 0 : i32
        %dma_wait3A_27 = tpu.memref_slice %arg11[%mul3A_19, %dma_wait3A_26] : memref<10112x128xf32, #tpu.memory_space<vmem_shared>> -> memref<632x128xf32, #tpu.memory_space<vmem_shared>>
        tpu.wait_dma2 semaphore(%run_scoped3A : memref<!tpu.dma_semaphore, #tpu.memory_space<semaphore_mem>>) src(%dma_wait3A_27 : memref<632x128xf32, #tpu.memory_space<vmem_shared>>) dst(%dma_wait3A_25 : memref<632x128xf32, #tpu.memory_space<hbm>>)
        tpu.yield
      }) : () -> ()
    } else {
    }
    return
  }
}

#map = affine_map<(d0, d1) -> (0, 0)>
#map1 = affine_map<(d0, d1) -> (0, 0, 0)>
module attributes {stable_mosaic.version = 14 : i64} {
  func.func @_prop_body(%arg0: i32, %arg1: i32, %arg2: memref<10112x128xf32, #tpu.memory_space<hbm>>, %arg3: memref<32x79x128xi32, #tpu.memory_space<hbm>>, %arg4: memref<32x79x128xi32, #tpu.memory_space<hbm>>, %arg5: memref<10112x128xf32, #tpu.memory_space<hbm>>, %arg6: memref<10112x128xf32, #tpu.memory_space<hbm>>, %arg7: memref<10112x128xf32, #tpu.memory_space<hbm>>, %arg8: memref<79x128xi32, #tpu.memory_space<vmem>>, %arg9: memref<79x128xi32, #tpu.memory_space<vmem>>, %arg10: memref<128x128xf32, #tpu.memory_space<vmem>>, %arg11: memref<10112x128xf32, #tpu.memory_space<vmem_shared>>, %arg12: memref<!tpu.dma_semaphore, #tpu.memory_space<semaphore_mem>>) attributes {dimension_semantics = [#tpu.dimension_semantics<core_parallel>, #tpu.dimension_semantics<subcore_parallel>], iteration_bounds = array<i64: 2, 16>, scalar_prefetch = 0 : i64, scratch_operands = 5 : i64, tpu.core_type = #tpu.core_type<sc_vector_subcore>, window_params = [{transform_indices = #map}, {transform_indices = #map1}, {transform_indices = #map1}, {transform_indices = #map}, {transform_indices = #map}, {transform_indices = #map}]} {
    %mul3A = arith.constant 2 : i32
    %mul3A_0 = arith.muli %arg1, %mul3A : i32
    %add3A = arith.addi %mul3A_0, %arg0 : i32
    "tpu.region"() ({
      %run_scoped3A = tpu.sem_alloc : memref<!tpu.dma_semaphore, #tpu.memory_space<semaphore_mem>>
      %dma_start3A = arith.constant 0 : i32
      %dma_start3A_18 = arith.constant 0 : i32
      %dma_start3A_19 = tpu.memref_slice %arg3[%add3A, %dma_start3A, %dma_start3A_18] : memref<32x79x128xi32, #tpu.memory_space<hbm>> -> memref<1x79x128xi32, #tpu.memory_space<hbm>>
      %dma_start3A_20 = tpu.memref_squeeze %dma_start3A_19 : memref<1x79x128xi32, #tpu.memory_space<hbm>> -> memref<79x128xi32, #tpu.memory_space<hbm>>
      %dma_start3A_21 = arith.constant 0 : i32
      %dma_start3A_22 = arith.constant 0 : i32
      %dma_start3A_23 = tpu.memref_slice %arg3[%add3A, %dma_start3A_21, %dma_start3A_22] : memref<32x79x128xi32, #tpu.memory_space<hbm>> -> memref<1x79x128xi32, #tpu.memory_space<hbm>>
      %dma_start3A_24 = tpu.memref_squeeze %dma_start3A_23 : memref<1x79x128xi32, #tpu.memory_space<hbm>> -> memref<79x128xi32, #tpu.memory_space<hbm>>
      tpu.enqueue_dma source(%dma_start3A_24 : memref<79x128xi32, #tpu.memory_space<hbm>>) target(%arg8 : memref<79x128xi32, #tpu.memory_space<vmem>>) target_semaphore(%run_scoped3A : memref<!tpu.dma_semaphore, #tpu.memory_space<semaphore_mem>>)
      %dma_wait3A = arith.constant 0 : i32
      %dma_wait3A_25 = arith.constant 0 : i32
      %dma_wait3A_26 = tpu.memref_slice %arg3[%add3A, %dma_wait3A, %dma_wait3A_25] : memref<32x79x128xi32, #tpu.memory_space<hbm>> -> memref<1x79x128xi32, #tpu.memory_space<hbm>>
      %dma_wait3A_27 = tpu.memref_squeeze %dma_wait3A_26 : memref<1x79x128xi32, #tpu.memory_space<hbm>> -> memref<79x128xi32, #tpu.memory_space<hbm>>
      %dma_wait3A_28 = arith.constant 0 : i32
      %dma_wait3A_29 = arith.constant 0 : i32
      %dma_wait3A_30 = tpu.memref_slice %arg3[%add3A, %dma_wait3A_28, %dma_wait3A_29] : memref<32x79x128xi32, #tpu.memory_space<hbm>> -> memref<1x79x128xi32, #tpu.memory_space<hbm>>
      %dma_wait3A_31 = tpu.memref_squeeze %dma_wait3A_30 : memref<1x79x128xi32, #tpu.memory_space<hbm>> -> memref<79x128xi32, #tpu.memory_space<hbm>>
      tpu.wait_dma2 semaphore(%run_scoped3A : memref<!tpu.dma_semaphore, #tpu.memory_space<semaphore_mem>>) src(%dma_wait3A_31 : memref<79x128xi32, #tpu.memory_space<hbm>>) dst(%arg8 : memref<79x128xi32, #tpu.memory_space<vmem>>)
      tpu.yield
    }) : () -> ()
    "tpu.region"() ({
      %run_scoped3A = tpu.sem_alloc : memref<!tpu.dma_semaphore, #tpu.memory_space<semaphore_mem>>
      %dma_start3A = arith.constant 0 : i32
      %dma_start3A_18 = arith.constant 0 : i32
      %dma_start3A_19 = tpu.memref_slice %arg4[%add3A, %dma_start3A, %dma_start3A_18] : memref<32x79x128xi32, #tpu.memory_space<hbm>> -> memref<1x79x128xi32, #tpu.memory_space<hbm>>
      %dma_start3A_20 = tpu.memref_squeeze %dma_start3A_19 : memref<1x79x128xi32, #tpu.memory_space<hbm>> -> memref<79x128xi32, #tpu.memory_space<hbm>>
      %dma_start3A_21 = arith.constant 0 : i32
      %dma_start3A_22 = arith.constant 0 : i32
      %dma_start3A_23 = tpu.memref_slice %arg4[%add3A, %dma_start3A_21, %dma_start3A_22] : memref<32x79x128xi32, #tpu.memory_space<hbm>> -> memref<1x79x128xi32, #tpu.memory_space<hbm>>
      %dma_start3A_24 = tpu.memref_squeeze %dma_start3A_23 : memref<1x79x128xi32, #tpu.memory_space<hbm>> -> memref<79x128xi32, #tpu.memory_space<hbm>>
      tpu.enqueue_dma source(%dma_start3A_24 : memref<79x128xi32, #tpu.memory_space<hbm>>) target(%arg9 : memref<79x128xi32, #tpu.memory_space<vmem>>) target_semaphore(%run_scoped3A : memref<!tpu.dma_semaphore, #tpu.memory_space<semaphore_mem>>)
      %dma_wait3A = arith.constant 0 : i32
      %dma_wait3A_25 = arith.constant 0 : i32
      %dma_wait3A_26 = tpu.memref_slice %arg4[%add3A, %dma_wait3A, %dma_wait3A_25] : memref<32x79x128xi32, #tpu.memory_space<hbm>> -> memref<1x79x128xi32, #tpu.memory_space<hbm>>
      %dma_wait3A_27 = tpu.memref_squeeze %dma_wait3A_26 : memref<1x79x128xi32, #tpu.memory_space<hbm>> -> memref<79x128xi32, #tpu.memory_space<hbm>>
      %dma_wait3A_28 = arith.constant 0 : i32
      %dma_wait3A_29 = arith.constant 0 : i32
      %dma_wait3A_30 = tpu.memref_slice %arg4[%add3A, %dma_wait3A_28, %dma_wait3A_29] : memref<32x79x128xi32, #tpu.memory_space<hbm>> -> memref<1x79x128xi32, #tpu.memory_space<hbm>>
      %dma_wait3A_31 = tpu.memref_squeeze %dma_wait3A_30 : memref<1x79x128xi32, #tpu.memory_space<hbm>> -> memref<79x128xi32, #tpu.memory_space<hbm>>
      tpu.wait_dma2 semaphore(%run_scoped3A : memref<!tpu.dma_semaphore, #tpu.memory_space<semaphore_mem>>) src(%dma_wait3A_31 : memref<79x128xi32, #tpu.memory_space<hbm>>) dst(%arg9 : memref<79x128xi32, #tpu.memory_space<vmem>>)
      tpu.yield
    }) : () -> ()
    %mul3A_1 = arith.constant 632 : i32
    %mul3A_2 = arith.muli %arg1, %mul3A_1 : i32
    %mul3A_3 = arith.constant 632 : i32
    %mul3A_4 = arith.muli %arg1, %mul3A_3 : i32
    "tpu.region"() ({
      %run_scoped3A = tpu.sem_alloc : memref<!tpu.dma_semaphore, #tpu.memory_space<semaphore_mem>>
      %dma_start3A = arith.constant 0 : i32
      %dma_start3A_18 = tpu.memref_slice %arg11[%mul3A_4, %dma_start3A] : memref<10112x128xf32, #tpu.memory_space<vmem_shared>> -> memref<632x128xf32, #tpu.memory_space<vmem_shared>>
      %dma_start3A_19 = arith.constant 0 : i32
      %dma_start3A_20 = tpu.memref_slice %arg5[%mul3A_2, %dma_start3A_19] : memref<10112x128xf32, #tpu.memory_space<hbm>> -> memref<632x128xf32, #tpu.memory_space<hbm>>
      tpu.enqueue_dma source(%dma_start3A_20 : memref<632x128xf32, #tpu.memory_space<hbm>>) target(%dma_start3A_18 : memref<632x128xf32, #tpu.memory_space<vmem_shared>>) target_semaphore(%run_scoped3A : memref<!tpu.dma_semaphore, #tpu.memory_space<semaphore_mem>>)
      %dma_wait3A = arith.constant 0 : i32
      %dma_wait3A_21 = tpu.memref_slice %arg11[%mul3A_4, %dma_wait3A] : memref<10112x128xf32, #tpu.memory_space<vmem_shared>> -> memref<632x128xf32, #tpu.memory_space<vmem_shared>>
      %dma_wait3A_22 = arith.constant 0 : i32
      %dma_wait3A_23 = tpu.memref_slice %arg5[%mul3A_2, %dma_wait3A_22] : memref<10112x128xf32, #tpu.memory_space<hbm>> -> memref<632x128xf32, #tpu.memory_space<hbm>>
      tpu.wait_dma2 semaphore(%run_scoped3A : memref<!tpu.dma_semaphore, #tpu.memory_space<semaphore_mem>>) src(%dma_wait3A_23 : memref<632x128xf32, #tpu.memory_space<hbm>>) dst(%dma_wait3A_21 : memref<632x128xf32, #tpu.memory_space<vmem_shared>>)
      tpu.yield
    }) : () -> ()
    %barrier3A = arith.constant 0 : index
    tpu.barrier barrier_id(%barrier3A)
    %scan3A = arith.constant 0 : i32
    %scan3A_5 = arith.constant 0 : i32
    %scan3A_6 = arith.constant 79 : i32
    %scan3A_7 = arith.addi %scan3A_5, %scan3A_6 : i32
    %scan3A_8 = arith.constant 1 : i32
    scf.for %scan3A_18 = %scan3A_5 to %scan3A_7 step %scan3A_8  : i32 {
      %dma_start3A = arith.constant 0 : i32
      %dma_start3A_19 = tpu.memref_slice %arg8[%scan3A_18, %dma_start3A] : memref<79x128xi32, #tpu.memory_space<vmem>> -> memref<1x128xi32, #tpu.memory_space<vmem>>
      %dma_start3A_20 = tpu.memref_squeeze %dma_start3A_19 : memref<1x128xi32, #tpu.memory_space<vmem>> -> memref<128xi32, #tpu.memory_space<vmem>>
      %dma_start3A_21 = arith.constant 0 : i32
      %dma_start3A_22 = arith.constant 0 : i32
      %dma_start3A_23 = tpu.memref_slice %arg2[%dma_start3A_21, %dma_start3A_22] : memref<10112x128xf32, #tpu.memory_space<hbm>> -> memref<10112x128xf32, #tpu.memory_space<hbm>>
      tpu.enqueue_indirect_dma source(%dma_start3A_23 : memref<10112x128xf32, #tpu.memory_space<hbm>>) target(%arg10 : memref<128x128xf32, #tpu.memory_space<vmem>>) offsets(%dma_start3A_20 : memref<128xi32, #tpu.memory_space<vmem>>) semaphore(%arg12 : memref<!tpu.dma_semaphore, #tpu.memory_space<semaphore_mem>>)
      %dma_wait3A = arith.constant 0 : i32
      %dma_wait3A_24 = tpu.memref_slice %arg8[%scan3A_18, %dma_wait3A] : memref<79x128xi32, #tpu.memory_space<vmem>> -> memref<1x128xi32, #tpu.memory_space<vmem>>
      %dma_wait3A_25 = tpu.memref_squeeze %dma_wait3A_24 : memref<1x128xi32, #tpu.memory_space<vmem>> -> memref<128xi32, #tpu.memory_space<vmem>>
      %dma_wait3A_26 = arith.constant 0 : i32
      %dma_wait3A_27 = arith.constant 0 : i32
      %dma_wait3A_28 = tpu.memref_slice %arg2[%dma_wait3A_26, %dma_wait3A_27] : memref<10112x128xf32, #tpu.memory_space<hbm>> -> memref<10112x128xf32, #tpu.memory_space<hbm>>
      tpu.wait_indirect_dma semaphore(%arg12 : memref<!tpu.dma_semaphore, #tpu.memory_space<semaphore_mem>>) src(%dma_wait3A_28 : memref<10112x128xf32, #tpu.memory_space<hbm>>) dst(%arg10 : memref<128x128xf32, #tpu.memory_space<vmem>>)
      "tpu.region"() ({
        %run_scoped3A = tpu.sem_alloc : memref<!tpu.dma_semaphore, #tpu.memory_space<semaphore_mem>>
        %dma_start3A_29 = arith.constant 0 : i32
        %dma_start3A_30 = tpu.memref_slice %arg9[%scan3A_18, %dma_start3A_29] : memref<79x128xi32, #tpu.memory_space<vmem>> -> memref<1x128xi32, #tpu.memory_space<vmem>>
        %dma_start3A_31 = tpu.memref_squeeze %dma_start3A_30 : memref<1x128xi32, #tpu.memory_space<vmem>> -> memref<128xi32, #tpu.memory_space<vmem>>
        %dma_start3A_32 = arith.constant 0 : i32
        %dma_start3A_33 = arith.constant 0 : i32
        %dma_start3A_34 = tpu.memref_slice %arg11[%dma_start3A_32, %dma_start3A_33] : memref<10112x128xf32, #tpu.memory_space<vmem_shared>> -> memref<10112x128xf32, #tpu.memory_space<vmem_shared>>
        tpu.enqueue_indirect_dma source(%arg10 : memref<128x128xf32, #tpu.memory_space<vmem>>) target(%dma_start3A_34 : memref<10112x128xf32, #tpu.memory_space<vmem_shared>>) offsets(%dma_start3A_31 : memref<128xi32, #tpu.memory_space<vmem>>) semaphore(%run_scoped3A : memref<!tpu.dma_semaphore, #tpu.memory_space<semaphore_mem>>) {add = true}
        %dma_wait3A_35 = arith.constant 0 : i32
        %dma_wait3A_36 = tpu.memref_slice %arg9[%scan3A_18, %dma_wait3A_35] : memref<79x128xi32, #tpu.memory_space<vmem>> -> memref<1x128xi32, #tpu.memory_space<vmem>>
        %dma_wait3A_37 = tpu.memref_squeeze %dma_wait3A_36 : memref<1x128xi32, #tpu.memory_space<vmem>> -> memref<128xi32, #tpu.memory_space<vmem>>
        %dma_wait3A_38 = arith.constant 0 : i32
        %dma_wait3A_39 = arith.constant 0 : i32
        %dma_wait3A_40 = tpu.memref_slice %arg11[%dma_wait3A_38, %dma_wait3A_39] : memref<10112x128xf32, #tpu.memory_space<vmem_shared>> -> memref<10112x128xf32, #tpu.memory_space<vmem_shared>>
        tpu.wait_indirect_dma semaphore(%run_scoped3A : memref<!tpu.dma_semaphore, #tpu.memory_space<semaphore_mem>>) src(%arg10 : memref<128x128xf32, #tpu.memory_space<vmem>>) dst(%dma_wait3A_40 : memref<10112x128xf32, #tpu.memory_space<vmem_shared>>)
        tpu.yield
      }) : () -> ()
    }
    %scan3A_9 = arith.constant 79 : i32
    %barrier3A_10 = arith.constant 0 : index
    tpu.barrier barrier_id(%barrier3A_10)
    %eq3A = arith.constant 0 : i32
    %eq3A_11 = arith.cmpi eq, %arg0, %eq3A : i32
    %convert_element_type3A = arith.extui %eq3A_11 : i1 to i32
    %cond3A = arith.constant 0 : i32
    %cond3A_12 = arith.cmpi ne, %convert_element_type3A, %cond3A : i32
    scf.if %cond3A_12 {
      %mul3A_18 = arith.constant 632 : i32
      %mul3A_19 = arith.muli %arg1, %mul3A_18 : i32
      %mul3A_20 = arith.constant 632 : i32
      %mul3A_21 = arith.muli %arg1, %mul3A_20 : i32
      "tpu.region"() ({
        %run_scoped3A = tpu.sem_alloc : memref<!tpu.dma_semaphore, #tpu.memory_space<semaphore_mem>>
        %dma_start3A = arith.constant 0 : i32
        %dma_start3A_22 = tpu.memref_slice %arg6[%mul3A_21, %dma_start3A] : memref<10112x128xf32, #tpu.memory_space<hbm>> -> memref<632x128xf32, #tpu.memory_space<hbm>>
        %dma_start3A_23 = arith.constant 0 : i32
        %dma_start3A_24 = tpu.memref_slice %arg11[%mul3A_19, %dma_start3A_23] : memref<10112x128xf32, #tpu.memory_space<vmem_shared>> -> memref<632x128xf32, #tpu.memory_space<vmem_shared>>
        tpu.enqueue_dma source(%dma_start3A_24 : memref<632x128xf32, #tpu.memory_space<vmem_shared>>) target(%dma_start3A_22 : memref<632x128xf32, #tpu.memory_space<hbm>>) target_semaphore(%run_scoped3A : memref<!tpu.dma_semaphore, #tpu.memory_space<semaphore_mem>>)
        %dma_wait3A = arith.constant 0 : i32
        %dma_wait3A_25 = tpu.memref_slice %arg6[%mul3A_21, %dma_wait3A] : memref<10112x128xf32, #tpu.memory_space<hbm>> -> memref<632x128xf32, #tpu.memory_space<hbm>>
        %dma_wait3A_26 = arith.constant 0 : i32
        %dma_wait3A_27 = tpu.memref_slice %arg11[%mul3A_19, %dma_wait3A_26] : memref<10112x128xf32, #tpu.memory_space<vmem_shared>> -> memref<632x128xf32, #tpu.memory_space<vmem_shared>>
        tpu.wait_dma2 semaphore(%run_scoped3A : memref<!tpu.dma_semaphore, #tpu.memory_space<semaphore_mem>>) src(%dma_wait3A_27 : memref<632x128xf32, #tpu.memory_space<vmem_shared>>) dst(%dma_wait3A_25 : memref<632x128xf32, #tpu.memory_space<hbm>>)
        tpu.yield
      }) : () -> ()
    } else {
    }
    %eq3A_13 = arith.constant 1 : i32
    %eq3A_14 = arith.cmpi eq, %arg0, %eq3A_13 : i32
    %convert_element_type3A_15 = arith.extui %eq3A_14 : i1 to i32
    %cond3A_16 = arith.constant 0 : i32
    %cond3A_17 = arith.cmpi ne, %convert_element_type3A_15, %cond3A_16 : i32
    scf.if %cond3A_17 {
      %mul3A_18 = arith.constant 632 : i32
      %mul3A_19 = arith.muli %arg1, %mul3A_18 : i32
      %mul3A_20 = arith.constant 632 : i32
      %mul3A_21 = arith.muli %arg1, %mul3A_20 : i32
      "tpu.region"() ({
        %run_scoped3A = tpu.sem_alloc : memref<!tpu.dma_semaphore, #tpu.memory_space<semaphore_mem>>
        %dma_start3A = arith.constant 0 : i32
        %dma_start3A_22 = tpu.memref_slice %arg7[%mul3A_21, %dma_start3A] : memref<10112x128xf32, #tpu.memory_space<hbm>> -> memref<632x128xf32, #tpu.memory_space<hbm>>
        %dma_start3A_23 = arith.constant 0 : i32
        %dma_start3A_24 = tpu.memref_slice %arg11[%mul3A_19, %dma_start3A_23] : memref<10112x128xf32, #tpu.memory_space<vmem_shared>> -> memref<632x128xf32, #tpu.memory_space<vmem_shared>>
        tpu.enqueue_dma source(%dma_start3A_24 : memref<632x128xf32, #tpu.memory_space<vmem_shared>>) target(%dma_start3A_22 : memref<632x128xf32, #tpu.memory_space<hbm>>) target_semaphore(%run_scoped3A : memref<!tpu.dma_semaphore, #tpu.memory_space<semaphore_mem>>)
        %dma_wait3A = arith.constant 0 : i32
        %dma_wait3A_25 = tpu.memref_slice %arg7[%mul3A_21, %dma_wait3A] : memref<10112x128xf32, #tpu.memory_space<hbm>> -> memref<632x128xf32, #tpu.memory_space<hbm>>
        %dma_wait3A_26 = arith.constant 0 : i32
        %dma_wait3A_27 = tpu.memref_slice %arg11[%mul3A_19, %dma_wait3A_26] : memref<10112x128xf32, #tpu.memory_space<vmem_shared>> -> memref<632x128xf32, #tpu.memory_space<vmem_shared>>
        tpu.wait_dma2 semaphore(%run_scoped3A : memref<!tpu.dma_semaphore, #tpu.memory_space<semaphore_mem>>) src(%dma_wait3A_27 : memref<632x128xf32, #tpu.memory_space<vmem_shared>>) dst(%dma_wait3A_25 : memref<632x128xf32, #tpu.memory_space<hbm>>)
        tpu.yield
      }) : () -> ()
    } else {
    }
    return
  }
}

#map = affine_map<(d0, d1) -> (0, 0)>
#map1 = affine_map<(d0, d1) -> (0, 0, 0)>
module attributes {stable_mosaic.version = 14 : i64} {
  func.func @_prop_body(%arg0: i32, %arg1: i32, %arg2: memref<10112x128xf32, #tpu.memory_space<hbm>>, %arg3: memref<32x79x128xi32, #tpu.memory_space<hbm>>, %arg4: memref<32x79x128xi32, #tpu.memory_space<hbm>>, %arg5: memref<10112x128xf32, #tpu.memory_space<hbm>>, %arg6: memref<10112x128xf32, #tpu.memory_space<hbm>>, %arg7: memref<10112x128xf32, #tpu.memory_space<hbm>>, %arg8: memref<79x128xi32, #tpu.memory_space<vmem>>, %arg9: memref<79x128xi32, #tpu.memory_space<vmem>>, %arg10: memref<128x128xf32, #tpu.memory_space<vmem>>, %arg11: memref<10112x128xf32, #tpu.memory_space<vmem_shared>>, %arg12: memref<!tpu.dma_semaphore, #tpu.memory_space<semaphore_mem>>) attributes {dimension_semantics = [#tpu.dimension_semantics<core_parallel>, #tpu.dimension_semantics<subcore_parallel>], iteration_bounds = array<i64: 2, 16>, scalar_prefetch = 0 : i64, scratch_operands = 5 : i64, tpu.core_type = #tpu.core_type<sc_vector_subcore>, window_params = [{transform_indices = #map}, {transform_indices = #map1}, {transform_indices = #map1}, {transform_indices = #map}, {transform_indices = #map}, {transform_indices = #map}]} {
    %mul3A = arith.constant 2 : i32
    %mul3A_0 = arith.muli %arg1, %mul3A : i32
    %add3A = arith.addi %mul3A_0, %arg0 : i32
    "tpu.region"() ({
      %run_scoped3A = tpu.sem_alloc : memref<!tpu.dma_semaphore, #tpu.memory_space<semaphore_mem>>
      %dma_start3A = arith.constant 0 : i32
      %dma_start3A_18 = arith.constant 0 : i32
      %dma_start3A_19 = tpu.memref_slice %arg3[%add3A, %dma_start3A, %dma_start3A_18] : memref<32x79x128xi32, #tpu.memory_space<hbm>> -> memref<1x79x128xi32, #tpu.memory_space<hbm>>
      %dma_start3A_20 = tpu.memref_squeeze %dma_start3A_19 : memref<1x79x128xi32, #tpu.memory_space<hbm>> -> memref<79x128xi32, #tpu.memory_space<hbm>>
      %dma_start3A_21 = arith.constant 0 : i32
      %dma_start3A_22 = arith.constant 0 : i32
      %dma_start3A_23 = tpu.memref_slice %arg3[%add3A, %dma_start3A_21, %dma_start3A_22] : memref<32x79x128xi32, #tpu.memory_space<hbm>> -> memref<1x79x128xi32, #tpu.memory_space<hbm>>
      %dma_start3A_24 = tpu.memref_squeeze %dma_start3A_23 : memref<1x79x128xi32, #tpu.memory_space<hbm>> -> memref<79x128xi32, #tpu.memory_space<hbm>>
      tpu.enqueue_dma source(%dma_start3A_24 : memref<79x128xi32, #tpu.memory_space<hbm>>) target(%arg8 : memref<79x128xi32, #tpu.memory_space<vmem>>) target_semaphore(%run_scoped3A : memref<!tpu.dma_semaphore, #tpu.memory_space<semaphore_mem>>)
      %dma_wait3A = arith.constant 0 : i32
      %dma_wait3A_25 = arith.constant 0 : i32
      %dma_wait3A_26 = tpu.memref_slice %arg3[%add3A, %dma_wait3A, %dma_wait3A_25] : memref<32x79x128xi32, #tpu.memory_space<hbm>> -> memref<1x79x128xi32, #tpu.memory_space<hbm>>
      %dma_wait3A_27 = tpu.memref_squeeze %dma_wait3A_26 : memref<1x79x128xi32, #tpu.memory_space<hbm>> -> memref<79x128xi32, #tpu.memory_space<hbm>>
      %dma_wait3A_28 = arith.constant 0 : i32
      %dma_wait3A_29 = arith.constant 0 : i32
      %dma_wait3A_30 = tpu.memref_slice %arg3[%add3A, %dma_wait3A_28, %dma_wait3A_29] : memref<32x79x128xi32, #tpu.memory_space<hbm>> -> memref<1x79x128xi32, #tpu.memory_space<hbm>>
      %dma_wait3A_31 = tpu.memref_squeeze %dma_wait3A_30 : memref<1x79x128xi32, #tpu.memory_space<hbm>> -> memref<79x128xi32, #tpu.memory_space<hbm>>
      tpu.wait_dma2 semaphore(%run_scoped3A : memref<!tpu.dma_semaphore, #tpu.memory_space<semaphore_mem>>) src(%dma_wait3A_31 : memref<79x128xi32, #tpu.memory_space<hbm>>) dst(%arg8 : memref<79x128xi32, #tpu.memory_space<vmem>>)
      tpu.yield
    }) : () -> ()
    "tpu.region"() ({
      %run_scoped3A = tpu.sem_alloc : memref<!tpu.dma_semaphore, #tpu.memory_space<semaphore_mem>>
      %dma_start3A = arith.constant 0 : i32
      %dma_start3A_18 = arith.constant 0 : i32
      %dma_start3A_19 = tpu.memref_slice %arg4[%add3A, %dma_start3A, %dma_start3A_18] : memref<32x79x128xi32, #tpu.memory_space<hbm>> -> memref<1x79x128xi32, #tpu.memory_space<hbm>>
      %dma_start3A_20 = tpu.memref_squeeze %dma_start3A_19 : memref<1x79x128xi32, #tpu.memory_space<hbm>> -> memref<79x128xi32, #tpu.memory_space<hbm>>
      %dma_start3A_21 = arith.constant 0 : i32
      %dma_start3A_22 = arith.constant 0 : i32
      %dma_start3A_23 = tpu.memref_slice %arg4[%add3A, %dma_start3A_21, %dma_start3A_22] : memref<32x79x128xi32, #tpu.memory_space<hbm>> -> memref<1x79x128xi32, #tpu.memory_space<hbm>>
      %dma_start3A_24 = tpu.memref_squeeze %dma_start3A_23 : memref<1x79x128xi32, #tpu.memory_space<hbm>> -> memref<79x128xi32, #tpu.memory_space<hbm>>
      tpu.enqueue_dma source(%dma_start3A_24 : memref<79x128xi32, #tpu.memory_space<hbm>>) target(%arg9 : memref<79x128xi32, #tpu.memory_space<vmem>>) target_semaphore(%run_scoped3A : memref<!tpu.dma_semaphore, #tpu.memory_space<semaphore_mem>>)
      %dma_wait3A = arith.constant 0 : i32
      %dma_wait3A_25 = arith.constant 0 : i32
      %dma_wait3A_26 = tpu.memref_slice %arg4[%add3A, %dma_wait3A, %dma_wait3A_25] : memref<32x79x128xi32, #tpu.memory_space<hbm>> -> memref<1x79x128xi32, #tpu.memory_space<hbm>>
      %dma_wait3A_27 = tpu.memref_squeeze %dma_wait3A_26 : memref<1x79x128xi32, #tpu.memory_space<hbm>> -> memref<79x128xi32, #tpu.memory_space<hbm>>
      %dma_wait3A_28 = arith.constant 0 : i32
      %dma_wait3A_29 = arith.constant 0 : i32
      %dma_wait3A_30 = tpu.memref_slice %arg4[%add3A, %dma_wait3A_28, %dma_wait3A_29] : memref<32x79x128xi32, #tpu.memory_space<hbm>> -> memref<1x79x128xi32, #tpu.memory_space<hbm>>
      %dma_wait3A_31 = tpu.memref_squeeze %dma_wait3A_30 : memref<1x79x128xi32, #tpu.memory_space<hbm>> -> memref<79x128xi32, #tpu.memory_space<hbm>>
      tpu.wait_dma2 semaphore(%run_scoped3A : memref<!tpu.dma_semaphore, #tpu.memory_space<semaphore_mem>>) src(%dma_wait3A_31 : memref<79x128xi32, #tpu.memory_space<hbm>>) dst(%arg9 : memref<79x128xi32, #tpu.memory_space<vmem>>)
      tpu.yield
    }) : () -> ()
    %mul3A_1 = arith.constant 632 : i32
    %mul3A_2 = arith.muli %arg1, %mul3A_1 : i32
    %mul3A_3 = arith.constant 632 : i32
    %mul3A_4 = arith.muli %arg1, %mul3A_3 : i32
    "tpu.region"() ({
      %run_scoped3A = tpu.sem_alloc : memref<!tpu.dma_semaphore, #tpu.memory_space<semaphore_mem>>
      %dma_start3A = arith.constant 0 : i32
      %dma_start3A_18 = tpu.memref_slice %arg11[%mul3A_4, %dma_start3A] : memref<10112x128xf32, #tpu.memory_space<vmem_shared>> -> memref<632x128xf32, #tpu.memory_space<vmem_shared>>
      %dma_start3A_19 = arith.constant 0 : i32
      %dma_start3A_20 = tpu.memref_slice %arg5[%mul3A_2, %dma_start3A_19] : memref<10112x128xf32, #tpu.memory_space<hbm>> -> memref<632x128xf32, #tpu.memory_space<hbm>>
      tpu.enqueue_dma source(%dma_start3A_20 : memref<632x128xf32, #tpu.memory_space<hbm>>) target(%dma_start3A_18 : memref<632x128xf32, #tpu.memory_space<vmem_shared>>) target_semaphore(%run_scoped3A : memref<!tpu.dma_semaphore, #tpu.memory_space<semaphore_mem>>)
      %dma_wait3A = arith.constant 0 : i32
      %dma_wait3A_21 = tpu.memref_slice %arg11[%mul3A_4, %dma_wait3A] : memref<10112x128xf32, #tpu.memory_space<vmem_shared>> -> memref<632x128xf32, #tpu.memory_space<vmem_shared>>
      %dma_wait3A_22 = arith.constant 0 : i32
      %dma_wait3A_23 = tpu.memref_slice %arg5[%mul3A_2, %dma_wait3A_22] : memref<10112x128xf32, #tpu.memory_space<hbm>> -> memref<632x128xf32, #tpu.memory_space<hbm>>
      tpu.wait_dma2 semaphore(%run_scoped3A : memref<!tpu.dma_semaphore, #tpu.memory_space<semaphore_mem>>) src(%dma_wait3A_23 : memref<632x128xf32, #tpu.memory_space<hbm>>) dst(%dma_wait3A_21 : memref<632x128xf32, #tpu.memory_space<vmem_shared>>)
      tpu.yield
    }) : () -> ()
    %barrier3A = arith.constant 0 : index
    tpu.barrier barrier_id(%barrier3A)
    %scan3A = arith.constant 0 : i32
    %scan3A_5 = arith.constant 0 : i32
    %scan3A_6 = arith.constant 79 : i32
    %scan3A_7 = arith.addi %scan3A_5, %scan3A_6 : i32
    %scan3A_8 = arith.constant 1 : i32
    scf.for %scan3A_18 = %scan3A_5 to %scan3A_7 step %scan3A_8  : i32 {
      %dma_start3A = arith.constant 0 : i32
      %dma_start3A_19 = tpu.memref_slice %arg8[%scan3A_18, %dma_start3A] : memref<79x128xi32, #tpu.memory_space<vmem>> -> memref<1x128xi32, #tpu.memory_space<vmem>>
      %dma_start3A_20 = tpu.memref_squeeze %dma_start3A_19 : memref<1x128xi32, #tpu.memory_space<vmem>> -> memref<128xi32, #tpu.memory_space<vmem>>
      %dma_start3A_21 = arith.constant 0 : i32
      %dma_start3A_22 = arith.constant 0 : i32
      %dma_start3A_23 = tpu.memref_slice %arg2[%dma_start3A_21, %dma_start3A_22] : memref<10112x128xf32, #tpu.memory_space<hbm>> -> memref<10112x128xf32, #tpu.memory_space<hbm>>
      tpu.enqueue_indirect_dma source(%dma_start3A_23 : memref<10112x128xf32, #tpu.memory_space<hbm>>) target(%arg10 : memref<128x128xf32, #tpu.memory_space<vmem>>) offsets(%dma_start3A_20 : memref<128xi32, #tpu.memory_space<vmem>>) semaphore(%arg12 : memref<!tpu.dma_semaphore, #tpu.memory_space<semaphore_mem>>)
      %dma_wait3A = arith.constant 0 : i32
      %dma_wait3A_24 = tpu.memref_slice %arg8[%scan3A_18, %dma_wait3A] : memref<79x128xi32, #tpu.memory_space<vmem>> -> memref<1x128xi32, #tpu.memory_space<vmem>>
      %dma_wait3A_25 = tpu.memref_squeeze %dma_wait3A_24 : memref<1x128xi32, #tpu.memory_space<vmem>> -> memref<128xi32, #tpu.memory_space<vmem>>
      %dma_wait3A_26 = arith.constant 0 : i32
      %dma_wait3A_27 = arith.constant 0 : i32
      %dma_wait3A_28 = tpu.memref_slice %arg2[%dma_wait3A_26, %dma_wait3A_27] : memref<10112x128xf32, #tpu.memory_space<hbm>> -> memref<10112x128xf32, #tpu.memory_space<hbm>>
      tpu.wait_indirect_dma semaphore(%arg12 : memref<!tpu.dma_semaphore, #tpu.memory_space<semaphore_mem>>) src(%dma_wait3A_28 : memref<10112x128xf32, #tpu.memory_space<hbm>>) dst(%arg10 : memref<128x128xf32, #tpu.memory_space<vmem>>)
      "tpu.region"() ({
        %run_scoped3A = tpu.sem_alloc : memref<!tpu.dma_semaphore, #tpu.memory_space<semaphore_mem>>
        %dma_start3A_29 = arith.constant 0 : i32
        %dma_start3A_30 = tpu.memref_slice %arg9[%scan3A_18, %dma_start3A_29] : memref<79x128xi32, #tpu.memory_space<vmem>> -> memref<1x128xi32, #tpu.memory_space<vmem>>
        %dma_start3A_31 = tpu.memref_squeeze %dma_start3A_30 : memref<1x128xi32, #tpu.memory_space<vmem>> -> memref<128xi32, #tpu.memory_space<vmem>>
        %dma_start3A_32 = arith.constant 0 : i32
        %dma_start3A_33 = arith.constant 0 : i32
        %dma_start3A_34 = tpu.memref_slice %arg11[%dma_start3A_32, %dma_start3A_33] : memref<10112x128xf32, #tpu.memory_space<vmem_shared>> -> memref<10112x128xf32, #tpu.memory_space<vmem_shared>>
        tpu.enqueue_indirect_dma source(%arg10 : memref<128x128xf32, #tpu.memory_space<vmem>>) target(%dma_start3A_34 : memref<10112x128xf32, #tpu.memory_space<vmem_shared>>) offsets(%dma_start3A_31 : memref<128xi32, #tpu.memory_space<vmem>>) semaphore(%run_scoped3A : memref<!tpu.dma_semaphore, #tpu.memory_space<semaphore_mem>>) {add = true}
        %dma_wait3A_35 = arith.constant 0 : i32
        %dma_wait3A_36 = tpu.memref_slice %arg9[%scan3A_18, %dma_wait3A_35] : memref<79x128xi32, #tpu.memory_space<vmem>> -> memref<1x128xi32, #tpu.memory_space<vmem>>
        %dma_wait3A_37 = tpu.memref_squeeze %dma_wait3A_36 : memref<1x128xi32, #tpu.memory_space<vmem>> -> memref<128xi32, #tpu.memory_space<vmem>>
        %dma_wait3A_38 = arith.constant 0 : i32
        %dma_wait3A_39 = arith.constant 0 : i32
        %dma_wait3A_40 = tpu.memref_slice %arg11[%dma_wait3A_38, %dma_wait3A_39] : memref<10112x128xf32, #tpu.memory_space<vmem_shared>> -> memref<10112x128xf32, #tpu.memory_space<vmem_shared>>
        tpu.wait_indirect_dma semaphore(%run_scoped3A : memref<!tpu.dma_semaphore, #tpu.memory_space<semaphore_mem>>) src(%arg10 : memref<128x128xf32, #tpu.memory_space<vmem>>) dst(%dma_wait3A_40 : memref<10112x128xf32, #tpu.memory_space<vmem_shared>>)
        tpu.yield
      }) : () -> ()
    }
    %scan3A_9 = arith.constant 79 : i32
    %barrier3A_10 = arith.constant 0 : index
    tpu.barrier barrier_id(%barrier3A_10)
    %eq3A = arith.constant 0 : i32
    %eq3A_11 = arith.cmpi eq, %arg0, %eq3A : i32
    %convert_element_type3A = arith.extui %eq3A_11 : i1 to i32
    %cond3A = arith.constant 0 : i32
    %cond3A_12 = arith.cmpi ne, %convert_element_type3A, %cond3A : i32
    scf.if %cond3A_12 {
      %mul3A_18 = arith.constant 632 : i32
      %mul3A_19 = arith.muli %arg1, %mul3A_18 : i32
      %mul3A_20 = arith.constant 632 : i32
      %mul3A_21 = arith.muli %arg1, %mul3A_20 : i32
      "tpu.region"() ({
        %run_scoped3A = tpu.sem_alloc : memref<!tpu.dma_semaphore, #tpu.memory_space<semaphore_mem>>
        %dma_start3A = arith.constant 0 : i32
        %dma_start3A_22 = tpu.memref_slice %arg6[%mul3A_21, %dma_start3A] : memref<10112x128xf32, #tpu.memory_space<hbm>> -> memref<632x128xf32, #tpu.memory_space<hbm>>
        %dma_start3A_23 = arith.constant 0 : i32
        %dma_start3A_24 = tpu.memref_slice %arg11[%mul3A_19, %dma_start3A_23] : memref<10112x128xf32, #tpu.memory_space<vmem_shared>> -> memref<632x128xf32, #tpu.memory_space<vmem_shared>>
        tpu.enqueue_dma source(%dma_start3A_24 : memref<632x128xf32, #tpu.memory_space<vmem_shared>>) target(%dma_start3A_22 : memref<632x128xf32, #tpu.memory_space<hbm>>) target_semaphore(%run_scoped3A : memref<!tpu.dma_semaphore, #tpu.memory_space<semaphore_mem>>)
        %dma_wait3A = arith.constant 0 : i32
        %dma_wait3A_25 = tpu.memref_slice %arg6[%mul3A_21, %dma_wait3A] : memref<10112x128xf32, #tpu.memory_space<hbm>> -> memref<632x128xf32, #tpu.memory_space<hbm>>
        %dma_wait3A_26 = arith.constant 0 : i32
        %dma_wait3A_27 = tpu.memref_slice %arg11[%mul3A_19, %dma_wait3A_26] : memref<10112x128xf32, #tpu.memory_space<vmem_shared>> -> memref<632x128xf32, #tpu.memory_space<vmem_shared>>
        tpu.wait_dma2 semaphore(%run_scoped3A : memref<!tpu.dma_semaphore, #tpu.memory_space<semaphore_mem>>) src(%dma_wait3A_27 : memref<632x128xf32, #tpu.memory_space<vmem_shared>>) dst(%dma_wait3A_25 : memref<632x128xf32, #tpu.memory_space<hbm>>)
        tpu.yield
      }) : () -> ()
    } else {
    }
    %eq3A_13 = arith.constant 1 : i32
    %eq3A_14 = arith.cmpi eq, %arg0, %eq3A_13 : i32
    %convert_element_type3A_15 = arith.extui %eq3A_14 : i1 to i32
    %cond3A_16 = arith.constant 0 : i32
    %cond3A_17 = arith.cmpi ne, %convert_element_type3A_15, %cond3A_16 : i32
    scf.if %cond3A_17 {
      %mul3A_18 = arith.constant 632 : i32
      %mul3A_19 = arith.muli %arg1, %mul3A_18 : i32
      %mul3A_20 = arith.constant 632 : i32
      %mul3A_21 = arith.muli %arg1, %mul3A_20 : i32
      "tpu.region"() ({
        %run_scoped3A = tpu.sem_alloc : memref<!tpu.dma_semaphore, #tpu.memory_space<semaphore_mem>>
        %dma_start3A = arith.constant 0 : i32
        %dma_start3A_22 = tpu.memref_slice %arg7[%mul3A_21, %dma_start3A] : memref<10112x128xf32, #tpu.memory_space<hbm>> -> memref<632x128xf32, #tpu.memory_space<hbm>>
        %dma_start3A_23 = arith.constant 0 : i32
        %dma_start3A_24 = tpu.memref_slice %arg11[%mul3A_19, %dma_start3A_23] : memref<10112x128xf32, #tpu.memory_space<vmem_shared>> -> memref<632x128xf32, #tpu.memory_space<vmem_shared>>
        tpu.enqueue_dma source(%dma_start3A_24 : memref<632x128xf32, #tpu.memory_space<vmem_shared>>) target(%dma_start3A_22 : memref<632x128xf32, #tpu.memory_space<hbm>>) target_semaphore(%run_scoped3A : memref<!tpu.dma_semaphore, #tpu.memory_space<semaphore_mem>>)
        %dma_wait3A = arith.constant 0 : i32
        %dma_wait3A_25 = tpu.memref_slice %arg7[%mul3A_21, %dma_wait3A] : memref<10112x128xf32, #tpu.memory_space<hbm>> -> memref<632x128xf32, #tpu.memory_space<hbm>>
        %dma_wait3A_26 = arith.constant 0 : i32
        %dma_wait3A_27 = tpu.memref_slice %arg11[%mul3A_19, %dma_wait3A_26] : memref<10112x128xf32, #tpu.memory_space<vmem_shared>> -> memref<632x128xf32, #tpu.memory_space<vmem_shared>>
        tpu.wait_dma2 semaphore(%run_scoped3A : memref<!tpu.dma_semaphore, #tpu.memory_space<semaphore_mem>>) src(%dma_wait3A_27 : memref<632x128xf32, #tpu.memory_space<vmem_shared>>) dst(%dma_wait3A_25 : memref<632x128xf32, #tpu.memory_space<hbm>>)
        tpu.yield
      }) : () -> ()
    } else {
    }
    return
  }
}

#map = affine_map<(d0, d1) -> (0, 0)>
#map1 = affine_map<(d0, d1) -> (0, 0, 0)>
module attributes {stable_mosaic.version = 14 : i64} {
  func.func @_prop_body(%arg0: i32, %arg1: i32, %arg2: memref<10112x128xf32, #tpu.memory_space<hbm>>, %arg3: memref<32x79x128xi32, #tpu.memory_space<hbm>>, %arg4: memref<32x79x128xi32, #tpu.memory_space<hbm>>, %arg5: memref<10112x128xf32, #tpu.memory_space<hbm>>, %arg6: memref<10112x128xf32, #tpu.memory_space<hbm>>, %arg7: memref<10112x128xf32, #tpu.memory_space<hbm>>, %arg8: memref<79x128xi32, #tpu.memory_space<vmem>>, %arg9: memref<79x128xi32, #tpu.memory_space<vmem>>, %arg10: memref<128x128xf32, #tpu.memory_space<vmem>>, %arg11: memref<10112x128xf32, #tpu.memory_space<vmem_shared>>, %arg12: memref<!tpu.dma_semaphore, #tpu.memory_space<semaphore_mem>>) attributes {dimension_semantics = [#tpu.dimension_semantics<core_parallel>, #tpu.dimension_semantics<subcore_parallel>], iteration_bounds = array<i64: 2, 16>, scalar_prefetch = 0 : i64, scratch_operands = 5 : i64, tpu.core_type = #tpu.core_type<sc_vector_subcore>, window_params = [{transform_indices = #map}, {transform_indices = #map1}, {transform_indices = #map1}, {transform_indices = #map}, {transform_indices = #map}, {transform_indices = #map}]} {
    %mul3A = arith.constant 2 : i32
    %mul3A_0 = arith.muli %arg1, %mul3A : i32
    %add3A = arith.addi %mul3A_0, %arg0 : i32
    "tpu.region"() ({
      %run_scoped3A = tpu.sem_alloc : memref<!tpu.dma_semaphore, #tpu.memory_space<semaphore_mem>>
      %dma_start3A = arith.constant 0 : i32
      %dma_start3A_18 = arith.constant 0 : i32
      %dma_start3A_19 = tpu.memref_slice %arg3[%add3A, %dma_start3A, %dma_start3A_18] : memref<32x79x128xi32, #tpu.memory_space<hbm>> -> memref<1x79x128xi32, #tpu.memory_space<hbm>>
      %dma_start3A_20 = tpu.memref_squeeze %dma_start3A_19 : memref<1x79x128xi32, #tpu.memory_space<hbm>> -> memref<79x128xi32, #tpu.memory_space<hbm>>
      %dma_start3A_21 = arith.constant 0 : i32
      %dma_start3A_22 = arith.constant 0 : i32
      %dma_start3A_23 = tpu.memref_slice %arg3[%add3A, %dma_start3A_21, %dma_start3A_22] : memref<32x79x128xi32, #tpu.memory_space<hbm>> -> memref<1x79x128xi32, #tpu.memory_space<hbm>>
      %dma_start3A_24 = tpu.memref_squeeze %dma_start3A_23 : memref<1x79x128xi32, #tpu.memory_space<hbm>> -> memref<79x128xi32, #tpu.memory_space<hbm>>
      tpu.enqueue_dma source(%dma_start3A_24 : memref<79x128xi32, #tpu.memory_space<hbm>>) target(%arg8 : memref<79x128xi32, #tpu.memory_space<vmem>>) target_semaphore(%run_scoped3A : memref<!tpu.dma_semaphore, #tpu.memory_space<semaphore_mem>>)
      %dma_wait3A = arith.constant 0 : i32
      %dma_wait3A_25 = arith.constant 0 : i32
      %dma_wait3A_26 = tpu.memref_slice %arg3[%add3A, %dma_wait3A, %dma_wait3A_25] : memref<32x79x128xi32, #tpu.memory_space<hbm>> -> memref<1x79x128xi32, #tpu.memory_space<hbm>>
      %dma_wait3A_27 = tpu.memref_squeeze %dma_wait3A_26 : memref<1x79x128xi32, #tpu.memory_space<hbm>> -> memref<79x128xi32, #tpu.memory_space<hbm>>
      %dma_wait3A_28 = arith.constant 0 : i32
      %dma_wait3A_29 = arith.constant 0 : i32
      %dma_wait3A_30 = tpu.memref_slice %arg3[%add3A, %dma_wait3A_28, %dma_wait3A_29] : memref<32x79x128xi32, #tpu.memory_space<hbm>> -> memref<1x79x128xi32, #tpu.memory_space<hbm>>
      %dma_wait3A_31 = tpu.memref_squeeze %dma_wait3A_30 : memref<1x79x128xi32, #tpu.memory_space<hbm>> -> memref<79x128xi32, #tpu.memory_space<hbm>>
      tpu.wait_dma2 semaphore(%run_scoped3A : memref<!tpu.dma_semaphore, #tpu.memory_space<semaphore_mem>>) src(%dma_wait3A_31 : memref<79x128xi32, #tpu.memory_space<hbm>>) dst(%arg8 : memref<79x128xi32, #tpu.memory_space<vmem>>)
      tpu.yield
    }) : () -> ()
    "tpu.region"() ({
      %run_scoped3A = tpu.sem_alloc : memref<!tpu.dma_semaphore, #tpu.memory_space<semaphore_mem>>
      %dma_start3A = arith.constant 0 : i32
      %dma_start3A_18 = arith.constant 0 : i32
      %dma_start3A_19 = tpu.memref_slice %arg4[%add3A, %dma_start3A, %dma_start3A_18] : memref<32x79x128xi32, #tpu.memory_space<hbm>> -> memref<1x79x128xi32, #tpu.memory_space<hbm>>
      %dma_start3A_20 = tpu.memref_squeeze %dma_start3A_19 : memref<1x79x128xi32, #tpu.memory_space<hbm>> -> memref<79x128xi32, #tpu.memory_space<hbm>>
      %dma_start3A_21 = arith.constant 0 : i32
      %dma_start3A_22 = arith.constant 0 : i32
      %dma_start3A_23 = tpu.memref_slice %arg4[%add3A, %dma_start3A_21, %dma_start3A_22] : memref<32x79x128xi32, #tpu.memory_space<hbm>> -> memref<1x79x128xi32, #tpu.memory_space<hbm>>
      %dma_start3A_24 = tpu.memref_squeeze %dma_start3A_23 : memref<1x79x128xi32, #tpu.memory_space<hbm>> -> memref<79x128xi32, #tpu.memory_space<hbm>>
      tpu.enqueue_dma source(%dma_start3A_24 : memref<79x128xi32, #tpu.memory_space<hbm>>) target(%arg9 : memref<79x128xi32, #tpu.memory_space<vmem>>) target_semaphore(%run_scoped3A : memref<!tpu.dma_semaphore, #tpu.memory_space<semaphore_mem>>)
      %dma_wait3A = arith.constant 0 : i32
      %dma_wait3A_25 = arith.constant 0 : i32
      %dma_wait3A_26 = tpu.memref_slice %arg4[%add3A, %dma_wait3A, %dma_wait3A_25] : memref<32x79x128xi32, #tpu.memory_space<hbm>> -> memref<1x79x128xi32, #tpu.memory_space<hbm>>
      %dma_wait3A_27 = tpu.memref_squeeze %dma_wait3A_26 : memref<1x79x128xi32, #tpu.memory_space<hbm>> -> memref<79x128xi32, #tpu.memory_space<hbm>>
      %dma_wait3A_28 = arith.constant 0 : i32
      %dma_wait3A_29 = arith.constant 0 : i32
      %dma_wait3A_30 = tpu.memref_slice %arg4[%add3A, %dma_wait3A_28, %dma_wait3A_29] : memref<32x79x128xi32, #tpu.memory_space<hbm>> -> memref<1x79x128xi32, #tpu.memory_space<hbm>>
      %dma_wait3A_31 = tpu.memref_squeeze %dma_wait3A_30 : memref<1x79x128xi32, #tpu.memory_space<hbm>> -> memref<79x128xi32, #tpu.memory_space<hbm>>
      tpu.wait_dma2 semaphore(%run_scoped3A : memref<!tpu.dma_semaphore, #tpu.memory_space<semaphore_mem>>) src(%dma_wait3A_31 : memref<79x128xi32, #tpu.memory_space<hbm>>) dst(%arg9 : memref<79x128xi32, #tpu.memory_space<vmem>>)
      tpu.yield
    }) : () -> ()
    %mul3A_1 = arith.constant 632 : i32
    %mul3A_2 = arith.muli %arg1, %mul3A_1 : i32
    %mul3A_3 = arith.constant 632 : i32
    %mul3A_4 = arith.muli %arg1, %mul3A_3 : i32
    "tpu.region"() ({
      %run_scoped3A = tpu.sem_alloc : memref<!tpu.dma_semaphore, #tpu.memory_space<semaphore_mem>>
      %dma_start3A = arith.constant 0 : i32
      %dma_start3A_18 = tpu.memref_slice %arg11[%mul3A_4, %dma_start3A] : memref<10112x128xf32, #tpu.memory_space<vmem_shared>> -> memref<632x128xf32, #tpu.memory_space<vmem_shared>>
      %dma_start3A_19 = arith.constant 0 : i32
      %dma_start3A_20 = tpu.memref_slice %arg5[%mul3A_2, %dma_start3A_19] : memref<10112x128xf32, #tpu.memory_space<hbm>> -> memref<632x128xf32, #tpu.memory_space<hbm>>
      tpu.enqueue_dma source(%dma_start3A_20 : memref<632x128xf32, #tpu.memory_space<hbm>>) target(%dma_start3A_18 : memref<632x128xf32, #tpu.memory_space<vmem_shared>>) target_semaphore(%run_scoped3A : memref<!tpu.dma_semaphore, #tpu.memory_space<semaphore_mem>>)
      %dma_wait3A = arith.constant 0 : i32
      %dma_wait3A_21 = tpu.memref_slice %arg11[%mul3A_4, %dma_wait3A] : memref<10112x128xf32, #tpu.memory_space<vmem_shared>> -> memref<632x128xf32, #tpu.memory_space<vmem_shared>>
      %dma_wait3A_22 = arith.constant 0 : i32
      %dma_wait3A_23 = tpu.memref_slice %arg5[%mul3A_2, %dma_wait3A_22] : memref<10112x128xf32, #tpu.memory_space<hbm>> -> memref<632x128xf32, #tpu.memory_space<hbm>>
      tpu.wait_dma2 semaphore(%run_scoped3A : memref<!tpu.dma_semaphore, #tpu.memory_space<semaphore_mem>>) src(%dma_wait3A_23 : memref<632x128xf32, #tpu.memory_space<hbm>>) dst(%dma_wait3A_21 : memref<632x128xf32, #tpu.memory_space<vmem_shared>>)
      tpu.yield
    }) : () -> ()
    %barrier3A = arith.constant 0 : index
    tpu.barrier barrier_id(%barrier3A)
    %scan3A = arith.constant 0 : i32
    %scan3A_5 = arith.constant 0 : i32
    %scan3A_6 = arith.constant 79 : i32
    %scan3A_7 = arith.addi %scan3A_5, %scan3A_6 : i32
    %scan3A_8 = arith.constant 1 : i32
    scf.for %scan3A_18 = %scan3A_5 to %scan3A_7 step %scan3A_8  : i32 {
      %dma_start3A = arith.constant 0 : i32
      %dma_start3A_19 = tpu.memref_slice %arg8[%scan3A_18, %dma_start3A] : memref<79x128xi32, #tpu.memory_space<vmem>> -> memref<1x128xi32, #tpu.memory_space<vmem>>
      %dma_start3A_20 = tpu.memref_squeeze %dma_start3A_19 : memref<1x128xi32, #tpu.memory_space<vmem>> -> memref<128xi32, #tpu.memory_space<vmem>>
      %dma_start3A_21 = arith.constant 0 : i32
      %dma_start3A_22 = arith.constant 0 : i32
      %dma_start3A_23 = tpu.memref_slice %arg2[%dma_start3A_21, %dma_start3A_22] : memref<10112x128xf32, #tpu.memory_space<hbm>> -> memref<10112x128xf32, #tpu.memory_space<hbm>>
      tpu.enqueue_indirect_dma source(%dma_start3A_23 : memref<10112x128xf32, #tpu.memory_space<hbm>>) target(%arg10 : memref<128x128xf32, #tpu.memory_space<vmem>>) offsets(%dma_start3A_20 : memref<128xi32, #tpu.memory_space<vmem>>) semaphore(%arg12 : memref<!tpu.dma_semaphore, #tpu.memory_space<semaphore_mem>>)
      %dma_wait3A = arith.constant 0 : i32
      %dma_wait3A_24 = tpu.memref_slice %arg8[%scan3A_18, %dma_wait3A] : memref<79x128xi32, #tpu.memory_space<vmem>> -> memref<1x128xi32, #tpu.memory_space<vmem>>
      %dma_wait3A_25 = tpu.memref_squeeze %dma_wait3A_24 : memref<1x128xi32, #tpu.memory_space<vmem>> -> memref<128xi32, #tpu.memory_space<vmem>>
      %dma_wait3A_26 = arith.constant 0 : i32
      %dma_wait3A_27 = arith.constant 0 : i32
      %dma_wait3A_28 = tpu.memref_slice %arg2[%dma_wait3A_26, %dma_wait3A_27] : memref<10112x128xf32, #tpu.memory_space<hbm>> -> memref<10112x128xf32, #tpu.memory_space<hbm>>
      tpu.wait_indirect_dma semaphore(%arg12 : memref<!tpu.dma_semaphore, #tpu.memory_space<semaphore_mem>>) src(%dma_wait3A_28 : memref<10112x128xf32, #tpu.memory_space<hbm>>) dst(%arg10 : memref<128x128xf32, #tpu.memory_space<vmem>>)
      "tpu.region"() ({
        %run_scoped3A = tpu.sem_alloc : memref<!tpu.dma_semaphore, #tpu.memory_space<semaphore_mem>>
        %dma_start3A_29 = arith.constant 0 : i32
        %dma_start3A_30 = tpu.memref_slice %arg9[%scan3A_18, %dma_start3A_29] : memref<79x128xi32, #tpu.memory_space<vmem>> -> memref<1x128xi32, #tpu.memory_space<vmem>>
        %dma_start3A_31 = tpu.memref_squeeze %dma_start3A_30 : memref<1x128xi32, #tpu.memory_space<vmem>> -> memref<128xi32, #tpu.memory_space<vmem>>
        %dma_start3A_32 = arith.constant 0 : i32
        %dma_start3A_33 = arith.constant 0 : i32
        %dma_start3A_34 = tpu.memref_slice %arg11[%dma_start3A_32, %dma_start3A_33] : memref<10112x128xf32, #tpu.memory_space<vmem_shared>> -> memref<10112x128xf32, #tpu.memory_space<vmem_shared>>
        tpu.enqueue_indirect_dma source(%arg10 : memref<128x128xf32, #tpu.memory_space<vmem>>) target(%dma_start3A_34 : memref<10112x128xf32, #tpu.memory_space<vmem_shared>>) offsets(%dma_start3A_31 : memref<128xi32, #tpu.memory_space<vmem>>) semaphore(%run_scoped3A : memref<!tpu.dma_semaphore, #tpu.memory_space<semaphore_mem>>) {add = true}
        %dma_wait3A_35 = arith.constant 0 : i32
        %dma_wait3A_36 = tpu.memref_slice %arg9[%scan3A_18, %dma_wait3A_35] : memref<79x128xi32, #tpu.memory_space<vmem>> -> memref<1x128xi32, #tpu.memory_space<vmem>>
        %dma_wait3A_37 = tpu.memref_squeeze %dma_wait3A_36 : memref<1x128xi32, #tpu.memory_space<vmem>> -> memref<128xi32, #tpu.memory_space<vmem>>
        %dma_wait3A_38 = arith.constant 0 : i32
        %dma_wait3A_39 = arith.constant 0 : i32
        %dma_wait3A_40 = tpu.memref_slice %arg11[%dma_wait3A_38, %dma_wait3A_39] : memref<10112x128xf32, #tpu.memory_space<vmem_shared>> -> memref<10112x128xf32, #tpu.memory_space<vmem_shared>>
        tpu.wait_indirect_dma semaphore(%run_scoped3A : memref<!tpu.dma_semaphore, #tpu.memory_space<semaphore_mem>>) src(%arg10 : memref<128x128xf32, #tpu.memory_space<vmem>>) dst(%dma_wait3A_40 : memref<10112x128xf32, #tpu.memory_space<vmem_shared>>)
        tpu.yield
      }) : () -> ()
    }
    %scan3A_9 = arith.constant 79 : i32
    %barrier3A_10 = arith.constant 0 : index
    tpu.barrier barrier_id(%barrier3A_10)
    %eq3A = arith.constant 0 : i32
    %eq3A_11 = arith.cmpi eq, %arg0, %eq3A : i32
    %convert_element_type3A = arith.extui %eq3A_11 : i1 to i32
    %cond3A = arith.constant 0 : i32
    %cond3A_12 = arith.cmpi ne, %convert_element_type3A, %cond3A : i32
    scf.if %cond3A_12 {
      %mul3A_18 = arith.constant 632 : i32
      %mul3A_19 = arith.muli %arg1, %mul3A_18 : i32
      %mul3A_20 = arith.constant 632 : i32
      %mul3A_21 = arith.muli %arg1, %mul3A_20 : i32
      "tpu.region"() ({
        %run_scoped3A = tpu.sem_alloc : memref<!tpu.dma_semaphore, #tpu.memory_space<semaphore_mem>>
        %dma_start3A = arith.constant 0 : i32
        %dma_start3A_22 = tpu.memref_slice %arg6[%mul3A_21, %dma_start3A] : memref<10112x128xf32, #tpu.memory_space<hbm>> -> memref<632x128xf32, #tpu.memory_space<hbm>>
        %dma_start3A_23 = arith.constant 0 : i32
        %dma_start3A_24 = tpu.memref_slice %arg11[%mul3A_19, %dma_start3A_23] : memref<10112x128xf32, #tpu.memory_space<vmem_shared>> -> memref<632x128xf32, #tpu.memory_space<vmem_shared>>
        tpu.enqueue_dma source(%dma_start3A_24 : memref<632x128xf32, #tpu.memory_space<vmem_shared>>) target(%dma_start3A_22 : memref<632x128xf32, #tpu.memory_space<hbm>>) target_semaphore(%run_scoped3A : memref<!tpu.dma_semaphore, #tpu.memory_space<semaphore_mem>>)
        %dma_wait3A = arith.constant 0 : i32
        %dma_wait3A_25 = tpu.memref_slice %arg6[%mul3A_21, %dma_wait3A] : memref<10112x128xf32, #tpu.memory_space<hbm>> -> memref<632x128xf32, #tpu.memory_space<hbm>>
        %dma_wait3A_26 = arith.constant 0 : i32
        %dma_wait3A_27 = tpu.memref_slice %arg11[%mul3A_19, %dma_wait3A_26] : memref<10112x128xf32, #tpu.memory_space<vmem_shared>> -> memref<632x128xf32, #tpu.memory_space<vmem_shared>>
        tpu.wait_dma2 semaphore(%run_scoped3A : memref<!tpu.dma_semaphore, #tpu.memory_space<semaphore_mem>>) src(%dma_wait3A_27 : memref<632x128xf32, #tpu.memory_space<vmem_shared>>) dst(%dma_wait3A_25 : memref<632x128xf32, #tpu.memory_space<hbm>>)
        tpu.yield
      }) : () -> ()
    } else {
    }
    %eq3A_13 = arith.constant 1 : i32
    %eq3A_14 = arith.cmpi eq, %arg0, %eq3A_13 : i32
    %convert_element_type3A_15 = arith.extui %eq3A_14 : i1 to i32
    %cond3A_16 = arith.constant 0 : i32
    %cond3A_17 = arith.cmpi ne, %convert_element_type3A_15, %cond3A_16 : i32
    scf.if %cond3A_17 {
      %mul3A_18 = arith.constant 632 : i32
      %mul3A_19 = arith.muli %arg1, %mul3A_18 : i32
      %mul3A_20 = arith.constant 632 : i32
      %mul3A_21 = arith.muli %arg1, %mul3A_20 : i32
      "tpu.region"() ({
        %run_scoped3A = tpu.sem_alloc : memref<!tpu.dma_semaphore, #tpu.memory_space<semaphore_mem>>
        %dma_start3A = arith.constant 0 : i32
        %dma_start3A_22 = tpu.memref_slice %arg7[%mul3A_21, %dma_start3A] : memref<10112x128xf32, #tpu.memory_space<hbm>> -> memref<632x128xf32, #tpu.memory_space<hbm>>
        %dma_start3A_23 = arith.constant 0 : i32
        %dma_start3A_24 = tpu.memref_slice %arg11[%mul3A_19, %dma_start3A_23] : memref<10112x128xf32, #tpu.memory_space<vmem_shared>> -> memref<632x128xf32, #tpu.memory_space<vmem_shared>>
        tpu.enqueue_dma source(%dma_start3A_24 : memref<632x128xf32, #tpu.memory_space<vmem_shared>>) target(%dma_start3A_22 : memref<632x128xf32, #tpu.memory_space<hbm>>) target_semaphore(%run_scoped3A : memref<!tpu.dma_semaphore, #tpu.memory_space<semaphore_mem>>)
        %dma_wait3A = arith.constant 0 : i32
        %dma_wait3A_25 = tpu.memref_slice %arg7[%mul3A_21, %dma_wait3A] : memref<10112x128xf32, #tpu.memory_space<hbm>> -> memref<632x128xf32, #tpu.memory_space<hbm>>
        %dma_wait3A_26 = arith.constant 0 : i32
        %dma_wait3A_27 = tpu.memref_slice %arg11[%mul3A_19, %dma_wait3A_26] : memref<10112x128xf32, #tpu.memory_space<vmem_shared>> -> memref<632x128xf32, #tpu.memory_space<vmem_shared>>
        tpu.wait_dma2 semaphore(%run_scoped3A : memref<!tpu.dma_semaphore, #tpu.memory_space<semaphore_mem>>) src(%dma_wait3A_27 : memref<632x128xf32, #tpu.memory_space<vmem_shared>>) dst(%dma_wait3A_25 : memref<632x128xf32, #tpu.memory_space<hbm>>)
        tpu.yield
      }) : () -> ()
    } else {
    }
    return
  }
}

#map = affine_map<(d0, d1) -> (0, 0)>
#map1 = affine_map<(d0, d1) -> (0, 0, 0)>
module attributes {stable_mosaic.version = 14 : i64} {
  func.func @_prop_body(%arg0: i32, %arg1: i32, %arg2: memref<10112x128xf32, #tpu.memory_space<hbm>>, %arg3: memref<32x79x128xi32, #tpu.memory_space<hbm>>, %arg4: memref<32x79x128xi32, #tpu.memory_space<hbm>>, %arg5: memref<10112x128xf32, #tpu.memory_space<hbm>>, %arg6: memref<10112x128xf32, #tpu.memory_space<hbm>>, %arg7: memref<10112x128xf32, #tpu.memory_space<hbm>>, %arg8: memref<79x128xi32, #tpu.memory_space<vmem>>, %arg9: memref<79x128xi32, #tpu.memory_space<vmem>>, %arg10: memref<128x128xf32, #tpu.memory_space<vmem>>, %arg11: memref<10112x128xf32, #tpu.memory_space<vmem_shared>>, %arg12: memref<!tpu.dma_semaphore, #tpu.memory_space<semaphore_mem>>) attributes {dimension_semantics = [#tpu.dimension_semantics<core_parallel>, #tpu.dimension_semantics<subcore_parallel>], iteration_bounds = array<i64: 2, 16>, scalar_prefetch = 0 : i64, scratch_operands = 5 : i64, tpu.core_type = #tpu.core_type<sc_vector_subcore>, window_params = [{transform_indices = #map}, {transform_indices = #map1}, {transform_indices = #map1}, {transform_indices = #map}, {transform_indices = #map}, {transform_indices = #map}]} {
    %mul3A = arith.constant 2 : i32
    %mul3A_0 = arith.muli %arg1, %mul3A : i32
    %add3A = arith.addi %mul3A_0, %arg0 : i32
    "tpu.region"() ({
      %run_scoped3A = tpu.sem_alloc : memref<!tpu.dma_semaphore, #tpu.memory_space<semaphore_mem>>
      %dma_start3A = arith.constant 0 : i32
      %dma_start3A_18 = arith.constant 0 : i32
      %dma_start3A_19 = tpu.memref_slice %arg3[%add3A, %dma_start3A, %dma_start3A_18] : memref<32x79x128xi32, #tpu.memory_space<hbm>> -> memref<1x79x128xi32, #tpu.memory_space<hbm>>
      %dma_start3A_20 = tpu.memref_squeeze %dma_start3A_19 : memref<1x79x128xi32, #tpu.memory_space<hbm>> -> memref<79x128xi32, #tpu.memory_space<hbm>>
      %dma_start3A_21 = arith.constant 0 : i32
      %dma_start3A_22 = arith.constant 0 : i32
      %dma_start3A_23 = tpu.memref_slice %arg3[%add3A, %dma_start3A_21, %dma_start3A_22] : memref<32x79x128xi32, #tpu.memory_space<hbm>> -> memref<1x79x128xi32, #tpu.memory_space<hbm>>
      %dma_start3A_24 = tpu.memref_squeeze %dma_start3A_23 : memref<1x79x128xi32, #tpu.memory_space<hbm>> -> memref<79x128xi32, #tpu.memory_space<hbm>>
      tpu.enqueue_dma source(%dma_start3A_24 : memref<79x128xi32, #tpu.memory_space<hbm>>) target(%arg8 : memref<79x128xi32, #tpu.memory_space<vmem>>) target_semaphore(%run_scoped3A : memref<!tpu.dma_semaphore, #tpu.memory_space<semaphore_mem>>)
      %dma_wait3A = arith.constant 0 : i32
      %dma_wait3A_25 = arith.constant 0 : i32
      %dma_wait3A_26 = tpu.memref_slice %arg3[%add3A, %dma_wait3A, %dma_wait3A_25] : memref<32x79x128xi32, #tpu.memory_space<hbm>> -> memref<1x79x128xi32, #tpu.memory_space<hbm>>
      %dma_wait3A_27 = tpu.memref_squeeze %dma_wait3A_26 : memref<1x79x128xi32, #tpu.memory_space<hbm>> -> memref<79x128xi32, #tpu.memory_space<hbm>>
      %dma_wait3A_28 = arith.constant 0 : i32
      %dma_wait3A_29 = arith.constant 0 : i32
      %dma_wait3A_30 = tpu.memref_slice %arg3[%add3A, %dma_wait3A_28, %dma_wait3A_29] : memref<32x79x128xi32, #tpu.memory_space<hbm>> -> memref<1x79x128xi32, #tpu.memory_space<hbm>>
      %dma_wait3A_31 = tpu.memref_squeeze %dma_wait3A_30 : memref<1x79x128xi32, #tpu.memory_space<hbm>> -> memref<79x128xi32, #tpu.memory_space<hbm>>
      tpu.wait_dma2 semaphore(%run_scoped3A : memref<!tpu.dma_semaphore, #tpu.memory_space<semaphore_mem>>) src(%dma_wait3A_31 : memref<79x128xi32, #tpu.memory_space<hbm>>) dst(%arg8 : memref<79x128xi32, #tpu.memory_space<vmem>>)
      tpu.yield
    }) : () -> ()
    "tpu.region"() ({
      %run_scoped3A = tpu.sem_alloc : memref<!tpu.dma_semaphore, #tpu.memory_space<semaphore_mem>>
      %dma_start3A = arith.constant 0 : i32
      %dma_start3A_18 = arith.constant 0 : i32
      %dma_start3A_19 = tpu.memref_slice %arg4[%add3A, %dma_start3A, %dma_start3A_18] : memref<32x79x128xi32, #tpu.memory_space<hbm>> -> memref<1x79x128xi32, #tpu.memory_space<hbm>>
      %dma_start3A_20 = tpu.memref_squeeze %dma_start3A_19 : memref<1x79x128xi32, #tpu.memory_space<hbm>> -> memref<79x128xi32, #tpu.memory_space<hbm>>
      %dma_start3A_21 = arith.constant 0 : i32
      %dma_start3A_22 = arith.constant 0 : i32
      %dma_start3A_23 = tpu.memref_slice %arg4[%add3A, %dma_start3A_21, %dma_start3A_22] : memref<32x79x128xi32, #tpu.memory_space<hbm>> -> memref<1x79x128xi32, #tpu.memory_space<hbm>>
      %dma_start3A_24 = tpu.memref_squeeze %dma_start3A_23 : memref<1x79x128xi32, #tpu.memory_space<hbm>> -> memref<79x128xi32, #tpu.memory_space<hbm>>
      tpu.enqueue_dma source(%dma_start3A_24 : memref<79x128xi32, #tpu.memory_space<hbm>>) target(%arg9 : memref<79x128xi32, #tpu.memory_space<vmem>>) target_semaphore(%run_scoped3A : memref<!tpu.dma_semaphore, #tpu.memory_space<semaphore_mem>>)
      %dma_wait3A = arith.constant 0 : i32
      %dma_wait3A_25 = arith.constant 0 : i32
      %dma_wait3A_26 = tpu.memref_slice %arg4[%add3A, %dma_wait3A, %dma_wait3A_25] : memref<32x79x128xi32, #tpu.memory_space<hbm>> -> memref<1x79x128xi32, #tpu.memory_space<hbm>>
      %dma_wait3A_27 = tpu.memref_squeeze %dma_wait3A_26 : memref<1x79x128xi32, #tpu.memory_space<hbm>> -> memref<79x128xi32, #tpu.memory_space<hbm>>
      %dma_wait3A_28 = arith.constant 0 : i32
      %dma_wait3A_29 = arith.constant 0 : i32
      %dma_wait3A_30 = tpu.memref_slice %arg4[%add3A, %dma_wait3A_28, %dma_wait3A_29] : memref<32x79x128xi32, #tpu.memory_space<hbm>> -> memref<1x79x128xi32, #tpu.memory_space<hbm>>
      %dma_wait3A_31 = tpu.memref_squeeze %dma_wait3A_30 : memref<1x79x128xi32, #tpu.memory_space<hbm>> -> memref<79x128xi32, #tpu.memory_space<hbm>>
      tpu.wait_dma2 semaphore(%run_scoped3A : memref<!tpu.dma_semaphore, #tpu.memory_space<semaphore_mem>>) src(%dma_wait3A_31 : memref<79x128xi32, #tpu.memory_space<hbm>>) dst(%arg9 : memref<79x128xi32, #tpu.memory_space<vmem>>)
      tpu.yield
    }) : () -> ()
    %mul3A_1 = arith.constant 632 : i32
    %mul3A_2 = arith.muli %arg1, %mul3A_1 : i32
    %mul3A_3 = arith.constant 632 : i32
    %mul3A_4 = arith.muli %arg1, %mul3A_3 : i32
    "tpu.region"() ({
      %run_scoped3A = tpu.sem_alloc : memref<!tpu.dma_semaphore, #tpu.memory_space<semaphore_mem>>
      %dma_start3A = arith.constant 0 : i32
      %dma_start3A_18 = tpu.memref_slice %arg11[%mul3A_4, %dma_start3A] : memref<10112x128xf32, #tpu.memory_space<vmem_shared>> -> memref<632x128xf32, #tpu.memory_space<vmem_shared>>
      %dma_start3A_19 = arith.constant 0 : i32
      %dma_start3A_20 = tpu.memref_slice %arg5[%mul3A_2, %dma_start3A_19] : memref<10112x128xf32, #tpu.memory_space<hbm>> -> memref<632x128xf32, #tpu.memory_space<hbm>>
      tpu.enqueue_dma source(%dma_start3A_20 : memref<632x128xf32, #tpu.memory_space<hbm>>) target(%dma_start3A_18 : memref<632x128xf32, #tpu.memory_space<vmem_shared>>) target_semaphore(%run_scoped3A : memref<!tpu.dma_semaphore, #tpu.memory_space<semaphore_mem>>)
      %dma_wait3A = arith.constant 0 : i32
      %dma_wait3A_21 = tpu.memref_slice %arg11[%mul3A_4, %dma_wait3A] : memref<10112x128xf32, #tpu.memory_space<vmem_shared>> -> memref<632x128xf32, #tpu.memory_space<vmem_shared>>
      %dma_wait3A_22 = arith.constant 0 : i32
      %dma_wait3A_23 = tpu.memref_slice %arg5[%mul3A_2, %dma_wait3A_22] : memref<10112x128xf32, #tpu.memory_space<hbm>> -> memref<632x128xf32, #tpu.memory_space<hbm>>
      tpu.wait_dma2 semaphore(%run_scoped3A : memref<!tpu.dma_semaphore, #tpu.memory_space<semaphore_mem>>) src(%dma_wait3A_23 : memref<632x128xf32, #tpu.memory_space<hbm>>) dst(%dma_wait3A_21 : memref<632x128xf32, #tpu.memory_space<vmem_shared>>)
      tpu.yield
    }) : () -> ()
    %barrier3A = arith.constant 0 : index
    tpu.barrier barrier_id(%barrier3A)
    %scan3A = arith.constant 0 : i32
    %scan3A_5 = arith.constant 0 : i32
    %scan3A_6 = arith.constant 79 : i32
    %scan3A_7 = arith.addi %scan3A_5, %scan3A_6 : i32
    %scan3A_8 = arith.constant 1 : i32
    scf.for %scan3A_18 = %scan3A_5 to %scan3A_7 step %scan3A_8  : i32 {
      %dma_start3A = arith.constant 0 : i32
      %dma_start3A_19 = tpu.memref_slice %arg8[%scan3A_18, %dma_start3A] : memref<79x128xi32, #tpu.memory_space<vmem>> -> memref<1x128xi32, #tpu.memory_space<vmem>>
      %dma_start3A_20 = tpu.memref_squeeze %dma_start3A_19 : memref<1x128xi32, #tpu.memory_space<vmem>> -> memref<128xi32, #tpu.memory_space<vmem>>
      %dma_start3A_21 = arith.constant 0 : i32
      %dma_start3A_22 = arith.constant 0 : i32
      %dma_start3A_23 = tpu.memref_slice %arg2[%dma_start3A_21, %dma_start3A_22] : memref<10112x128xf32, #tpu.memory_space<hbm>> -> memref<10112x128xf32, #tpu.memory_space<hbm>>
      tpu.enqueue_indirect_dma source(%dma_start3A_23 : memref<10112x128xf32, #tpu.memory_space<hbm>>) target(%arg10 : memref<128x128xf32, #tpu.memory_space<vmem>>) offsets(%dma_start3A_20 : memref<128xi32, #tpu.memory_space<vmem>>) semaphore(%arg12 : memref<!tpu.dma_semaphore, #tpu.memory_space<semaphore_mem>>)
      %dma_wait3A = arith.constant 0 : i32
      %dma_wait3A_24 = tpu.memref_slice %arg8[%scan3A_18, %dma_wait3A] : memref<79x128xi32, #tpu.memory_space<vmem>> -> memref<1x128xi32, #tpu.memory_space<vmem>>
      %dma_wait3A_25 = tpu.memref_squeeze %dma_wait3A_24 : memref<1x128xi32, #tpu.memory_space<vmem>> -> memref<128xi32, #tpu.memory_space<vmem>>
      %dma_wait3A_26 = arith.constant 0 : i32
      %dma_wait3A_27 = arith.constant 0 : i32
      %dma_wait3A_28 = tpu.memref_slice %arg2[%dma_wait3A_26, %dma_wait3A_27] : memref<10112x128xf32, #tpu.memory_space<hbm>> -> memref<10112x128xf32, #tpu.memory_space<hbm>>
      tpu.wait_indirect_dma semaphore(%arg12 : memref<!tpu.dma_semaphore, #tpu.memory_space<semaphore_mem>>) src(%dma_wait3A_28 : memref<10112x128xf32, #tpu.memory_space<hbm>>) dst(%arg10 : memref<128x128xf32, #tpu.memory_space<vmem>>)
      "tpu.region"() ({
        %run_scoped3A = tpu.sem_alloc : memref<!tpu.dma_semaphore, #tpu.memory_space<semaphore_mem>>
        %dma_start3A_29 = arith.constant 0 : i32
        %dma_start3A_30 = tpu.memref_slice %arg9[%scan3A_18, %dma_start3A_29] : memref<79x128xi32, #tpu.memory_space<vmem>> -> memref<1x128xi32, #tpu.memory_space<vmem>>
        %dma_start3A_31 = tpu.memref_squeeze %dma_start3A_30 : memref<1x128xi32, #tpu.memory_space<vmem>> -> memref<128xi32, #tpu.memory_space<vmem>>
        %dma_start3A_32 = arith.constant 0 : i32
        %dma_start3A_33 = arith.constant 0 : i32
        %dma_start3A_34 = tpu.memref_slice %arg11[%dma_start3A_32, %dma_start3A_33] : memref<10112x128xf32, #tpu.memory_space<vmem_shared>> -> memref<10112x128xf32, #tpu.memory_space<vmem_shared>>
        tpu.enqueue_indirect_dma source(%arg10 : memref<128x128xf32, #tpu.memory_space<vmem>>) target(%dma_start3A_34 : memref<10112x128xf32, #tpu.memory_space<vmem_shared>>) offsets(%dma_start3A_31 : memref<128xi32, #tpu.memory_space<vmem>>) semaphore(%run_scoped3A : memref<!tpu.dma_semaphore, #tpu.memory_space<semaphore_mem>>) {add = true}
        %dma_wait3A_35 = arith.constant 0 : i32
        %dma_wait3A_36 = tpu.memref_slice %arg9[%scan3A_18, %dma_wait3A_35] : memref<79x128xi32, #tpu.memory_space<vmem>> -> memref<1x128xi32, #tpu.memory_space<vmem>>
        %dma_wait3A_37 = tpu.memref_squeeze %dma_wait3A_36 : memref<1x128xi32, #tpu.memory_space<vmem>> -> memref<128xi32, #tpu.memory_space<vmem>>
        %dma_wait3A_38 = arith.constant 0 : i32
        %dma_wait3A_39 = arith.constant 0 : i32
        %dma_wait3A_40 = tpu.memref_slice %arg11[%dma_wait3A_38, %dma_wait3A_39] : memref<10112x128xf32, #tpu.memory_space<vmem_shared>> -> memref<10112x128xf32, #tpu.memory_space<vmem_shared>>
        tpu.wait_indirect_dma semaphore(%run_scoped3A : memref<!tpu.dma_semaphore, #tpu.memory_space<semaphore_mem>>) src(%arg10 : memref<128x128xf32, #tpu.memory_space<vmem>>) dst(%dma_wait3A_40 : memref<10112x128xf32, #tpu.memory_space<vmem_shared>>)
        tpu.yield
      }) : () -> ()
    }
    %scan3A_9 = arith.constant 79 : i32
    %barrier3A_10 = arith.constant 0 : index
    tpu.barrier barrier_id(%barrier3A_10)
    %eq3A = arith.constant 0 : i32
    %eq3A_11 = arith.cmpi eq, %arg0, %eq3A : i32
    %convert_element_type3A = arith.extui %eq3A_11 : i1 to i32
    %cond3A = arith.constant 0 : i32
    %cond3A_12 = arith.cmpi ne, %convert_element_type3A, %cond3A : i32
    scf.if %cond3A_12 {
      %mul3A_18 = arith.constant 632 : i32
      %mul3A_19 = arith.muli %arg1, %mul3A_18 : i32
      %mul3A_20 = arith.constant 632 : i32
      %mul3A_21 = arith.muli %arg1, %mul3A_20 : i32
      "tpu.region"() ({
        %run_scoped3A = tpu.sem_alloc : memref<!tpu.dma_semaphore, #tpu.memory_space<semaphore_mem>>
        %dma_start3A = arith.constant 0 : i32
        %dma_start3A_22 = tpu.memref_slice %arg6[%mul3A_21, %dma_start3A] : memref<10112x128xf32, #tpu.memory_space<hbm>> -> memref<632x128xf32, #tpu.memory_space<hbm>>
        %dma_start3A_23 = arith.constant 0 : i32
        %dma_start3A_24 = tpu.memref_slice %arg11[%mul3A_19, %dma_start3A_23] : memref<10112x128xf32, #tpu.memory_space<vmem_shared>> -> memref<632x128xf32, #tpu.memory_space<vmem_shared>>
        tpu.enqueue_dma source(%dma_start3A_24 : memref<632x128xf32, #tpu.memory_space<vmem_shared>>) target(%dma_start3A_22 : memref<632x128xf32, #tpu.memory_space<hbm>>) target_semaphore(%run_scoped3A : memref<!tpu.dma_semaphore, #tpu.memory_space<semaphore_mem>>)
        %dma_wait3A = arith.constant 0 : i32
        %dma_wait3A_25 = tpu.memref_slice %arg6[%mul3A_21, %dma_wait3A] : memref<10112x128xf32, #tpu.memory_space<hbm>> -> memref<632x128xf32, #tpu.memory_space<hbm>>
        %dma_wait3A_26 = arith.constant 0 : i32
        %dma_wait3A_27 = tpu.memref_slice %arg11[%mul3A_19, %dma_wait3A_26] : memref<10112x128xf32, #tpu.memory_space<vmem_shared>> -> memref<632x128xf32, #tpu.memory_space<vmem_shared>>
        tpu.wait_dma2 semaphore(%run_scoped3A : memref<!tpu.dma_semaphore, #tpu.memory_space<semaphore_mem>>) src(%dma_wait3A_27 : memref<632x128xf32, #tpu.memory_space<vmem_shared>>) dst(%dma_wait3A_25 : memref<632x128xf32, #tpu.memory_space<hbm>>)
        tpu.yield
      }) : () -> ()
    } else {
    }
    %eq3A_13 = arith.constant 1 : i32
    %eq3A_14 = arith.cmpi eq, %arg0, %eq3A_13 : i32
    %convert_element_type3A_15 = arith.extui %eq3A_14 : i1 to i32
    %cond3A_16 = arith.constant 0 : i32
    %cond3A_17 = arith.cmpi ne, %convert_element_type3A_15, %cond3A_16 : i32
    scf.if %cond3A_17 {
      %mul3A_18 = arith.constant 632 : i32
      %mul3A_19 = arith.muli %arg1, %mul3A_18 : i32
      %mul3A_20 = arith.constant 632 : i32
      %mul3A_21 = arith.muli %arg1, %mul3A_20 : i32
      "tpu.region"() ({
        %run_scoped3A = tpu.sem_alloc : memref<!tpu.dma_semaphore, #tpu.memory_space<semaphore_mem>>
        %dma_start3A = arith.constant 0 : i32
        %dma_start3A_22 = tpu.memref_slice %arg7[%mul3A_21, %dma_start3A] : memref<10112x128xf32, #tpu.memory_space<hbm>> -> memref<632x128xf32, #tpu.memory_space<hbm>>
        %dma_start3A_23 = arith.constant 0 : i32
        %dma_start3A_24 = tpu.memref_slice %arg11[%mul3A_19, %dma_start3A_23] : memref<10112x128xf32, #tpu.memory_space<vmem_shared>> -> memref<632x128xf32, #tpu.memory_space<vmem_shared>>
        tpu.enqueue_dma source(%dma_start3A_24 : memref<632x128xf32, #tpu.memory_space<vmem_shared>>) target(%dma_start3A_22 : memref<632x128xf32, #tpu.memory_space<hbm>>) target_semaphore(%run_scoped3A : memref<!tpu.dma_semaphore, #tpu.memory_space<semaphore_mem>>)
        %dma_wait3A = arith.constant 0 : i32
        %dma_wait3A_25 = tpu.memref_slice %arg7[%mul3A_21, %dma_wait3A] : memref<10112x128xf32, #tpu.memory_space<hbm>> -> memref<632x128xf32, #tpu.memory_space<hbm>>
        %dma_wait3A_26 = arith.constant 0 : i32
        %dma_wait3A_27 = tpu.memref_slice %arg11[%mul3A_19, %dma_wait3A_26] : memref<10112x128xf32, #tpu.memory_space<vmem_shared>> -> memref<632x128xf32, #tpu.memory_space<vmem_shared>>
        tpu.wait_dma2 semaphore(%run_scoped3A : memref<!tpu.dma_semaphore, #tpu.memory_space<semaphore_mem>>) src(%dma_wait3A_27 : memref<632x128xf32, #tpu.memory_space<vmem_shared>>) dst(%dma_wait3A_25 : memref<632x128xf32, #tpu.memory_space<hbm>>)
        tpu.yield
      }) : () -> ()
    } else {
    }
    return
  }
}

#map = affine_map<(d0, d1) -> (0, 0)>
#map1 = affine_map<(d0, d1) -> (0, 0, 0)>
module attributes {stable_mosaic.version = 14 : i64} {
  func.func @_prop_body(%arg0: i32, %arg1: i32, %arg2: memref<10112x128xf32, #tpu.memory_space<hbm>>, %arg3: memref<32x79x128xi32, #tpu.memory_space<hbm>>, %arg4: memref<32x79x128xi32, #tpu.memory_space<hbm>>, %arg5: memref<10112x128xf32, #tpu.memory_space<hbm>>, %arg6: memref<10112x128xf32, #tpu.memory_space<hbm>>, %arg7: memref<10112x128xf32, #tpu.memory_space<hbm>>, %arg8: memref<79x128xi32, #tpu.memory_space<vmem>>, %arg9: memref<79x128xi32, #tpu.memory_space<vmem>>, %arg10: memref<128x128xf32, #tpu.memory_space<vmem>>, %arg11: memref<10112x128xf32, #tpu.memory_space<vmem_shared>>, %arg12: memref<!tpu.dma_semaphore, #tpu.memory_space<semaphore_mem>>) attributes {dimension_semantics = [#tpu.dimension_semantics<core_parallel>, #tpu.dimension_semantics<subcore_parallel>], iteration_bounds = array<i64: 2, 16>, scalar_prefetch = 0 : i64, scratch_operands = 5 : i64, tpu.core_type = #tpu.core_type<sc_vector_subcore>, window_params = [{transform_indices = #map}, {transform_indices = #map1}, {transform_indices = #map1}, {transform_indices = #map}, {transform_indices = #map}, {transform_indices = #map}]} {
    %mul3A = arith.constant 2 : i32
    %mul3A_0 = arith.muli %arg1, %mul3A : i32
    %add3A = arith.addi %mul3A_0, %arg0 : i32
    "tpu.region"() ({
      %run_scoped3A = tpu.sem_alloc : memref<!tpu.dma_semaphore, #tpu.memory_space<semaphore_mem>>
      %dma_start3A = arith.constant 0 : i32
      %dma_start3A_18 = arith.constant 0 : i32
      %dma_start3A_19 = tpu.memref_slice %arg3[%add3A, %dma_start3A, %dma_start3A_18] : memref<32x79x128xi32, #tpu.memory_space<hbm>> -> memref<1x79x128xi32, #tpu.memory_space<hbm>>
      %dma_start3A_20 = tpu.memref_squeeze %dma_start3A_19 : memref<1x79x128xi32, #tpu.memory_space<hbm>> -> memref<79x128xi32, #tpu.memory_space<hbm>>
      %dma_start3A_21 = arith.constant 0 : i32
      %dma_start3A_22 = arith.constant 0 : i32
      %dma_start3A_23 = tpu.memref_slice %arg3[%add3A, %dma_start3A_21, %dma_start3A_22] : memref<32x79x128xi32, #tpu.memory_space<hbm>> -> memref<1x79x128xi32, #tpu.memory_space<hbm>>
      %dma_start3A_24 = tpu.memref_squeeze %dma_start3A_23 : memref<1x79x128xi32, #tpu.memory_space<hbm>> -> memref<79x128xi32, #tpu.memory_space<hbm>>
      tpu.enqueue_dma source(%dma_start3A_24 : memref<79x128xi32, #tpu.memory_space<hbm>>) target(%arg8 : memref<79x128xi32, #tpu.memory_space<vmem>>) target_semaphore(%run_scoped3A : memref<!tpu.dma_semaphore, #tpu.memory_space<semaphore_mem>>)
      %dma_wait3A = arith.constant 0 : i32
      %dma_wait3A_25 = arith.constant 0 : i32
      %dma_wait3A_26 = tpu.memref_slice %arg3[%add3A, %dma_wait3A, %dma_wait3A_25] : memref<32x79x128xi32, #tpu.memory_space<hbm>> -> memref<1x79x128xi32, #tpu.memory_space<hbm>>
      %dma_wait3A_27 = tpu.memref_squeeze %dma_wait3A_26 : memref<1x79x128xi32, #tpu.memory_space<hbm>> -> memref<79x128xi32, #tpu.memory_space<hbm>>
      %dma_wait3A_28 = arith.constant 0 : i32
      %dma_wait3A_29 = arith.constant 0 : i32
      %dma_wait3A_30 = tpu.memref_slice %arg3[%add3A, %dma_wait3A_28, %dma_wait3A_29] : memref<32x79x128xi32, #tpu.memory_space<hbm>> -> memref<1x79x128xi32, #tpu.memory_space<hbm>>
      %dma_wait3A_31 = tpu.memref_squeeze %dma_wait3A_30 : memref<1x79x128xi32, #tpu.memory_space<hbm>> -> memref<79x128xi32, #tpu.memory_space<hbm>>
      tpu.wait_dma2 semaphore(%run_scoped3A : memref<!tpu.dma_semaphore, #tpu.memory_space<semaphore_mem>>) src(%dma_wait3A_31 : memref<79x128xi32, #tpu.memory_space<hbm>>) dst(%arg8 : memref<79x128xi32, #tpu.memory_space<vmem>>)
      tpu.yield
    }) : () -> ()
    "tpu.region"() ({
      %run_scoped3A = tpu.sem_alloc : memref<!tpu.dma_semaphore, #tpu.memory_space<semaphore_mem>>
      %dma_start3A = arith.constant 0 : i32
      %dma_start3A_18 = arith.constant 0 : i32
      %dma_start3A_19 = tpu.memref_slice %arg4[%add3A, %dma_start3A, %dma_start3A_18] : memref<32x79x128xi32, #tpu.memory_space<hbm>> -> memref<1x79x128xi32, #tpu.memory_space<hbm>>
      %dma_start3A_20 = tpu.memref_squeeze %dma_start3A_19 : memref<1x79x128xi32, #tpu.memory_space<hbm>> -> memref<79x128xi32, #tpu.memory_space<hbm>>
      %dma_start3A_21 = arith.constant 0 : i32
      %dma_start3A_22 = arith.constant 0 : i32
      %dma_start3A_23 = tpu.memref_slice %arg4[%add3A, %dma_start3A_21, %dma_start3A_22] : memref<32x79x128xi32, #tpu.memory_space<hbm>> -> memref<1x79x128xi32, #tpu.memory_space<hbm>>
      %dma_start3A_24 = tpu.memref_squeeze %dma_start3A_23 : memref<1x79x128xi32, #tpu.memory_space<hbm>> -> memref<79x128xi32, #tpu.memory_space<hbm>>
      tpu.enqueue_dma source(%dma_start3A_24 : memref<79x128xi32, #tpu.memory_space<hbm>>) target(%arg9 : memref<79x128xi32, #tpu.memory_space<vmem>>) target_semaphore(%run_scoped3A : memref<!tpu.dma_semaphore, #tpu.memory_space<semaphore_mem>>)
      %dma_wait3A = arith.constant 0 : i32
      %dma_wait3A_25 = arith.constant 0 : i32
      %dma_wait3A_26 = tpu.memref_slice %arg4[%add3A, %dma_wait3A, %dma_wait3A_25] : memref<32x79x128xi32, #tpu.memory_space<hbm>> -> memref<1x79x128xi32, #tpu.memory_space<hbm>>
      %dma_wait3A_27 = tpu.memref_squeeze %dma_wait3A_26 : memref<1x79x128xi32, #tpu.memory_space<hbm>> -> memref<79x128xi32, #tpu.memory_space<hbm>>
      %dma_wait3A_28 = arith.constant 0 : i32
      %dma_wait3A_29 = arith.constant 0 : i32
      %dma_wait3A_30 = tpu.memref_slice %arg4[%add3A, %dma_wait3A_28, %dma_wait3A_29] : memref<32x79x128xi32, #tpu.memory_space<hbm>> -> memref<1x79x128xi32, #tpu.memory_space<hbm>>
      %dma_wait3A_31 = tpu.memref_squeeze %dma_wait3A_30 : memref<1x79x128xi32, #tpu.memory_space<hbm>> -> memref<79x128xi32, #tpu.memory_space<hbm>>
      tpu.wait_dma2 semaphore(%run_scoped3A : memref<!tpu.dma_semaphore, #tpu.memory_space<semaphore_mem>>) src(%dma_wait3A_31 : memref<79x128xi32, #tpu.memory_space<hbm>>) dst(%arg9 : memref<79x128xi32, #tpu.memory_space<vmem>>)
      tpu.yield
    }) : () -> ()
    %mul3A_1 = arith.constant 632 : i32
    %mul3A_2 = arith.muli %arg1, %mul3A_1 : i32
    %mul3A_3 = arith.constant 632 : i32
    %mul3A_4 = arith.muli %arg1, %mul3A_3 : i32
    "tpu.region"() ({
      %run_scoped3A = tpu.sem_alloc : memref<!tpu.dma_semaphore, #tpu.memory_space<semaphore_mem>>
      %dma_start3A = arith.constant 0 : i32
      %dma_start3A_18 = tpu.memref_slice %arg11[%mul3A_4, %dma_start3A] : memref<10112x128xf32, #tpu.memory_space<vmem_shared>> -> memref<632x128xf32, #tpu.memory_space<vmem_shared>>
      %dma_start3A_19 = arith.constant 0 : i32
      %dma_start3A_20 = tpu.memref_slice %arg5[%mul3A_2, %dma_start3A_19] : memref<10112x128xf32, #tpu.memory_space<hbm>> -> memref<632x128xf32, #tpu.memory_space<hbm>>
      tpu.enqueue_dma source(%dma_start3A_20 : memref<632x128xf32, #tpu.memory_space<hbm>>) target(%dma_start3A_18 : memref<632x128xf32, #tpu.memory_space<vmem_shared>>) target_semaphore(%run_scoped3A : memref<!tpu.dma_semaphore, #tpu.memory_space<semaphore_mem>>)
      %dma_wait3A = arith.constant 0 : i32
      %dma_wait3A_21 = tpu.memref_slice %arg11[%mul3A_4, %dma_wait3A] : memref<10112x128xf32, #tpu.memory_space<vmem_shared>> -> memref<632x128xf32, #tpu.memory_space<vmem_shared>>
      %dma_wait3A_22 = arith.constant 0 : i32
      %dma_wait3A_23 = tpu.memref_slice %arg5[%mul3A_2, %dma_wait3A_22] : memref<10112x128xf32, #tpu.memory_space<hbm>> -> memref<632x128xf32, #tpu.memory_space<hbm>>
      tpu.wait_dma2 semaphore(%run_scoped3A : memref<!tpu.dma_semaphore, #tpu.memory_space<semaphore_mem>>) src(%dma_wait3A_23 : memref<632x128xf32, #tpu.memory_space<hbm>>) dst(%dma_wait3A_21 : memref<632x128xf32, #tpu.memory_space<vmem_shared>>)
      tpu.yield
    }) : () -> ()
    %barrier3A = arith.constant 0 : index
    tpu.barrier barrier_id(%barrier3A)
    %scan3A = arith.constant 0 : i32
    %scan3A_5 = arith.constant 0 : i32
    %scan3A_6 = arith.constant 79 : i32
    %scan3A_7 = arith.addi %scan3A_5, %scan3A_6 : i32
    %scan3A_8 = arith.constant 1 : i32
    scf.for %scan3A_18 = %scan3A_5 to %scan3A_7 step %scan3A_8  : i32 {
      %dma_start3A = arith.constant 0 : i32
      %dma_start3A_19 = tpu.memref_slice %arg8[%scan3A_18, %dma_start3A] : memref<79x128xi32, #tpu.memory_space<vmem>> -> memref<1x128xi32, #tpu.memory_space<vmem>>
      %dma_start3A_20 = tpu.memref_squeeze %dma_start3A_19 : memref<1x128xi32, #tpu.memory_space<vmem>> -> memref<128xi32, #tpu.memory_space<vmem>>
      %dma_start3A_21 = arith.constant 0 : i32
      %dma_start3A_22 = arith.constant 0 : i32
      %dma_start3A_23 = tpu.memref_slice %arg2[%dma_start3A_21, %dma_start3A_22] : memref<10112x128xf32, #tpu.memory_space<hbm>> -> memref<10112x128xf32, #tpu.memory_space<hbm>>
      tpu.enqueue_indirect_dma source(%dma_start3A_23 : memref<10112x128xf32, #tpu.memory_space<hbm>>) target(%arg10 : memref<128x128xf32, #tpu.memory_space<vmem>>) offsets(%dma_start3A_20 : memref<128xi32, #tpu.memory_space<vmem>>) semaphore(%arg12 : memref<!tpu.dma_semaphore, #tpu.memory_space<semaphore_mem>>)
      %dma_wait3A = arith.constant 0 : i32
      %dma_wait3A_24 = tpu.memref_slice %arg8[%scan3A_18, %dma_wait3A] : memref<79x128xi32, #tpu.memory_space<vmem>> -> memref<1x128xi32, #tpu.memory_space<vmem>>
      %dma_wait3A_25 = tpu.memref_squeeze %dma_wait3A_24 : memref<1x128xi32, #tpu.memory_space<vmem>> -> memref<128xi32, #tpu.memory_space<vmem>>
      %dma_wait3A_26 = arith.constant 0 : i32
      %dma_wait3A_27 = arith.constant 0 : i32
      %dma_wait3A_28 = tpu.memref_slice %arg2[%dma_wait3A_26, %dma_wait3A_27] : memref<10112x128xf32, #tpu.memory_space<hbm>> -> memref<10112x128xf32, #tpu.memory_space<hbm>>
      tpu.wait_indirect_dma semaphore(%arg12 : memref<!tpu.dma_semaphore, #tpu.memory_space<semaphore_mem>>) src(%dma_wait3A_28 : memref<10112x128xf32, #tpu.memory_space<hbm>>) dst(%arg10 : memref<128x128xf32, #tpu.memory_space<vmem>>)
      "tpu.region"() ({
        %run_scoped3A = tpu.sem_alloc : memref<!tpu.dma_semaphore, #tpu.memory_space<semaphore_mem>>
        %dma_start3A_29 = arith.constant 0 : i32
        %dma_start3A_30 = tpu.memref_slice %arg9[%scan3A_18, %dma_start3A_29] : memref<79x128xi32, #tpu.memory_space<vmem>> -> memref<1x128xi32, #tpu.memory_space<vmem>>
        %dma_start3A_31 = tpu.memref_squeeze %dma_start3A_30 : memref<1x128xi32, #tpu.memory_space<vmem>> -> memref<128xi32, #tpu.memory_space<vmem>>
        %dma_start3A_32 = arith.constant 0 : i32
        %dma_start3A_33 = arith.constant 0 : i32
        %dma_start3A_34 = tpu.memref_slice %arg11[%dma_start3A_32, %dma_start3A_33] : memref<10112x128xf32, #tpu.memory_space<vmem_shared>> -> memref<10112x128xf32, #tpu.memory_space<vmem_shared>>
        tpu.enqueue_indirect_dma source(%arg10 : memref<128x128xf32, #tpu.memory_space<vmem>>) target(%dma_start3A_34 : memref<10112x128xf32, #tpu.memory_space<vmem_shared>>) offsets(%dma_start3A_31 : memref<128xi32, #tpu.memory_space<vmem>>) semaphore(%run_scoped3A : memref<!tpu.dma_semaphore, #tpu.memory_space<semaphore_mem>>) {add = true}
        %dma_wait3A_35 = arith.constant 0 : i32
        %dma_wait3A_36 = tpu.memref_slice %arg9[%scan3A_18, %dma_wait3A_35] : memref<79x128xi32, #tpu.memory_space<vmem>> -> memref<1x128xi32, #tpu.memory_space<vmem>>
        %dma_wait3A_37 = tpu.memref_squeeze %dma_wait3A_36 : memref<1x128xi32, #tpu.memory_space<vmem>> -> memref<128xi32, #tpu.memory_space<vmem>>
        %dma_wait3A_38 = arith.constant 0 : i32
        %dma_wait3A_39 = arith.constant 0 : i32
        %dma_wait3A_40 = tpu.memref_slice %arg11[%dma_wait3A_38, %dma_wait3A_39] : memref<10112x128xf32, #tpu.memory_space<vmem_shared>> -> memref<10112x128xf32, #tpu.memory_space<vmem_shared>>
        tpu.wait_indirect_dma semaphore(%run_scoped3A : memref<!tpu.dma_semaphore, #tpu.memory_space<semaphore_mem>>) src(%arg10 : memref<128x128xf32, #tpu.memory_space<vmem>>) dst(%dma_wait3A_40 : memref<10112x128xf32, #tpu.memory_space<vmem_shared>>)
        tpu.yield
      }) : () -> ()
    }
    %scan3A_9 = arith.constant 79 : i32
    %barrier3A_10 = arith.constant 0 : index
    tpu.barrier barrier_id(%barrier3A_10)
    %eq3A = arith.constant 0 : i32
    %eq3A_11 = arith.cmpi eq, %arg0, %eq3A : i32
    %convert_element_type3A = arith.extui %eq3A_11 : i1 to i32
    %cond3A = arith.constant 0 : i32
    %cond3A_12 = arith.cmpi ne, %convert_element_type3A, %cond3A : i32
    scf.if %cond3A_12 {
      %mul3A_18 = arith.constant 632 : i32
      %mul3A_19 = arith.muli %arg1, %mul3A_18 : i32
      %mul3A_20 = arith.constant 632 : i32
      %mul3A_21 = arith.muli %arg1, %mul3A_20 : i32
      "tpu.region"() ({
        %run_scoped3A = tpu.sem_alloc : memref<!tpu.dma_semaphore, #tpu.memory_space<semaphore_mem>>
        %dma_start3A = arith.constant 0 : i32
        %dma_start3A_22 = tpu.memref_slice %arg6[%mul3A_21, %dma_start3A] : memref<10112x128xf32, #tpu.memory_space<hbm>> -> memref<632x128xf32, #tpu.memory_space<hbm>>
        %dma_start3A_23 = arith.constant 0 : i32
        %dma_start3A_24 = tpu.memref_slice %arg11[%mul3A_19, %dma_start3A_23] : memref<10112x128xf32, #tpu.memory_space<vmem_shared>> -> memref<632x128xf32, #tpu.memory_space<vmem_shared>>
        tpu.enqueue_dma source(%dma_start3A_24 : memref<632x128xf32, #tpu.memory_space<vmem_shared>>) target(%dma_start3A_22 : memref<632x128xf32, #tpu.memory_space<hbm>>) target_semaphore(%run_scoped3A : memref<!tpu.dma_semaphore, #tpu.memory_space<semaphore_mem>>)
        %dma_wait3A = arith.constant 0 : i32
        %dma_wait3A_25 = tpu.memref_slice %arg6[%mul3A_21, %dma_wait3A] : memref<10112x128xf32, #tpu.memory_space<hbm>> -> memref<632x128xf32, #tpu.memory_space<hbm>>
        %dma_wait3A_26 = arith.constant 0 : i32
        %dma_wait3A_27 = tpu.memref_slice %arg11[%mul3A_19, %dma_wait3A_26] : memref<10112x128xf32, #tpu.memory_space<vmem_shared>> -> memref<632x128xf32, #tpu.memory_space<vmem_shared>>
        tpu.wait_dma2 semaphore(%run_scoped3A : memref<!tpu.dma_semaphore, #tpu.memory_space<semaphore_mem>>) src(%dma_wait3A_27 : memref<632x128xf32, #tpu.memory_space<vmem_shared>>) dst(%dma_wait3A_25 : memref<632x128xf32, #tpu.memory_space<hbm>>)
        tpu.yield
      }) : () -> ()
    } else {
    }
    %eq3A_13 = arith.constant 1 : i32
    %eq3A_14 = arith.cmpi eq, %arg0, %eq3A_13 : i32
    %convert_element_type3A_15 = arith.extui %eq3A_14 : i1 to i32
    %cond3A_16 = arith.constant 0 : i32
    %cond3A_17 = arith.cmpi ne, %convert_element_type3A_15, %cond3A_16 : i32
    scf.if %cond3A_17 {
      %mul3A_18 = arith.constant 632 : i32
      %mul3A_19 = arith.muli %arg1, %mul3A_18 : i32
      %mul3A_20 = arith.constant 632 : i32
      %mul3A_21 = arith.muli %arg1, %mul3A_20 : i32
      "tpu.region"() ({
        %run_scoped3A = tpu.sem_alloc : memref<!tpu.dma_semaphore, #tpu.memory_space<semaphore_mem>>
        %dma_start3A = arith.constant 0 : i32
        %dma_start3A_22 = tpu.memref_slice %arg7[%mul3A_21, %dma_start3A] : memref<10112x128xf32, #tpu.memory_space<hbm>> -> memref<632x128xf32, #tpu.memory_space<hbm>>
        %dma_start3A_23 = arith.constant 0 : i32
        %dma_start3A_24 = tpu.memref_slice %arg11[%mul3A_19, %dma_start3A_23] : memref<10112x128xf32, #tpu.memory_space<vmem_shared>> -> memref<632x128xf32, #tpu.memory_space<vmem_shared>>
        tpu.enqueue_dma source(%dma_start3A_24 : memref<632x128xf32, #tpu.memory_space<vmem_shared>>) target(%dma_start3A_22 : memref<632x128xf32, #tpu.memory_space<hbm>>) target_semaphore(%run_scoped3A : memref<!tpu.dma_semaphore, #tpu.memory_space<semaphore_mem>>)
        %dma_wait3A = arith.constant 0 : i32
        %dma_wait3A_25 = tpu.memref_slice %arg7[%mul3A_21, %dma_wait3A] : memref<10112x128xf32, #tpu.memory_space<hbm>> -> memref<632x128xf32, #tpu.memory_space<hbm>>
        %dma_wait3A_26 = arith.constant 0 : i32
        %dma_wait3A_27 = tpu.memref_slice %arg11[%mul3A_19, %dma_wait3A_26] : memref<10112x128xf32, #tpu.memory_space<vmem_shared>> -> memref<632x128xf32, #tpu.memory_space<vmem_shared>>
        tpu.wait_dma2 semaphore(%run_scoped3A : memref<!tpu.dma_semaphore, #tpu.memory_space<semaphore_mem>>) src(%dma_wait3A_27 : memref<632x128xf32, #tpu.memory_space<vmem_shared>>) dst(%dma_wait3A_25 : memref<632x128xf32, #tpu.memory_space<hbm>>)
        tpu.yield
      }) : () -> ()
    } else {
    }
    return
  }
}

module attributes {stable_mosaic.version = 14 : i64} {
  func.func @_first_body(%arg0: i32, %arg1: memref<1000x128xf32, #tpu.memory_space<vmem>>, %arg2: memref<128x64xf32, #tpu.memory_space<vmem>>, %arg3: memref<1000x128xf32, #tpu.memory_space<vmem>>, %arg4: memref<1000x128xf32, #tpu.memory_space<vmem>>, %arg5: memref<1000x128xf32, #tpu.memory_space<vmem>>, %arg6: memref<1000x1xf32, #tpu.memory_space<vmem>>) attributes {dimension_semantics = [#tpu.dimension_semantics<arbitrary>], iteration_bounds = array<i64: 10>, scalar_prefetch = 0 : i64, scratch_operands = 0 : i64, tpu.core_type = #tpu.core_type<tc>, window_params = [{transform_indices = @transform_0, window_bounds = array<i64: 1000, 128>}, {pipeline_mode = #tpu.pipeline_mode<synchronous>, transform_indices = @transform_1, window_bounds = array<i64: 128, 64>}, {transform_indices = @transform_2, window_bounds = array<i64: 1000, 128>}, {transform_indices = @transform_3, window_bounds = array<i64: 1000, 128>}, {transform_indices = @transform_4, window_bounds = array<i64: 1000, 128>}, {transform_indices = @transform_5, window_bounds = array<i64: 1000, 1>}]} {
    %get3A = arith.constant 0 : index
    %get3A_0 = arith.constant 0 : index
    %get3A_1 = vector.load %arg3[%get3A, %get3A_0] : memref<1000x128xf32, #tpu.memory_space<vmem>>, vector<1000x128xf32>
    %slice3A = vector.extract_strided_slice %get3A_1 {offsets = [0, 0], sizes = [1000, 1], strides = [1, 1]} : vector<1000x128xf32> to vector<1000x1xf32>
    %add3A = arith.constant 1.000000e+00 : f32
    %add3A_2 = vector.broadcast %add3A : f32 to vector<1000x1xf32>
    %add3A_3 = arith.addf %add3A_2, %slice3A : vector<1000x1xf32>
    %get3A_4 = arith.constant 0 : index
    %get3A_5 = arith.constant 0 : index
    %get3A_6 = vector.load %arg4[%get3A_4, %get3A_5] : memref<1000x128xf32, #tpu.memory_space<vmem>>, vector<1000x128xf32>
    %slice3A_7 = vector.extract_strided_slice %get3A_6 {offsets = [0, 0], sizes = [1000, 1], strides = [1, 1]} : vector<1000x128xf32> to vector<1000x1xf32>
    %add3A_8 = arith.addf %add3A_3, %slice3A_7 : vector<1000x1xf32>
    %rsqrt3A = math.rsqrt %add3A_8 : vector<1000x1xf32>
    %get3A_9 = arith.constant 0 : index
    %get3A_10 = arith.constant 0 : index
    %get3A_11 = vector.load %arg1[%get3A_9, %get3A_10] : memref<1000x128xf32, #tpu.memory_space<vmem>>, vector<1000x128xf32>
    %get3A_12 = arith.constant 0 : index
    %get3A_13 = arith.constant 0 : index
    %get3A_14 = vector.load %arg2[%get3A_12, %get3A_13] : memref<128x64xf32, #tpu.memory_space<vmem>>, vector<128x64xf32>
    %dot_general3A = arith.constant dense<0.000000e+00> : vector<1000x64xf32>
    %dot_general3A_15 = tpu.matmul %get3A_11, %get3A_14, %dot_general3A {dimension_numbers = #tpu.dot_dimension_numbers<[1], [0], [0], [1], [0, 0, 1, 1], [], []>, precision = #tpu.contract_precision<fp32>, transpose_lhs_hint = false} : vector<1000x128xf32>, vector<128x64xf32>, vector<1000x64xf32> -> vector<1000x64xf32>
    %mul3A = vector.broadcast %rsqrt3A : vector<1000x1xf32> to vector<1000x64xf32>
    %mul3A_16 = arith.mulf %dot_general3A_15, %mul3A : vector<1000x64xf32>
    %broadcast_in_dim3A = arith.constant 0.000000e+00 : f32
    %broadcast_in_dim3A_17 = vector.broadcast %broadcast_in_dim3A : f32 to vector<1000x64xf32>
    %concatenate3A = tpu.concatenate %mul3A_16, %broadcast_in_dim3A_17 in 1 : vector<1000x64xf32>, vector<1000x64xf32> -> vector<1000x128xf32>
    %swap3A = arith.constant 0 : index
    %swap3A_18 = arith.constant 0 : index
    %swap3A_19 = vector.load %arg5[%swap3A, %swap3A_18] : memref<1000x128xf32, #tpu.memory_space<vmem>>, vector<1000x128xf32>
    tpu.vector_store %arg5[%swap3A, %swap3A_18], %concatenate3A {strides = array<i32>} : memref<1000x128xf32, #tpu.memory_space<vmem>>, vector<1000x128xf32>,
    %swap3A_20 = arith.constant 0 : index
    %swap3A_21 = arith.constant 0 : index
    %swap3A_22 = vector.load %arg6[%swap3A_20, %swap3A_21] : memref<1000x1xf32, #tpu.memory_space<vmem>>, vector<1000x1xf32>
    tpu.vector_store %arg6[%swap3A_20, %swap3A_21], %rsqrt3A {strides = array<i32>} : memref<1000x1xf32, #tpu.memory_space<vmem>>, vector<1000x1xf32>,
    return
  }
  func.func @transform_0(%arg0: i32) -> (i32, i32) {
    %c0_i32 = arith.constant 0 : i32
    %c0_i32_0 = arith.constant 0 : i32
    return %arg0, %c0_i32 : i32, i32
  }
  func.func @transform_1(%arg0: i32) -> (i32, i32) {
    %c0_i32 = arith.constant 0 : i32
    %c0_i32_0 = arith.constant 0 : i32
    %c0_i32_1 = arith.constant 0 : i32
    return %c0_i32, %c0_i32_0 : i32, i32
  }
  func.func @transform_2(%arg0: i32) -> (i32, i32) {
    %c0_i32 = arith.constant 0 : i32
    %c0_i32_0 = arith.constant 0 : i32
    return %arg0, %c0_i32 : i32, i32
  }
  func.func @transform_3(%arg0: i32) -> (i32, i32) {
    %c0_i32 = arith.constant 0 : i32
    %c0_i32_0 = arith.constant 0 : i32
    return %arg0, %c0_i32 : i32, i32
  }
  func.func @transform_4(%arg0: i32) -> (i32, i32) {
    %c0_i32 = arith.constant 0 : i32
    %c0_i32_0 = arith.constant 0 : i32
    return %arg0, %c0_i32 : i32, i32
  }
  func.func @transform_5(%arg0: i32) -> (i32, i32) {
    %c0_i32 = arith.constant 0 : i32
    %c0_i32_0 = arith.constant 0 : i32
    return %arg0, %c0_i32 : i32, i32
  }
}

module attributes {stable_mosaic.version = 14 : i64} {
  func.func @_layer_body(%arg0: i32, %arg1: memref<1000x128xf32, #tpu.memory_space<vmem>>, %arg2: memref<1000x128xf32, #tpu.memory_space<vmem>>, %arg3: memref<1000x128xf32, #tpu.memory_space<vmem>>, %arg4: memref<1000x128xf32, #tpu.memory_space<vmem>>, %arg5: memref<1000x1xf32, #tpu.memory_space<vmem>>, %arg6: memref<1x64xf32, #tpu.memory_space<vmem>>, %arg7: memref<1x64xf32, #tpu.memory_space<vmem>>, %arg8: memref<1x64xf32, #tpu.memory_space<vmem>>, %arg9: memref<64x64xf32, #tpu.memory_space<vmem>>, %arg10: memref<1000x64xf32, #tpu.memory_space<vmem>>, %arg11: memref<1000x128xf32, #tpu.memory_space<vmem>>) attributes {dimension_semantics = [#tpu.dimension_semantics<arbitrary>], iteration_bounds = array<i64: 10>, scalar_prefetch = 0 : i64, scratch_operands = 0 : i64, tpu.core_type = #tpu.core_type<tc>, window_params = [{transform_indices = @transform_0, window_bounds = array<i64: 1000, 128>}, {transform_indices = @transform_1, window_bounds = array<i64: 1000, 128>}, {transform_indices = @transform_2, window_bounds = array<i64: 1000, 128>}, {transform_indices = @transform_3, window_bounds = array<i64: 1000, 128>}, {transform_indices = @transform_4, window_bounds = array<i64: 1000, 1>}, {pipeline_mode = #tpu.pipeline_mode<synchronous>, transform_indices = @transform_5, window_bounds = array<i64: 1, 64>}, {pipeline_mode = #tpu.pipeline_mode<synchronous>, transform_indices = @transform_6, window_bounds = array<i64: 1, 64>}, {pipeline_mode = #tpu.pipeline_mode<synchronous>, transform_indices = @transform_7, window_bounds = array<i64: 1, 64>}, {pipeline_mode = #tpu.pipeline_mode<synchronous>, transform_indices = @transform_8, window_bounds = array<i64: 64, 64>}, {transform_indices = @transform_9, window_bounds = array<i64: 1000, 64>}, {transform_indices = @transform_10, window_bounds = array<i64: 1000, 128>}]} {
    %get3A = arith.constant 0 : index
    %get3A_0 = arith.constant 0 : index
    %get3A_1 = vector.load %arg5[%get3A, %get3A_0] : memref<1000x1xf32, #tpu.memory_space<vmem>>, vector<1000x1xf32>
    %get3A_2 = arith.constant 0 : index
    %get3A_3 = arith.constant 0 : index
    %get3A_4 = vector.load %arg1[%get3A_2, %get3A_3] : memref<1000x128xf32, #tpu.memory_space<vmem>>, vector<1000x128xf32>
    %slice3A = vector.extract_strided_slice %get3A_4 {offsets = [0, 0], sizes = [1000, 64], strides = [1, 1]} : vector<1000x128xf32> to vector<1000x64xf32>
    %get3A_5 = arith.constant 0 : index
    %get3A_6 = arith.constant 0 : index
    %get3A_7 = vector.load %arg2[%get3A_5, %get3A_6] : memref<1000x128xf32, #tpu.memory_space<vmem>>, vector<1000x128xf32>
    %slice3A_8 = vector.extract_strided_slice %get3A_7 {offsets = [0, 0], sizes = [1000, 64], strides = [1, 1]} : vector<1000x128xf32> to vector<1000x64xf32>
    %add3A = arith.addf %slice3A, %slice3A_8 : vector<1000x64xf32>
    %get3A_9 = arith.constant 0 : index
    %get3A_10 = arith.constant 0 : index
    %get3A_11 = vector.load %arg3[%get3A_9, %get3A_10] : memref<1000x128xf32, #tpu.memory_space<vmem>>, vector<1000x128xf32>
    %slice3A_12 = vector.extract_strided_slice %get3A_11 {offsets = [0, 0], sizes = [1000, 64], strides = [1, 1]} : vector<1000x128xf32> to vector<1000x64xf32>
    %add3A_13 = arith.addf %add3A, %slice3A_12 : vector<1000x64xf32>
    %mul3A = vector.broadcast %get3A_1 : vector<1000x1xf32> to vector<1000x64xf32>
    %mul3A_14 = arith.mulf %mul3A, %add3A_13 : vector<1000x64xf32>
    %get3A_15 = arith.constant 0 : index
    %get3A_16 = arith.constant 0 : index
    %get3A_17 = vector.load %arg6[%get3A_15, %get3A_16] : memref<1x64xf32, #tpu.memory_space<vmem>>, vector<1x64xf32>
    %add3A_18 = vector.broadcast %get3A_17 : vector<1x64xf32> to vector<1000x64xf32>
    %add3A_19 = arith.addf %mul3A_14, %add3A_18 : vector<1000x64xf32>
    %reduce_sum3A = arith.constant dense<0.000000e+00> : vector<1000xf32>
    %reduce_sum3A_20 = vector.multi_reduction <add>, %add3A_19, %reduce_sum3A [1] : vector<1000x64xf32> to vector<1000xf32>
    %broadcast_in_dim3A = vector.shape_cast %reduce_sum3A_20 : vector<1000xf32> to vector<1000x1xf32>
    %div3A = arith.constant 6.400000e+01 : f32
    %div3A_21 = vector.broadcast %div3A : f32 to vector<1000x1xf32>
    %div3A_22 = arith.divf %broadcast_in_dim3A, %div3A_21 : vector<1000x1xf32>
    %sub3A = vector.broadcast %div3A_22 : vector<1000x1xf32> to vector<1000x64xf32>
    %sub3A_23 = arith.subf %add3A_19, %sub3A : vector<1000x64xf32>
    %integer_pow3A = arith.mulf %sub3A_23, %sub3A_23 : vector<1000x64xf32>
    %reduce_sum3A_24 = arith.constant dense<0.000000e+00> : vector<1000xf32>
    %reduce_sum3A_25 = vector.multi_reduction <add>, %integer_pow3A, %reduce_sum3A_24 [1] : vector<1000x64xf32> to vector<1000xf32>
    %broadcast_in_dim3A_26 = vector.shape_cast %reduce_sum3A_25 : vector<1000xf32> to vector<1000x1xf32>
    %div3A_27 = arith.constant 6.400000e+01 : f32
    %div3A_28 = vector.broadcast %div3A_27 : f32 to vector<1000x1xf32>
    %div3A_29 = arith.divf %broadcast_in_dim3A_26, %div3A_28 : vector<1000x1xf32>
    %sub3A_30 = vector.broadcast %div3A_22 : vector<1000x1xf32> to vector<1000x64xf32>
    %sub3A_31 = arith.subf %add3A_19, %sub3A_30 : vector<1000x64xf32>
    %add3A_32 = arith.constant 9.99999974E-6 : f32
    %add3A_33 = vector.broadcast %add3A_32 : f32 to vector<1000x1xf32>
    %add3A_34 = arith.addf %div3A_29, %add3A_33 : vector<1000x1xf32>
    %rsqrt3A = math.rsqrt %add3A_34 : vector<1000x1xf32>
    %mul3A_35 = vector.broadcast %rsqrt3A : vector<1000x1xf32> to vector<1000x64xf32>
    %mul3A_36 = arith.mulf %sub3A_31, %mul3A_35 : vector<1000x64xf32>
    %get3A_37 = arith.constant 0 : index
    %get3A_38 = arith.constant 0 : index
    %get3A_39 = vector.load %arg7[%get3A_37, %get3A_38] : memref<1x64xf32, #tpu.memory_space<vmem>>, vector<1x64xf32>
    %mul3A_40 = vector.broadcast %get3A_39 : vector<1x64xf32> to vector<1000x64xf32>
    %mul3A_41 = arith.mulf %mul3A_36, %mul3A_40 : vector<1000x64xf32>
    %get3A_42 = arith.constant 0 : index
    %get3A_43 = arith.constant 0 : index
    %get3A_44 = vector.load %arg8[%get3A_42, %get3A_43] : memref<1x64xf32, #tpu.memory_space<vmem>>, vector<1x64xf32>
    %add3A_45 = vector.broadcast %get3A_44 : vector<1x64xf32> to vector<1000x64xf32>
    %add3A_46 = arith.addf %mul3A_41, %add3A_45 : vector<1000x64xf32>
    %max3A = arith.constant 0.000000e+00 : f32
    %max3A_47 = vector.broadcast %max3A : f32 to vector<1000x64xf32>
    %max3A_48 = arith.maximumf %add3A_46, %max3A_47 : vector<1000x64xf32>
    %swap3A = arith.constant 0 : index
    %swap3A_49 = arith.constant 0 : index
    %swap3A_50 = vector.load %arg10[%swap3A, %swap3A_49] : memref<1000x64xf32, #tpu.memory_space<vmem>>, vector<1000x64xf32>
    tpu.vector_store %arg10[%swap3A, %swap3A_49], %max3A_48 {strides = array<i32>} : memref<1000x64xf32, #tpu.memory_space<vmem>>, vector<1000x64xf32>,
    %get3A_51 = arith.constant 0 : index
    %get3A_52 = arith.constant 0 : index
    %get3A_53 = vector.load %arg9[%get3A_51, %get3A_52] : memref<64x64xf32, #tpu.memory_space<vmem>>, vector<64x64xf32>
    %dot_general3A = arith.constant dense<0.000000e+00> : vector<1000x64xf32>
    %dot_general3A_54 = tpu.matmul %max3A_48, %get3A_53, %dot_general3A {dimension_numbers = #tpu.dot_dimension_numbers<[1], [0], [0], [1], [0, 0, 1, 1], [], []>, precision = #tpu.contract_precision<fp32>, transpose_lhs_hint = false} : vector<1000x64xf32>, vector<64x64xf32>, vector<1000x64xf32> -> vector<1000x64xf32>
    %mul3A_55 = vector.broadcast %get3A_1 : vector<1000x1xf32> to vector<1000x64xf32>
    %mul3A_56 = arith.mulf %dot_general3A_54, %mul3A_55 : vector<1000x64xf32>
    %broadcast_in_dim3A_57 = arith.constant 0.000000e+00 : f32
    %broadcast_in_dim3A_58 = vector.broadcast %broadcast_in_dim3A_57 : f32 to vector<1000x64xf32>
    %concatenate3A = tpu.concatenate %mul3A_56, %broadcast_in_dim3A_58 in 1 : vector<1000x64xf32>, vector<1000x64xf32> -> vector<1000x128xf32>
    %swap3A_59 = arith.constant 0 : index
    %swap3A_60 = arith.constant 0 : index
    %swap3A_61 = vector.load %arg11[%swap3A_59, %swap3A_60] : memref<1000x128xf32, #tpu.memory_space<vmem>>, vector<1000x128xf32>
    tpu.vector_store %arg11[%swap3A_59, %swap3A_60], %concatenate3A {strides = array<i32>} : memref<1000x128xf32, #tpu.memory_space<vmem>>, vector<1000x128xf32>,
    return
  }
  func.func @transform_0(%arg0: i32) -> (i32, i32) {
    %c0_i32 = arith.constant 0 : i32
    %c0_i32_0 = arith.constant 0 : i32
    return %arg0, %c0_i32 : i32, i32
  }
  func.func @transform_1(%arg0: i32) -> (i32, i32) {
    %c0_i32 = arith.constant 0 : i32
    %c0_i32_0 = arith.constant 0 : i32
    return %arg0, %c0_i32 : i32, i32
  }
  func.func @transform_2(%arg0: i32) -> (i32, i32) {
    %c0_i32 = arith.constant 0 : i32
    %c0_i32_0 = arith.constant 0 : i32
    return %arg0, %c0_i32 : i32, i32
  }
  func.func @transform_3(%arg0: i32) -> (i32, i32) {
    %c0_i32 = arith.constant 0 : i32
    %c0_i32_0 = arith.constant 0 : i32
    return %arg0, %c0_i32 : i32, i32
  }
  func.func @transform_4(%arg0: i32) -> (i32, i32) {
    %c0_i32 = arith.constant 0 : i32
    %c0_i32_0 = arith.constant 0 : i32
    return %arg0, %c0_i32 : i32, i32
  }
  func.func @transform_5(%arg0: i32) -> (i32, i32) {
    %c0_i32 = arith.constant 0 : i32
    %c0_i32_0 = arith.constant 0 : i32
    %c0_i32_1 = arith.constant 0 : i32
    return %c0_i32, %c0_i32_0 : i32, i32
  }
  func.func @transform_6(%arg0: i32) -> (i32, i32) {
    %c0_i32 = arith.constant 0 : i32
    %c0_i32_0 = arith.constant 0 : i32
    %c0_i32_1 = arith.constant 0 : i32
    return %c0_i32, %c0_i32_0 : i32, i32
  }
  func.func @transform_7(%arg0: i32) -> (i32, i32) {
    %c0_i32 = arith.constant 0 : i32
    %c0_i32_0 = arith.constant 0 : i32
    %c0_i32_1 = arith.constant 0 : i32
    return %c0_i32, %c0_i32_0 : i32, i32
  }
  func.func @transform_8(%arg0: i32) -> (i32, i32) {
    %c0_i32 = arith.constant 0 : i32
    %c0_i32_0 = arith.constant 0 : i32
    %c0_i32_1 = arith.constant 0 : i32
    return %c0_i32, %c0_i32_0 : i32, i32
  }
  func.func @transform_9(%arg0: i32) -> (i32, i32) {
    %c0_i32 = arith.constant 0 : i32
    %c0_i32_0 = arith.constant 0 : i32
    return %arg0, %c0_i32 : i32, i32
  }
  func.func @transform_10(%arg0: i32) -> (i32, i32) {
    %c0_i32 = arith.constant 0 : i32
    %c0_i32_0 = arith.constant 0 : i32
    return %arg0, %c0_i32 : i32, i32
  }
}

module attributes {stable_mosaic.version = 14 : i64} {
  func.func @_layer_body(%arg0: i32, %arg1: memref<1000x128xf32, #tpu.memory_space<vmem>>, %arg2: memref<1000x128xf32, #tpu.memory_space<vmem>>, %arg3: memref<1000x128xf32, #tpu.memory_space<vmem>>, %arg4: memref<1000x64xf32, #tpu.memory_space<vmem>>, %arg5: memref<1000x1xf32, #tpu.memory_space<vmem>>, %arg6: memref<1x64xf32, #tpu.memory_space<vmem>>, %arg7: memref<1x64xf32, #tpu.memory_space<vmem>>, %arg8: memref<1x64xf32, #tpu.memory_space<vmem>>, %arg9: memref<64x64xf32, #tpu.memory_space<vmem>>, %arg10: memref<1000x64xf32, #tpu.memory_space<vmem>>, %arg11: memref<1000x128xf32, #tpu.memory_space<vmem>>) attributes {dimension_semantics = [#tpu.dimension_semantics<arbitrary>], iteration_bounds = array<i64: 10>, scalar_prefetch = 0 : i64, scratch_operands = 0 : i64, tpu.core_type = #tpu.core_type<tc>, window_params = [{transform_indices = @transform_0, window_bounds = array<i64: 1000, 128>}, {transform_indices = @transform_1, window_bounds = array<i64: 1000, 128>}, {transform_indices = @transform_2, window_bounds = array<i64: 1000, 128>}, {transform_indices = @transform_3, window_bounds = array<i64: 1000, 64>}, {transform_indices = @transform_4, window_bounds = array<i64: 1000, 1>}, {pipeline_mode = #tpu.pipeline_mode<synchronous>, transform_indices = @transform_5, window_bounds = array<i64: 1, 64>}, {pipeline_mode = #tpu.pipeline_mode<synchronous>, transform_indices = @transform_6, window_bounds = array<i64: 1, 64>}, {pipeline_mode = #tpu.pipeline_mode<synchronous>, transform_indices = @transform_7, window_bounds = array<i64: 1, 64>}, {pipeline_mode = #tpu.pipeline_mode<synchronous>, transform_indices = @transform_8, window_bounds = array<i64: 64, 64>}, {transform_indices = @transform_9, window_bounds = array<i64: 1000, 64>}, {transform_indices = @transform_10, window_bounds = array<i64: 1000, 128>}]} {
    %get3A = arith.constant 0 : index
    %get3A_0 = arith.constant 0 : index
    %get3A_1 = vector.load %arg5[%get3A, %get3A_0] : memref<1000x1xf32, #tpu.memory_space<vmem>>, vector<1000x1xf32>
    %get3A_2 = arith.constant 0 : index
    %get3A_3 = arith.constant 0 : index
    %get3A_4 = vector.load %arg1[%get3A_2, %get3A_3] : memref<1000x128xf32, #tpu.memory_space<vmem>>, vector<1000x128xf32>
    %slice3A = vector.extract_strided_slice %get3A_4 {offsets = [0, 0], sizes = [1000, 64], strides = [1, 1]} : vector<1000x128xf32> to vector<1000x64xf32>
    %get3A_5 = arith.constant 0 : index
    %get3A_6 = arith.constant 0 : index
    %get3A_7 = vector.load %arg2[%get3A_5, %get3A_6] : memref<1000x128xf32, #tpu.memory_space<vmem>>, vector<1000x128xf32>
    %slice3A_8 = vector.extract_strided_slice %get3A_7 {offsets = [0, 0], sizes = [1000, 64], strides = [1, 1]} : vector<1000x128xf32> to vector<1000x64xf32>
    %add3A = arith.addf %slice3A, %slice3A_8 : vector<1000x64xf32>
    %get3A_9 = arith.constant 0 : index
    %get3A_10 = arith.constant 0 : index
    %get3A_11 = vector.load %arg3[%get3A_9, %get3A_10] : memref<1000x128xf32, #tpu.memory_space<vmem>>, vector<1000x128xf32>
    %slice3A_12 = vector.extract_strided_slice %get3A_11 {offsets = [0, 0], sizes = [1000, 64], strides = [1, 1]} : vector<1000x128xf32> to vector<1000x64xf32>
    %add3A_13 = arith.addf %add3A, %slice3A_12 : vector<1000x64xf32>
    %mul3A = vector.broadcast %get3A_1 : vector<1000x1xf32> to vector<1000x64xf32>
    %mul3A_14 = arith.mulf %mul3A, %add3A_13 : vector<1000x64xf32>
    %get3A_15 = arith.constant 0 : index
    %get3A_16 = arith.constant 0 : index
    %get3A_17 = vector.load %arg6[%get3A_15, %get3A_16] : memref<1x64xf32, #tpu.memory_space<vmem>>, vector<1x64xf32>
    %add3A_18 = vector.broadcast %get3A_17 : vector<1x64xf32> to vector<1000x64xf32>
    %add3A_19 = arith.addf %mul3A_14, %add3A_18 : vector<1000x64xf32>
    %reduce_sum3A = arith.constant dense<0.000000e+00> : vector<1000xf32>
    %reduce_sum3A_20 = vector.multi_reduction <add>, %add3A_19, %reduce_sum3A [1] : vector<1000x64xf32> to vector<1000xf32>
    %broadcast_in_dim3A = vector.shape_cast %reduce_sum3A_20 : vector<1000xf32> to vector<1000x1xf32>
    %div3A = arith.constant 6.400000e+01 : f32
    %div3A_21 = vector.broadcast %div3A : f32 to vector<1000x1xf32>
    %div3A_22 = arith.divf %broadcast_in_dim3A, %div3A_21 : vector<1000x1xf32>
    %sub3A = vector.broadcast %div3A_22 : vector<1000x1xf32> to vector<1000x64xf32>
    %sub3A_23 = arith.subf %add3A_19, %sub3A : vector<1000x64xf32>
    %integer_pow3A = arith.mulf %sub3A_23, %sub3A_23 : vector<1000x64xf32>
    %reduce_sum3A_24 = arith.constant dense<0.000000e+00> : vector<1000xf32>
    %reduce_sum3A_25 = vector.multi_reduction <add>, %integer_pow3A, %reduce_sum3A_24 [1] : vector<1000x64xf32> to vector<1000xf32>
    %broadcast_in_dim3A_26 = vector.shape_cast %reduce_sum3A_25 : vector<1000xf32> to vector<1000x1xf32>
    %div3A_27 = arith.constant 6.400000e+01 : f32
    %div3A_28 = vector.broadcast %div3A_27 : f32 to vector<1000x1xf32>
    %div3A_29 = arith.divf %broadcast_in_dim3A_26, %div3A_28 : vector<1000x1xf32>
    %sub3A_30 = vector.broadcast %div3A_22 : vector<1000x1xf32> to vector<1000x64xf32>
    %sub3A_31 = arith.subf %add3A_19, %sub3A_30 : vector<1000x64xf32>
    %add3A_32 = arith.constant 9.99999974E-6 : f32
    %add3A_33 = vector.broadcast %add3A_32 : f32 to vector<1000x1xf32>
    %add3A_34 = arith.addf %div3A_29, %add3A_33 : vector<1000x1xf32>
    %rsqrt3A = math.rsqrt %add3A_34 : vector<1000x1xf32>
    %mul3A_35 = vector.broadcast %rsqrt3A : vector<1000x1xf32> to vector<1000x64xf32>
    %mul3A_36 = arith.mulf %sub3A_31, %mul3A_35 : vector<1000x64xf32>
    %get3A_37 = arith.constant 0 : index
    %get3A_38 = arith.constant 0 : index
    %get3A_39 = vector.load %arg7[%get3A_37, %get3A_38] : memref<1x64xf32, #tpu.memory_space<vmem>>, vector<1x64xf32>
    %mul3A_40 = vector.broadcast %get3A_39 : vector<1x64xf32> to vector<1000x64xf32>
    %mul3A_41 = arith.mulf %mul3A_36, %mul3A_40 : vector<1000x64xf32>
    %get3A_42 = arith.constant 0 : index
    %get3A_43 = arith.constant 0 : index
    %get3A_44 = vector.load %arg8[%get3A_42, %get3A_43] : memref<1x64xf32, #tpu.memory_space<vmem>>, vector<1x64xf32>
    %add3A_45 = vector.broadcast %get3A_44 : vector<1x64xf32> to vector<1000x64xf32>
    %add3A_46 = arith.addf %mul3A_41, %add3A_45 : vector<1000x64xf32>
    %max3A = arith.constant 0.000000e+00 : f32
    %max3A_47 = vector.broadcast %max3A : f32 to vector<1000x64xf32>
    %max3A_48 = arith.maximumf %add3A_46, %max3A_47 : vector<1000x64xf32>
    %swap3A = arith.constant 0 : index
    %swap3A_49 = arith.constant 0 : index
    %swap3A_50 = vector.load %arg10[%swap3A, %swap3A_49] : memref<1000x64xf32, #tpu.memory_space<vmem>>, vector<1000x64xf32>
    tpu.vector_store %arg10[%swap3A, %swap3A_49], %max3A_48 {strides = array<i32>} : memref<1000x64xf32, #tpu.memory_space<vmem>>, vector<1000x64xf32>,
    %get3A_51 = arith.constant 0 : index
    %get3A_52 = arith.constant 0 : index
    %get3A_53 = vector.load %arg9[%get3A_51, %get3A_52] : memref<64x64xf32, #tpu.memory_space<vmem>>, vector<64x64xf32>
    %dot_general3A = arith.constant dense<0.000000e+00> : vector<1000x64xf32>
    %dot_general3A_54 = tpu.matmul %max3A_48, %get3A_53, %dot_general3A {dimension_numbers = #tpu.dot_dimension_numbers<[1], [0], [0], [1], [0, 0, 1, 1], [], []>, precision = #tpu.contract_precision<fp32>, transpose_lhs_hint = false} : vector<1000x64xf32>, vector<64x64xf32>, vector<1000x64xf32> -> vector<1000x64xf32>
    %mul3A_55 = vector.broadcast %get3A_1 : vector<1000x1xf32> to vector<1000x64xf32>
    %mul3A_56 = arith.mulf %dot_general3A_54, %mul3A_55 : vector<1000x64xf32>
    %broadcast_in_dim3A_57 = arith.constant 0.000000e+00 : f32
    %broadcast_in_dim3A_58 = vector.broadcast %broadcast_in_dim3A_57 : f32 to vector<1000x64xf32>
    %concatenate3A = tpu.concatenate %mul3A_56, %broadcast_in_dim3A_58 in 1 : vector<1000x64xf32>, vector<1000x64xf32> -> vector<1000x128xf32>
    %swap3A_59 = arith.constant 0 : index
    %swap3A_60 = arith.constant 0 : index
    %swap3A_61 = vector.load %arg11[%swap3A_59, %swap3A_60] : memref<1000x128xf32, #tpu.memory_space<vmem>>, vector<1000x128xf32>
    tpu.vector_store %arg11[%swap3A_59, %swap3A_60], %concatenate3A {strides = array<i32>} : memref<1000x128xf32, #tpu.memory_space<vmem>>, vector<1000x128xf32>,
    return
  }
  func.func @transform_0(%arg0: i32) -> (i32, i32) {
    %c0_i32 = arith.constant 0 : i32
    %c0_i32_0 = arith.constant 0 : i32
    return %arg0, %c0_i32 : i32, i32
  }
  func.func @transform_1(%arg0: i32) -> (i32, i32) {
    %c0_i32 = arith.constant 0 : i32
    %c0_i32_0 = arith.constant 0 : i32
    return %arg0, %c0_i32 : i32, i32
  }
  func.func @transform_2(%arg0: i32) -> (i32, i32) {
    %c0_i32 = arith.constant 0 : i32
    %c0_i32_0 = arith.constant 0 : i32
    return %arg0, %c0_i32 : i32, i32
  }
  func.func @transform_3(%arg0: i32) -> (i32, i32) {
    %c0_i32 = arith.constant 0 : i32
    %c0_i32_0 = arith.constant 0 : i32
    return %arg0, %c0_i32 : i32, i32
  }
  func.func @transform_4(%arg0: i32) -> (i32, i32) {
    %c0_i32 = arith.constant 0 : i32
    %c0_i32_0 = arith.constant 0 : i32
    return %arg0, %c0_i32 : i32, i32
  }
  func.func @transform_5(%arg0: i32) -> (i32, i32) {
    %c0_i32 = arith.constant 0 : i32
    %c0_i32_0 = arith.constant 0 : i32
    %c0_i32_1 = arith.constant 0 : i32
    return %c0_i32, %c0_i32_0 : i32, i32
  }
  func.func @transform_6(%arg0: i32) -> (i32, i32) {
    %c0_i32 = arith.constant 0 : i32
    %c0_i32_0 = arith.constant 0 : i32
    %c0_i32_1 = arith.constant 0 : i32
    return %c0_i32, %c0_i32_0 : i32, i32
  }
  func.func @transform_7(%arg0: i32) -> (i32, i32) {
    %c0_i32 = arith.constant 0 : i32
    %c0_i32_0 = arith.constant 0 : i32
    %c0_i32_1 = arith.constant 0 : i32
    return %c0_i32, %c0_i32_0 : i32, i32
  }
  func.func @transform_8(%arg0: i32) -> (i32, i32) {
    %c0_i32 = arith.constant 0 : i32
    %c0_i32_0 = arith.constant 0 : i32
    %c0_i32_1 = arith.constant 0 : i32
    return %c0_i32, %c0_i32_0 : i32, i32
  }
  func.func @transform_9(%arg0: i32) -> (i32, i32) {
    %c0_i32 = arith.constant 0 : i32
    %c0_i32_0 = arith.constant 0 : i32
    return %arg0, %c0_i32 : i32, i32
  }
  func.func @transform_10(%arg0: i32) -> (i32, i32) {
    %c0_i32 = arith.constant 0 : i32
    %c0_i32_0 = arith.constant 0 : i32
    return %arg0, %c0_i32 : i32, i32
  }
}

module attributes {stable_mosaic.version = 14 : i64} {
  func.func @_layer_body(%arg0: i32, %arg1: memref<1000x128xf32, #tpu.memory_space<vmem>>, %arg2: memref<1000x128xf32, #tpu.memory_space<vmem>>, %arg3: memref<1000x128xf32, #tpu.memory_space<vmem>>, %arg4: memref<1000x64xf32, #tpu.memory_space<vmem>>, %arg5: memref<1000x1xf32, #tpu.memory_space<vmem>>, %arg6: memref<1x64xf32, #tpu.memory_space<vmem>>, %arg7: memref<1x64xf32, #tpu.memory_space<vmem>>, %arg8: memref<1x64xf32, #tpu.memory_space<vmem>>, %arg9: memref<64x64xf32, #tpu.memory_space<vmem>>, %arg10: memref<1000x64xf32, #tpu.memory_space<vmem>>, %arg11: memref<1000x128xf32, #tpu.memory_space<vmem>>) attributes {dimension_semantics = [#tpu.dimension_semantics<arbitrary>], iteration_bounds = array<i64: 10>, scalar_prefetch = 0 : i64, scratch_operands = 0 : i64, tpu.core_type = #tpu.core_type<tc>, window_params = [{transform_indices = @transform_0, window_bounds = array<i64: 1000, 128>}, {transform_indices = @transform_1, window_bounds = array<i64: 1000, 128>}, {transform_indices = @transform_2, window_bounds = array<i64: 1000, 128>}, {transform_indices = @transform_3, window_bounds = array<i64: 1000, 64>}, {transform_indices = @transform_4, window_bounds = array<i64: 1000, 1>}, {pipeline_mode = #tpu.pipeline_mode<synchronous>, transform_indices = @transform_5, window_bounds = array<i64: 1, 64>}, {pipeline_mode = #tpu.pipeline_mode<synchronous>, transform_indices = @transform_6, window_bounds = array<i64: 1, 64>}, {pipeline_mode = #tpu.pipeline_mode<synchronous>, transform_indices = @transform_7, window_bounds = array<i64: 1, 64>}, {pipeline_mode = #tpu.pipeline_mode<synchronous>, transform_indices = @transform_8, window_bounds = array<i64: 64, 64>}, {transform_indices = @transform_9, window_bounds = array<i64: 1000, 64>}, {transform_indices = @transform_10, window_bounds = array<i64: 1000, 128>}]} {
    %get3A = arith.constant 0 : index
    %get3A_0 = arith.constant 0 : index
    %get3A_1 = vector.load %arg5[%get3A, %get3A_0] : memref<1000x1xf32, #tpu.memory_space<vmem>>, vector<1000x1xf32>
    %get3A_2 = arith.constant 0 : index
    %get3A_3 = arith.constant 0 : index
    %get3A_4 = vector.load %arg1[%get3A_2, %get3A_3] : memref<1000x128xf32, #tpu.memory_space<vmem>>, vector<1000x128xf32>
    %slice3A = vector.extract_strided_slice %get3A_4 {offsets = [0, 0], sizes = [1000, 64], strides = [1, 1]} : vector<1000x128xf32> to vector<1000x64xf32>
    %get3A_5 = arith.constant 0 : index
    %get3A_6 = arith.constant 0 : index
    %get3A_7 = vector.load %arg2[%get3A_5, %get3A_6] : memref<1000x128xf32, #tpu.memory_space<vmem>>, vector<1000x128xf32>
    %slice3A_8 = vector.extract_strided_slice %get3A_7 {offsets = [0, 0], sizes = [1000, 64], strides = [1, 1]} : vector<1000x128xf32> to vector<1000x64xf32>
    %add3A = arith.addf %slice3A, %slice3A_8 : vector<1000x64xf32>
    %get3A_9 = arith.constant 0 : index
    %get3A_10 = arith.constant 0 : index
    %get3A_11 = vector.load %arg3[%get3A_9, %get3A_10] : memref<1000x128xf32, #tpu.memory_space<vmem>>, vector<1000x128xf32>
    %slice3A_12 = vector.extract_strided_slice %get3A_11 {offsets = [0, 0], sizes = [1000, 64], strides = [1, 1]} : vector<1000x128xf32> to vector<1000x64xf32>
    %add3A_13 = arith.addf %add3A, %slice3A_12 : vector<1000x64xf32>
    %mul3A = vector.broadcast %get3A_1 : vector<1000x1xf32> to vector<1000x64xf32>
    %mul3A_14 = arith.mulf %mul3A, %add3A_13 : vector<1000x64xf32>
    %get3A_15 = arith.constant 0 : index
    %get3A_16 = arith.constant 0 : index
    %get3A_17 = vector.load %arg6[%get3A_15, %get3A_16] : memref<1x64xf32, #tpu.memory_space<vmem>>, vector<1x64xf32>
    %add3A_18 = vector.broadcast %get3A_17 : vector<1x64xf32> to vector<1000x64xf32>
    %add3A_19 = arith.addf %mul3A_14, %add3A_18 : vector<1000x64xf32>
    %reduce_sum3A = arith.constant dense<0.000000e+00> : vector<1000xf32>
    %reduce_sum3A_20 = vector.multi_reduction <add>, %add3A_19, %reduce_sum3A [1] : vector<1000x64xf32> to vector<1000xf32>
    %broadcast_in_dim3A = vector.shape_cast %reduce_sum3A_20 : vector<1000xf32> to vector<1000x1xf32>
    %div3A = arith.constant 6.400000e+01 : f32
    %div3A_21 = vector.broadcast %div3A : f32 to vector<1000x1xf32>
    %div3A_22 = arith.divf %broadcast_in_dim3A, %div3A_21 : vector<1000x1xf32>
    %sub3A = vector.broadcast %div3A_22 : vector<1000x1xf32> to vector<1000x64xf32>
    %sub3A_23 = arith.subf %add3A_19, %sub3A : vector<1000x64xf32>
    %integer_pow3A = arith.mulf %sub3A_23, %sub3A_23 : vector<1000x64xf32>
    %reduce_sum3A_24 = arith.constant dense<0.000000e+00> : vector<1000xf32>
    %reduce_sum3A_25 = vector.multi_reduction <add>, %integer_pow3A, %reduce_sum3A_24 [1] : vector<1000x64xf32> to vector<1000xf32>
    %broadcast_in_dim3A_26 = vector.shape_cast %reduce_sum3A_25 : vector<1000xf32> to vector<1000x1xf32>
    %div3A_27 = arith.constant 6.400000e+01 : f32
    %div3A_28 = vector.broadcast %div3A_27 : f32 to vector<1000x1xf32>
    %div3A_29 = arith.divf %broadcast_in_dim3A_26, %div3A_28 : vector<1000x1xf32>
    %sub3A_30 = vector.broadcast %div3A_22 : vector<1000x1xf32> to vector<1000x64xf32>
    %sub3A_31 = arith.subf %add3A_19, %sub3A_30 : vector<1000x64xf32>
    %add3A_32 = arith.constant 9.99999974E-6 : f32
    %add3A_33 = vector.broadcast %add3A_32 : f32 to vector<1000x1xf32>
    %add3A_34 = arith.addf %div3A_29, %add3A_33 : vector<1000x1xf32>
    %rsqrt3A = math.rsqrt %add3A_34 : vector<1000x1xf32>
    %mul3A_35 = vector.broadcast %rsqrt3A : vector<1000x1xf32> to vector<1000x64xf32>
    %mul3A_36 = arith.mulf %sub3A_31, %mul3A_35 : vector<1000x64xf32>
    %get3A_37 = arith.constant 0 : index
    %get3A_38 = arith.constant 0 : index
    %get3A_39 = vector.load %arg7[%get3A_37, %get3A_38] : memref<1x64xf32, #tpu.memory_space<vmem>>, vector<1x64xf32>
    %mul3A_40 = vector.broadcast %get3A_39 : vector<1x64xf32> to vector<1000x64xf32>
    %mul3A_41 = arith.mulf %mul3A_36, %mul3A_40 : vector<1000x64xf32>
    %get3A_42 = arith.constant 0 : index
    %get3A_43 = arith.constant 0 : index
    %get3A_44 = vector.load %arg8[%get3A_42, %get3A_43] : memref<1x64xf32, #tpu.memory_space<vmem>>, vector<1x64xf32>
    %add3A_45 = vector.broadcast %get3A_44 : vector<1x64xf32> to vector<1000x64xf32>
    %add3A_46 = arith.addf %mul3A_41, %add3A_45 : vector<1000x64xf32>
    %max3A = arith.constant 0.000000e+00 : f32
    %max3A_47 = vector.broadcast %max3A : f32 to vector<1000x64xf32>
    %max3A_48 = arith.maximumf %add3A_46, %max3A_47 : vector<1000x64xf32>
    %get3A_49 = arith.constant 0 : index
    %get3A_50 = arith.constant 0 : index
    %get3A_51 = vector.load %arg4[%get3A_49, %get3A_50] : memref<1000x64xf32, #tpu.memory_space<vmem>>, vector<1000x64xf32>
    %add3A_52 = arith.addf %max3A_48, %get3A_51 : vector<1000x64xf32>
    %swap3A = arith.constant 0 : index
    %swap3A_53 = arith.constant 0 : index
    %swap3A_54 = vector.load %arg10[%swap3A, %swap3A_53] : memref<1000x64xf32, #tpu.memory_space<vmem>>, vector<1000x64xf32>
    tpu.vector_store %arg10[%swap3A, %swap3A_53], %add3A_52 {strides = array<i32>} : memref<1000x64xf32, #tpu.memory_space<vmem>>, vector<1000x64xf32>,
    %get3A_55 = arith.constant 0 : index
    %get3A_56 = arith.constant 0 : index
    %get3A_57 = vector.load %arg9[%get3A_55, %get3A_56] : memref<64x64xf32, #tpu.memory_space<vmem>>, vector<64x64xf32>
    %dot_general3A = arith.constant dense<0.000000e+00> : vector<1000x64xf32>
    %dot_general3A_58 = tpu.matmul %add3A_52, %get3A_57, %dot_general3A {dimension_numbers = #tpu.dot_dimension_numbers<[1], [0], [0], [1], [0, 0, 1, 1], [], []>, precision = #tpu.contract_precision<fp32>, transpose_lhs_hint = false} : vector<1000x64xf32>, vector<64x64xf32>, vector<1000x64xf32> -> vector<1000x64xf32>
    %mul3A_59 = vector.broadcast %get3A_1 : vector<1000x1xf32> to vector<1000x64xf32>
    %mul3A_60 = arith.mulf %dot_general3A_58, %mul3A_59 : vector<1000x64xf32>
    %broadcast_in_dim3A_61 = arith.constant 0.000000e+00 : f32
    %broadcast_in_dim3A_62 = vector.broadcast %broadcast_in_dim3A_61 : f32 to vector<1000x64xf32>
    %concatenate3A = tpu.concatenate %mul3A_60, %broadcast_in_dim3A_62 in 1 : vector<1000x64xf32>, vector<1000x64xf32> -> vector<1000x128xf32>
    %swap3A_63 = arith.constant 0 : index
    %swap3A_64 = arith.constant 0 : index
    %swap3A_65 = vector.load %arg11[%swap3A_63, %swap3A_64] : memref<1000x128xf32, #tpu.memory_space<vmem>>, vector<1000x128xf32>
    tpu.vector_store %arg11[%swap3A_63, %swap3A_64], %concatenate3A {strides = array<i32>} : memref<1000x128xf32, #tpu.memory_space<vmem>>, vector<1000x128xf32>,
    return
  }
  func.func @transform_0(%arg0: i32) -> (i32, i32) {
    %c0_i32 = arith.constant 0 : i32
    %c0_i32_0 = arith.constant 0 : i32
    return %arg0, %c0_i32 : i32, i32
  }
  func.func @transform_1(%arg0: i32) -> (i32, i32) {
    %c0_i32 = arith.constant 0 : i32
    %c0_i32_0 = arith.constant 0 : i32
    return %arg0, %c0_i32 : i32, i32
  }
  func.func @transform_2(%arg0: i32) -> (i32, i32) {
    %c0_i32 = arith.constant 0 : i32
    %c0_i32_0 = arith.constant 0 : i32
    return %arg0, %c0_i32 : i32, i32
  }
  func.func @transform_3(%arg0: i32) -> (i32, i32) {
    %c0_i32 = arith.constant 0 : i32
    %c0_i32_0 = arith.constant 0 : i32
    return %arg0, %c0_i32 : i32, i32
  }
  func.func @transform_4(%arg0: i32) -> (i32, i32) {
    %c0_i32 = arith.constant 0 : i32
    %c0_i32_0 = arith.constant 0 : i32
    return %arg0, %c0_i32 : i32, i32
  }
  func.func @transform_5(%arg0: i32) -> (i32, i32) {
    %c0_i32 = arith.constant 0 : i32
    %c0_i32_0 = arith.constant 0 : i32
    %c0_i32_1 = arith.constant 0 : i32
    return %c0_i32, %c0_i32_0 : i32, i32
  }
  func.func @transform_6(%arg0: i32) -> (i32, i32) {
    %c0_i32 = arith.constant 0 : i32
    %c0_i32_0 = arith.constant 0 : i32
    %c0_i32_1 = arith.constant 0 : i32
    return %c0_i32, %c0_i32_0 : i32, i32
  }
  func.func @transform_7(%arg0: i32) -> (i32, i32) {
    %c0_i32 = arith.constant 0 : i32
    %c0_i32_0 = arith.constant 0 : i32
    %c0_i32_1 = arith.constant 0 : i32
    return %c0_i32, %c0_i32_0 : i32, i32
  }
  func.func @transform_8(%arg0: i32) -> (i32, i32) {
    %c0_i32 = arith.constant 0 : i32
    %c0_i32_0 = arith.constant 0 : i32
    %c0_i32_1 = arith.constant 0 : i32
    return %c0_i32, %c0_i32_0 : i32, i32
  }
  func.func @transform_9(%arg0: i32) -> (i32, i32) {
    %c0_i32 = arith.constant 0 : i32
    %c0_i32_0 = arith.constant 0 : i32
    return %arg0, %c0_i32 : i32, i32
  }
  func.func @transform_10(%arg0: i32) -> (i32, i32) {
    %c0_i32 = arith.constant 0 : i32
    %c0_i32_0 = arith.constant 0 : i32
    return %arg0, %c0_i32 : i32, i32
  }
}

module attributes {stable_mosaic.version = 14 : i64} {
  func.func @_layer_body(%arg0: i32, %arg1: memref<1000x128xf32, #tpu.memory_space<vmem>>, %arg2: memref<1000x128xf32, #tpu.memory_space<vmem>>, %arg3: memref<1000x128xf32, #tpu.memory_space<vmem>>, %arg4: memref<1000x64xf32, #tpu.memory_space<vmem>>, %arg5: memref<1000x1xf32, #tpu.memory_space<vmem>>, %arg6: memref<1x64xf32, #tpu.memory_space<vmem>>, %arg7: memref<1x64xf32, #tpu.memory_space<vmem>>, %arg8: memref<1x64xf32, #tpu.memory_space<vmem>>, %arg9: memref<64x64xf32, #tpu.memory_space<vmem>>, %arg10: memref<1000x64xf32, #tpu.memory_space<vmem>>, %arg11: memref<1000x128xf32, #tpu.memory_space<vmem>>) attributes {dimension_semantics = [#tpu.dimension_semantics<arbitrary>], iteration_bounds = array<i64: 10>, scalar_prefetch = 0 : i64, scratch_operands = 0 : i64, tpu.core_type = #tpu.core_type<tc>, window_params = [{transform_indices = @transform_0, window_bounds = array<i64: 1000, 128>}, {transform_indices = @transform_1, window_bounds = array<i64: 1000, 128>}, {transform_indices = @transform_2, window_bounds = array<i64: 1000, 128>}, {transform_indices = @transform_3, window_bounds = array<i64: 1000, 64>}, {transform_indices = @transform_4, window_bounds = array<i64: 1000, 1>}, {pipeline_mode = #tpu.pipeline_mode<synchronous>, transform_indices = @transform_5, window_bounds = array<i64: 1, 64>}, {pipeline_mode = #tpu.pipeline_mode<synchronous>, transform_indices = @transform_6, window_bounds = array<i64: 1, 64>}, {pipeline_mode = #tpu.pipeline_mode<synchronous>, transform_indices = @transform_7, window_bounds = array<i64: 1, 64>}, {pipeline_mode = #tpu.pipeline_mode<synchronous>, transform_indices = @transform_8, window_bounds = array<i64: 64, 64>}, {transform_indices = @transform_9, window_bounds = array<i64: 1000, 64>}, {transform_indices = @transform_10, window_bounds = array<i64: 1000, 128>}]} {
    %get3A = arith.constant 0 : index
    %get3A_0 = arith.constant 0 : index
    %get3A_1 = vector.load %arg5[%get3A, %get3A_0] : memref<1000x1xf32, #tpu.memory_space<vmem>>, vector<1000x1xf32>
    %get3A_2 = arith.constant 0 : index
    %get3A_3 = arith.constant 0 : index
    %get3A_4 = vector.load %arg1[%get3A_2, %get3A_3] : memref<1000x128xf32, #tpu.memory_space<vmem>>, vector<1000x128xf32>
    %slice3A = vector.extract_strided_slice %get3A_4 {offsets = [0, 0], sizes = [1000, 64], strides = [1, 1]} : vector<1000x128xf32> to vector<1000x64xf32>
    %get3A_5 = arith.constant 0 : index
    %get3A_6 = arith.constant 0 : index
    %get3A_7 = vector.load %arg2[%get3A_5, %get3A_6] : memref<1000x128xf32, #tpu.memory_space<vmem>>, vector<1000x128xf32>
    %slice3A_8 = vector.extract_strided_slice %get3A_7 {offsets = [0, 0], sizes = [1000, 64], strides = [1, 1]} : vector<1000x128xf32> to vector<1000x64xf32>
    %add3A = arith.addf %slice3A, %slice3A_8 : vector<1000x64xf32>
    %get3A_9 = arith.constant 0 : index
    %get3A_10 = arith.constant 0 : index
    %get3A_11 = vector.load %arg3[%get3A_9, %get3A_10] : memref<1000x128xf32, #tpu.memory_space<vmem>>, vector<1000x128xf32>
    %slice3A_12 = vector.extract_strided_slice %get3A_11 {offsets = [0, 0], sizes = [1000, 64], strides = [1, 1]} : vector<1000x128xf32> to vector<1000x64xf32>
    %add3A_13 = arith.addf %add3A, %slice3A_12 : vector<1000x64xf32>
    %mul3A = vector.broadcast %get3A_1 : vector<1000x1xf32> to vector<1000x64xf32>
    %mul3A_14 = arith.mulf %mul3A, %add3A_13 : vector<1000x64xf32>
    %get3A_15 = arith.constant 0 : index
    %get3A_16 = arith.constant 0 : index
    %get3A_17 = vector.load %arg6[%get3A_15, %get3A_16] : memref<1x64xf32, #tpu.memory_space<vmem>>, vector<1x64xf32>
    %add3A_18 = vector.broadcast %get3A_17 : vector<1x64xf32> to vector<1000x64xf32>
    %add3A_19 = arith.addf %mul3A_14, %add3A_18 : vector<1000x64xf32>
    %reduce_sum3A = arith.constant dense<0.000000e+00> : vector<1000xf32>
    %reduce_sum3A_20 = vector.multi_reduction <add>, %add3A_19, %reduce_sum3A [1] : vector<1000x64xf32> to vector<1000xf32>
    %broadcast_in_dim3A = vector.shape_cast %reduce_sum3A_20 : vector<1000xf32> to vector<1000x1xf32>
    %div3A = arith.constant 6.400000e+01 : f32
    %div3A_21 = vector.broadcast %div3A : f32 to vector<1000x1xf32>
    %div3A_22 = arith.divf %broadcast_in_dim3A, %div3A_21 : vector<1000x1xf32>
    %sub3A = vector.broadcast %div3A_22 : vector<1000x1xf32> to vector<1000x64xf32>
    %sub3A_23 = arith.subf %add3A_19, %sub3A : vector<1000x64xf32>
    %integer_pow3A = arith.mulf %sub3A_23, %sub3A_23 : vector<1000x64xf32>
    %reduce_sum3A_24 = arith.constant dense<0.000000e+00> : vector<1000xf32>
    %reduce_sum3A_25 = vector.multi_reduction <add>, %integer_pow3A, %reduce_sum3A_24 [1] : vector<1000x64xf32> to vector<1000xf32>
    %broadcast_in_dim3A_26 = vector.shape_cast %reduce_sum3A_25 : vector<1000xf32> to vector<1000x1xf32>
    %div3A_27 = arith.constant 6.400000e+01 : f32
    %div3A_28 = vector.broadcast %div3A_27 : f32 to vector<1000x1xf32>
    %div3A_29 = arith.divf %broadcast_in_dim3A_26, %div3A_28 : vector<1000x1xf32>
    %sub3A_30 = vector.broadcast %div3A_22 : vector<1000x1xf32> to vector<1000x64xf32>
    %sub3A_31 = arith.subf %add3A_19, %sub3A_30 : vector<1000x64xf32>
    %add3A_32 = arith.constant 9.99999974E-6 : f32
    %add3A_33 = vector.broadcast %add3A_32 : f32 to vector<1000x1xf32>
    %add3A_34 = arith.addf %div3A_29, %add3A_33 : vector<1000x1xf32>
    %rsqrt3A = math.rsqrt %add3A_34 : vector<1000x1xf32>
    %mul3A_35 = vector.broadcast %rsqrt3A : vector<1000x1xf32> to vector<1000x64xf32>
    %mul3A_36 = arith.mulf %sub3A_31, %mul3A_35 : vector<1000x64xf32>
    %get3A_37 = arith.constant 0 : index
    %get3A_38 = arith.constant 0 : index
    %get3A_39 = vector.load %arg7[%get3A_37, %get3A_38] : memref<1x64xf32, #tpu.memory_space<vmem>>, vector<1x64xf32>
    %mul3A_40 = vector.broadcast %get3A_39 : vector<1x64xf32> to vector<1000x64xf32>
    %mul3A_41 = arith.mulf %mul3A_36, %mul3A_40 : vector<1000x64xf32>
    %get3A_42 = arith.constant 0 : index
    %get3A_43 = arith.constant 0 : index
    %get3A_44 = vector.load %arg8[%get3A_42, %get3A_43] : memref<1x64xf32, #tpu.memory_space<vmem>>, vector<1x64xf32>
    %add3A_45 = vector.broadcast %get3A_44 : vector<1x64xf32> to vector<1000x64xf32>
    %add3A_46 = arith.addf %mul3A_41, %add3A_45 : vector<1000x64xf32>
    %max3A = arith.constant 0.000000e+00 : f32
    %max3A_47 = vector.broadcast %max3A : f32 to vector<1000x64xf32>
    %max3A_48 = arith.maximumf %add3A_46, %max3A_47 : vector<1000x64xf32>
    %swap3A = arith.constant 0 : index
    %swap3A_49 = arith.constant 0 : index
    %swap3A_50 = vector.load %arg10[%swap3A, %swap3A_49] : memref<1000x64xf32, #tpu.memory_space<vmem>>, vector<1000x64xf32>
    tpu.vector_store %arg10[%swap3A, %swap3A_49], %max3A_48 {strides = array<i32>} : memref<1000x64xf32, #tpu.memory_space<vmem>>, vector<1000x64xf32>,
    %get3A_51 = arith.constant 0 : index
    %get3A_52 = arith.constant 0 : index
    %get3A_53 = vector.load %arg9[%get3A_51, %get3A_52] : memref<64x64xf32, #tpu.memory_space<vmem>>, vector<64x64xf32>
    %dot_general3A = arith.constant dense<0.000000e+00> : vector<1000x64xf32>
    %dot_general3A_54 = tpu.matmul %max3A_48, %get3A_53, %dot_general3A {dimension_numbers = #tpu.dot_dimension_numbers<[1], [0], [0], [1], [0, 0, 1, 1], [], []>, precision = #tpu.contract_precision<fp32>, transpose_lhs_hint = false} : vector<1000x64xf32>, vector<64x64xf32>, vector<1000x64xf32> -> vector<1000x64xf32>
    %mul3A_55 = vector.broadcast %get3A_1 : vector<1000x1xf32> to vector<1000x64xf32>
    %mul3A_56 = arith.mulf %dot_general3A_54, %mul3A_55 : vector<1000x64xf32>
    %broadcast_in_dim3A_57 = arith.constant 0.000000e+00 : f32
    %broadcast_in_dim3A_58 = vector.broadcast %broadcast_in_dim3A_57 : f32 to vector<1000x64xf32>
    %concatenate3A = tpu.concatenate %mul3A_56, %broadcast_in_dim3A_58 in 1 : vector<1000x64xf32>, vector<1000x64xf32> -> vector<1000x128xf32>
    %swap3A_59 = arith.constant 0 : index
    %swap3A_60 = arith.constant 0 : index
    %swap3A_61 = vector.load %arg11[%swap3A_59, %swap3A_60] : memref<1000x128xf32, #tpu.memory_space<vmem>>, vector<1000x128xf32>
    tpu.vector_store %arg11[%swap3A_59, %swap3A_60], %concatenate3A {strides = array<i32>} : memref<1000x128xf32, #tpu.memory_space<vmem>>, vector<1000x128xf32>,
    return
  }
  func.func @transform_0(%arg0: i32) -> (i32, i32) {
    %c0_i32 = arith.constant 0 : i32
    %c0_i32_0 = arith.constant 0 : i32
    return %arg0, %c0_i32 : i32, i32
  }
  func.func @transform_1(%arg0: i32) -> (i32, i32) {
    %c0_i32 = arith.constant 0 : i32
    %c0_i32_0 = arith.constant 0 : i32
    return %arg0, %c0_i32 : i32, i32
  }
  func.func @transform_2(%arg0: i32) -> (i32, i32) {
    %c0_i32 = arith.constant 0 : i32
    %c0_i32_0 = arith.constant 0 : i32
    return %arg0, %c0_i32 : i32, i32
  }
  func.func @transform_3(%arg0: i32) -> (i32, i32) {
    %c0_i32 = arith.constant 0 : i32
    %c0_i32_0 = arith.constant 0 : i32
    return %arg0, %c0_i32 : i32, i32
  }
  func.func @transform_4(%arg0: i32) -> (i32, i32) {
    %c0_i32 = arith.constant 0 : i32
    %c0_i32_0 = arith.constant 0 : i32
    return %arg0, %c0_i32 : i32, i32
  }
  func.func @transform_5(%arg0: i32) -> (i32, i32) {
    %c0_i32 = arith.constant 0 : i32
    %c0_i32_0 = arith.constant 0 : i32
    %c0_i32_1 = arith.constant 0 : i32
    return %c0_i32, %c0_i32_0 : i32, i32
  }
  func.func @transform_6(%arg0: i32) -> (i32, i32) {
    %c0_i32 = arith.constant 0 : i32
    %c0_i32_0 = arith.constant 0 : i32
    %c0_i32_1 = arith.constant 0 : i32
    return %c0_i32, %c0_i32_0 : i32, i32
  }
  func.func @transform_7(%arg0: i32) -> (i32, i32) {
    %c0_i32 = arith.constant 0 : i32
    %c0_i32_0 = arith.constant 0 : i32
    %c0_i32_1 = arith.constant 0 : i32
    return %c0_i32, %c0_i32_0 : i32, i32
  }
  func.func @transform_8(%arg0: i32) -> (i32, i32) {
    %c0_i32 = arith.constant 0 : i32
    %c0_i32_0 = arith.constant 0 : i32
    %c0_i32_1 = arith.constant 0 : i32
    return %c0_i32, %c0_i32_0 : i32, i32
  }
  func.func @transform_9(%arg0: i32) -> (i32, i32) {
    %c0_i32 = arith.constant 0 : i32
    %c0_i32_0 = arith.constant 0 : i32
    return %arg0, %c0_i32 : i32, i32
  }
  func.func @transform_10(%arg0: i32) -> (i32, i32) {
    %c0_i32 = arith.constant 0 : i32
    %c0_i32_0 = arith.constant 0 : i32
    return %arg0, %c0_i32 : i32, i32
  }
}

module attributes {stable_mosaic.version = 14 : i64} {
  func.func @_pool_body(%arg0: i32, %arg1: memref<1000x64xf32, #tpu.memory_space<vmem>>, %arg2: memref<1000x1xi32, #tpu.memory_space<vmem>>, %arg3: memref<64x64xf32, #tpu.memory_space<vmem>>, %arg4: memref<1x64xf32, #tpu.memory_space<vmem>>, %arg5: memref<64x1xf32, #tpu.memory_space<vmem>>, %arg6: memref<1x1xf32, #tpu.memory_space<vmem>>, %arg7: memref<64x1xf32, #tpu.memory_space<vmem>>, %arg8: memref<64x64xf32, #tpu.memory_space<vmem>>, %arg9: memref<64x1xf32, #tpu.memory_space<vmem>>) attributes {dimension_semantics = [#tpu.dimension_semantics<arbitrary>], iteration_bounds = array<i64: 10>, scalar_prefetch = 0 : i64, scratch_operands = 2 : i64, tpu.core_type = #tpu.core_type<tc>, window_params = [{transform_indices = @transform_0, window_bounds = array<i64: 1000, 64>}, {transform_indices = @transform_1, window_bounds = array<i64: 1000, 1>}, {pipeline_mode = #tpu.pipeline_mode<synchronous>, transform_indices = @transform_2, window_bounds = array<i64: 64, 64>}, {pipeline_mode = #tpu.pipeline_mode<synchronous>, transform_indices = @transform_3, window_bounds = array<i64: 1, 64>}, {pipeline_mode = #tpu.pipeline_mode<synchronous>, transform_indices = @transform_4, window_bounds = array<i64: 64, 1>}, {pipeline_mode = #tpu.pipeline_mode<synchronous>, transform_indices = @transform_5, window_bounds = array<i64: 1, 1>}, {pipeline_mode = #tpu.pipeline_mode<synchronous>, transform_indices = @transform_6, window_bounds = array<i64: 64, 1>}]} {
    %eq3A = arith.constant 0 : i32
    %eq3A_0 = arith.cmpi eq, %arg0, %eq3A : i32
    %convert_element_type3A = arith.extui %eq3A_0 : i1 to i32
    %cond3A = arith.constant 0 : i32
    %cond3A_1 = arith.cmpi ne, %convert_element_type3A, %cond3A : i32
    scf.if %cond3A_1 {
      %broadcast_in_dim3A_33 = arith.constant 0.000000e+00 : f32
      %broadcast_in_dim3A_34 = vector.broadcast %broadcast_in_dim3A_33 : f32 to vector<64x64xf32>
      %swap3A_35 = arith.constant 0 : index
      %swap3A_36 = arith.constant 0 : index
      %swap3A_37 = vector.load %arg8[%swap3A_35, %swap3A_36] : memref<64x64xf32, #tpu.memory_space<vmem>>, vector<64x64xf32>
      tpu.vector_store %arg8[%swap3A_35, %swap3A_36], %broadcast_in_dim3A_34 {strides = array<i32>} : memref<64x64xf32, #tpu.memory_space<vmem>>, vector<64x64xf32>,
      %broadcast_in_dim3A_38 = arith.constant 0.000000e+00 : f32
      %broadcast_in_dim3A_39 = vector.broadcast %broadcast_in_dim3A_38 : f32 to vector<64x1xf32>
      %swap3A_40 = arith.constant 0 : index
      %swap3A_41 = arith.constant 0 : index
      %swap3A_42 = vector.load %arg9[%swap3A_40, %swap3A_41] : memref<64x1xf32, #tpu.memory_space<vmem>>, vector<64x1xf32>
      tpu.vector_store %arg9[%swap3A_40, %swap3A_41], %broadcast_in_dim3A_39 {strides = array<i32>} : memref<64x1xf32, #tpu.memory_space<vmem>>, vector<64x1xf32>,
    } else {
    }
    %iota3A = tpu.iota {dimensions = array<i32: 1>} : vector<1x64xi32>
    %get3A = arith.constant 0 : index
    %get3A_2 = arith.constant 0 : index
    %get3A_3 = vector.load %arg2[%get3A, %get3A_2] : memref<1000x1xi32, #tpu.memory_space<vmem>>, vector<1000x1xi32>
    %eq3A_4 = vector.broadcast %get3A_3 : vector<1000x1xi32> to vector<1000x64xi32>
    %eq3A_5 = vector.broadcast %iota3A : vector<1x64xi32> to vector<1000x64xi32>
    %eq3A_6 = arith.cmpi eq, %eq3A_4, %eq3A_5 : vector<1000x64xi32>
    %convert_element_type3A_7 = arith.extui %eq3A_6 : vector<1000x64xi1> to vector<1000x64xi32>
    %convert_element_type3A_8 = arith.sitofp %convert_element_type3A_7 : vector<1000x64xi32> to vector<1000x64xf32>
    %get3A_9 = arith.constant 0 : index
    %get3A_10 = arith.constant 0 : index
    %get3A_11 = vector.load %arg8[%get3A_9, %get3A_10] : memref<64x64xf32, #tpu.memory_space<vmem>>, vector<64x64xf32>
    %get3A_12 = arith.constant 0 : index
    %get3A_13 = arith.constant 0 : index
    %get3A_14 = vector.load %arg1[%get3A_12, %get3A_13] : memref<1000x64xf32, #tpu.memory_space<vmem>>, vector<1000x64xf32>
    %dot_general3A = arith.constant dense<0.000000e+00> : vector<64x64xf32>
    %dot_general3A_15 = tpu.matmul %convert_element_type3A_8, %get3A_14, %dot_general3A {dimension_numbers = #tpu.dot_dimension_numbers<[0], [0], [1], [1], [0, 1, 1, 1], [], []>, precision = #tpu.contract_precision<fp32>, transpose_lhs_hint = false} : vector<1000x64xf32>, vector<1000x64xf32>, vector<64x64xf32> -> vector<64x64xf32>
    %add3A = arith.addf %get3A_11, %dot_general3A_15 : vector<64x64xf32>
    %swap3A = arith.constant 0 : index
    %swap3A_16 = arith.constant 0 : index
    %swap3A_17 = vector.load %arg8[%swap3A, %swap3A_16] : memref<64x64xf32, #tpu.memory_space<vmem>>, vector<64x64xf32>
    tpu.vector_store %arg8[%swap3A, %swap3A_16], %add3A {strides = array<i32>} : memref<64x64xf32, #tpu.memory_space<vmem>>, vector<64x64xf32>,
    %broadcast_in_dim3A = arith.constant 1.000000e+00 : f32
    %broadcast_in_dim3A_18 = vector.broadcast %broadcast_in_dim3A : f32 to vector<1000x1xf32>
    %get3A_19 = arith.constant 0 : index
    %get3A_20 = arith.constant 0 : index
    %get3A_21 = vector.load %arg9[%get3A_19, %get3A_20] : memref<64x1xf32, #tpu.memory_space<vmem>>, vector<64x1xf32>
    %dot_general3A_22 = arith.constant dense<0.000000e+00> : vector<64x1xf32>
    %dot_general3A_23 = tpu.matmul %convert_element_type3A_8, %broadcast_in_dim3A_18, %dot_general3A_22 {dimension_numbers = #tpu.dot_dimension_numbers<[0], [0], [1], [1], [0, 1, 1, 1], [], []>, precision = #tpu.contract_precision<fp32>, transpose_lhs_hint = false} : vector<1000x64xf32>, vector<1000x1xf32>, vector<64x1xf32> -> vector<64x1xf32>
    %add3A_24 = arith.addf %get3A_21, %dot_general3A_23 : vector<64x1xf32>
    %swap3A_25 = arith.constant 0 : index
    %swap3A_26 = arith.constant 0 : index
    %swap3A_27 = vector.load %arg9[%swap3A_25, %swap3A_26] : memref<64x1xf32, #tpu.memory_space<vmem>>, vector<64x1xf32>
    tpu.vector_store %arg9[%swap3A_25, %swap3A_26], %add3A_24 {strides = array<i32>} : memref<64x1xf32, #tpu.memory_space<vmem>>, vector<64x1xf32>,
    %eq3A_28 = arith.constant 9 : i32
    %eq3A_29 = arith.cmpi eq, %arg0, %eq3A_28 : i32
    %convert_element_type3A_30 = arith.extui %eq3A_29 : i1 to i32
    %cond3A_31 = arith.constant 0 : i32
    %cond3A_32 = arith.cmpi ne, %convert_element_type3A_30, %cond3A_31 : i32
    scf.if %cond3A_32 {
      %get3A_33 = arith.constant 0 : index
      %get3A_34 = arith.constant 0 : index
      %get3A_35 = vector.load %arg8[%get3A_33, %get3A_34] : memref<64x64xf32, #tpu.memory_space<vmem>>, vector<64x64xf32>
      %get3A_36 = arith.constant 0 : index
      %get3A_37 = arith.constant 0 : index
      %get3A_38 = vector.load %arg9[%get3A_36, %get3A_37] : memref<64x1xf32, #tpu.memory_space<vmem>>, vector<64x1xf32>
      %max3A = arith.constant 1.000000e+00 : f32
      %max3A_39 = vector.broadcast %max3A : f32 to vector<64x1xf32>
      %max3A_40 = arith.maximumf %get3A_38, %max3A_39 : vector<64x1xf32>
      %div3A = vector.broadcast %max3A_40 : vector<64x1xf32> to vector<64x64xf32>
      %div3A_41 = arith.divf %get3A_35, %div3A : vector<64x64xf32>
      %get3A_42 = arith.constant 0 : index
      %get3A_43 = arith.constant 0 : index
      %get3A_44 = vector.load %arg3[%get3A_42, %get3A_43] : memref<64x64xf32, #tpu.memory_space<vmem>>, vector<64x64xf32>
      %dot_general3A_45 = arith.constant dense<0.000000e+00> : vector<64x64xf32>
      %dot_general3A_46 = tpu.matmul %div3A_41, %get3A_44, %dot_general3A_45 {dimension_numbers = #tpu.dot_dimension_numbers<[1], [0], [0], [1], [0, 0, 1, 1], [], []>, precision = #tpu.contract_precision<fp32>, transpose_lhs_hint = false} : vector<64x64xf32>, vector<64x64xf32>, vector<64x64xf32> -> vector<64x64xf32>
      %get3A_47 = arith.constant 0 : index
      %get3A_48 = arith.constant 0 : index
      %get3A_49 = vector.load %arg4[%get3A_47, %get3A_48] : memref<1x64xf32, #tpu.memory_space<vmem>>, vector<1x64xf32>
      %add3A_50 = vector.broadcast %get3A_49 : vector<1x64xf32> to vector<64x64xf32>
      %add3A_51 = arith.addf %dot_general3A_46, %add3A_50 : vector<64x64xf32>
      %max3A_52 = arith.constant 0.000000e+00 : f32
      %max3A_53 = vector.broadcast %max3A_52 : f32 to vector<64x64xf32>
      %max3A_54 = arith.maximumf %add3A_51, %max3A_53 : vector<64x64xf32>
      %get3A_55 = arith.constant 0 : index
      %get3A_56 = arith.constant 0 : index
      %get3A_57 = vector.load %arg5[%get3A_55, %get3A_56] : memref<64x1xf32, #tpu.memory_space<vmem>>, vector<64x1xf32>
      %dot_general3A_58 = arith.constant dense<0.000000e+00> : vector<64x1xf32>
      %dot_general3A_59 = tpu.matmul %max3A_54, %get3A_57, %dot_general3A_58 {dimension_numbers = #tpu.dot_dimension_numbers<[1], [0], [0], [1], [0, 0, 1, 1], [], []>, precision = #tpu.contract_precision<fp32>, transpose_lhs_hint = false} : vector<64x64xf32>, vector<64x1xf32>, vector<64x1xf32> -> vector<64x1xf32>
      %get3A_60 = arith.constant 0 : index
      %get3A_61 = arith.constant 0 : index
      %get3A_62 = vector.load %arg6[%get3A_60, %get3A_61] : memref<1x1xf32, #tpu.memory_space<vmem>>, vector<1x1xf32>
      %add3A_63 = vector.broadcast %get3A_62 : vector<1x1xf32> to vector<64x1xf32>
      %add3A_64 = arith.addf %dot_general3A_59, %add3A_63 : vector<64x1xf32>
      %swap3A_65 = arith.constant 0 : index
      %swap3A_66 = arith.constant 0 : index
      %swap3A_67 = vector.load %arg7[%swap3A_65, %swap3A_66] : memref<64x1xf32, #tpu.memory_space<vmem>>, vector<64x1xf32>
      tpu.vector_store %arg7[%swap3A_65, %swap3A_66], %add3A_64 {strides = array<i32>} : memref<64x1xf32, #tpu.memory_space<vmem>>, vector<64x1xf32>,
    } else {
    }
    return
  }
  func.func @transform_0(%arg0: i32) -> (i32, i32) {
    %c0_i32 = arith.constant 0 : i32
    %c0_i32_0 = arith.constant 0 : i32
    return %arg0, %c0_i32 : i32, i32
  }
  func.func @transform_1(%arg0: i32) -> (i32, i32) {
    %c0_i32 = arith.constant 0 : i32
    %c0_i32_0 = arith.constant 0 : i32
    return %arg0, %c0_i32 : i32, i32
  }
  func.func @transform_2(%arg0: i32) -> (i32, i32) {
    %c0_i32 = arith.constant 0 : i32
    %c0_i32_0 = arith.constant 0 : i32
    %c0_i32_1 = arith.constant 0 : i32
    return %c0_i32, %c0_i32_0 : i32, i32
  }
  func.func @transform_3(%arg0: i32) -> (i32, i32) {
    %c0_i32 = arith.constant 0 : i32
    %c0_i32_0 = arith.constant 0 : i32
    %c0_i32_1 = arith.constant 0 : i32
    return %c0_i32, %c0_i32_0 : i32, i32
  }
  func.func @transform_4(%arg0: i32) -> (i32, i32) {
    %c0_i32 = arith.constant 0 : i32
    %c0_i32_0 = arith.constant 0 : i32
    %c0_i32_1 = arith.constant 0 : i32
    return %c0_i32, %c0_i32_0 : i32, i32
  }
  func.func @transform_5(%arg0: i32) -> (i32, i32) {
    %c0_i32 = arith.constant 0 : i32
    %c0_i32_0 = arith.constant 0 : i32
    %c0_i32_1 = arith.constant 0 : i32
    return %c0_i32, %c0_i32_0 : i32, i32
  }
  func.func @transform_6(%arg0: i32) -> (i32, i32) {
    %c0_i32 = arith.constant 0 : i32
    %c0_i32_0 = arith.constant 0 : i32
    %c0_i32_1 = arith.constant 0 : i32
    return %c0_i32, %c0_i32_0 : i32, i32
  }
}

</mosaic_0001>

<sc_bundles>
// kernel: kernel.21.cloned.1.call-start
scs
__scs_entry_jumppad:
0x0: {  	(pc) =	sbr.rel $0x88, $3  }
0x1: {  	(tag) =	ssettag $0x0;
	lr =	simm.s32 $0x1  }
0x2: {  	[smem:$0x3F8E] =	sst lr;
	_ =	strace $0xD0000000  }
0x3: {  	_ = 	snop  }
0x4: {  	_ = 	snop  }
0x5: {  	_ = 	snop  }
0x6: {  	_ = 	snop  }
0x7: {  	_ = 	snop  }
__scs_overlays_trampoline_lowered:
0x8: {  	[smem:$0x3F9D] =	sst s0  }
0x9: {  	[smem:$0x3F9E] =	sst s1  }
0xa: {  	[smem:$0x3F9F] =	sst s2  }
0xb: {  	[smem:$0x3FA0] =	sst s3  }
0xc: {  	[smem:$0x3FA1] =	sst s4  }
0xd: {  	[smem:$0x3FA2] =	sst s5  }
0xe: {  	[smem:$0x3FA3] =	sst s6  }
0xf: {  	[smem:$0x3FA4] =	sst s7  }
0x10: {  	[smem:$0x3FA5] =	sst s8  }
0x11: {  	[smem:$0x3FA6] =	sst s9;
	s0 =	simm.s32 @!p0 $0x0  }
0x12: {  	s1 =	sld [smem:$0x3F8C];
	s0 =	simm.s32 @p0 $0x1  }
0x13: {  	[smem:$0x3FA7] =	sst s0;
	s0 =	simm.s32 @!p1 $0x0  }
0x14: {  	s2 =	sld [smem:$0x3F8B];
	s0 =	simm.s32 @p1 $0x1  }
0x15: {  	[smem:$0x3FA8] =	sst s0;
	s0 =	simm.s32 @!p2 $0x0  }
0x16: {  	s3 =	sld [smem:$0x3FDB];
	s0 =	simm.s32 @p2 $0x1  }
0x17: {  	s4 =	simm.s32 $0x1BF5;
	[smem:$0x3FAA] =	sst s0  }
0x18: {  	s0 =	sld [smem:$0x3F8D];
	_ =	swait.ge [sflag:s4], $0x0  }
0x19: {  	s7 =	sld [smem:$0x3F8E]  }
0x1a: {  	s8 =	sadd.s32 $0xFFFFE003, lr  }
0x1b: {  	s9 =	sadd.s32 $0xFFFFFEF7, lr;
	s5 =	simm.s32 $0xFFFFFFFF;
	p2 =	slt.u32 s8, $0xFFFFF086  }
0x1c: {  	p1 =	slt.u32 s9, $0xF7A;
	s5 =	simm.s32 @!p2 $0x0  }
0x1d: {  	s5 =	simm.s32 @p1 $0x1;
	p0 =	seq.s32 s7, s2  }
0x1e: {  	s7 =	smul.u32 @!p0 $0xF7A, s2;
	p2 =	seq.s32 @!p0 s5, $0x0  }
0x1f: {  	s9 =	smul.u32 $0xF7A, s1;
	s8 =	simm.s32 @!p0 $0x1BF5;
	p2 =	por !p2, p0  }
0x20: {  	[sflag:s8] =	ssyncset.s32 @!p0 $0xFFFFF086;
	s6 =	sadd.s32 @!p0 s3, s7;
	s7 =	simm.s32 @!p0 $0x108  }
0x21: {  	s3 =	sadd.s32 s3, s9;
	s6 =	sadd.s32 @!p0 $0x88, s6;
	s7 =	simm.s32 @p2 $0x1082  }
0x22: {  	[simem:s7], [sflag:s8] =	dma.local @!p0 [hbm:s6], $0xF7A  }
0x23: {  	s9 =	sor.u32 $0xD0000000, s2;
	s6 =	simm.s32 $0x108;
	_ =	swait.ge @!p0 [sflag:s8], $0x0  }
0x24: {  	s3 =	sadd.s32 $0x88, s3;
	s6 =	simm.s32 @!p1 $0x1082;
	[sflag:s4] =	ssyncset.s32 $0xFFFFF086  }
0x25: {  	[simem:s6], [sflag:s4] =	dma.local [hbm:s3], $0xF7A  }
0x26: {  	[smem:$0x3F8E] =	sst s1;
	(tag) =	ssettag s2;
	_ =	strace s9  }
0x27: {  	s1 =	sld [smem:$0x3F9E]  }
0x28: {  	s2 =	sld [smem:$0x3F9F]  }
0x29: {  	s4 =	sld [smem:$0x3FA1]  }
0x2a: {  	p0 =	seq.s32 s5, $0x0;
	s5 =	sld [smem:$0x3FA2]  }
0x2b: {  	s6 =	sld [smem:$0x3FA3]  }
0x2c: {  	s7 =	sld [smem:$0x3FA4]  }
0x2d: {  	s3 =	simm.s32 $0x108;
	s8 =	sld [smem:$0x3FA5]  }
0x2e: {  	s3 =	simm.s32 @!p0 $0x1082;
	s9 =	sld [smem:$0x3FA6]  }
0x2f: {  	lr =	sadd.s32 s0, s3;
	s0 =	sld [smem:$0x3F9D]  }
0x30: {  	s3 =	sld [smem:$0x3FA0]  }
0x31: {  	[smem:$0x3FA9] =	sst s10  }
0x32: {  	s10 =	sld [smem:$0x3FA7];
	_ =	sdelay $0x3  }
0x33: {  	p0 =	seq.s32 s10, $0x1;
	s10 =	sld [smem:$0x3FA9];
	_ =	sdelay $0x3  }
0x34: {  	[smem:$0x3FA9] =	sst s10  }
0x35: {  	s10 =	sld [smem:$0x3FA8];
	_ =	sdelay $0x3  }
0x36: {  	p1 =	seq.s32 s10, $0x1;
	s10 =	sld [smem:$0x3FA9];
	_ =	sdelay $0x3  }
0x37: {  	[smem:$0x3FA9] =	sst s10  }
0x38: {  	s10 =	sld [smem:$0x3FAA]  }
0x39: {  	_ = 	snop;
	(pc) =	sbr.ind lr, $3  }
0x3a: {  	_ = 	snop  }
0x3b: {  	_ = 	snop  }
0x3c: {  	p2 =	seq.s32 s10, $0x1;
	s10 =	sld [smem:$0x3FA9]  }
0x3d: {  	_ =	shalt  }
0x3e: {  	_ =	shalt  }
0x3f: {  	_ =	shalt  }
0x40: {  	_ =	shalt  }
0x41: {  	_ =	shalt  }
0x42: {  	_ =	shalt  }
0x43: {  	_ =	shalt  }
0x44: {  	_ =	shalt  }
0x45: {  	_ =	shalt  }
0x46: {  	_ =	shalt  }
0x47: {  	_ =	shalt  }
0x48: {  	_ =	shalt  }
0x49: {  	_ =	shalt  }
0x4a: {  	_ =	shalt  }
0x4b: {  	_ =	shalt  }
0x4c: {  	_ =	shalt  }
0x4d: {  	_ =	shalt  }
0x4e: {  	_ =	shalt  }
0x4f: {  	_ =	shalt  }
0x50: {  	_ =	shalt  }
0x51: {  	_ =	shalt  }
0x52: {  	_ =	shalt  }
0x53: {  	_ =	shalt  }
0x54: {  	_ =	shalt  }
0x55: {  	_ =	shalt  }
0x56: {  	_ =	shalt  }
0x57: {  	_ =	shalt  }
0x58: {  	_ =	shalt  }
0x59: {  	_ =	shalt  }
0x5a: {  	_ =	shalt  }
0x5b: {  	_ =	shalt  }
0x5c: {  	_ =	shalt  }
0x5d: {  	_ =	shalt  }
0x5e: {  	_ =	shalt  }
0x5f: {  	_ =	shalt  }
0x60: {  	_ =	shalt  }
0x61: {  	_ =	shalt  }
0x62: {  	_ =	shalt  }
0x63: {  	_ =	shalt  }
0x64: {  	_ =	shalt  }
0x65: {  	_ =	shalt  }
0x66: {  	_ =	shalt  }
0x67: {  	_ =	shalt  }
0x68: {  	_ =	shalt  }
0x69: {  	_ =	shalt  }
0x6a: {  	_ =	shalt  }
0x6b: {  	_ =	shalt  }
0x6c: {  	_ =	shalt  }
0x6d: {  	_ =	shalt  }
0x6e: {  	_ =	shalt  }
0x6f: {  	_ =	shalt  }
0x70: {  	_ =	shalt  }
0x71: {  	_ =	shalt  }
0x72: {  	_ =	shalt  }
0x73: {  	_ =	shalt  }
0x74: {  	_ =	shalt  }
0x75: {  	_ =	shalt  }
0x76: {  	_ =	shalt  }
0x77: {  	_ =	shalt  }
0x78: {  	_ =	shalt  }
0x79: {  	_ =	shalt  }
0x7a: {  	_ =	shalt  }
0x7b: {  	_ =	shalt  }
0x7c: {  	_ =	shalt  }
0x7d: {  	_ =	shalt  }
0x7e: {  	_ =	shalt  }
0x7f: {  	_ =	shalt  }
0x80: {  	_ =	shalt  }
0x81: {  	_ =	shalt  }
0x82: {  	_ =	shalt  }
0x83: {  	_ =	shalt  }
0x84: {  	_ =	shalt  }
0x85: {  	_ =	shalt  }
0x86: {  	_ =	shalt  }
0x87: {  	_ =	shalt  }
.Lfunc_end0:
.L_simem_size_0:
called_computation_lowered:
.L_overlay_start_0:
0x88: {  	s2 =	sld [smem:$0x3FD9]  }
0x89: {  	s3 =	sld [smem:$0x3FFE];
	_ =	sdelay $0x1  }
0x8a: {  	s1 =	srdreg.scid  }
0x8b: {  	s0 =	sand.u32 $0x1, s1  }
0x8c: {  	s16 =	sshll.u32 s0, $0xA;
	s2 =	sadd.s32 s3, s2  }
0x8d: {  	s2 =	sadd.s32 s2, s16  }
0x8e: {  	[smem:$0x3FB5] =	sst s2  }
0x8f: {  	_ = 	snop  }
0x90: {  	(tm) =	ssettm $0x1  }
0x91: {  	s17 =	sld [smem:$0x3FFB];
	_ =	sdelay $0x3  }
0x92: {  	_ =	strace s17  }
0x93: {  	s2 =	sld [smem:$0x3FFC];
	_ =	sdelay $0x3  }
0x94: {  	_ =	strace s2  }
0x95: {  	s2 =	sld [smem:$0x3FFD];
	_ =	sdelay $0x3  }
0x96: {  	_ =	strace s2  }
0x97: {  	_ =	strace $0x8FFFFFFF  }
0x98: {  	s18 =	sld [smem:$0x3FDB];
	_ =	sdelay $0x1  }
0x99: {  	s19 =	simm.s32 $_scs_section_size  }
0x9a: {  	s4 =	simm.s32 $_size__tile_overlayer_lowered;
	s5 =	simm.s32 $_tile_overlayer_lowered  }
0x9b: {  	s22 =	simm.s32 $0x1BFF;
	s21 =	sshll.u32 s5, $0x1;
	s2 =	sadd.s32 s19, s18  }
0x9c: {  	s6 =	simm.s32 $0x0;
	s20 =	sshll.u32 s4, $0x1;
	s4 =	sadd.s32 s21, s2  }
0x9d: {  	[timem:s6], [sflag:s22] =	dma.local [hbm:s4], s20  }
0x9e: {  	_ =	swait.ge [sflag:s22], s20  }
0x9f: {  	s3 =	ssub.s32 $0x0, s20;
	[sflag:s22] =	ssyncset.done $0x0  }
0xa0: {  	[sflag:s22] =	ssyncadd.s32 s3;
	_ =	sdelay $0x1  }
0xa1: {  	s23 =	simm.s32 $0x1B8B  }
0xa2: {  	_ =	swait.ge [sflag:s23], $0x1  }
0xa3: {  	[sflag:s23] =	ssyncset.done $0x0  }
0xa4: {  	s25 =	simm.s32 $0x1B8E;
	s24 =	sld [smem:$0x3FFE];
	[sflag:s23] =	ssyncadd.s32 $0xFFFFFFFF  }
0xa5: {  	s26 =	simm.s32 $execute0_lowered;
	[smem:$0x3FD2] =	sst s25  }
0xa6: {  	s4 =	sshll.u32 s26, $0x1;
	_ =	strace $0x80000046;
	[dreg:$0x1] =	wrdreg $0xFFFFFFFF  }
0xa7: {  	s28 =	simm.s32 $_size_execute0_lowered;
	s2 =	sadd.s32 s2, s4;
	[dreg:$0x0] =	wrdreg $0x0  }
0xa8: {  	s4 =	sshll.u32 s28, $0x1;
	[dreg:$0x2] =	wrdreg s2  }
0xa9: {  	[dreg:$0x3] =	wrdreg s4  }
0xaa: {  	[dreg:$0x4] =	wrdreg $0xC0  }
0xab: {  	_ =	task [dreg:s6], $0x5FFFF  }
0xac: {  	[dreg:$0x1] =	wrdreg $0xFFFFFFFF  }
0xad: {  	[dreg:$0x0] =	wrdreg $0x60  }
0xae: {  	[dreg:$0x2] =	wrdreg s24  }
0xaf: {  	[dreg:$0x3] =	wrdreg $0x90000  }
0xb0: {  	[dreg:$0x4] =	wrdreg $0x9  }
0xb1: {  	_ =	task.clear_ibuf [dreg:s6], $0x5FFFF;
	_ =	strace $0x90000046  }
0xb2: {  	s29 =	simm.s32 $0x9;
	_ =	strace $0x80000048  }
0xb3: {  	_ =	swait.ge [sflag:s29], $0x1  }
0xb4: {  	[sflag:s29] =	ssyncadd.s32 $0xFFFFFFFF  }
0xb5: {  	_ =	strace $0x90000048  }
0xb6: {  	_ =	sfence  }
0xb7: {  	s30 =	sld [smem:$0x0];
	_ =	sdelay $0x2  }
0xb8: {  	s31 =	sshll.u32 s1, $0xD;
	s1 =	sshrl.u32 s1, $0x2  }
0xb9: {  	s3 =	sand.u32 $0x4000, s31;
	s1 =	sadd.s32 s1, s30  }
0xba: {  	s0 =	sor.u32 s3, s0;
	s1 =	sshll.u32 s1, $0x11  }
0xbb: {  	s0 =	sor.u32 s1, s0  }
0xbc: {  	s0 =	sadd.s32 $0x8F2B, s0  }
0xbd: {  	[sflag:s0] =	ssyncadd.remote.s32 $0x1  }
0xbe: {  	_ =	sfence.sel $0xFFFF  }
0xbf: {  	[dreg:$0x0] =	wrdreg $0xFFFFFFFF;
	(pc) =	sbr.abs _section_cstart, $3  }
0xc0: {  	[dreg:$0x1] =	wrdreg $0xFFFFFFFF  }
0xc1: {  	_ =	task.clear_ibuf [dreg:s6], $0x2FFFF;
	_ =	strace $0x9FFFFFFF  }
0xc2: {  	(tm) =	ssettm $0x7FFFFFFF  }
0xc3: {  	_ =	shalt  }
tec
execute0_lowered:
.L_overlay_start_1:
0x0: {  	(tag) =	ssettag $0x1  }
0x1: {  	s5 =	rddreg [dreg:$0x0]  }
0x2: {  	s2 =	rddreg [dreg:$0x1]  }
0x3: {  	s0 =	rddreg [dreg:$0x2]  }
0x4: {  	s4 =	srdreg.scid;
	s1 =	stileid.u32;
	s3 =	simm.s32 $0x0  }
0x5: {  	s14 =	simm.s32 $0x80;
	s15 =	simm.s32 $0x5000;
	s16 =	simm.s32 $0x1  }
0x6: {  	s17 =	simm.s32 $0x0;
	s6 =	sand.u32 $0x1, s4;
	s8 =	smul.u32 $0x2780, s1  }
0x7: {  	s28 =	sshll.u32 s1, $0x1;
	[smem:$0x7FF] =	sst s3;
	s11 =	smul.u32 $0x4F000, s1  }
0x8: {  	s31 =	sshll.u32 s1, $0x6;
	s4 =	sor.u32 s6, s28;
	_ =	strace $0x80000047  }
0x9: {  	s9 =	ssub.s32 $0x2, s6;
	p0 =	seq.s32 s6, $0x1;
	s7 =	smul.u32 $0x500, s4  }
0xa: {  	s4 =	sadd.s32 $0x44E00, s5;
	s10 =	sshrl.u32 s9, $0x1;
	s12 =	sadd.s32 s8, s5  }
0xb: {  	s30 =	sshrl.u32 s11, $0x2;
	s11 =	simm.s32 $0x2800;
	s29 =	ssub.s32 s9, s10  }
0xc: {  	s10 =	simm.s32 $0x93E00;
	s13 =	sadd.s32 s30, s2;
	s7 =	sadd.s32 s7, s5  }
0xd: {  	s10 =	simm.s32 @!p0 $0x6C600;
	s8 =	smax.u32 s29, $0x1;
	s13 =	sshrl.u32 s13, $0x3  }
0xe: {  	s5 =	sadd.s32 $0x9600, s7;
	s6 =	sadd.s32 $0x13600, s7;
	s7 =	sadd.s32 $0x1D600, s12  }
0xf: {  	s9 =	sadd.s32 s10, s12;
	s10 =	simm.s32 $0x2;
	s12 =	sor.u32 $0x1C02, s31  }
.LBB2_1:
0x10: {  	[tilespmem:s3], [sflag:$0x2] =	stream.linear.gather [hbm4b:s5+s3], $0x2780, $0x38;
	[tilespmem:$0x1CC00] =	vst v63  }
0x11: {  	_ =	swait.ge [sflag:s10], $0x2780  }
0x12: {  	[sflag:s10] =	ssyncset.done $0x0  }
0x13: {  	[sflag:s10] =	ssyncadd.s32 $0xFFFFD880  }
0x14: {  	[tilespmem:s11], [sflag:$0x2] =	stream.linear.gather [hbm4b:s6+s3], $0x2780, $0x38;
	[tilespmem:$0x1CC00] =	vst v63  }
0x15: {  	_ =	swait.ge [sflag:s10], $0x2780  }
0x16: {  	[sflag:s10] =	ssyncset.done $0x0  }
0x17: {  	[sflag:s10] =	ssyncadd.s32 $0xFFFFD880  }
0x18: {  	[spmem:s13], [sflag:s12] =	dma.local [hbm:s7], $0x2780  }
0x19: {  	_ =	swait.ge [sflag:s10], $0x2780  }
0x1a: {  	[sflag:s10] =	ssyncset.done $0x0  }
0x1b: {  	[sflag:s10] =	ssyncadd.s32 $0xFFFFD880  }
0x1c: {  	s18 =	simm.s32 $0x0;
	[bflag:$0x0] =	sbarrier.arrive $0xFFFF  }
0x1d: {  	[tilespmem:s15], [sflag:$0x1] =	stream.indirect.gather [hbm4b:s4+s14], $0x80, s18, s14, $0xb8;
	[tilespmem:$0x1CC00] =	vst v63  }
0x1e: {  	_ =	swait.ge [sflag:s16], $0x4000  }
0x1f: {  	[sflag:s16] =	ssyncset.done $0x0  }
0x20: {  	s31 =	simm.s32 $0x2800;
	[sflag:s16] =	ssyncadd.s32 $0xFFFFC000  }
0x21: {  	[spmem:s2] =	stream.indirect.scatter.add.f32 [tilespmem:s15], [sflag:$0x2], $0x80, s31, s14, $0xb8;
	[tilespmem:$0x1CC00] =	vst v63  }
0x22: {  	_ =	swait.ge [sflag:s10], $0x4000  }
0x23: {  	s19 =	simm.s32 $0x400;
	s18 =	simm.s32 $0x200;
	[sflag:s10] =	ssyncset.done $0x0  }
.LBB2_2:
0x24: {  	s20 =	sshra.s32 s18, $0x2  }
0x25: {  	[sflag:s10] =	ssyncadd.s32 $0xFFFFC000;
	s18 =	smov.u32 s19;
	s21 =	sadd.s32 $0x200, s19  }
0x26: {  	[tilespmem:s15], [sflag:$0x1] =	stream.indirect.gather [hbm4b:s4+s14], $0x80, s20, s14, $0xb8;
	[tilespmem:$0x1CC00] =	vst v63  }
0x27: {  	p0 =	sne.s32 s19, $0x9C00;
	_ =	swait.ge [sflag:s16], $0x4000  }
.Ltmp0:
0x28: {  	[sflag:s16] =	ssyncset.done $0x0;
	(pc) =	sbr.rel @p0 .LBB2_2-.Ltmp0, $4  }
0x29: {  	s19 =	sadd.s32 $0x2800, s20;
	[sflag:s16] =	ssyncadd.s32 $0xFFFFC000  }
0x2a: {  	[spmem:s2] =	stream.indirect.scatter.add.f32 [tilespmem:s15], [sflag:$0x2], $0x80, s19, s14, $0xb8;
	[tilespmem:$0x1CC00] =	vst v63  }
0x2b: {  	_ =	swait.ge [sflag:s10], $0x4000  }
0x2c: {  	s19 =	smov.u32 s21;
	[sflag:s10] =	ssyncset.done $0x0  }
0x2d: {  	s18 =	sshra.s32 s18, $0x2;
	[sflag:s10] =	ssyncadd.s32 $0xFFFFC000  }
0x2e: {  	[tilespmem:s15], [sflag:$0x1] =	stream.indirect.gather [hbm4b:s4+s14], $0x80, s18, s14, $0xb8;
	[tilespmem:$0x1CC00] =	vst v63  }
0x2f: {  	_ =	swait.ge [sflag:s16], $0x4000  }
0x30: {  	[sflag:s16] =	ssyncset.done $0x0  }
0x31: {  	s18 =	sadd.s32 $0x2800, s18;
	[sflag:s16] =	ssyncadd.s32 $0xFFFFC000  }
0x32: {  	[spmem:s2] =	stream.indirect.scatter.add.f32 [tilespmem:s15], [sflag:$0x2], $0x80, s18, s14, $0xb8;
	[tilespmem:$0x1CC00] =	vst v63  }
0x33: {  	_ =	swait.ge [sflag:s10], $0x4000  }
0x34: {  	s17 =	sadd.s32 $0x1, s17;
	[sflag:s10] =	ssyncset.done $0x0  }
0x35: {  	p0 =	sne.s32 s17, s8;
	[sflag:s10] =	ssyncadd.s32 $0xFFFFC000  }
.Ltmp1:
0x36: {  	[bflag:$0x0] =	sbarrier.arrive $0xFFFF;
	(pc) =	sbr.rel @p0 .LBB2_1-.Ltmp1, $4  }
0x37: {  	[hbm:s9], [sflag:s12] =	dma.local [spmem:s13], $0x2780  }
0x38: {  	_ =	swait.ge [sflag:s10], $0x2780  }
0x39: {  	[sflag:s10] =	ssyncset.done $0x0  }
0x3a: {  	[sflag:s10] =	ssyncadd.s32 $0xFFFFD880  }
0x3b: {  	_ =	sfence.sel $0x180000  }
0x3c: {  	[bflag:$0x0] =	sbarrier.arrive $0xFFFF  }
0x3d: {  	p0 =	sne.s32 s1, $0x0;
	_ =	strace $0x90000047  }
0x3e: {  	s0 =	sadd.s32 @!p0 $0x100000, s0;
	[bflag:$0x2] =	sbarrier.arrive $0xFFFF  }
0x3f: {  	[sflag:s0] =	ssyncadd.tile.s32 @!p0 $0x1;
	_ =	shalt  }
.Lfunc_end2:
_tile_overlayer_lowered:
.L_overlay_start_2:
0x40: {  	(tag) =	ssettag $0x2  }
0x41: {  	s0 =	rddreg [dreg:$0x0];
	s2 =	stileid.u32  }
0x42: {  	s1 =	rddreg [dreg:$0x1];
	p0 =	sne.s32 s2, $0x0  }
0x43: {  	s3 =	rddreg [dreg:$0x2];
	[bflag:$0x3] =	sbarrier.arrive $0xFFFF;
	s2 =	simm.s32 @!p0 $0x1C02  }
0x44: {  	[timem:s3], [sflag:s2] =	dma.local @!p0 [hbm:s0], s1  }
0x45: {  	s0 =	simm.s32 @!p0 $0x2  }
0x46: {  	_ =	swait.ge @!p0 [sflag:s0], s1  }
0x47: {  	s1 =	ssub.s32 @!p0 $0x0, s1;
	[sflag:s0] =	ssyncset.done @!p0 $0x0  }
0x48: {  	[sflag:s0] =	ssyncadd.s32 @!p0 s1  }
0x49: {  	[bflag:$0x3] =	sbarrier.arrive $0xFFFF  }
0x4a: {  	_ =	shalt  }

// kernel: kernel.24.cloned.1.call-start
scs
__scs_entry_jumppad:
0x0: {  	(pc) =	sbr.rel $0x88, $3  }
0x1: {  	(tag) =	ssettag $0x0;
	lr =	simm.s32 $0x1  }
0x2: {  	[smem:$0x3F8E] =	sst lr;
	_ =	strace $0xD0000000  }
0x3: {  	_ = 	snop  }
0x4: {  	_ = 	snop  }
0x5: {  	_ = 	snop  }
0x6: {  	_ = 	snop  }
0x7: {  	_ = 	snop  }
__scs_overlays_trampoline_lowered:
0x8: {  	[smem:$0x3F9D] =	sst s0  }
0x9: {  	[smem:$0x3F9E] =	sst s1  }
0xa: {  	[smem:$0x3F9F] =	sst s2  }
0xb: {  	[smem:$0x3FA0] =	sst s3  }
0xc: {  	[smem:$0x3FA1] =	sst s4  }
0xd: {  	[smem:$0x3FA2] =	sst s5  }
0xe: {  	[smem:$0x3FA3] =	sst s6  }
0xf: {  	[smem:$0x3FA4] =	sst s7  }
0x10: {  	[smem:$0x3FA5] =	sst s8  }
0x11: {  	[smem:$0x3FA6] =	sst s9;
	s0 =	simm.s32 @!p0 $0x0  }
0x12: {  	s1 =	sld [smem:$0x3F8C];
	s0 =	simm.s32 @p0 $0x1  }
0x13: {  	[smem:$0x3FA7] =	sst s0;
	s0 =	simm.s32 @!p1 $0x0  }
0x14: {  	s2 =	sld [smem:$0x3F8B];
	s0 =	simm.s32 @p1 $0x1  }
0x15: {  	[smem:$0x3FA8] =	sst s0;
	s0 =	simm.s32 @!p2 $0x0  }
0x16: {  	s3 =	sld [smem:$0x3FDB];
	s0 =	simm.s32 @p2 $0x1  }
0x17: {  	s4 =	simm.s32 $0x1BF5;
	[smem:$0x3FAA] =	sst s0  }
0x18: {  	s0 =	sld [smem:$0x3F8D];
	_ =	swait.ge [sflag:s4], $0x0  }
0x19: {  	s7 =	sld [smem:$0x3F8E]  }
0x1a: {  	s8 =	sadd.s32 $0xFFFFE003, lr  }
0x1b: {  	s9 =	sadd.s32 $0xFFFFFEF7, lr;
	s5 =	simm.s32 $0xFFFFFFFF;
	p2 =	slt.u32 s8, $0xFFFFF086  }
0x1c: {  	p1 =	slt.u32 s9, $0xF7A;
	s5 =	simm.s32 @!p2 $0x0  }
0x1d: {  	s5 =	simm.s32 @p1 $0x1;
	p0 =	seq.s32 s7, s2  }
0x1e: {  	s7 =	smul.u32 @!p0 $0xF7A, s2;
	p2 =	seq.s32 @!p0 s5, $0x0  }
0x1f: {  	s9 =	smul.u32 $0xF7A, s1;
	s8 =	simm.s32 @!p0 $0x1BF5;
	p2 =	por !p2, p0  }
0x20: {  	[sflag:s8] =	ssyncset.s32 @!p0 $0xFFFFF086;
	s6 =	sadd.s32 @!p0 s3, s7;
	s7 =	simm.s32 @!p0 $0x108  }
0x21: {  	s3 =	sadd.s32 s3, s9;
	s6 =	sadd.s32 @!p0 $0x88, s6;
	s7 =	simm.s32 @p2 $0x1082  }
0x22: {  	[simem:s7], [sflag:s8] =	dma.local @!p0 [hbm:s6], $0xF7A  }
0x23: {  	s9 =	sor.u32 $0xD0000000, s2;
	s6 =	simm.s32 $0x108;
	_ =	swait.ge @!p0 [sflag:s8], $0x0  }
0x24: {  	s3 =	sadd.s32 $0x88, s3;
	s6 =	simm.s32 @!p1 $0x1082;
	[sflag:s4] =	ssyncset.s32 $0xFFFFF086  }
0x25: {  	[simem:s6], [sflag:s4] =	dma.local [hbm:s3], $0xF7A  }
0x26: {  	[smem:$0x3F8E] =	sst s1;
	(tag) =	ssettag s2;
	_ =	strace s9  }
0x27: {  	s1 =	sld [smem:$0x3F9E]  }
0x28: {  	s2 =	sld [smem:$0x3F9F]  }
0x29: {  	s4 =	sld [smem:$0x3FA1]  }
0x2a: {  	p0 =	seq.s32 s5, $0x0;
	s5 =	sld [smem:$0x3FA2]  }
0x2b: {  	s6 =	sld [smem:$0x3FA3]  }
0x2c: {  	s7 =	sld [smem:$0x3FA4]  }
0x2d: {  	s3 =	simm.s32 $0x108;
	s8 =	sld [smem:$0x3FA5]  }
0x2e: {  	s3 =	simm.s32 @!p0 $0x1082;
	s9 =	sld [smem:$0x3FA6]  }
0x2f: {  	lr =	sadd.s32 s0, s3;
	s0 =	sld [smem:$0x3F9D]  }
0x30: {  	s3 =	sld [smem:$0x3FA0]  }
0x31: {  	[smem:$0x3FA9] =	sst s10  }
0x32: {  	s10 =	sld [smem:$0x3FA7];
	_ =	sdelay $0x3  }
0x33: {  	p0 =	seq.s32 s10, $0x1;
	s10 =	sld [smem:$0x3FA9];
	_ =	sdelay $0x3  }
0x34: {  	[smem:$0x3FA9] =	sst s10  }
0x35: {  	s10 =	sld [smem:$0x3FA8];
	_ =	sdelay $0x3  }
0x36: {  	p1 =	seq.s32 s10, $0x1;
	s10 =	sld [smem:$0x3FA9];
	_ =	sdelay $0x3  }
0x37: {  	[smem:$0x3FA9] =	sst s10  }
0x38: {  	s10 =	sld [smem:$0x3FAA]  }
0x39: {  	_ = 	snop;
	(pc) =	sbr.ind lr, $3  }
0x3a: {  	_ = 	snop  }
0x3b: {  	_ = 	snop  }
0x3c: {  	p2 =	seq.s32 s10, $0x1;
	s10 =	sld [smem:$0x3FA9]  }
0x3d: {  	_ =	shalt  }
0x3e: {  	_ =	shalt  }
0x3f: {  	_ =	shalt  }
0x40: {  	_ =	shalt  }
0x41: {  	_ =	shalt  }
0x42: {  	_ =	shalt  }
0x43: {  	_ =	shalt  }
0x44: {  	_ =	shalt  }
0x45: {  	_ =	shalt  }
0x46: {  	_ =	shalt  }
0x47: {  	_ =	shalt  }
0x48: {  	_ =	shalt  }
0x49: {  	_ =	shalt  }
0x4a: {  	_ =	shalt  }
0x4b: {  	_ =	shalt  }
0x4c: {  	_ =	shalt  }
0x4d: {  	_ =	shalt  }
0x4e: {  	_ =	shalt  }
0x4f: {  	_ =	shalt  }
0x50: {  	_ =	shalt  }
0x51: {  	_ =	shalt  }
0x52: {  	_ =	shalt  }
0x53: {  	_ =	shalt  }
0x54: {  	_ =	shalt  }
0x55: {  	_ =	shalt  }
0x56: {  	_ =	shalt  }
0x57: {  	_ =	shalt  }
0x58: {  	_ =	shalt  }
0x59: {  	_ =	shalt  }
0x5a: {  	_ =	shalt  }
0x5b: {  	_ =	shalt  }
0x5c: {  	_ =	shalt  }
0x5d: {  	_ =	shalt  }
0x5e: {  	_ =	shalt  }
0x5f: {  	_ =	shalt  }
0x60: {  	_ =	shalt  }
0x61: {  	_ =	shalt  }
0x62: {  	_ =	shalt  }
0x63: {  	_ =	shalt  }
0x64: {  	_ =	shalt  }
0x65: {  	_ =	shalt  }
0x66: {  	_ =	shalt  }
0x67: {  	_ =	shalt  }
0x68: {  	_ =	shalt  }
0x69: {  	_ =	shalt  }
0x6a: {  	_ =	shalt  }
0x6b: {  	_ =	shalt  }
0x6c: {  	_ =	shalt  }
0x6d: {  	_ =	shalt  }
0x6e: {  	_ =	shalt  }
0x6f: {  	_ =	shalt  }
0x70: {  	_ =	shalt  }
0x71: {  	_ =	shalt  }
0x72: {  	_ =	shalt  }
0x73: {  	_ =	shalt  }
0x74: {  	_ =	shalt  }
0x75: {  	_ =	shalt  }
0x76: {  	_ =	shalt  }
0x77: {  	_ =	shalt  }
0x78: {  	_ =	shalt  }
0x79: {  	_ =	shalt  }
0x7a: {  	_ =	shalt  }
0x7b: {  	_ =	shalt  }
0x7c: {  	_ =	shalt  }
0x7d: {  	_ =	shalt  }
0x7e: {  	_ =	shalt  }
0x7f: {  	_ =	shalt  }
0x80: {  	_ =	shalt  }
0x81: {  	_ =	shalt  }
0x82: {  	_ =	shalt  }
0x83: {  	_ =	shalt  }
0x84: {  	_ =	shalt  }
0x85: {  	_ =	shalt  }
0x86: {  	_ =	shalt  }
0x87: {  	_ =	shalt  }
.Lfunc_end0:
.L_simem_size_0:
called_computation.1_lowered:
.L_overlay_start_0:
0x88: {  	s2 =	sld [smem:$0x3FD9]  }
0x89: {  	s3 =	sld [smem:$0x3FFE];
	_ =	sdelay $0x1  }
0x8a: {  	s1 =	srdreg.scid  }
0x8b: {  	s0 =	sand.u32 $0x1, s1  }
0x8c: {  	s16 =	sshll.u32 s0, $0xA;
	s2 =	sadd.s32 s3, s2  }
0x8d: {  	s2 =	sadd.s32 s2, s16  }
0x8e: {  	[smem:$0x3FB5] =	sst s2  }
0x8f: {  	_ = 	snop  }
0x90: {  	(tm) =	ssettm $0x1  }
0x91: {  	s17 =	sld [smem:$0x3FFB];
	_ =	sdelay $0x3  }
0x92: {  	_ =	strace s17  }
0x93: {  	s2 =	sld [smem:$0x3FFC];
	_ =	sdelay $0x3  }
0x94: {  	_ =	strace s2  }
0x95: {  	s2 =	sld [smem:$0x3FFD];
	_ =	sdelay $0x3  }
0x96: {  	_ =	strace s2  }
0x97: {  	_ =	strace $0x8FFFFFFF  }
0x98: {  	s18 =	sld [smem:$0x3FDB];
	_ =	sdelay $0x1  }
0x99: {  	s19 =	simm.s32 $_scs_section_size  }
0x9a: {  	s4 =	simm.s32 $_size__tile_overlayer_lowered;
	s5 =	simm.s32 $_tile_overlayer_lowered  }
0x9b: {  	s22 =	simm.s32 $0x1BFF;
	s21 =	sshll.u32 s5, $0x1;
	s2 =	sadd.s32 s19, s18  }
0x9c: {  	s6 =	simm.s32 $0x0;
	s20 =	sshll.u32 s4, $0x1;
	s4 =	sadd.s32 s21, s2  }
0x9d: {  	[timem:s6], [sflag:s22] =	dma.local [hbm:s4], s20  }
0x9e: {  	_ =	swait.ge [sflag:s22], s20  }
0x9f: {  	s3 =	ssub.s32 $0x0, s20;
	[sflag:s22] =	ssyncset.done $0x0  }
0xa0: {  	[sflag:s22] =	ssyncadd.s32 s3;
	_ =	sdelay $0x1  }
0xa1: {  	s23 =	simm.s32 $0x1B8B  }
0xa2: {  	_ =	swait.ge [sflag:s23], $0x1  }
0xa3: {  	[sflag:s23] =	ssyncset.done $0x0  }
0xa4: {  	s25 =	simm.s32 $0x1B8E;
	s24 =	sld [smem:$0x3FFE];
	[sflag:s23] =	ssyncadd.s32 $0xFFFFFFFF  }
0xa5: {  	s26 =	simm.s32 $execute0_lowered;
	[smem:$0x3FD2] =	sst s25  }
0xa6: {  	s4 =	sshll.u32 s26, $0x1;
	_ =	strace $0x80000049;
	[dreg:$0x1] =	wrdreg $0xFFFFFFFF  }
0xa7: {  	s28 =	simm.s32 $_size_execute0_lowered;
	s2 =	sadd.s32 s2, s4;
	[dreg:$0x0] =	wrdreg $0x0  }
0xa8: {  	s4 =	sshll.u32 s28, $0x1;
	[dreg:$0x2] =	wrdreg s2  }
0xa9: {  	[dreg:$0x3] =	wrdreg s4  }
0xaa: {  	[dreg:$0x4] =	wrdreg $0xC0  }
0xab: {  	_ =	task [dreg:s6], $0x5FFFF  }
0xac: {  	[dreg:$0x1] =	wrdreg $0xFFFFFFFF  }
0xad: {  	[dreg:$0x0] =	wrdreg $0x60  }
0xae: {  	[dreg:$0x2] =	wrdreg s24  }
0xaf: {  	[dreg:$0x3] =	wrdreg $0x90000  }
0xb0: {  	[dreg:$0x4] =	wrdreg $0x9  }
0xb1: {  	_ =	task.clear_ibuf [dreg:s6], $0x5FFFF;
	_ =	strace $0x90000049  }
0xb2: {  	s29 =	simm.s32 $0x9;
	_ =	strace $0x8000004B  }
0xb3: {  	_ =	swait.ge [sflag:s29], $0x1  }
0xb4: {  	[sflag:s29] =	ssyncadd.s32 $0xFFFFFFFF  }
0xb5: {  	_ =	strace $0x9000004B  }
0xb6: {  	_ =	sfence  }
0xb7: {  	s30 =	sld [smem:$0x0];
	_ =	sdelay $0x2  }
0xb8: {  	s31 =	sshll.u32 s1, $0xD;
	s1 =	sshrl.u32 s1, $0x2  }
0xb9: {  	s3 =	sand.u32 $0x4000, s31;
	s1 =	sadd.s32 s1, s30  }
0xba: {  	s0 =	sor.u32 s3, s0;
	s1 =	sshll.u32 s1, $0x11  }
0xbb: {  	s0 =	sor.u32 s1, s0  }
0xbc: {  	s0 =	sadd.s32 $0x8F2B, s0  }
0xbd: {  	[sflag:s0] =	ssyncadd.remote.s32 $0x1  }
0xbe: {  	_ =	sfence.sel $0xFFFF  }
0xbf: {  	[dreg:$0x0] =	wrdreg $0xFFFFFFFF;
	(pc) =	sbr.abs _section_cstart, $3  }
0xc0: {  	[dreg:$0x1] =	wrdreg $0xFFFFFFFF  }
0xc1: {  	_ =	task.clear_ibuf [dreg:s6], $0x2FFFF;
	_ =	strace $0x9FFFFFFF  }
0xc2: {  	(tm) =	ssettm $0x7FFFFFFF  }
0xc3: {  	_ =	shalt  }
tec
execute0_lowered:
.L_overlay_start_1:
0x0: {  	(tag) =	ssettag $0x1  }
0x1: {  	s5 =	rddreg [dreg:$0x0]  }
0x2: {  	s2 =	rddreg [dreg:$0x1]  }
0x3: {  	s0 =	rddreg [dreg:$0x2]  }
0x4: {  	s4 =	srdreg.scid;
	s1 =	stileid.u32;
	s3 =	simm.s32 $0x0  }
0x5: {  	s14 =	simm.s32 $0x80;
	s15 =	simm.s32 $0x5000;
	s16 =	simm.s32 $0x1  }
0x6: {  	s17 =	simm.s32 $0x0;
	s6 =	sand.u32 $0x1, s4;
	s8 =	smul.u32 $0x2780, s1  }
0x7: {  	s28 =	sshll.u32 s1, $0x1;
	[smem:$0x7FF] =	sst s3;
	s11 =	smul.u32 $0x4F000, s1  }
0x8: {  	s31 =	sshll.u32 s1, $0x6;
	s4 =	sor.u32 s6, s28;
	_ =	strace $0x8000004A  }
0x9: {  	s9 =	ssub.s32 $0x2, s6;
	p0 =	seq.s32 s6, $0x1;
	s7 =	smul.u32 $0x500, s4  }
0xa: {  	s4 =	sadd.s32 $0x44E00, s5;
	s10 =	sshrl.u32 s9, $0x1;
	s12 =	sadd.s32 s8, s5  }
0xb: {  	s30 =	sshrl.u32 s11, $0x2;
	s11 =	simm.s32 $0x2800;
	s29 =	ssub.s32 s9, s10  }
0xc: {  	s10 =	simm.s32 $0x93E00;
	s13 =	sadd.s32 s30, s2;
	s7 =	sadd.s32 s7, s5  }
0xd: {  	s10 =	simm.s32 @!p0 $0x6C600;
	s8 =	smax.u32 s29, $0x1;
	s13 =	sshrl.u32 s13, $0x3  }
0xe: {  	s5 =	sadd.s32 $0x9600, s7;
	s6 =	sadd.s32 $0x13600, s7;
	s7 =	sadd.s32 $0x1D600, s12  }
0xf: {  	s9 =	sadd.s32 s10, s12;
	s10 =	simm.s32 $0x2;
	s12 =	sor.u32 $0x1C02, s31  }
.LBB2_1:
0x10: {  	[tilespmem:s3], [sflag:$0x2] =	stream.linear.gather [hbm4b:s5+s3], $0x2780, $0x38;
	[tilespmem:$0x1CC00] =	vst v63  }
0x11: {  	_ =	swait.ge [sflag:s10], $0x2780  }
0x12: {  	[sflag:s10] =	ssyncset.done $0x0  }
0x13: {  	[sflag:s10] =	ssyncadd.s32 $0xFFFFD880  }
0x14: {  	[tilespmem:s11], [sflag:$0x2] =	stream.linear.gather [hbm4b:s6+s3], $0x2780, $0x38;
	[tilespmem:$0x1CC00] =	vst v63  }
0x15: {  	_ =	swait.ge [sflag:s10], $0x2780  }
0x16: {  	[sflag:s10] =	ssyncset.done $0x0  }
0x17: {  	[sflag:s10] =	ssyncadd.s32 $0xFFFFD880  }
0x18: {  	[spmem:s13], [sflag:s12] =	dma.local [hbm:s7], $0x2780  }
0x19: {  	_ =	swait.ge [sflag:s10], $0x2780  }
0x1a: {  	[sflag:s10] =	ssyncset.done $0x0  }
0x1b: {  	[sflag:s10] =	ssyncadd.s32 $0xFFFFD880  }
0x1c: {  	s18 =	simm.s32 $0x0;
	[bflag:$0x0] =	sbarrier.arrive $0xFFFF  }
0x1d: {  	[tilespmem:s15], [sflag:$0x1] =	stream.indirect.gather [hbm4b:s4+s14], $0x80, s18, s14, $0xb8;
	[tilespmem:$0x1CC00] =	vst v63  }
0x1e: {  	_ =	swait.ge [sflag:s16], $0x4000  }
0x1f: {  	[sflag:s16] =	ssyncset.done $0x0  }
0x20: {  	s31 =	simm.s32 $0x2800;
	[sflag:s16] =	ssyncadd.s32 $0xFFFFC000  }
0x21: {  	[spmem:s2] =	stream.indirect.scatter.add.f32 [tilespmem:s15], [sflag:$0x2], $0x80, s31, s14, $0xb8;
	[tilespmem:$0x1CC00] =	vst v63  }
0x22: {  	_ =	swait.ge [sflag:s10], $0x4000  }
0x23: {  	s19 =	simm.s32 $0x400;
	s18 =	simm.s32 $0x200;
	[sflag:s10] =	ssyncset.done $0x0  }
.LBB2_2:
0x24: {  	s20 =	sshra.s32 s18, $0x2  }
0x25: {  	[sflag:s10] =	ssyncadd.s32 $0xFFFFC000;
	s18 =	smov.u32 s19;
	s21 =	sadd.s32 $0x200, s19  }
0x26: {  	[tilespmem:s15], [sflag:$0x1] =	stream.indirect.gather [hbm4b:s4+s14], $0x80, s20, s14, $0xb8;
	[tilespmem:$0x1CC00] =	vst v63  }
0x27: {  	p0 =	sne.s32 s19, $0x9C00;
	_ =	swait.ge [sflag:s16], $0x4000  }
.Ltmp0:
0x28: {  	[sflag:s16] =	ssyncset.done $0x0;
	(pc) =	sbr.rel @p0 .LBB2_2-.Ltmp0, $4  }
0x29: {  	s19 =	sadd.s32 $0x2800, s20;
	[sflag:s16] =	ssyncadd.s32 $0xFFFFC000  }
0x2a: {  	[spmem:s2] =	stream.indirect.scatter.add.f32 [tilespmem:s15], [sflag:$0x2], $0x80, s19, s14, $0xb8;
	[tilespmem:$0x1CC00] =	vst v63  }
0x2b: {  	_ =	swait.ge [sflag:s10], $0x4000  }
0x2c: {  	s19 =	smov.u32 s21;
	[sflag:s10] =	ssyncset.done $0x0  }
0x2d: {  	s18 =	sshra.s32 s18, $0x2;
	[sflag:s10] =	ssyncadd.s32 $0xFFFFC000  }
0x2e: {  	[tilespmem:s15], [sflag:$0x1] =	stream.indirect.gather [hbm4b:s4+s14], $0x80, s18, s14, $0xb8;
	[tilespmem:$0x1CC00] =	vst v63  }
0x2f: {  	_ =	swait.ge [sflag:s16], $0x4000  }
0x30: {  	[sflag:s16] =	ssyncset.done $0x0  }
0x31: {  	s18 =	sadd.s32 $0x2800, s18;
	[sflag:s16] =	ssyncadd.s32 $0xFFFFC000  }
0x32: {  	[spmem:s2] =	stream.indirect.scatter.add.f32 [tilespmem:s15], [sflag:$0x2], $0x80, s18, s14, $0xb8;
	[tilespmem:$0x1CC00] =	vst v63  }
0x33: {  	_ =	swait.ge [sflag:s10], $0x4000  }
0x34: {  	s17 =	sadd.s32 $0x1, s17;
	[sflag:s10] =	ssyncset.done $0x0  }
0x35: {  	p0 =	sne.s32 s17, s8;
	[sflag:s10] =	ssyncadd.s32 $0xFFFFC000  }
.Ltmp1:
0x36: {  	[bflag:$0x0] =	sbarrier.arrive $0xFFFF;
	(pc) =	sbr.rel @p0 .LBB2_1-.Ltmp1, $4  }
0x37: {  	[hbm:s9], [sflag:s12] =	dma.local [spmem:s13], $0x2780  }
0x38: {  	_ =	swait.ge [sflag:s10], $0x2780  }
0x39: {  	[sflag:s10] =	ssyncset.done $0x0  }
0x3a: {  	[sflag:s10] =	ssyncadd.s32 $0xFFFFD880  }
0x3b: {  	_ =	sfence.sel $0x180000  }
0x3c: {  	[bflag:$0x0] =	sbarrier.arrive $0xFFFF  }
0x3d: {  	p0 =	sne.s32 s1, $0x0;
	_ =	strace $0x9000004A  }
0x3e: {  	s0 =	sadd.s32 @!p0 $0x100000, s0;
	[bflag:$0x2] =	sbarrier.arrive $0xFFFF  }
0x3f: {  	[sflag:s0] =	ssyncadd.tile.s32 @!p0 $0x1;
	_ =	shalt  }
.Lfunc_end2:
_tile_overlayer_lowered:
.L_overlay_start_2:
0x40: {  	(tag) =	ssettag $0x2  }
0x41: {  	s0 =	rddreg [dreg:$0x0];
	s2 =	stileid.u32  }
0x42: {  	s1 =	rddreg [dreg:$0x1];
	p0 =	sne.s32 s2, $0x0  }
0x43: {  	s3 =	rddreg [dreg:$0x2];
	[bflag:$0x3] =	sbarrier.arrive $0xFFFF;
	s2 =	simm.s32 @!p0 $0x1C02  }
0x44: {  	[timem:s3], [sflag:s2] =	dma.local @!p0 [hbm:s0], s1  }
0x45: {  	s0 =	simm.s32 @!p0 $0x2  }
0x46: {  	_ =	swait.ge @!p0 [sflag:s0], s1  }
0x47: {  	s1 =	ssub.s32 @!p0 $0x0, s1;
	[sflag:s0] =	ssyncset.done @!p0 $0x0  }
0x48: {  	[sflag:s0] =	ssyncadd.s32 @!p0 s1  }
0x49: {  	[bflag:$0x3] =	sbarrier.arrive $0xFFFF  }
0x4a: {  	_ =	shalt  }

// kernel: kernel.27.cloned.1.call-start
scs
__scs_entry_jumppad:
0x0: {  	(pc) =	sbr.rel $0x88, $3  }
0x1: {  	(tag) =	ssettag $0x0;
	lr =	simm.s32 $0x1  }
0x2: {  	[smem:$0x3F8E] =	sst lr;
	_ =	strace $0xD0000000  }
0x3: {  	_ = 	snop  }
0x4: {  	_ = 	snop  }
0x5: {  	_ = 	snop  }
0x6: {  	_ = 	snop  }
0x7: {  	_ = 	snop  }
__scs_overlays_trampoline_lowered:
0x8: {  	[smem:$0x3F9D] =	sst s0  }
0x9: {  	[smem:$0x3F9E] =	sst s1  }
0xa: {  	[smem:$0x3F9F] =	sst s2  }
0xb: {  	[smem:$0x3FA0] =	sst s3  }
0xc: {  	[smem:$0x3FA1] =	sst s4  }
0xd: {  	[smem:$0x3FA2] =	sst s5  }
0xe: {  	[smem:$0x3FA3] =	sst s6  }
0xf: {  	[smem:$0x3FA4] =	sst s7  }
0x10: {  	[smem:$0x3FA5] =	sst s8  }
0x11: {  	[smem:$0x3FA6] =	sst s9;
	s0 =	simm.s32 @!p0 $0x0  }
0x12: {  	s1 =	sld [smem:$0x3F8C];
	s0 =	simm.s32 @p0 $0x1  }
0x13: {  	[smem:$0x3FA7] =	sst s0;
	s0 =	simm.s32 @!p1 $0x0  }
0x14: {  	s2 =	sld [smem:$0x3F8B];
	s0 =	simm.s32 @p1 $0x1  }
0x15: {  	[smem:$0x3FA8] =	sst s0;
	s0 =	simm.s32 @!p2 $0x0  }
0x16: {  	s3 =	sld [smem:$0x3FDB];
	s0 =	simm.s32 @p2 $0x1  }
0x17: {  	s4 =	simm.s32 $0x1BF5;
	[smem:$0x3FAA] =	sst s0  }
0x18: {  	s0 =	sld [smem:$0x3F8D];
	_ =	swait.ge [sflag:s4], $0x0  }
0x19: {  	s7 =	sld [smem:$0x3F8E]  }
0x1a: {  	s8 =	sadd.s32 $0xFFFFE003, lr  }
0x1b: {  	s9 =	sadd.s32 $0xFFFFFEF7, lr;
	s5 =	simm.s32 $0xFFFFFFFF;
	p2 =	slt.u32 s8, $0xFFFFF086  }
0x1c: {  	p1 =	slt.u32 s9, $0xF7A;
	s5 =	simm.s32 @!p2 $0x0  }
0x1d: {  	s5 =	simm.s32 @p1 $0x1;
	p0 =	seq.s32 s7, s2  }
0x1e: {  	s7 =	smul.u32 @!p0 $0xF7A, s2;
	p2 =	seq.s32 @!p0 s5, $0x0  }
0x1f: {  	s9 =	smul.u32 $0xF7A, s1;
	s8 =	simm.s32 @!p0 $0x1BF5;
	p2 =	por !p2, p0  }
0x20: {  	[sflag:s8] =	ssyncset.s32 @!p0 $0xFFFFF086;
	s6 =	sadd.s32 @!p0 s3, s7;
	s7 =	simm.s32 @!p0 $0x108  }
0x21: {  	s3 =	sadd.s32 s3, s9;
	s6 =	sadd.s32 @!p0 $0x88, s6;
	s7 =	simm.s32 @p2 $0x1082  }
0x22: {  	[simem:s7], [sflag:s8] =	dma.local @!p0 [hbm:s6], $0xF7A  }
0x23: {  	s9 =	sor.u32 $0xD0000000, s2;
	s6 =	simm.s32 $0x108;
	_ =	swait.ge @!p0 [sflag:s8], $0x0  }
0x24: {  	s3 =	sadd.s32 $0x88, s3;
	s6 =	simm.s32 @!p1 $0x1082;
	[sflag:s4] =	ssyncset.s32 $0xFFFFF086  }
0x25: {  	[simem:s6], [sflag:s4] =	dma.local [hbm:s3], $0xF7A  }
0x26: {  	[smem:$0x3F8E] =	sst s1;
	(tag) =	ssettag s2;
	_ =	strace s9  }
0x27: {  	s1 =	sld [smem:$0x3F9E]  }
0x28: {  	s2 =	sld [smem:$0x3F9F]  }
0x29: {  	s4 =	sld [smem:$0x3FA1]  }
0x2a: {  	p0 =	seq.s32 s5, $0x0;
	s5 =	sld [smem:$0x3FA2]  }
0x2b: {  	s6 =	sld [smem:$0x3FA3]  }
0x2c: {  	s7 =	sld [smem:$0x3FA4]  }
0x2d: {  	s3 =	simm.s32 $0x108;
	s8 =	sld [smem:$0x3FA5]  }
0x2e: {  	s3 =	simm.s32 @!p0 $0x1082;
	s9 =	sld [smem:$0x3FA6]  }
0x2f: {  	lr =	sadd.s32 s0, s3;
	s0 =	sld [smem:$0x3F9D]  }
0x30: {  	s3 =	sld [smem:$0x3FA0]  }
0x31: {  	[smem:$0x3FA9] =	sst s10  }
0x32: {  	s10 =	sld [smem:$0x3FA7];
	_ =	sdelay $0x3  }
0x33: {  	p0 =	seq.s32 s10, $0x1;
	s10 =	sld [smem:$0x3FA9];
	_ =	sdelay $0x3  }
0x34: {  	[smem:$0x3FA9] =	sst s10  }
0x35: {  	s10 =	sld [smem:$0x3FA8];
	_ =	sdelay $0x3  }
0x36: {  	p1 =	seq.s32 s10, $0x1;
	s10 =	sld [smem:$0x3FA9];
	_ =	sdelay $0x3  }
0x37: {  	[smem:$0x3FA9] =	sst s10  }
0x38: {  	s10 =	sld [smem:$0x3FAA]  }
0x39: {  	_ = 	snop;
	(pc) =	sbr.ind lr, $3  }
0x3a: {  	_ = 	snop  }
0x3b: {  	_ = 	snop  }
0x3c: {  	p2 =	seq.s32 s10, $0x1;
	s10 =	sld [smem:$0x3FA9]  }
0x3d: {  	_ =	shalt  }
0x3e: {  	_ =	shalt  }
0x3f: {  	_ =	shalt  }
0x40: {  	_ =	shalt  }
0x41: {  	_ =	shalt  }
0x42: {  	_ =	shalt  }
0x43: {  	_ =	shalt  }
0x44: {  	_ =	shalt  }
0x45: {  	_ =	shalt  }
0x46: {  	_ =	shalt  }
0x47: {  	_ =	shalt  }
0x48: {  	_ =	shalt  }
0x49: {  	_ =	shalt  }
0x4a: {  	_ =	shalt  }
0x4b: {  	_ =	shalt  }
0x4c: {  	_ =	shalt  }
0x4d: {  	_ =	shalt  }
0x4e: {  	_ =	shalt  }
0x4f: {  	_ =	shalt  }
0x50: {  	_ =	shalt  }
0x51: {  	_ =	shalt  }
0x52: {  	_ =	shalt  }
0x53: {  	_ =	shalt  }
0x54: {  	_ =	shalt  }
0x55: {  	_ =	shalt  }
0x56: {  	_ =	shalt  }
0x57: {  	_ =	shalt  }
0x58: {  	_ =	shalt  }
0x59: {  	_ =	shalt  }
0x5a: {  	_ =	shalt  }
0x5b: {  	_ =	shalt  }
0x5c: {  	_ =	shalt  }
0x5d: {  	_ =	shalt  }
0x5e: {  	_ =	shalt  }
0x5f: {  	_ =	shalt  }
0x60: {  	_ =	shalt  }
0x61: {  	_ =	shalt  }
0x62: {  	_ =	shalt  }
0x63: {  	_ =	shalt  }
0x64: {  	_ =	shalt  }
0x65: {  	_ =	shalt  }
0x66: {  	_ =	shalt  }
0x67: {  	_ =	shalt  }
0x68: {  	_ =	shalt  }
0x69: {  	_ =	shalt  }
0x6a: {  	_ =	shalt  }
0x6b: {  	_ =	shalt  }
0x6c: {  	_ =	shalt  }
0x6d: {  	_ =	shalt  }
0x6e: {  	_ =	shalt  }
0x6f: {  	_ =	shalt  }
0x70: {  	_ =	shalt  }
0x71: {  	_ =	shalt  }
0x72: {  	_ =	shalt  }
0x73: {  	_ =	shalt  }
0x74: {  	_ =	shalt  }
0x75: {  	_ =	shalt  }
0x76: {  	_ =	shalt  }
0x77: {  	_ =	shalt  }
0x78: {  	_ =	shalt  }
0x79: {  	_ =	shalt  }
0x7a: {  	_ =	shalt  }
0x7b: {  	_ =	shalt  }
0x7c: {  	_ =	shalt  }
0x7d: {  	_ =	shalt  }
0x7e: {  	_ =	shalt  }
0x7f: {  	_ =	shalt  }
0x80: {  	_ =	shalt  }
0x81: {  	_ =	shalt  }
0x82: {  	_ =	shalt  }
0x83: {  	_ =	shalt  }
0x84: {  	_ =	shalt  }
0x85: {  	_ =	shalt  }
0x86: {  	_ =	shalt  }
0x87: {  	_ =	shalt  }
.Lfunc_end0:
.L_simem_size_0:
called_computation.2_lowered:
.L_overlay_start_0:
0x88: {  	s2 =	sld [smem:$0x3FD9]  }
0x89: {  	s3 =	sld [smem:$0x3FFE];
	_ =	sdelay $0x1  }
0x8a: {  	s1 =	srdreg.scid  }
0x8b: {  	s0 =	sand.u32 $0x1, s1  }
0x8c: {  	s16 =	sshll.u32 s0, $0xA;
	s2 =	sadd.s32 s3, s2  }
0x8d: {  	s2 =	sadd.s32 s2, s16  }
0x8e: {  	[smem:$0x3FB5] =	sst s2  }
0x8f: {  	_ = 	snop  }
0x90: {  	(tm) =	ssettm $0x1  }
0x91: {  	s17 =	sld [smem:$0x3FFB];
	_ =	sdelay $0x3  }
0x92: {  	_ =	strace s17  }
0x93: {  	s2 =	sld [smem:$0x3FFC];
	_ =	sdelay $0x3  }
0x94: {  	_ =	strace s2  }
0x95: {  	s2 =	sld [smem:$0x3FFD];
	_ =	sdelay $0x3  }
0x96: {  	_ =	strace s2  }
0x97: {  	_ =	strace $0x8FFFFFFF  }
0x98: {  	s18 =	sld [smem:$0x3FDB];
	_ =	sdelay $0x1  }
0x99: {  	s19 =	simm.s32 $_scs_section_size  }
0x9a: {  	s4 =	simm.s32 $_size__tile_overlayer_lowered;
	s5 =	simm.s32 $_tile_overlayer_lowered  }
0x9b: {  	s22 =	simm.s32 $0x1BFF;
	s21 =	sshll.u32 s5, $0x1;
	s2 =	sadd.s32 s19, s18  }
0x9c: {  	s6 =	simm.s32 $0x0;
	s20 =	sshll.u32 s4, $0x1;
	s4 =	sadd.s32 s21, s2  }
0x9d: {  	[timem:s6], [sflag:s22] =	dma.local [hbm:s4], s20  }
0x9e: {  	_ =	swait.ge [sflag:s22], s20  }
0x9f: {  	s3 =	ssub.s32 $0x0, s20;
	[sflag:s22] =	ssyncset.done $0x0  }
0xa0: {  	[sflag:s22] =	ssyncadd.s32 s3;
	_ =	sdelay $0x1  }
0xa1: {  	s23 =	simm.s32 $0x1B8B  }
0xa2: {  	_ =	swait.ge [sflag:s23], $0x1  }
0xa3: {  	[sflag:s23] =	ssyncset.done $0x0  }
0xa4: {  	s25 =	simm.s32 $0x1B8E;
	s24 =	sld [smem:$0x3FFE];
	[sflag:s23] =	ssyncadd.s32 $0xFFFFFFFF  }
0xa5: {  	s26 =	simm.s32 $execute0_lowered;
	[smem:$0x3FD2] =	sst s25  }
0xa6: {  	s4 =	sshll.u32 s26, $0x1;
	_ =	strace $0x8000004C;
	[dreg:$0x1] =	wrdreg $0xFFFFFFFF  }
0xa7: {  	s28 =	simm.s32 $_size_execute0_lowered;
	s2 =	sadd.s32 s2, s4;
	[dreg:$0x0] =	wrdreg $0x0  }
0xa8: {  	s4 =	sshll.u32 s28, $0x1;
	[dreg:$0x2] =	wrdreg s2  }
0xa9: {  	[dreg:$0x3] =	wrdreg s4  }
0xaa: {  	[dreg:$0x4] =	wrdreg $0xC0  }
0xab: {  	_ =	task [dreg:s6], $0x5FFFF  }
0xac: {  	[dreg:$0x1] =	wrdreg $0xFFFFFFFF  }
0xad: {  	[dreg:$0x0] =	wrdreg $0x60  }
0xae: {  	[dreg:$0x2] =	wrdreg s24  }
0xaf: {  	[dreg:$0x3] =	wrdreg $0x90000  }
0xb0: {  	[dreg:$0x4] =	wrdreg $0x9  }
0xb1: {  	_ =	task.clear_ibuf [dreg:s6], $0x5FFFF;
	_ =	strace $0x9000004C  }
0xb2: {  	s29 =	simm.s32 $0x9;
	_ =	strace $0x8000004E  }
0xb3: {  	_ =	swait.ge [sflag:s29], $0x1  }
0xb4: {  	[sflag:s29] =	ssyncadd.s32 $0xFFFFFFFF  }
0xb5: {  	_ =	strace $0x9000004E  }
0xb6: {  	_ =	sfence  }
0xb7: {  	s30 =	sld [smem:$0x0];
	_ =	sdelay $0x2  }
0xb8: {  	s31 =	sshll.u32 s1, $0xD;
	s1 =	sshrl.u32 s1, $0x2  }
0xb9: {  	s3 =	sand.u32 $0x4000, s31;
	s1 =	sadd.s32 s1, s30  }
0xba: {  	s0 =	sor.u32 s3, s0;
	s1 =	sshll.u32 s1, $0x11  }
0xbb: {  	s0 =	sor.u32 s1, s0  }
0xbc: {  	s0 =	sadd.s32 $0x8F2B, s0  }
0xbd: {  	[sflag:s0] =	ssyncadd.remote.s32 $0x1  }
0xbe: {  	_ =	sfence.sel $0xFFFF  }
0xbf: {  	[dreg:$0x0] =	wrdreg $0xFFFFFFFF;
	(pc) =	sbr.abs _section_cstart, $3  }
0xc0: {  	[dreg:$0x1] =	wrdreg $0xFFFFFFFF  }
0xc1: {  	_ =	task.clear_ibuf [dreg:s6], $0x2FFFF;
	_ =	strace $0x9FFFFFFF  }
0xc2: {  	(tm) =	ssettm $0x7FFFFFFF  }
0xc3: {  	_ =	shalt  }
tec
execute0_lowered:
.L_overlay_start_1:
0x0: {  	(tag) =	ssettag $0x1  }
0x1: {  	s5 =	rddreg [dreg:$0x0]  }
0x2: {  	s2 =	rddreg [dreg:$0x1]  }
0x3: {  	s0 =	rddreg [dreg:$0x2]  }
0x4: {  	s4 =	srdreg.scid;
	s1 =	stileid.u32;
	s3 =	simm.s32 $0x0  }
0x5: {  	s14 =	simm.s32 $0x80;
	s15 =	simm.s32 $0x5000;
	s16 =	simm.s32 $0x1  }
0x6: {  	s17 =	simm.s32 $0x0;
	s6 =	sand.u32 $0x1, s4;
	s8 =	smul.u32 $0x2780, s1  }
0x7: {  	s28 =	sshll.u32 s1, $0x1;
	[smem:$0x7FF] =	sst s3;
	s11 =	smul.u32 $0x4F000, s1  }
0x8: {  	s31 =	sshll.u32 s1, $0x6;
	s4 =	sor.u32 s6, s28;
	_ =	strace $0x8000004D  }
0x9: {  	s9 =	ssub.s32 $0x2, s6;
	p0 =	seq.s32 s6, $0x1;
	s7 =	smul.u32 $0x500, s4  }
0xa: {  	s4 =	sadd.s32 $0x44E00, s5;
	s10 =	sshrl.u32 s9, $0x1;
	s12 =	sadd.s32 s8, s5  }
0xb: {  	s30 =	sshrl.u32 s11, $0x2;
	s11 =	simm.s32 $0x2800;
	s29 =	ssub.s32 s9, s10  }
0xc: {  	s10 =	simm.s32 $0x93E00;
	s13 =	sadd.s32 s30, s2;
	s7 =	sadd.s32 s7, s5  }
0xd: {  	s10 =	simm.s32 @!p0 $0x6C600;
	s8 =	smax.u32 s29, $0x1;
	s13 =	sshrl.u32 s13, $0x3  }
0xe: {  	s5 =	sadd.s32 $0x9600, s7;
	s6 =	sadd.s32 $0x13600, s7;
	s7 =	sadd.s32 $0x1D600, s12  }
0xf: {  	s9 =	sadd.s32 s10, s12;
	s10 =	simm.s32 $0x2;
	s12 =	sor.u32 $0x1C02, s31  }
.LBB2_1:
0x10: {  	[tilespmem:s3], [sflag:$0x2] =	stream.linear.gather [hbm4b:s5+s3], $0x2780, $0x38;
	[tilespmem:$0x1CC00] =	vst v63  }
0x11: {  	_ =	swait.ge [sflag:s10], $0x2780  }
0x12: {  	[sflag:s10] =	ssyncset.done $0x0  }
0x13: {  	[sflag:s10] =	ssyncadd.s32 $0xFFFFD880  }
0x14: {  	[tilespmem:s11], [sflag:$0x2] =	stream.linear.gather [hbm4b:s6+s3], $0x2780, $0x38;
	[tilespmem:$0x1CC00] =	vst v63  }
0x15: {  	_ =	swait.ge [sflag:s10], $0x2780  }
0x16: {  	[sflag:s10] =	ssyncset.done $0x0  }
0x17: {  	[sflag:s10] =	ssyncadd.s32 $0xFFFFD880  }
0x18: {  	[spmem:s13], [sflag:s12] =	dma.local [hbm:s7], $0x2780  }
0x19: {  	_ =	swait.ge [sflag:s10], $0x2780  }
0x1a: {  	[sflag:s10] =	ssyncset.done $0x0  }
0x1b: {  	[sflag:s10] =	ssyncadd.s32 $0xFFFFD880  }
0x1c: {  	s18 =	simm.s32 $0x0;
	[bflag:$0x0] =	sbarrier.arrive $0xFFFF  }
0x1d: {  	[tilespmem:s15], [sflag:$0x1] =	stream.indirect.gather [hbm4b:s4+s14], $0x80, s18, s14, $0xb8;
	[tilespmem:$0x1CC00] =	vst v63  }
0x1e: {  	_ =	swait.ge [sflag:s16], $0x4000  }
0x1f: {  	[sflag:s16] =	ssyncset.done $0x0  }
0x20: {  	s31 =	simm.s32 $0x2800;
	[sflag:s16] =	ssyncadd.s32 $0xFFFFC000  }
0x21: {  	[spmem:s2] =	stream.indirect.scatter.add.f32 [tilespmem:s15], [sflag:$0x2], $0x80, s31, s14, $0xb8;
	[tilespmem:$0x1CC00] =	vst v63  }
0x22: {  	_ =	swait.ge [sflag:s10], $0x4000  }
0x23: {  	s19 =	simm.s32 $0x400;
	s18 =	simm.s32 $0x200;
	[sflag:s10] =	ssyncset.done $0x0  }
.LBB2_2:
0x24: {  	s20 =	sshra.s32 s18, $0x2  }
0x25: {  	[sflag:s10] =	ssyncadd.s32 $0xFFFFC000;
	s18 =	smov.u32 s19;
	s21 =	sadd.s32 $0x200, s19  }
0x26: {  	[tilespmem:s15], [sflag:$0x1] =	stream.indirect.gather [hbm4b:s4+s14], $0x80, s20, s14, $0xb8;
	[tilespmem:$0x1CC00] =	vst v63  }
0x27: {  	p0 =	sne.s32 s19, $0x9C00;
	_ =	swait.ge [sflag:s16], $0x4000  }
.Ltmp0:
0x28: {  	[sflag:s16] =	ssyncset.done $0x0;
	(pc) =	sbr.rel @p0 .LBB2_2-.Ltmp0, $4  }
0x29: {  	s19 =	sadd.s32 $0x2800, s20;
	[sflag:s16] =	ssyncadd.s32 $0xFFFFC000  }
0x2a: {  	[spmem:s2] =	stream.indirect.scatter.add.f32 [tilespmem:s15], [sflag:$0x2], $0x80, s19, s14, $0xb8;
	[tilespmem:$0x1CC00] =	vst v63  }
0x2b: {  	_ =	swait.ge [sflag:s10], $0x4000  }
0x2c: {  	s19 =	smov.u32 s21;
	[sflag:s10] =	ssyncset.done $0x0  }
0x2d: {  	s18 =	sshra.s32 s18, $0x2;
	[sflag:s10] =	ssyncadd.s32 $0xFFFFC000  }
0x2e: {  	[tilespmem:s15], [sflag:$0x1] =	stream.indirect.gather [hbm4b:s4+s14], $0x80, s18, s14, $0xb8;
	[tilespmem:$0x1CC00] =	vst v63  }
0x2f: {  	_ =	swait.ge [sflag:s16], $0x4000  }
0x30: {  	[sflag:s16] =	ssyncset.done $0x0  }
0x31: {  	s18 =	sadd.s32 $0x2800, s18;
	[sflag:s16] =	ssyncadd.s32 $0xFFFFC000  }
0x32: {  	[spmem:s2] =	stream.indirect.scatter.add.f32 [tilespmem:s15], [sflag:$0x2], $0x80, s18, s14, $0xb8;
	[tilespmem:$0x1CC00] =	vst v63  }
0x33: {  	_ =	swait.ge [sflag:s10], $0x4000  }
0x34: {  	s17 =	sadd.s32 $0x1, s17;
	[sflag:s10] =	ssyncset.done $0x0  }
0x35: {  	p0 =	sne.s32 s17, s8;
	[sflag:s10] =	ssyncadd.s32 $0xFFFFC000  }
.Ltmp1:
0x36: {  	[bflag:$0x0] =	sbarrier.arrive $0xFFFF;
	(pc) =	sbr.rel @p0 .LBB2_1-.Ltmp1, $4  }
0x37: {  	[hbm:s9], [sflag:s12] =	dma.local [spmem:s13], $0x2780  }
0x38: {  	_ =	swait.ge [sflag:s10], $0x2780  }
0x39: {  	[sflag:s10] =	ssyncset.done $0x0  }
0x3a: {  	[sflag:s10] =	ssyncadd.s32 $0xFFFFD880  }
0x3b: {  	_ =	sfence.sel $0x180000  }
0x3c: {  	[bflag:$0x0] =	sbarrier.arrive $0xFFFF  }
0x3d: {  	p0 =	sne.s32 s1, $0x0;
	_ =	strace $0x9000004D  }
0x3e: {  	s0 =	sadd.s32 @!p0 $0x100000, s0;
	[bflag:$0x2] =	sbarrier.arrive $0xFFFF  }
0x3f: {  	[sflag:s0] =	ssyncadd.tile.s32 @!p0 $0x1;
	_ =	shalt  }
.Lfunc_end2:
_tile_overlayer_lowered:
.L_overlay_start_2:
0x40: {  	(tag) =	ssettag $0x2  }
0x41: {  	s0 =	rddreg [dreg:$0x0];
	s2 =	stileid.u32  }
0x42: {  	s1 =	rddreg [dreg:$0x1];
	p0 =	sne.s32 s2, $0x0  }
0x43: {  	s3 =	rddreg [dreg:$0x2];
	[bflag:$0x3] =	sbarrier.arrive $0xFFFF;
	s2 =	simm.s32 @!p0 $0x1C02  }
0x44: {  	[timem:s3], [sflag:s2] =	dma.local @!p0 [hbm:s0], s1  }
0x45: {  	s0 =	simm.s32 @!p0 $0x2  }
0x46: {  	_ =	swait.ge @!p0 [sflag:s0], s1  }
0x47: {  	s1 =	ssub.s32 @!p0 $0x0, s1;
	[sflag:s0] =	ssyncset.done @!p0 $0x0  }
0x48: {  	[sflag:s0] =	ssyncadd.s32 @!p0 s1  }
0x49: {  	[bflag:$0x3] =	sbarrier.arrive $0xFFFF  }
0x4a: {  	_ =	shalt  }

// kernel: kernel.30.cloned.1.call-start
scs
__scs_entry_jumppad:
0x0: {  	(pc) =	sbr.rel $0x88, $3  }
0x1: {  	(tag) =	ssettag $0x0;
	lr =	simm.s32 $0x1  }
0x2: {  	[smem:$0x3F8E] =	sst lr;
	_ =	strace $0xD0000000  }
0x3: {  	_ = 	snop  }
0x4: {  	_ = 	snop  }
0x5: {  	_ = 	snop  }
0x6: {  	_ = 	snop  }
0x7: {  	_ = 	snop  }
__scs_overlays_trampoline_lowered:
0x8: {  	[smem:$0x3F9D] =	sst s0  }
0x9: {  	[smem:$0x3F9E] =	sst s1  }
0xa: {  	[smem:$0x3F9F] =	sst s2  }
0xb: {  	[smem:$0x3FA0] =	sst s3  }
0xc: {  	[smem:$0x3FA1] =	sst s4  }
0xd: {  	[smem:$0x3FA2] =	sst s5  }
0xe: {  	[smem:$0x3FA3] =	sst s6  }
0xf: {  	[smem:$0x3FA4] =	sst s7  }
0x10: {  	[smem:$0x3FA5] =	sst s8  }
0x11: {  	[smem:$0x3FA6] =	sst s9;
	s0 =	simm.s32 @!p0 $0x0  }
0x12: {  	s1 =	sld [smem:$0x3F8C];
	s0 =	simm.s32 @p0 $0x1  }
0x13: {  	[smem:$0x3FA7] =	sst s0;
	s0 =	simm.s32 @!p1 $0x0  }
0x14: {  	s2 =	sld [smem:$0x3F8B];
	s0 =	simm.s32 @p1 $0x1  }
0x15: {  	[smem:$0x3FA8] =	sst s0;
	s0 =	simm.s32 @!p2 $0x0  }
0x16: {  	s3 =	sld [smem:$0x3FDB];
	s0 =	simm.s32 @p2 $0x1  }
0x17: {  	s4 =	simm.s32 $0x1BF5;
	[smem:$0x3FAA] =	sst s0  }
0x18: {  	s0 =	sld [smem:$0x3F8D];
	_ =	swait.ge [sflag:s4], $0x0  }
0x19: {  	s7 =	sld [smem:$0x3F8E]  }
0x1a: {  	s8 =	sadd.s32 $0xFFFFE003, lr  }
0x1b: {  	s9 =	sadd.s32 $0xFFFFFEF7, lr;
	s5 =	simm.s32 $0xFFFFFFFF;
	p2 =	slt.u32 s8, $0xFFFFF086  }
0x1c: {  	p1 =	slt.u32 s9, $0xF7A;
	s5 =	simm.s32 @!p2 $0x0  }
0x1d: {  	s5 =	simm.s32 @p1 $0x1;
	p0 =	seq.s32 s7, s2  }
0x1e: {  	s7 =	smul.u32 @!p0 $0xF7A, s2;
	p2 =	seq.s32 @!p0 s5, $0x0  }
0x1f: {  	s9 =	smul.u32 $0xF7A, s1;
	s8 =	simm.s32 @!p0 $0x1BF5;
	p2 =	por !p2, p0  }
0x20: {  	[sflag:s8] =	ssyncset.s32 @!p0 $0xFFFFF086;
	s6 =	sadd.s32 @!p0 s3, s7;
	s7 =	simm.s32 @!p0 $0x108  }
0x21: {  	s3 =	sadd.s32 s3, s9;
	s6 =	sadd.s32 @!p0 $0x88, s6;
	s7 =	simm.s32 @p2 $0x1082  }
0x22: {  	[simem:s7], [sflag:s8] =	dma.local @!p0 [hbm:s6], $0xF7A  }
0x23: {  	s9 =	sor.u32 $0xD0000000, s2;
	s6 =	simm.s32 $0x108;
	_ =	swait.ge @!p0 [sflag:s8], $0x0  }
0x24: {  	s3 =	sadd.s32 $0x88, s3;
	s6 =	simm.s32 @!p1 $0x1082;
	[sflag:s4] =	ssyncset.s32 $0xFFFFF086  }
0x25: {  	[simem:s6], [sflag:s4] =	dma.local [hbm:s3], $0xF7A  }
0x26: {  	[smem:$0x3F8E] =	sst s1;
	(tag) =	ssettag s2;
	_ =	strace s9  }
0x27: {  	s1 =	sld [smem:$0x3F9E]  }
0x28: {  	s2 =	sld [smem:$0x3F9F]  }
0x29: {  	s4 =	sld [smem:$0x3FA1]  }
0x2a: {  	p0 =	seq.s32 s5, $0x0;
	s5 =	sld [smem:$0x3FA2]  }
0x2b: {  	s6 =	sld [smem:$0x3FA3]  }
0x2c: {  	s7 =	sld [smem:$0x3FA4]  }
0x2d: {  	s3 =	simm.s32 $0x108;
	s8 =	sld [smem:$0x3FA5]  }
0x2e: {  	s3 =	simm.s32 @!p0 $0x1082;
	s9 =	sld [smem:$0x3FA6]  }
0x2f: {  	lr =	sadd.s32 s0, s3;
	s0 =	sld [smem:$0x3F9D]  }
0x30: {  	s3 =	sld [smem:$0x3FA0]  }
0x31: {  	[smem:$0x3FA9] =	sst s10  }
0x32: {  	s10 =	sld [smem:$0x3FA7];
	_ =	sdelay $0x3  }
0x33: {  	p0 =	seq.s32 s10, $0x1;
	s10 =	sld [smem:$0x3FA9];
	_ =	sdelay $0x3  }
0x34: {  	[smem:$0x3FA9] =	sst s10  }
0x35: {  	s10 =	sld [smem:$0x3FA8];
	_ =	sdelay $0x3  }
0x36: {  	p1 =	seq.s32 s10, $0x1;
	s10 =	sld [smem:$0x3FA9];
	_ =	sdelay $0x3  }
0x37: {  	[smem:$0x3FA9] =	sst s10  }
0x38: {  	s10 =	sld [smem:$0x3FAA]  }
0x39: {  	_ = 	snop;
	(pc) =	sbr.ind lr, $3  }
0x3a: {  	_ = 	snop  }
0x3b: {  	_ = 	snop  }
0x3c: {  	p2 =	seq.s32 s10, $0x1;
	s10 =	sld [smem:$0x3FA9]  }
0x3d: {  	_ =	shalt  }
0x3e: {  	_ =	shalt  }
0x3f: {  	_ =	shalt  }
0x40: {  	_ =	shalt  }
0x41: {  	_ =	shalt  }
0x42: {  	_ =	shalt  }
0x43: {  	_ =	shalt  }
0x44: {  	_ =	shalt  }
0x45: {  	_ =	shalt  }
0x46: {  	_ =	shalt  }
0x47: {  	_ =	shalt  }
0x48: {  	_ =	shalt  }
0x49: {  	_ =	shalt  }
0x4a: {  	_ =	shalt  }
0x4b: {  	_ =	shalt  }
0x4c: {  	_ =	shalt  }
0x4d: {  	_ =	shalt  }
0x4e: {  	_ =	shalt  }
0x4f: {  	_ =	shalt  }
0x50: {  	_ =	shalt  }
0x51: {  	_ =	shalt  }
0x52: {  	_ =	shalt  }
0x53: {  	_ =	shalt  }
0x54: {  	_ =	shalt  }
0x55: {  	_ =	shalt  }
0x56: {  	_ =	shalt  }
0x57: {  	_ =	shalt  }
0x58: {  	_ =	shalt  }
0x59: {  	_ =	shalt  }
0x5a: {  	_ =	shalt  }
0x5b: {  	_ =	shalt  }
0x5c: {  	_ =	shalt  }
0x5d: {  	_ =	shalt  }
0x5e: {  	_ =	shalt  }
0x5f: {  	_ =	shalt  }
0x60: {  	_ =	shalt  }
0x61: {  	_ =	shalt  }
0x62: {  	_ =	shalt  }
0x63: {  	_ =	shalt  }
0x64: {  	_ =	shalt  }
0x65: {  	_ =	shalt  }
0x66: {  	_ =	shalt  }
0x67: {  	_ =	shalt  }
0x68: {  	_ =	shalt  }
0x69: {  	_ =	shalt  }
0x6a: {  	_ =	shalt  }
0x6b: {  	_ =	shalt  }
0x6c: {  	_ =	shalt  }
0x6d: {  	_ =	shalt  }
0x6e: {  	_ =	shalt  }
0x6f: {  	_ =	shalt  }
0x70: {  	_ =	shalt  }
0x71: {  	_ =	shalt  }
0x72: {  	_ =	shalt  }
0x73: {  	_ =	shalt  }
0x74: {  	_ =	shalt  }
0x75: {  	_ =	shalt  }
0x76: {  	_ =	shalt  }
0x77: {  	_ =	shalt  }
0x78: {  	_ =	shalt  }
0x79: {  	_ =	shalt  }
0x7a: {  	_ =	shalt  }
0x7b: {  	_ =	shalt  }
0x7c: {  	_ =	shalt  }
0x7d: {  	_ =	shalt  }
0x7e: {  	_ =	shalt  }
0x7f: {  	_ =	shalt  }
0x80: {  	_ =	shalt  }
0x81: {  	_ =	shalt  }
0x82: {  	_ =	shalt  }
0x83: {  	_ =	shalt  }
0x84: {  	_ =	shalt  }
0x85: {  	_ =	shalt  }
0x86: {  	_ =	shalt  }
0x87: {  	_ =	shalt  }
.Lfunc_end0:
.L_simem_size_0:
called_computation.3_lowered:
.L_overlay_start_0:
0x88: {  	s2 =	sld [smem:$0x3FD9]  }
0x89: {  	s3 =	sld [smem:$0x3FFE];
	_ =	sdelay $0x1  }
0x8a: {  	s1 =	srdreg.scid  }
0x8b: {  	s0 =	sand.u32 $0x1, s1  }
0x8c: {  	s16 =	sshll.u32 s0, $0xA;
	s2 =	sadd.s32 s3, s2  }
0x8d: {  	s2 =	sadd.s32 s2, s16  }
0x8e: {  	[smem:$0x3FB5] =	sst s2  }
0x8f: {  	_ = 	snop  }
0x90: {  	(tm) =	ssettm $0x1  }
0x91: {  	s17 =	sld [smem:$0x3FFB];
	_ =	sdelay $0x3  }
0x92: {  	_ =	strace s17  }
0x93: {  	s2 =	sld [smem:$0x3FFC];
	_ =	sdelay $0x3  }
0x94: {  	_ =	strace s2  }
0x95: {  	s2 =	sld [smem:$0x3FFD];
	_ =	sdelay $0x3  }
0x96: {  	_ =	strace s2  }
0x97: {  	_ =	strace $0x8FFFFFFF  }
0x98: {  	s18 =	sld [smem:$0x3FDB];
	_ =	sdelay $0x1  }
0x99: {  	s19 =	simm.s32 $_scs_section_size  }
0x9a: {  	s4 =	simm.s32 $_size__tile_overlayer_lowered;
	s5 =	simm.s32 $_tile_overlayer_lowered  }
0x9b: {  	s22 =	simm.s32 $0x1BFF;
	s21 =	sshll.u32 s5, $0x1;
	s2 =	sadd.s32 s19, s18  }
0x9c: {  	s6 =	simm.s32 $0x0;
	s20 =	sshll.u32 s4, $0x1;
	s4 =	sadd.s32 s21, s2  }
0x9d: {  	[timem:s6], [sflag:s22] =	dma.local [hbm:s4], s20  }
0x9e: {  	_ =	swait.ge [sflag:s22], s20  }
0x9f: {  	s3 =	ssub.s32 $0x0, s20;
	[sflag:s22] =	ssyncset.done $0x0  }
0xa0: {  	[sflag:s22] =	ssyncadd.s32 s3;
	_ =	sdelay $0x1  }
0xa1: {  	s23 =	simm.s32 $0x1B8B  }
0xa2: {  	_ =	swait.ge [sflag:s23], $0x1  }
0xa3: {  	[sflag:s23] =	ssyncset.done $0x0  }
0xa4: {  	s25 =	simm.s32 $0x1B8E;
	s24 =	sld [smem:$0x3FFE];
	[sflag:s23] =	ssyncadd.s32 $0xFFFFFFFF  }
0xa5: {  	s26 =	simm.s32 $execute0_lowered;
	[smem:$0x3FD2] =	sst s25  }
0xa6: {  	s4 =	sshll.u32 s26, $0x1;
	_ =	strace $0x8000004F;
	[dreg:$0x1] =	wrdreg $0xFFFFFFFF  }
0xa7: {  	s28 =	simm.s32 $_size_execute0_lowered;
	s2 =	sadd.s32 s2, s4;
	[dreg:$0x0] =	wrdreg $0x0  }
0xa8: {  	s4 =	sshll.u32 s28, $0x1;
	[dreg:$0x2] =	wrdreg s2  }
0xa9: {  	[dreg:$0x3] =	wrdreg s4  }
0xaa: {  	[dreg:$0x4] =	wrdreg $0xC0  }
0xab: {  	_ =	task [dreg:s6], $0x5FFFF  }
0xac: {  	[dreg:$0x1] =	wrdreg $0xFFFFFFFF  }
0xad: {  	[dreg:$0x0] =	wrdreg $0x60  }
0xae: {  	[dreg:$0x2] =	wrdreg s24  }
0xaf: {  	[dreg:$0x3] =	wrdreg $0x90000  }
0xb0: {  	[dreg:$0x4] =	wrdreg $0x9  }
0xb1: {  	_ =	task.clear_ibuf [dreg:s6], $0x5FFFF;
	_ =	strace $0x9000004F  }
0xb2: {  	s29 =	simm.s32 $0x9;
	_ =	strace $0x80000051  }
0xb3: {  	_ =	swait.ge [sflag:s29], $0x1  }
0xb4: {  	[sflag:s29] =	ssyncadd.s32 $0xFFFFFFFF  }
0xb5: {  	_ =	strace $0x90000051  }
0xb6: {  	_ =	sfence  }
0xb7: {  	s30 =	sld [smem:$0x0];
	_ =	sdelay $0x2  }
0xb8: {  	s31 =	sshll.u32 s1, $0xD;
	s1 =	sshrl.u32 s1, $0x2  }
0xb9: {  	s3 =	sand.u32 $0x4000, s31;
	s1 =	sadd.s32 s1, s30  }
0xba: {  	s0 =	sor.u32 s3, s0;
	s1 =	sshll.u32 s1, $0x11  }
0xbb: {  	s0 =	sor.u32 s1, s0  }
0xbc: {  	s0 =	sadd.s32 $0x8F2B, s0  }
0xbd: {  	[sflag:s0] =	ssyncadd.remote.s32 $0x1  }
0xbe: {  	_ =	sfence.sel $0xFFFF  }
0xbf: {  	[dreg:$0x0] =	wrdreg $0xFFFFFFFF;
	(pc) =	sbr.abs _section_cstart, $3  }
0xc0: {  	[dreg:$0x1] =	wrdreg $0xFFFFFFFF  }
0xc1: {  	_ =	task.clear_ibuf [dreg:s6], $0x2FFFF;
	_ =	strace $0x9FFFFFFF  }
0xc2: {  	(tm) =	ssettm $0x7FFFFFFF  }
0xc3: {  	_ =	shalt  }
tec
execute0_lowered:
.L_overlay_start_1:
0x0: {  	(tag) =	ssettag $0x1  }
0x1: {  	s5 =	rddreg [dreg:$0x0]  }
0x2: {  	s2 =	rddreg [dreg:$0x1]  }
0x3: {  	s0 =	rddreg [dreg:$0x2]  }
0x4: {  	s4 =	srdreg.scid;
	s1 =	stileid.u32;
	s3 =	simm.s32 $0x0  }
0x5: {  	s14 =	simm.s32 $0x80;
	s15 =	simm.s32 $0x5000;
	s16 =	simm.s32 $0x1  }
0x6: {  	s17 =	simm.s32 $0x0;
	s6 =	sand.u32 $0x1, s4;
	s8 =	smul.u32 $0x2780, s1  }
0x7: {  	s28 =	sshll.u32 s1, $0x1;
	[smem:$0x7FF] =	sst s3;
	s11 =	smul.u32 $0x4F000, s1  }
0x8: {  	s31 =	sshll.u32 s1, $0x6;
	s4 =	sor.u32 s6, s28;
	_ =	strace $0x80000050  }
0x9: {  	s9 =	ssub.s32 $0x2, s6;
	p0 =	seq.s32 s6, $0x1;
	s7 =	smul.u32 $0x500, s4  }
0xa: {  	s4 =	sadd.s32 $0x44E00, s5;
	s10 =	sshrl.u32 s9, $0x1;
	s12 =	sadd.s32 s8, s5  }
0xb: {  	s30 =	sshrl.u32 s11, $0x2;
	s11 =	simm.s32 $0x2800;
	s29 =	ssub.s32 s9, s10  }
0xc: {  	s10 =	simm.s32 $0x93E00;
	s13 =	sadd.s32 s30, s2;
	s7 =	sadd.s32 s7, s5  }
0xd: {  	s10 =	simm.s32 @!p0 $0x6C600;
	s8 =	smax.u32 s29, $0x1;
	s13 =	sshrl.u32 s13, $0x3  }
0xe: {  	s5 =	sadd.s32 $0x9600, s7;
	s6 =	sadd.s32 $0x13600, s7;
	s7 =	sadd.s32 $0x1D600, s12  }
0xf: {  	s9 =	sadd.s32 s10, s12;
	s10 =	simm.s32 $0x2;
	s12 =	sor.u32 $0x1C02, s31  }
.LBB2_1:
0x10: {  	[tilespmem:s3], [sflag:$0x2] =	stream.linear.gather [hbm4b:s5+s3], $0x2780, $0x38;
	[tilespmem:$0x1CC00] =	vst v63  }
0x11: {  	_ =	swait.ge [sflag:s10], $0x2780  }
0x12: {  	[sflag:s10] =	ssyncset.done $0x0  }
0x13: {  	[sflag:s10] =	ssyncadd.s32 $0xFFFFD880  }
0x14: {  	[tilespmem:s11], [sflag:$0x2] =	stream.linear.gather [hbm4b:s6+s3], $0x2780, $0x38;
	[tilespmem:$0x1CC00] =	vst v63  }
0x15: {  	_ =	swait.ge [sflag:s10], $0x2780  }
0x16: {  	[sflag:s10] =	ssyncset.done $0x0  }
0x17: {  	[sflag:s10] =	ssyncadd.s32 $0xFFFFD880  }
0x18: {  	[spmem:s13], [sflag:s12] =	dma.local [hbm:s7], $0x2780  }
0x19: {  	_ =	swait.ge [sflag:s10], $0x2780  }
0x1a: {  	[sflag:s10] =	ssyncset.done $0x0  }
0x1b: {  	[sflag:s10] =	ssyncadd.s32 $0xFFFFD880  }
0x1c: {  	s18 =	simm.s32 $0x0;
	[bflag:$0x0] =	sbarrier.arrive $0xFFFF  }
0x1d: {  	[tilespmem:s15], [sflag:$0x1] =	stream.indirect.gather [hbm4b:s4+s14], $0x80, s18, s14, $0xb8;
	[tilespmem:$0x1CC00] =	vst v63  }
0x1e: {  	_ =	swait.ge [sflag:s16], $0x4000  }
0x1f: {  	[sflag:s16] =	ssyncset.done $0x0  }
0x20: {  	s31 =	simm.s32 $0x2800;
	[sflag:s16] =	ssyncadd.s32 $0xFFFFC000  }
0x21: {  	[spmem:s2] =	stream.indirect.scatter.add.f32 [tilespmem:s15], [sflag:$0x2], $0x80, s31, s14, $0xb8;
	[tilespmem:$0x1CC00] =	vst v63  }
0x22: {  	_ =	swait.ge [sflag:s10], $0x4000  }
0x23: {  	s19 =	simm.s32 $0x400;
	s18 =	simm.s32 $0x200;
	[sflag:s10] =	ssyncset.done $0x0  }
.LBB2_2:
0x24: {  	s20 =	sshra.s32 s18, $0x2  }
0x25: {  	[sflag:s10] =	ssyncadd.s32 $0xFFFFC000;
	s18 =	smov.u32 s19;
	s21 =	sadd.s32 $0x200, s19  }
0x26: {  	[tilespmem:s15], [sflag:$0x1] =	stream.indirect.gather [hbm4b:s4+s14], $0x80, s20, s14, $0xb8;
	[tilespmem:$0x1CC00] =	vst v63  }
0x27: {  	p0 =	sne.s32 s19, $0x9C00;
	_ =	swait.ge [sflag:s16], $0x4000  }
.Ltmp0:
0x28: {  	[sflag:s16] =	ssyncset.done $0x0;
	(pc) =	sbr.rel @p0 .LBB2_2-.Ltmp0, $4  }
0x29: {  	s19 =	sadd.s32 $0x2800, s20;
	[sflag:s16] =	ssyncadd.s32 $0xFFFFC000  }
0x2a: {  	[spmem:s2] =	stream.indirect.scatter.add.f32 [tilespmem:s15], [sflag:$0x2], $0x80, s19, s14, $0xb8;
	[tilespmem:$0x1CC00] =	vst v63  }
0x2b: {  	_ =	swait.ge [sflag:s10], $0x4000  }
0x2c: {  	s19 =	smov.u32 s21;
	[sflag:s10] =	ssyncset.done $0x0  }
0x2d: {  	s18 =	sshra.s32 s18, $0x2;
	[sflag:s10] =	ssyncadd.s32 $0xFFFFC000  }
0x2e: {  	[tilespmem:s15], [sflag:$0x1] =	stream.indirect.gather [hbm4b:s4+s14], $0x80, s18, s14, $0xb8;
	[tilespmem:$0x1CC00] =	vst v63  }
0x2f: {  	_ =	swait.ge [sflag:s16], $0x4000  }
0x30: {  	[sflag:s16] =	ssyncset.done $0x0  }
0x31: {  	s18 =	sadd.s32 $0x2800, s18;
	[sflag:s16] =	ssyncadd.s32 $0xFFFFC000  }
0x32: {  	[spmem:s2] =	stream.indirect.scatter.add.f32 [tilespmem:s15], [sflag:$0x2], $0x80, s18, s14, $0xb8;
	[tilespmem:$0x1CC00] =	vst v63  }
0x33: {  	_ =	swait.ge [sflag:s10], $0x4000  }
0x34: {  	s17 =	sadd.s32 $0x1, s17;
	[sflag:s10] =	ssyncset.done $0x0  }
0x35: {  	p0 =	sne.s32 s17, s8;
	[sflag:s10] =	ssyncadd.s32 $0xFFFFC000  }
.Ltmp1:
0x36: {  	[bflag:$0x0] =	sbarrier.arrive $0xFFFF;
	(pc) =	sbr.rel @p0 .LBB2_1-.Ltmp1, $4  }
0x37: {  	[hbm:s9], [sflag:s12] =	dma.local [spmem:s13], $0x2780  }
0x38: {  	_ =	swait.ge [sflag:s10], $0x2780  }
0x39: {  	[sflag:s10] =	ssyncset.done $0x0  }
0x3a: {  	[sflag:s10] =	ssyncadd.s32 $0xFFFFD880  }
0x3b: {  	_ =	sfence.sel $0x180000  }
0x3c: {  	[bflag:$0x0] =	sbarrier.arrive $0xFFFF  }
0x3d: {  	p0 =	sne.s32 s1, $0x0;
	_ =	strace $0x90000050  }
0x3e: {  	s0 =	sadd.s32 @!p0 $0x100000, s0;
	[bflag:$0x2] =	sbarrier.arrive $0xFFFF  }
0x3f: {  	[sflag:s0] =	ssyncadd.tile.s32 @!p0 $0x1;
	_ =	shalt  }
.Lfunc_end2:
_tile_overlayer_lowered:
.L_overlay_start_2:
0x40: {  	(tag) =	ssettag $0x2  }
0x41: {  	s0 =	rddreg [dreg:$0x0];
	s2 =	stileid.u32  }
0x42: {  	s1 =	rddreg [dreg:$0x1];
	p0 =	sne.s32 s2, $0x0  }
0x43: {  	s3 =	rddreg [dreg:$0x2];
	[bflag:$0x3] =	sbarrier.arrive $0xFFFF;
	s2 =	simm.s32 @!p0 $0x1C02  }
0x44: {  	[timem:s3], [sflag:s2] =	dma.local @!p0 [hbm:s0], s1  }
0x45: {  	s0 =	simm.s32 @!p0 $0x2  }
0x46: {  	_ =	swait.ge @!p0 [sflag:s0], s1  }
0x47: {  	s1 =	ssub.s32 @!p0 $0x0, s1;
	[sflag:s0] =	ssyncset.done @!p0 $0x0  }
0x48: {  	[sflag:s0] =	ssyncadd.s32 @!p0 s1  }
0x49: {  	[bflag:$0x3] =	sbarrier.arrive $0xFFFF  }
0x4a: {  	_ =	shalt  }

// kernel: kernel.33.cloned.1.call-start
scs
__scs_entry_jumppad:
0x0: {  	(pc) =	sbr.rel $0x88, $3  }
0x1: {  	(tag) =	ssettag $0x0;
	lr =	simm.s32 $0x1  }
0x2: {  	[smem:$0x3F8E] =	sst lr;
	_ =	strace $0xD0000000  }
0x3: {  	_ = 	snop  }
0x4: {  	_ = 	snop  }
0x5: {  	_ = 	snop  }
0x6: {  	_ = 	snop  }
0x7: {  	_ = 	snop  }
__scs_overlays_trampoline_lowered:
0x8: {  	[smem:$0x3F9D] =	sst s0  }
0x9: {  	[smem:$0x3F9E] =	sst s1  }
0xa: {  	[smem:$0x3F9F] =	sst s2  }
0xb: {  	[smem:$0x3FA0] =	sst s3  }
0xc: {  	[smem:$0x3FA1] =	sst s4  }
0xd: {  	[smem:$0x3FA2] =	sst s5  }
0xe: {  	[smem:$0x3FA3] =	sst s6  }
0xf: {  	[smem:$0x3FA4] =	sst s7  }
0x10: {  	[smem:$0x3FA5] =	sst s8  }
0x11: {  	[smem:$0x3FA6] =	sst s9;
	s0 =	simm.s32 @!p0 $0x0  }
0x12: {  	s1 =	sld [smem:$0x3F8C];
	s0 =	simm.s32 @p0 $0x1  }
0x13: {  	[smem:$0x3FA7] =	sst s0;
	s0 =	simm.s32 @!p1 $0x0  }
0x14: {  	s2 =	sld [smem:$0x3F8B];
	s0 =	simm.s32 @p1 $0x1  }
0x15: {  	[smem:$0x3FA8] =	sst s0;
	s0 =	simm.s32 @!p2 $0x0  }
0x16: {  	s3 =	sld [smem:$0x3FDB];
	s0 =	simm.s32 @p2 $0x1  }
0x17: {  	s4 =	simm.s32 $0x1BF5;
	[smem:$0x3FAA] =	sst s0  }
0x18: {  	s0 =	sld [smem:$0x3F8D];
	_ =	swait.ge [sflag:s4], $0x0  }
0x19: {  	s7 =	sld [smem:$0x3F8E]  }
0x1a: {  	s8 =	sadd.s32 $0xFFFFE003, lr  }
0x1b: {  	s9 =	sadd.s32 $0xFFFFFEF7, lr;
	s5 =	simm.s32 $0xFFFFFFFF;
	p2 =	slt.u32 s8, $0xFFFFF086  }
0x1c: {  	p1 =	slt.u32 s9, $0xF7A;
	s5 =	simm.s32 @!p2 $0x0  }
0x1d: {  	s5 =	simm.s32 @p1 $0x1;
	p0 =	seq.s32 s7, s2  }
0x1e: {  	s7 =	smul.u32 @!p0 $0xF7A, s2;
	p2 =	seq.s32 @!p0 s5, $0x0  }
0x1f: {  	s9 =	smul.u32 $0xF7A, s1;
	s8 =	simm.s32 @!p0 $0x1BF5;
	p2 =	por !p2, p0  }
0x20: {  	[sflag:s8] =	ssyncset.s32 @!p0 $0xFFFFF086;
	s6 =	sadd.s32 @!p0 s3, s7;
	s7 =	simm.s32 @!p0 $0x108  }
0x21: {  	s3 =	sadd.s32 s3, s9;
	s6 =	sadd.s32 @!p0 $0x88, s6;
	s7 =	simm.s32 @p2 $0x1082  }
0x22: {  	[simem:s7], [sflag:s8] =	dma.local @!p0 [hbm:s6], $0xF7A  }
0x23: {  	s9 =	sor.u32 $0xD0000000, s2;
	s6 =	simm.s32 $0x108;
	_ =	swait.ge @!p0 [sflag:s8], $0x0  }
0x24: {  	s3 =	sadd.s32 $0x88, s3;
	s6 =	simm.s32 @!p1 $0x1082;
	[sflag:s4] =	ssyncset.s32 $0xFFFFF086  }
0x25: {  	[simem:s6], [sflag:s4] =	dma.local [hbm:s3], $0xF7A  }
0x26: {  	[smem:$0x3F8E] =	sst s1;
	(tag) =	ssettag s2;
	_ =	strace s9  }
0x27: {  	s1 =	sld [smem:$0x3F9E]  }
0x28: {  	s2 =	sld [smem:$0x3F9F]  }
0x29: {  	s4 =	sld [smem:$0x3FA1]  }
0x2a: {  	p0 =	seq.s32 s5, $0x0;
	s5 =	sld [smem:$0x3FA2]  }
0x2b: {  	s6 =	sld [smem:$0x3FA3]  }
0x2c: {  	s7 =	sld [smem:$0x3FA4]  }
0x2d: {  	s3 =	simm.s32 $0x108;
	s8 =	sld [smem:$0x3FA5]  }
0x2e: {  	s3 =	simm.s32 @!p0 $0x1082;
	s9 =	sld [smem:$0x3FA6]  }
0x2f: {  	lr =	sadd.s32 s0, s3;
	s0 =	sld [smem:$0x3F9D]  }
0x30: {  	s3 =	sld [smem:$0x3FA0]  }
0x31: {  	[smem:$0x3FA9] =	sst s10  }
0x32: {  	s10 =	sld [smem:$0x3FA7];
	_ =	sdelay $0x3  }
0x33: {  	p0 =	seq.s32 s10, $0x1;
	s10 =	sld [smem:$0x3FA9];
	_ =	sdelay $0x3  }
0x34: {  	[smem:$0x3FA9] =	sst s10  }
0x35: {  	s10 =	sld [smem:$0x3FA8];
	_ =	sdelay $0x3  }
0x36: {  	p1 =	seq.s32 s10, $0x1;
	s10 =	sld [smem:$0x3FA9];
	_ =	sdelay $0x3  }
0x37: {  	[smem:$0x3FA9] =	sst s10  }
0x38: {  	s10 =	sld [smem:$0x3FAA]  }
0x39: {  	_ = 	snop;
	(pc) =	sbr.ind lr, $3  }
0x3a: {  	_ = 	snop  }
0x3b: {  	_ = 	snop  }
0x3c: {  	p2 =	seq.s32 s10, $0x1;
	s10 =	sld [smem:$0x3FA9]  }
0x3d: {  	_ =	shalt  }
0x3e: {  	_ =	shalt  }
0x3f: {  	_ =	shalt  }
0x40: {  	_ =	shalt  }
0x41: {  	_ =	shalt  }
0x42: {  	_ =	shalt  }
0x43: {  	_ =	shalt  }
0x44: {  	_ =	shalt  }
0x45: {  	_ =	shalt  }
0x46: {  	_ =	shalt  }
0x47: {  	_ =	shalt  }
0x48: {  	_ =	shalt  }
0x49: {  	_ =	shalt  }
0x4a: {  	_ =	shalt  }
0x4b: {  	_ =	shalt  }
0x4c: {  	_ =	shalt  }
0x4d: {  	_ =	shalt  }
0x4e: {  	_ =	shalt  }
0x4f: {  	_ =	shalt  }
0x50: {  	_ =	shalt  }
0x51: {  	_ =	shalt  }
0x52: {  	_ =	shalt  }
0x53: {  	_ =	shalt  }
0x54: {  	_ =	shalt  }
0x55: {  	_ =	shalt  }
0x56: {  	_ =	shalt  }
0x57: {  	_ =	shalt  }
0x58: {  	_ =	shalt  }
0x59: {  	_ =	shalt  }
0x5a: {  	_ =	shalt  }
0x5b: {  	_ =	shalt  }
0x5c: {  	_ =	shalt  }
0x5d: {  	_ =	shalt  }
0x5e: {  	_ =	shalt  }
0x5f: {  	_ =	shalt  }
0x60: {  	_ =	shalt  }
0x61: {  	_ =	shalt  }
0x62: {  	_ =	shalt  }
0x63: {  	_ =	shalt  }
0x64: {  	_ =	shalt  }
0x65: {  	_ =	shalt  }
0x66: {  	_ =	shalt  }
0x67: {  	_ =	shalt  }
0x68: {  	_ =	shalt  }
0x69: {  	_ =	shalt  }
0x6a: {  	_ =	shalt  }
0x6b: {  	_ =	shalt  }
0x6c: {  	_ =	shalt  }
0x6d: {  	_ =	shalt  }
0x6e: {  	_ =	shalt  }
0x6f: {  	_ =	shalt  }
0x70: {  	_ =	shalt  }
0x71: {  	_ =	shalt  }
0x72: {  	_ =	shalt  }
0x73: {  	_ =	shalt  }
0x74: {  	_ =	shalt  }
0x75: {  	_ =	shalt  }
0x76: {  	_ =	shalt  }
0x77: {  	_ =	shalt  }
0x78: {  	_ =	shalt  }
0x79: {  	_ =	shalt  }
0x7a: {  	_ =	shalt  }
0x7b: {  	_ =	shalt  }
0x7c: {  	_ =	shalt  }
0x7d: {  	_ =	shalt  }
0x7e: {  	_ =	shalt  }
0x7f: {  	_ =	shalt  }
0x80: {  	_ =	shalt  }
0x81: {  	_ =	shalt  }
0x82: {  	_ =	shalt  }
0x83: {  	_ =	shalt  }
0x84: {  	_ =	shalt  }
0x85: {  	_ =	shalt  }
0x86: {  	_ =	shalt  }
0x87: {  	_ =	shalt  }
.Lfunc_end0:
.L_simem_size_0:
called_computation.4_lowered:
.L_overlay_start_0:
0x88: {  	s2 =	sld [smem:$0x3FD9]  }
0x89: {  	s3 =	sld [smem:$0x3FFE];
	_ =	sdelay $0x1  }
0x8a: {  	s1 =	srdreg.scid  }
0x8b: {  	s0 =	sand.u32 $0x1, s1  }
0x8c: {  	s16 =	sshll.u32 s0, $0xA;
	s2 =	sadd.s32 s3, s2  }
0x8d: {  	s2 =	sadd.s32 s2, s16  }
0x8e: {  	[smem:$0x3FB5] =	sst s2  }
0x8f: {  	_ = 	snop  }
0x90: {  	(tm) =	ssettm $0x1  }
0x91: {  	s17 =	sld [smem:$0x3FFB];
	_ =	sdelay $0x3  }
0x92: {  	_ =	strace s17  }
0x93: {  	s2 =	sld [smem:$0x3FFC];
	_ =	sdelay $0x3  }
0x94: {  	_ =	strace s2  }
0x95: {  	s2 =	sld [smem:$0x3FFD];
	_ =	sdelay $0x3  }
0x96: {  	_ =	strace s2  }
0x97: {  	_ =	strace $0x8FFFFFFF  }
0x98: {  	s18 =	sld [smem:$0x3FDB];
	_ =	sdelay $0x1  }
0x99: {  	s19 =	simm.s32 $_scs_section_size  }
0x9a: {  	s4 =	simm.s32 $_size__tile_overlayer_lowered;
	s5 =	simm.s32 $_tile_overlayer_lowered  }
0x9b: {  	s22 =	simm.s32 $0x1BFF;
	s21 =	sshll.u32 s5, $0x1;
	s2 =	sadd.s32 s19, s18  }
0x9c: {  	s6 =	simm.s32 $0x0;
	s20 =	sshll.u32 s4, $0x1;
	s4 =	sadd.s32 s21, s2  }
0x9d: {  	[timem:s6], [sflag:s22] =	dma.local [hbm:s4], s20  }
0x9e: {  	_ =	swait.ge [sflag:s22], s20  }
0x9f: {  	s3 =	ssub.s32 $0x0, s20;
	[sflag:s22] =	ssyncset.done $0x0  }
0xa0: {  	[sflag:s22] =	ssyncadd.s32 s3;
	_ =	sdelay $0x1  }
0xa1: {  	s23 =	simm.s32 $0x1B8B  }
0xa2: {  	_ =	swait.ge [sflag:s23], $0x1  }
0xa3: {  	[sflag:s23] =	ssyncset.done $0x0  }
0xa4: {  	s25 =	simm.s32 $0x1B8E;
	s24 =	sld [smem:$0x3FFE];
	[sflag:s23] =	ssyncadd.s32 $0xFFFFFFFF  }
0xa5: {  	s26 =	simm.s32 $execute0_lowered;
	[smem:$0x3FD2] =	sst s25  }
0xa6: {  	s4 =	sshll.u32 s26, $0x1;
	_ =	strace $0x80000052;
	[dreg:$0x1] =	wrdreg $0xFFFFFFFF  }
0xa7: {  	s28 =	simm.s32 $_size_execute0_lowered;
	s2 =	sadd.s32 s2, s4;
	[dreg:$0x0] =	wrdreg $0x0  }
0xa8: {  	s4 =	sshll.u32 s28, $0x1;
	[dreg:$0x2] =	wrdreg s2  }
0xa9: {  	[dreg:$0x3] =	wrdreg s4  }
0xaa: {  	[dreg:$0x4] =	wrdreg $0xC0  }
0xab: {  	_ =	task [dreg:s6], $0x5FFFF  }
0xac: {  	[dreg:$0x1] =	wrdreg $0xFFFFFFFF  }
0xad: {  	[dreg:$0x0] =	wrdreg $0x60  }
0xae: {  	[dreg:$0x2] =	wrdreg s24  }
0xaf: {  	[dreg:$0x3] =	wrdreg $0x90000  }
0xb0: {  	[dreg:$0x4] =	wrdreg $0x9  }
0xb1: {  	_ =	task.clear_ibuf [dreg:s6], $0x5FFFF;
	_ =	strace $0x90000052  }
0xb2: {  	s29 =	simm.s32 $0x9;
	_ =	strace $0x80000054  }
0xb3: {  	_ =	swait.ge [sflag:s29], $0x1  }
0xb4: {  	[sflag:s29] =	ssyncadd.s32 $0xFFFFFFFF  }
0xb5: {  	_ =	strace $0x90000054  }
0xb6: {  	_ =	sfence  }
0xb7: {  	s30 =	sld [smem:$0x0];
	_ =	sdelay $0x2  }
0xb8: {  	s31 =	sshll.u32 s1, $0xD;
	s1 =	sshrl.u32 s1, $0x2  }
0xb9: {  	s3 =	sand.u32 $0x4000, s31;
	s1 =	sadd.s32 s1, s30  }
0xba: {  	s0 =	sor.u32 s3, s0;
	s1 =	sshll.u32 s1, $0x11  }
0xbb: {  	s0 =	sor.u32 s1, s0  }
0xbc: {  	s0 =	sadd.s32 $0x8F2B, s0  }
0xbd: {  	[sflag:s0] =	ssyncadd.remote.s32 $0x1  }
0xbe: {  	_ =	sfence.sel $0xFFFF  }
0xbf: {  	[dreg:$0x0] =	wrdreg $0xFFFFFFFF;
	(pc) =	sbr.abs _section_cstart, $3  }
0xc0: {  	[dreg:$0x1] =	wrdreg $0xFFFFFFFF  }
0xc1: {  	_ =	task.clear_ibuf [dreg:s6], $0x2FFFF;
	_ =	strace $0x9FFFFFFF  }
0xc2: {  	(tm) =	ssettm $0x7FFFFFFF  }
0xc3: {  	_ =	shalt  }
tec
execute0_lowered:
.L_overlay_start_1:
0x0: {  	(tag) =	ssettag $0x1  }
0x1: {  	s5 =	rddreg [dreg:$0x0]  }
0x2: {  	s2 =	rddreg [dreg:$0x1]  }
0x3: {  	s0 =	rddreg [dreg:$0x2]  }
0x4: {  	s4 =	srdreg.scid;
	s1 =	stileid.u32;
	s3 =	simm.s32 $0x0  }
0x5: {  	s14 =	simm.s32 $0x80;
	s15 =	simm.s32 $0x5000;
	s16 =	simm.s32 $0x1  }
0x6: {  	s17 =	simm.s32 $0x0;
	s6 =	sand.u32 $0x1, s4;
	s8 =	smul.u32 $0x2780, s1  }
0x7: {  	s28 =	sshll.u32 s1, $0x1;
	[smem:$0x7FF] =	sst s3;
	s11 =	smul.u32 $0x4F000, s1  }
0x8: {  	s31 =	sshll.u32 s1, $0x6;
	s4 =	sor.u32 s6, s28;
	_ =	strace $0x80000053  }
0x9: {  	s9 =	ssub.s32 $0x2, s6;
	p0 =	seq.s32 s6, $0x1;
	s7 =	smul.u32 $0x500, s4  }
0xa: {  	s4 =	sadd.s32 $0x44E00, s5;
	s10 =	sshrl.u32 s9, $0x1;
	s12 =	sadd.s32 s8, s5  }
0xb: {  	s30 =	sshrl.u32 s11, $0x2;
	s11 =	simm.s32 $0x2800;
	s29 =	ssub.s32 s9, s10  }
0xc: {  	s10 =	simm.s32 $0x93E00;
	s13 =	sadd.s32 s30, s2;
	s7 =	sadd.s32 s7, s5  }
0xd: {  	s10 =	simm.s32 @!p0 $0x6C600;
	s8 =	smax.u32 s29, $0x1;
	s13 =	sshrl.u32 s13, $0x3  }
0xe: {  	s5 =	sadd.s32 $0x9600, s7;
	s6 =	sadd.s32 $0x13600, s7;
	s7 =	sadd.s32 $0x1D600, s12  }
0xf: {  	s9 =	sadd.s32 s10, s12;
	s10 =	simm.s32 $0x2;
	s12 =	sor.u32 $0x1C02, s31  }
.LBB2_1:
0x10: {  	[tilespmem:s3], [sflag:$0x2] =	stream.linear.gather [hbm4b:s5+s3], $0x2780, $0x38;
	[tilespmem:$0x1CC00] =	vst v63  }
0x11: {  	_ =	swait.ge [sflag:s10], $0x2780  }
0x12: {  	[sflag:s10] =	ssyncset.done $0x0  }
0x13: {  	[sflag:s10] =	ssyncadd.s32 $0xFFFFD880  }
0x14: {  	[tilespmem:s11], [sflag:$0x2] =	stream.linear.gather [hbm4b:s6+s3], $0x2780, $0x38;
	[tilespmem:$0x1CC00] =	vst v63  }
0x15: {  	_ =	swait.ge [sflag:s10], $0x2780  }
0x16: {  	[sflag:s10] =	ssyncset.done $0x0  }
0x17: {  	[sflag:s10] =	ssyncadd.s32 $0xFFFFD880  }
0x18: {  	[spmem:s13], [sflag:s12] =	dma.local [hbm:s7], $0x2780  }
0x19: {  	_ =	swait.ge [sflag:s10], $0x2780  }
0x1a: {  	[sflag:s10] =	ssyncset.done $0x0  }
0x1b: {  	[sflag:s10] =	ssyncadd.s32 $0xFFFFD880  }
0x1c: {  	s18 =	simm.s32 $0x0;
	[bflag:$0x0] =	sbarrier.arrive $0xFFFF  }
0x1d: {  	[tilespmem:s15], [sflag:$0x1] =	stream.indirect.gather [hbm4b:s4+s14], $0x80, s18, s14, $0xb8;
	[tilespmem:$0x1CC00] =	vst v63  }
0x1e: {  	_ =	swait.ge [sflag:s16], $0x4000  }
0x1f: {  	[sflag:s16] =	ssyncset.done $0x0  }
0x20: {  	s31 =	simm.s32 $0x2800;
	[sflag:s16] =	ssyncadd.s32 $0xFFFFC000  }
0x21: {  	[spmem:s2] =	stream.indirect.scatter.add.f32 [tilespmem:s15], [sflag:$0x2], $0x80, s31, s14, $0xb8;
	[tilespmem:$0x1CC00] =	vst v63  }
0x22: {  	_ =	swait.ge [sflag:s10], $0x4000  }
0x23: {  	s19 =	simm.s32 $0x400;
	s18 =	simm.s32 $0x200;
	[sflag:s10] =	ssyncset.done $0x0  }
.LBB2_2:
0x24: {  	s20 =	sshra.s32 s18, $0x2  }
0x25: {  	[sflag:s10] =	ssyncadd.s32 $0xFFFFC000;
	s18 =	smov.u32 s19;
	s21 =	sadd.s32 $0x200, s19  }
0x26: {  	[tilespmem:s15], [sflag:$0x1] =	stream.indirect.gather [hbm4b:s4+s14], $0x80, s20, s14, $0xb8;
	[tilespmem:$0x1CC00] =	vst v63  }
0x27: {  	p0 =	sne.s32 s19, $0x9C00;
	_ =	swait.ge [sflag:s16], $0x4000  }
.Ltmp0:
0x28: {  	[sflag:s16] =	ssyncset.done $0x0;
	(pc) =	sbr.rel @p0 .LBB2_2-.Ltmp0, $4  }
0x29: {  	s19 =	sadd.s32 $0x2800, s20;
	[sflag:s16] =	ssyncadd.s32 $0xFFFFC000  }
0x2a: {  	[spmem:s2] =	stream.indirect.scatter.add.f32 [tilespmem:s15], [sflag:$0x2], $0x80, s19, s14, $0xb8;
	[tilespmem:$0x1CC00] =	vst v63  }
0x2b: {  	_ =	swait.ge [sflag:s10], $0x4000  }
0x2c: {  	s19 =	smov.u32 s21;
	[sflag:s10] =	ssyncset.done $0x0  }
0x2d: {  	s18 =	sshra.s32 s18, $0x2;
	[sflag:s10] =	ssyncadd.s32 $0xFFFFC000  }
0x2e: {  	[tilespmem:s15], [sflag:$0x1] =	stream.indirect.gather [hbm4b:s4+s14], $0x80, s18, s14, $0xb8;
	[tilespmem:$0x1CC00] =	vst v63  }
0x2f: {  	_ =	swait.ge [sflag:s16], $0x4000  }
0x30: {  	[sflag:s16] =	ssyncset.done $0x0  }
0x31: {  	s18 =	sadd.s32 $0x2800, s18;
	[sflag:s16] =	ssyncadd.s32 $0xFFFFC000  }
0x32: {  	[spmem:s2] =	stream.indirect.scatter.add.f32 [tilespmem:s15], [sflag:$0x2], $0x80, s18, s14, $0xb8;
	[tilespmem:$0x1CC00] =	vst v63  }
0x33: {  	_ =	swait.ge [sflag:s10], $0x4000  }
0x34: {  	s17 =	sadd.s32 $0x1, s17;
	[sflag:s10] =	ssyncset.done $0x0  }
0x35: {  	p0 =	sne.s32 s17, s8;
	[sflag:s10] =	ssyncadd.s32 $0xFFFFC000  }
.Ltmp1:
0x36: {  	[bflag:$0x0] =	sbarrier.arrive $0xFFFF;
	(pc) =	sbr.rel @p0 .LBB2_1-.Ltmp1, $4  }
0x37: {  	[hbm:s9], [sflag:s12] =	dma.local [spmem:s13], $0x2780  }
0x38: {  	_ =	swait.ge [sflag:s10], $0x2780  }
0x39: {  	[sflag:s10] =	ssyncset.done $0x0  }
0x3a: {  	[sflag:s10] =	ssyncadd.s32 $0xFFFFD880  }
0x3b: {  	_ =	sfence.sel $0x180000  }
0x3c: {  	[bflag:$0x0] =	sbarrier.arrive $0xFFFF  }
0x3d: {  	p0 =	sne.s32 s1, $0x0;
	_ =	strace $0x90000053  }
0x3e: {  	s0 =	sadd.s32 @!p0 $0x100000, s0;
	[bflag:$0x2] =	sbarrier.arrive $0xFFFF  }
0x3f: {  	[sflag:s0] =	ssyncadd.tile.s32 @!p0 $0x1;
	_ =	shalt  }
.Lfunc_end2:
_tile_overlayer_lowered:
.L_overlay_start_2:
0x40: {  	(tag) =	ssettag $0x2  }
0x41: {  	s0 =	rddreg [dreg:$0x0];
	s2 =	stileid.u32  }
0x42: {  	s1 =	rddreg [dreg:$0x1];
	p0 =	sne.s32 s2, $0x0  }
0x43: {  	s3 =	rddreg [dreg:$0x2];
	[bflag:$0x3] =	sbarrier.arrive $0xFFFF;
	s2 =	simm.s32 @!p0 $0x1C02  }
0x44: {  	[timem:s3], [sflag:s2] =	dma.local @!p0 [hbm:s0], s1  }
0x45: {  	s0 =	simm.s32 @!p0 $0x2  }
0x46: {  	_ =	swait.ge @!p0 [sflag:s0], s1  }
0x47: {  	s1 =	ssub.s32 @!p0 $0x0, s1;
	[sflag:s0] =	ssyncset.done @!p0 $0x0  }
0x48: {  	[sflag:s0] =	ssyncadd.s32 @!p0 s1  }
0x49: {  	[bflag:$0x3] =	sbarrier.arrive $0xFFFF  }
0x4a: {  	_ =	shalt  }

// kernel: kernel.36.cloned.1.call-start
scs
__scs_entry_jumppad:
0x0: {  	(pc) =	sbr.rel $0x88, $3  }
0x1: {  	(tag) =	ssettag $0x0;
	lr =	simm.s32 $0x1  }
0x2: {  	[smem:$0x3F8E] =	sst lr;
	_ =	strace $0xD0000000  }
0x3: {  	_ = 	snop  }
0x4: {  	_ = 	snop  }
0x5: {  	_ = 	snop  }
0x6: {  	_ = 	snop  }
0x7: {  	_ = 	snop  }
__scs_overlays_trampoline_lowered:
0x8: {  	[smem:$0x3F9D] =	sst s0  }
0x9: {  	[smem:$0x3F9E] =	sst s1  }
0xa: {  	[smem:$0x3F9F] =	sst s2  }
0xb: {  	[smem:$0x3FA0] =	sst s3  }
0xc: {  	[smem:$0x3FA1] =	sst s4  }
0xd: {  	[smem:$0x3FA2] =	sst s5  }
0xe: {  	[smem:$0x3FA3] =	sst s6  }
0xf: {  	[smem:$0x3FA4] =	sst s7  }
0x10: {  	[smem:$0x3FA5] =	sst s8  }
0x11: {  	[smem:$0x3FA6] =	sst s9;
	s0 =	simm.s32 @!p0 $0x0  }
0x12: {  	s1 =	sld [smem:$0x3F8C];
	s0 =	simm.s32 @p0 $0x1  }
0x13: {  	[smem:$0x3FA7] =	sst s0;
	s0 =	simm.s32 @!p1 $0x0  }
0x14: {  	s2 =	sld [smem:$0x3F8B];
	s0 =	simm.s32 @p1 $0x1  }
0x15: {  	[smem:$0x3FA8] =	sst s0;
	s0 =	simm.s32 @!p2 $0x0  }
0x16: {  	s3 =	sld [smem:$0x3FDB];
	s0 =	simm.s32 @p2 $0x1  }
0x17: {  	s4 =	simm.s32 $0x1BF5;
	[smem:$0x3FAA] =	sst s0  }
0x18: {  	s0 =	sld [smem:$0x3F8D];
	_ =	swait.ge [sflag:s4], $0x0  }
0x19: {  	s7 =	sld [smem:$0x3F8E]  }
0x1a: {  	s8 =	sadd.s32 $0xFFFFE003, lr  }
0x1b: {  	s9 =	sadd.s32 $0xFFFFFEF7, lr;
	s5 =	simm.s32 $0xFFFFFFFF;
	p2 =	slt.u32 s8, $0xFFFFF086  }
0x1c: {  	p1 =	slt.u32 s9, $0xF7A;
	s5 =	simm.s32 @!p2 $0x0  }
0x1d: {  	s5 =	simm.s32 @p1 $0x1;
	p0 =	seq.s32 s7, s2  }
0x1e: {  	s7 =	smul.u32 @!p0 $0xF7A, s2;
	p2 =	seq.s32 @!p0 s5, $0x0  }
0x1f: {  	s9 =	smul.u32 $0xF7A, s1;
	s8 =	simm.s32 @!p0 $0x1BF5;
	p2 =	por !p2, p0  }
0x20: {  	[sflag:s8] =	ssyncset.s32 @!p0 $0xFFFFF086;
	s6 =	sadd.s32 @!p0 s3, s7;
	s7 =	simm.s32 @!p0 $0x108  }
0x21: {  	s3 =	sadd.s32 s3, s9;
	s6 =	sadd.s32 @!p0 $0x88, s6;
	s7 =	simm.s32 @p2 $0x1082  }
0x22: {  	[simem:s7], [sflag:s8] =	dma.local @!p0 [hbm:s6], $0xF7A  }
0x23: {  	s9 =	sor.u32 $0xD0000000, s2;
	s6 =	simm.s32 $0x108;
	_ =	swait.ge @!p0 [sflag:s8], $0x0  }
0x24: {  	s3 =	sadd.s32 $0x88, s3;
	s6 =	simm.s32 @!p1 $0x1082;
	[sflag:s4] =	ssyncset.s32 $0xFFFFF086  }
0x25: {  	[simem:s6], [sflag:s4] =	dma.local [hbm:s3], $0xF7A  }
0x26: {  	[smem:$0x3F8E] =	sst s1;
	(tag) =	ssettag s2;
	_ =	strace s9  }
0x27: {  	s1 =	sld [smem:$0x3F9E]  }
0x28: {  	s2 =	sld [smem:$0x3F9F]  }
0x29: {  	s4 =	sld [smem:$0x3FA1]  }
0x2a: {  	p0 =	seq.s32 s5, $0x0;
	s5 =	sld [smem:$0x3FA2]  }
0x2b: {  	s6 =	sld [smem:$0x3FA3]  }
0x2c: {  	s7 =	sld [smem:$0x3FA4]  }
0x2d: {  	s3 =	simm.s32 $0x108;
	s8 =	sld [smem:$0x3FA5]  }
0x2e: {  	s3 =	simm.s32 @!p0 $0x1082;
	s9 =	sld [smem:$0x3FA6]  }
0x2f: {  	lr =	sadd.s32 s0, s3;
	s0 =	sld [smem:$0x3F9D]  }
0x30: {  	s3 =	sld [smem:$0x3FA0]  }
0x31: {  	[smem:$0x3FA9] =	sst s10  }
0x32: {  	s10 =	sld [smem:$0x3FA7];
	_ =	sdelay $0x3  }
0x33: {  	p0 =	seq.s32 s10, $0x1;
	s10 =	sld [smem:$0x3FA9];
	_ =	sdelay $0x3  }
0x34: {  	[smem:$0x3FA9] =	sst s10  }
0x35: {  	s10 =	sld [smem:$0x3FA8];
	_ =	sdelay $0x3  }
0x36: {  	p1 =	seq.s32 s10, $0x1;
	s10 =	sld [smem:$0x3FA9];
	_ =	sdelay $0x3  }
0x37: {  	[smem:$0x3FA9] =	sst s10  }
0x38: {  	s10 =	sld [smem:$0x3FAA]  }
0x39: {  	_ = 	snop;
	(pc) =	sbr.ind lr, $3  }
0x3a: {  	_ = 	snop  }
0x3b: {  	_ = 	snop  }
0x3c: {  	p2 =	seq.s32 s10, $0x1;
	s10 =	sld [smem:$0x3FA9]  }
0x3d: {  	_ =	shalt  }
0x3e: {  	_ =	shalt  }
0x3f: {  	_ =	shalt  }
0x40: {  	_ =	shalt  }
0x41: {  	_ =	shalt  }
0x42: {  	_ =	shalt  }
0x43: {  	_ =	shalt  }
0x44: {  	_ =	shalt  }
0x45: {  	_ =	shalt  }
0x46: {  	_ =	shalt  }
0x47: {  	_ =	shalt  }
0x48: {  	_ =	shalt  }
0x49: {  	_ =	shalt  }
0x4a: {  	_ =	shalt  }
0x4b: {  	_ =	shalt  }
0x4c: {  	_ =	shalt  }
0x4d: {  	_ =	shalt  }
0x4e: {  	_ =	shalt  }
0x4f: {  	_ =	shalt  }
0x50: {  	_ =	shalt  }
0x51: {  	_ =	shalt  }
0x52: {  	_ =	shalt  }
0x53: {  	_ =	shalt  }
0x54: {  	_ =	shalt  }
0x55: {  	_ =	shalt  }
0x56: {  	_ =	shalt  }
0x57: {  	_ =	shalt  }
0x58: {  	_ =	shalt  }
0x59: {  	_ =	shalt  }
0x5a: {  	_ =	shalt  }
0x5b: {  	_ =	shalt  }
0x5c: {  	_ =	shalt  }
0x5d: {  	_ =	shalt  }
0x5e: {  	_ =	shalt  }
0x5f: {  	_ =	shalt  }
0x60: {  	_ =	shalt  }
0x61: {  	_ =	shalt  }
0x62: {  	_ =	shalt  }
0x63: {  	_ =	shalt  }
0x64: {  	_ =	shalt  }
0x65: {  	_ =	shalt  }
0x66: {  	_ =	shalt  }
0x67: {  	_ =	shalt  }
0x68: {  	_ =	shalt  }
0x69: {  	_ =	shalt  }
0x6a: {  	_ =	shalt  }
0x6b: {  	_ =	shalt  }
0x6c: {  	_ =	shalt  }
0x6d: {  	_ =	shalt  }
0x6e: {  	_ =	shalt  }
0x6f: {  	_ =	shalt  }
0x70: {  	_ =	shalt  }
0x71: {  	_ =	shalt  }
0x72: {  	_ =	shalt  }
0x73: {  	_ =	shalt  }
0x74: {  	_ =	shalt  }
0x75: {  	_ =	shalt  }
0x76: {  	_ =	shalt  }
0x77: {  	_ =	shalt  }
0x78: {  	_ =	shalt  }
0x79: {  	_ =	shalt  }
0x7a: {  	_ =	shalt  }
0x7b: {  	_ =	shalt  }
0x7c: {  	_ =	shalt  }
0x7d: {  	_ =	shalt  }
0x7e: {  	_ =	shalt  }
0x7f: {  	_ =	shalt  }
0x80: {  	_ =	shalt  }
0x81: {  	_ =	shalt  }
0x82: {  	_ =	shalt  }
0x83: {  	_ =	shalt  }
0x84: {  	_ =	shalt  }
0x85: {  	_ =	shalt  }
0x86: {  	_ =	shalt  }
0x87: {  	_ =	shalt  }
.Lfunc_end0:
.L_simem_size_0:
called_computation.5_lowered:
.L_overlay_start_0:
0x88: {  	s2 =	sld [smem:$0x3FD9]  }
0x89: {  	s3 =	sld [smem:$0x3FFE];
	_ =	sdelay $0x1  }
0x8a: {  	s1 =	srdreg.scid  }
0x8b: {  	s0 =	sand.u32 $0x1, s1  }
0x8c: {  	s16 =	sshll.u32 s0, $0xA;
	s2 =	sadd.s32 s3, s2  }
0x8d: {  	s2 =	sadd.s32 s2, s16  }
0x8e: {  	[smem:$0x3FB5] =	sst s2  }
0x8f: {  	_ = 	snop  }
0x90: {  	(tm) =	ssettm $0x1  }
0x91: {  	s17 =	sld [smem:$0x3FFB];
	_ =	sdelay $0x3  }
0x92: {  	_ =	strace s17  }
0x93: {  	s2 =	sld [smem:$0x3FFC];
	_ =	sdelay $0x3  }
0x94: {  	_ =	strace s2  }
0x95: {  	s2 =	sld [smem:$0x3FFD];
	_ =	sdelay $0x3  }
0x96: {  	_ =	strace s2  }
0x97: {  	_ =	strace $0x8FFFFFFF  }
0x98: {  	s18 =	sld [smem:$0x3FDB];
	_ =	sdelay $0x1  }
0x99: {  	s19 =	simm.s32 $_scs_section_size  }
0x9a: {  	s4 =	simm.s32 $_size__tile_overlayer_lowered;
	s5 =	simm.s32 $_tile_overlayer_lowered  }
0x9b: {  	s22 =	simm.s32 $0x1BFF;
	s21 =	sshll.u32 s5, $0x1;
	s2 =	sadd.s32 s19, s18  }
0x9c: {  	s6 =	simm.s32 $0x0;
	s20 =	sshll.u32 s4, $0x1;
	s4 =	sadd.s32 s21, s2  }
0x9d: {  	[timem:s6], [sflag:s22] =	dma.local [hbm:s4], s20  }
0x9e: {  	_ =	swait.ge [sflag:s22], s20  }
0x9f: {  	s3 =	ssub.s32 $0x0, s20;
	[sflag:s22] =	ssyncset.done $0x0  }
0xa0: {  	[sflag:s22] =	ssyncadd.s32 s3;
	_ =	sdelay $0x1  }
0xa1: {  	s23 =	simm.s32 $0x1B8B  }
0xa2: {  	_ =	swait.ge [sflag:s23], $0x1  }
0xa3: {  	[sflag:s23] =	ssyncset.done $0x0  }
0xa4: {  	s25 =	simm.s32 $0x1B8E;
	s24 =	sld [smem:$0x3FFE];
	[sflag:s23] =	ssyncadd.s32 $0xFFFFFFFF  }
0xa5: {  	s26 =	simm.s32 $execute0_lowered;
	[smem:$0x3FD2] =	sst s25  }
0xa6: {  	s4 =	sshll.u32 s26, $0x1;
	_ =	strace $0x80000055;
	[dreg:$0x1] =	wrdreg $0xFFFFFFFF  }
0xa7: {  	s28 =	simm.s32 $_size_execute0_lowered;
	s2 =	sadd.s32 s2, s4;
	[dreg:$0x0] =	wrdreg $0x0  }
0xa8: {  	s4 =	sshll.u32 s28, $0x1;
	[dreg:$0x2] =	wrdreg s2  }
0xa9: {  	[dreg:$0x3] =	wrdreg s4  }
0xaa: {  	[dreg:$0x4] =	wrdreg $0xC0  }
0xab: {  	_ =	task [dreg:s6], $0x5FFFF  }
0xac: {  	[dreg:$0x1] =	wrdreg $0xFFFFFFFF  }
0xad: {  	[dreg:$0x0] =	wrdreg $0x60  }
0xae: {  	[dreg:$0x2] =	wrdreg s24  }
0xaf: {  	[dreg:$0x3] =	wrdreg $0x90000  }
0xb0: {  	[dreg:$0x4] =	wrdreg $0x9  }
0xb1: {  	_ =	task.clear_ibuf [dreg:s6], $0x5FFFF;
	_ =	strace $0x90000055  }
0xb2: {  	s29 =	simm.s32 $0x9;
	_ =	strace $0x80000057  }
0xb3: {  	_ =	swait.ge [sflag:s29], $0x1  }
0xb4: {  	[sflag:s29] =	ssyncadd.s32 $0xFFFFFFFF  }
0xb5: {  	_ =	strace $0x90000057  }
0xb6: {  	_ =	sfence  }
0xb7: {  	s30 =	sld [smem:$0x0];
	_ =	sdelay $0x2  }
0xb8: {  	s31 =	sshll.u32 s1, $0xD;
	s1 =	sshrl.u32 s1, $0x2  }
0xb9: {  	s3 =	sand.u32 $0x4000, s31;
	s1 =	sadd.s32 s1, s30  }
0xba: {  	s0 =	sor.u32 s3, s0;
	s1 =	sshll.u32 s1, $0x11  }
0xbb: {  	s0 =	sor.u32 s1, s0  }
0xbc: {  	s0 =	sadd.s32 $0x8F2B, s0  }
0xbd: {  	[sflag:s0] =	ssyncadd.remote.s32 $0x1  }
0xbe: {  	_ =	sfence.sel $0xFFFF  }
0xbf: {  	[dreg:$0x0] =	wrdreg $0xFFFFFFFF;
	(pc) =	sbr.abs _section_cstart, $3  }
0xc0: {  	[dreg:$0x1] =	wrdreg $0xFFFFFFFF  }
0xc1: {  	_ =	task.clear_ibuf [dreg:s6], $0x2FFFF;
	_ =	strace $0x9FFFFFFF  }
0xc2: {  	(tm) =	ssettm $0x7FFFFFFF  }
0xc3: {  	_ =	shalt  }
tec
execute0_lowered:
.L_overlay_start_1:
0x0: {  	(tag) =	ssettag $0x1  }
0x1: {  	s5 =	rddreg [dreg:$0x0]  }
0x2: {  	s2 =	rddreg [dreg:$0x1]  }
0x3: {  	s0 =	rddreg [dreg:$0x2]  }
0x4: {  	s4 =	srdreg.scid;
	s1 =	stileid.u32;
	s3 =	simm.s32 $0x0  }
0x5: {  	s14 =	simm.s32 $0x80;
	s15 =	simm.s32 $0x5000;
	s16 =	simm.s32 $0x1  }
0x6: {  	s17 =	simm.s32 $0x0;
	s6 =	sand.u32 $0x1, s4;
	s8 =	smul.u32 $0x2780, s1  }
0x7: {  	s28 =	sshll.u32 s1, $0x1;
	[smem:$0x7FF] =	sst s3;
	s11 =	smul.u32 $0x4F000, s1  }
0x8: {  	s31 =	sshll.u32 s1, $0x6;
	s4 =	sor.u32 s6, s28;
	_ =	strace $0x80000056  }
0x9: {  	s9 =	ssub.s32 $0x2, s6;
	p0 =	seq.s32 s6, $0x1;
	s7 =	smul.u32 $0x500, s4  }
0xa: {  	s4 =	sadd.s32 $0x44E00, s5;
	s10 =	sshrl.u32 s9, $0x1;
	s12 =	sadd.s32 s8, s5  }
0xb: {  	s30 =	sshrl.u32 s11, $0x2;
	s11 =	simm.s32 $0x2800;
	s29 =	ssub.s32 s9, s10  }
0xc: {  	s10 =	simm.s32 $0x93E00;
	s13 =	sadd.s32 s30, s2;
	s7 =	sadd.s32 s7, s5  }
0xd: {  	s10 =	simm.s32 @!p0 $0x6C600;
	s8 =	smax.u32 s29, $0x1;
	s13 =	sshrl.u32 s13, $0x3  }
0xe: {  	s5 =	sadd.s32 $0x9600, s7;
	s6 =	sadd.s32 $0x13600, s7;
	s7 =	sadd.s32 $0x1D600, s12  }
0xf: {  	s9 =	sadd.s32 s10, s12;
	s10 =	simm.s32 $0x2;
	s12 =	sor.u32 $0x1C02, s31  }
.LBB2_1:
0x10: {  	[tilespmem:s3], [sflag:$0x2] =	stream.linear.gather [hbm4b:s5+s3], $0x2780, $0x38;
	[tilespmem:$0x1CC00] =	vst v63  }
0x11: {  	_ =	swait.ge [sflag:s10], $0x2780  }
0x12: {  	[sflag:s10] =	ssyncset.done $0x0  }
0x13: {  	[sflag:s10] =	ssyncadd.s32 $0xFFFFD880  }
0x14: {  	[tilespmem:s11], [sflag:$0x2] =	stream.linear.gather [hbm4b:s6+s3], $0x2780, $0x38;
	[tilespmem:$0x1CC00] =	vst v63  }
0x15: {  	_ =	swait.ge [sflag:s10], $0x2780  }
0x16: {  	[sflag:s10] =	ssyncset.done $0x0  }
0x17: {  	[sflag:s10] =	ssyncadd.s32 $0xFFFFD880  }
0x18: {  	[spmem:s13], [sflag:s12] =	dma.local [hbm:s7], $0x2780  }
0x19: {  	_ =	swait.ge [sflag:s10], $0x2780  }
0x1a: {  	[sflag:s10] =	ssyncset.done $0x0  }
0x1b: {  	[sflag:s10] =	ssyncadd.s32 $0xFFFFD880  }
0x1c: {  	s18 =	simm.s32 $0x0;
	[bflag:$0x0] =	sbarrier.arrive $0xFFFF  }
0x1d: {  	[tilespmem:s15], [sflag:$0x1] =	stream.indirect.gather [hbm4b:s4+s14], $0x80, s18, s14, $0xb8;
	[tilespmem:$0x1CC00] =	vst v63  }
0x1e: {  	_ =	swait.ge [sflag:s16], $0x4000  }
0x1f: {  	[sflag:s16] =	ssyncset.done $0x0  }
0x20: {  	s31 =	simm.s32 $0x2800;
	[sflag:s16] =	ssyncadd.s32 $0xFFFFC000  }
0x21: {  	[spmem:s2] =	stream.indirect.scatter.add.f32 [tilespmem:s15], [sflag:$0x2], $0x80, s31, s14, $0xb8;
	[tilespmem:$0x1CC00] =	vst v63  }
0x22: {  	_ =	swait.ge [sflag:s10], $0x4000  }
0x23: {  	s19 =	simm.s32 $0x400;
	s18 =	simm.s32 $0x200;
	[sflag:s10] =	ssyncset.done $0x0  }
.LBB2_2:
0x24: {  	s20 =	sshra.s32 s18, $0x2  }
0x25: {  	[sflag:s10] =	ssyncadd.s32 $0xFFFFC000;
	s18 =	smov.u32 s19;
	s21 =	sadd.s32 $0x200, s19  }
0x26: {  	[tilespmem:s15], [sflag:$0x1] =	stream.indirect.gather [hbm4b:s4+s14], $0x80, s20, s14, $0xb8;
	[tilespmem:$0x1CC00] =	vst v63  }
0x27: {  	p0 =	sne.s32 s19, $0x9C00;
	_ =	swait.ge [sflag:s16], $0x4000  }
.Ltmp0:
0x28: {  	[sflag:s16] =	ssyncset.done $0x0;
	(pc) =	sbr.rel @p0 .LBB2_2-.Ltmp0, $4  }
0x29: {  	s19 =	sadd.s32 $0x2800, s20;
	[sflag:s16] =	ssyncadd.s32 $0xFFFFC000  }
0x2a: {  	[spmem:s2] =	stream.indirect.scatter.add.f32 [tilespmem:s15], [sflag:$0x2], $0x80, s19, s14, $0xb8;
	[tilespmem:$0x1CC00] =	vst v63  }
0x2b: {  	_ =	swait.ge [sflag:s10], $0x4000  }
0x2c: {  	s19 =	smov.u32 s21;
	[sflag:s10] =	ssyncset.done $0x0  }
0x2d: {  	s18 =	sshra.s32 s18, $0x2;
	[sflag:s10] =	ssyncadd.s32 $0xFFFFC000  }
0x2e: {  	[tilespmem:s15], [sflag:$0x1] =	stream.indirect.gather [hbm4b:s4+s14], $0x80, s18, s14, $0xb8;
	[tilespmem:$0x1CC00] =	vst v63  }
0x2f: {  	_ =	swait.ge [sflag:s16], $0x4000  }
0x30: {  	[sflag:s16] =	ssyncset.done $0x0  }
0x31: {  	s18 =	sadd.s32 $0x2800, s18;
	[sflag:s16] =	ssyncadd.s32 $0xFFFFC000  }
0x32: {  	[spmem:s2] =	stream.indirect.scatter.add.f32 [tilespmem:s15], [sflag:$0x2], $0x80, s18, s14, $0xb8;
	[tilespmem:$0x1CC00] =	vst v63  }
0x33: {  	_ =	swait.ge [sflag:s10], $0x4000  }
0x34: {  	s17 =	sadd.s32 $0x1, s17;
	[sflag:s10] =	ssyncset.done $0x0  }
0x35: {  	p0 =	sne.s32 s17, s8;
	[sflag:s10] =	ssyncadd.s32 $0xFFFFC000  }
.Ltmp1:
0x36: {  	[bflag:$0x0] =	sbarrier.arrive $0xFFFF;
	(pc) =	sbr.rel @p0 .LBB2_1-.Ltmp1, $4  }
0x37: {  	[hbm:s9], [sflag:s12] =	dma.local [spmem:s13], $0x2780  }
0x38: {  	_ =	swait.ge [sflag:s10], $0x2780  }
0x39: {  	[sflag:s10] =	ssyncset.done $0x0  }
0x3a: {  	[sflag:s10] =	ssyncadd.s32 $0xFFFFD880  }
0x3b: {  	_ =	sfence.sel $0x180000  }
0x3c: {  	[bflag:$0x0] =	sbarrier.arrive $0xFFFF  }
0x3d: {  	p0 =	sne.s32 s1, $0x0;
	_ =	strace $0x90000056  }
0x3e: {  	s0 =	sadd.s32 @!p0 $0x100000, s0;
	[bflag:$0x2] =	sbarrier.arrive $0xFFFF  }
0x3f: {  	[sflag:s0] =	ssyncadd.tile.s32 @!p0 $0x1;
	_ =	shalt  }
.Lfunc_end2:
_tile_overlayer_lowered:
.L_overlay_start_2:
0x40: {  	(tag) =	ssettag $0x2  }
0x41: {  	s0 =	rddreg [dreg:$0x0];
	s2 =	stileid.u32  }
0x42: {  	s1 =	rddreg [dreg:$0x1];
	p0 =	sne.s32 s2, $0x0  }
0x43: {  	s3 =	rddreg [dreg:$0x2];
	[bflag:$0x3] =	sbarrier.arrive $0xFFFF;
	s2 =	simm.s32 @!p0 $0x1C02  }
0x44: {  	[timem:s3], [sflag:s2] =	dma.local @!p0 [hbm:s0], s1  }
0x45: {  	s0 =	simm.s32 @!p0 $0x2  }
0x46: {  	_ =	swait.ge @!p0 [sflag:s0], s1  }
0x47: {  	s1 =	ssub.s32 @!p0 $0x0, s1;
	[sflag:s0] =	ssyncset.done @!p0 $0x0  }
0x48: {  	[sflag:s0] =	ssyncadd.s32 @!p0 s1  }
0x49: {  	[bflag:$0x3] =	sbarrier.arrive $0xFFFF  }
0x4a: {  	_ =	shalt  }

// kernel: kernel.39.cloned.1.call-start
scs
__scs_entry_jumppad:
0x0: {  	(pc) =	sbr.rel $0x88, $3  }
0x1: {  	(tag) =	ssettag $0x0;
	lr =	simm.s32 $0x1  }
0x2: {  	[smem:$0x3F8E] =	sst lr;
	_ =	strace $0xD0000000  }
0x3: {  	_ = 	snop  }
0x4: {  	_ = 	snop  }
0x5: {  	_ = 	snop  }
0x6: {  	_ = 	snop  }
0x7: {  	_ = 	snop  }
__scs_overlays_trampoline_lowered:
0x8: {  	[smem:$0x3F9D] =	sst s0  }
0x9: {  	[smem:$0x3F9E] =	sst s1  }
0xa: {  	[smem:$0x3F9F] =	sst s2  }
0xb: {  	[smem:$0x3FA0] =	sst s3  }
0xc: {  	[smem:$0x3FA1] =	sst s4  }
0xd: {  	[smem:$0x3FA2] =	sst s5  }
0xe: {  	[smem:$0x3FA3] =	sst s6  }
0xf: {  	[smem:$0x3FA4] =	sst s7  }
0x10: {  	[smem:$0x3FA5] =	sst s8  }
0x11: {  	[smem:$0x3FA6] =	sst s9;
	s0 =	simm.s32 @!p0 $0x0  }
0x12: {  	s1 =	sld [smem:$0x3F8C];
	s0 =	simm.s32 @p0 $0x1  }
0x13: {  	[smem:$0x3FA7] =	sst s0;
	s0 =	simm.s32 @!p1 $0x0  }
0x14: {  	s2 =	sld [smem:$0x3F8B];
	s0 =	simm.s32 @p1 $0x1  }
0x15: {  	[smem:$0x3FA8] =	sst s0;
	s0 =	simm.s32 @!p2 $0x0  }
0x16: {  	s3 =	sld [smem:$0x3FDB];
	s0 =	simm.s32 @p2 $0x1  }
0x17: {  	s4 =	simm.s32 $0x1BF5;
	[smem:$0x3FAA] =	sst s0  }
0x18: {  	s0 =	sld [smem:$0x3F8D];
	_ =	swait.ge [sflag:s4], $0x0  }
0x19: {  	s7 =	sld [smem:$0x3F8E]  }
0x1a: {  	s8 =	sadd.s32 $0xFFFFE003, lr  }
0x1b: {  	s9 =	sadd.s32 $0xFFFFFEF7, lr;
	s5 =	simm.s32 $0xFFFFFFFF;
	p2 =	slt.u32 s8, $0xFFFFF086  }
0x1c: {  	p1 =	slt.u32 s9, $0xF7A;
	s5 =	simm.s32 @!p2 $0x0  }
0x1d: {  	s5 =	simm.s32 @p1 $0x1;
	p0 =	seq.s32 s7, s2  }
0x1e: {  	s7 =	smul.u32 @!p0 $0xF7A, s2;
	p2 =	seq.s32 @!p0 s5, $0x0  }
0x1f: {  	s9 =	smul.u32 $0xF7A, s1;
	s8 =	simm.s32 @!p0 $0x1BF5;
	p2 =	por !p2, p0  }
0x20: {  	[sflag:s8] =	ssyncset.s32 @!p0 $0xFFFFF086;
	s6 =	sadd.s32 @!p0 s3, s7;
	s7 =	simm.s32 @!p0 $0x108  }
0x21: {  	s3 =	sadd.s32 s3, s9;
	s6 =	sadd.s32 @!p0 $0x88, s6;
	s7 =	simm.s32 @p2 $0x1082  }
0x22: {  	[simem:s7], [sflag:s8] =	dma.local @!p0 [hbm:s6], $0xF7A  }
0x23: {  	s9 =	sor.u32 $0xD0000000, s2;
	s6 =	simm.s32 $0x108;
	_ =	swait.ge @!p0 [sflag:s8], $0x0  }
0x24: {  	s3 =	sadd.s32 $0x88, s3;
	s6 =	simm.s32 @!p1 $0x1082;
	[sflag:s4] =	ssyncset.s32 $0xFFFFF086  }
0x25: {  	[simem:s6], [sflag:s4] =	dma.local [hbm:s3], $0xF7A  }
0x26: {  	[smem:$0x3F8E] =	sst s1;
	(tag) =	ssettag s2;
	_ =	strace s9  }
0x27: {  	s1 =	sld [smem:$0x3F9E]  }
0x28: {  	s2 =	sld [smem:$0x3F9F]  }
0x29: {  	s4 =	sld [smem:$0x3FA1]  }
0x2a: {  	p0 =	seq.s32 s5, $0x0;
	s5 =	sld [smem:$0x3FA2]  }
0x2b: {  	s6 =	sld [smem:$0x3FA3]  }
0x2c: {  	s7 =	sld [smem:$0x3FA4]  }
0x2d: {  	s3 =	simm.s32 $0x108;
	s8 =	sld [smem:$0x3FA5]  }
0x2e: {  	s3 =	simm.s32 @!p0 $0x1082;
	s9 =	sld [smem:$0x3FA6]  }
0x2f: {  	lr =	sadd.s32 s0, s3;
	s0 =	sld [smem:$0x3F9D]  }
0x30: {  	s3 =	sld [smem:$0x3FA0]  }
0x31: {  	[smem:$0x3FA9] =	sst s10  }
0x32: {  	s10 =	sld [smem:$0x3FA7];
	_ =	sdelay $0x3  }
0x33: {  	p0 =	seq.s32 s10, $0x1;
	s10 =	sld [smem:$0x3FA9];
	_ =	sdelay $0x3  }
0x34: {  	[smem:$0x3FA9] =	sst s10  }
0x35: {  	s10 =	sld [smem:$0x3FA8];
	_ =	sdelay $0x3  }
0x36: {  	p1 =	seq.s32 s10, $0x1;
	s10 =	sld [smem:$0x3FA9];
	_ =	sdelay $0x3  }
0x37: {  	[smem:$0x3FA9] =	sst s10  }
0x38: {  	s10 =	sld [smem:$0x3FAA]  }
0x39: {  	_ = 	snop;
	(pc) =	sbr.ind lr, $3  }
0x3a: {  	_ = 	snop  }
0x3b: {  	_ = 	snop  }
0x3c: {  	p2 =	seq.s32 s10, $0x1;
	s10 =	sld [smem:$0x3FA9]  }
0x3d: {  	_ =	shalt  }
0x3e: {  	_ =	shalt  }
0x3f: {  	_ =	shalt  }
0x40: {  	_ =	shalt  }
0x41: {  	_ =	shalt  }
0x42: {  	_ =	shalt  }
0x43: {  	_ =	shalt  }
0x44: {  	_ =	shalt  }
0x45: {  	_ =	shalt  }
0x46: {  	_ =	shalt  }
0x47: {  	_ =	shalt  }
0x48: {  	_ =	shalt  }
0x49: {  	_ =	shalt  }
0x4a: {  	_ =	shalt  }
0x4b: {  	_ =	shalt  }
0x4c: {  	_ =	shalt  }
0x4d: {  	_ =	shalt  }
0x4e: {  	_ =	shalt  }
0x4f: {  	_ =	shalt  }
0x50: {  	_ =	shalt  }
0x51: {  	_ =	shalt  }
0x52: {  	_ =	shalt  }
0x53: {  	_ =	shalt  }
0x54: {  	_ =	shalt  }
0x55: {  	_ =	shalt  }
0x56: {  	_ =	shalt  }
0x57: {  	_ =	shalt  }
0x58: {  	_ =	shalt  }
0x59: {  	_ =	shalt  }
0x5a: {  	_ =	shalt  }
0x5b: {  	_ =	shalt  }
0x5c: {  	_ =	shalt  }
0x5d: {  	_ =	shalt  }
0x5e: {  	_ =	shalt  }
0x5f: {  	_ =	shalt  }
0x60: {  	_ =	shalt  }
0x61: {  	_ =	shalt  }
0x62: {  	_ =	shalt  }
0x63: {  	_ =	shalt  }
0x64: {  	_ =	shalt  }
0x65: {  	_ =	shalt  }
0x66: {  	_ =	shalt  }
0x67: {  	_ =	shalt  }
0x68: {  	_ =	shalt  }
0x69: {  	_ =	shalt  }
0x6a: {  	_ =	shalt  }
0x6b: {  	_ =	shalt  }
0x6c: {  	_ =	shalt  }
0x6d: {  	_ =	shalt  }
0x6e: {  	_ =	shalt  }
0x6f: {  	_ =	shalt  }
0x70: {  	_ =	shalt  }
0x71: {  	_ =	shalt  }
0x72: {  	_ =	shalt  }
0x73: {  	_ =	shalt  }
0x74: {  	_ =	shalt  }
0x75: {  	_ =	shalt  }
0x76: {  	_ =	shalt  }
0x77: {  	_ =	shalt  }
0x78: {  	_ =	shalt  }
0x79: {  	_ =	shalt  }
0x7a: {  	_ =	shalt  }
0x7b: {  	_ =	shalt  }
0x7c: {  	_ =	shalt  }
0x7d: {  	_ =	shalt  }
0x7e: {  	_ =	shalt  }
0x7f: {  	_ =	shalt  }
0x80: {  	_ =	shalt  }
0x81: {  	_ =	shalt  }
0x82: {  	_ =	shalt  }
0x83: {  	_ =	shalt  }
0x84: {  	_ =	shalt  }
0x85: {  	_ =	shalt  }
0x86: {  	_ =	shalt  }
0x87: {  	_ =	shalt  }
.Lfunc_end0:
.L_simem_size_0:
called_computation.6_lowered:
.L_overlay_start_0:
0x88: {  	s2 =	sld [smem:$0x3FD9]  }
0x89: {  	s3 =	sld [smem:$0x3FFE];
	_ =	sdelay $0x1  }
0x8a: {  	s1 =	srdreg.scid  }
0x8b: {  	s0 =	sand.u32 $0x1, s1  }
0x8c: {  	s16 =	sshll.u32 s0, $0xA;
	s2 =	sadd.s32 s3, s2  }
0x8d: {  	s2 =	sadd.s32 s2, s16  }
0x8e: {  	[smem:$0x3FB5] =	sst s2  }
0x8f: {  	_ = 	snop  }
0x90: {  	(tm) =	ssettm $0x1  }
0x91: {  	s17 =	sld [smem:$0x3FFB];
	_ =	sdelay $0x3  }
0x92: {  	_ =	strace s17  }
0x93: {  	s2 =	sld [smem:$0x3FFC];
	_ =	sdelay $0x3  }
0x94: {  	_ =	strace s2  }
0x95: {  	s2 =	sld [smem:$0x3FFD];
	_ =	sdelay $0x3  }
0x96: {  	_ =	strace s2  }
0x97: {  	_ =	strace $0x8FFFFFFF  }
0x98: {  	s18 =	sld [smem:$0x3FDB];
	_ =	sdelay $0x1  }
0x99: {  	s19 =	simm.s32 $_scs_section_size  }
0x9a: {  	s4 =	simm.s32 $_size__tile_overlayer_lowered;
	s5 =	simm.s32 $_tile_overlayer_lowered  }
0x9b: {  	s22 =	simm.s32 $0x1BFF;
	s21 =	sshll.u32 s5, $0x1;
	s2 =	sadd.s32 s19, s18  }
0x9c: {  	s6 =	simm.s32 $0x0;
	s20 =	sshll.u32 s4, $0x1;
	s4 =	sadd.s32 s21, s2  }
0x9d: {  	[timem:s6], [sflag:s22] =	dma.local [hbm:s4], s20  }
0x9e: {  	_ =	swait.ge [sflag:s22], s20  }
0x9f: {  	s3 =	ssub.s32 $0x0, s20;
	[sflag:s22] =	ssyncset.done $0x0  }
0xa0: {  	[sflag:s22] =	ssyncadd.s32 s3;
	_ =	sdelay $0x1  }
0xa1: {  	s23 =	simm.s32 $0x1B8B  }
0xa2: {  	_ =	swait.ge [sflag:s23], $0x1  }
0xa3: {  	[sflag:s23] =	ssyncset.done $0x0  }
0xa4: {  	s25 =	simm.s32 $0x1B8E;
	s24 =	sld [smem:$0x3FFE];
	[sflag:s23] =	ssyncadd.s32 $0xFFFFFFFF  }
0xa5: {  	s26 =	simm.s32 $execute0_lowered;
	[smem:$0x3FD2] =	sst s25  }
0xa6: {  	s4 =	sshll.u32 s26, $0x1;
	_ =	strace $0x80000058;
	[dreg:$0x1] =	wrdreg $0xFFFFFFFF  }
0xa7: {  	s28 =	simm.s32 $_size_execute0_lowered;
	s2 =	sadd.s32 s2, s4;
	[dreg:$0x0] =	wrdreg $0x0  }
0xa8: {  	s4 =	sshll.u32 s28, $0x1;
	[dreg:$0x2] =	wrdreg s2  }
0xa9: {  	[dreg:$0x3] =	wrdreg s4  }
0xaa: {  	[dreg:$0x4] =	wrdreg $0xC0  }
0xab: {  	_ =	task [dreg:s6], $0x5FFFF  }
0xac: {  	[dreg:$0x1] =	wrdreg $0xFFFFFFFF  }
0xad: {  	[dreg:$0x0] =	wrdreg $0x60  }
0xae: {  	[dreg:$0x2] =	wrdreg s24  }
0xaf: {  	[dreg:$0x3] =	wrdreg $0x90000  }
0xb0: {  	[dreg:$0x4] =	wrdreg $0x9  }
0xb1: {  	_ =	task.clear_ibuf [dreg:s6], $0x5FFFF;
	_ =	strace $0x90000058  }
0xb2: {  	s29 =	simm.s32 $0x9;
	_ =	strace $0x8000005A  }
0xb3: {  	_ =	swait.ge [sflag:s29], $0x1  }
0xb4: {  	[sflag:s29] =	ssyncadd.s32 $0xFFFFFFFF  }
0xb5: {  	_ =	strace $0x9000005A  }
0xb6: {  	_ =	sfence  }
0xb7: {  	s30 =	sld [smem:$0x0];
	_ =	sdelay $0x2  }
0xb8: {  	s31 =	sshll.u32 s1, $0xD;
	s1 =	sshrl.u32 s1, $0x2  }
0xb9: {  	s3 =	sand.u32 $0x4000, s31;
	s1 =	sadd.s32 s1, s30  }
0xba: {  	s0 =	sor.u32 s3, s0;
	s1 =	sshll.u32 s1, $0x11  }
0xbb: {  	s0 =	sor.u32 s1, s0  }
0xbc: {  	s0 =	sadd.s32 $0x8F2B, s0  }
0xbd: {  	[sflag:s0] =	ssyncadd.remote.s32 $0x1  }
0xbe: {  	_ =	sfence.sel $0xFFFF  }
0xbf: {  	[dreg:$0x0] =	wrdreg $0xFFFFFFFF;
	(pc) =	sbr.abs _section_cstart, $3  }
0xc0: {  	[dreg:$0x1] =	wrdreg $0xFFFFFFFF  }
0xc1: {  	_ =	task.clear_ibuf [dreg:s6], $0x2FFFF;
	_ =	strace $0x9FFFFFFF  }
0xc2: {  	(tm) =	ssettm $0x7FFFFFFF  }
0xc3: {  	_ =	shalt  }
tec
execute0_lowered:
.L_overlay_start_1:
0x0: {  	(tag) =	ssettag $0x1  }
0x1: {  	s5 =	rddreg [dreg:$0x0]  }
0x2: {  	s2 =	rddreg [dreg:$0x1]  }
0x3: {  	s0 =	rddreg [dreg:$0x2]  }
0x4: {  	s4 =	srdreg.scid;
	s1 =	stileid.u32;
	s3 =	simm.s32 $0x0  }
0x5: {  	s14 =	simm.s32 $0x80;
	s15 =	simm.s32 $0x5000;
	s16 =	simm.s32 $0x1  }
0x6: {  	s17 =	simm.s32 $0x0;
	s6 =	sand.u32 $0x1, s4;
	s8 =	smul.u32 $0x2780, s1  }
0x7: {  	s28 =	sshll.u32 s1, $0x1;
	[smem:$0x7FF] =	sst s3;
	s11 =	smul.u32 $0x4F000, s1  }
0x8: {  	s31 =	sshll.u32 s1, $0x6;
	s4 =	sor.u32 s6, s28;
	_ =	strace $0x80000059  }
0x9: {  	s9 =	ssub.s32 $0x2, s6;
	p0 =	seq.s32 s6, $0x1;
	s7 =	smul.u32 $0x500, s4  }
0xa: {  	s4 =	sadd.s32 $0x44E00, s5;
	s10 =	sshrl.u32 s9, $0x1;
	s12 =	sadd.s32 s8, s5  }
0xb: {  	s30 =	sshrl.u32 s11, $0x2;
	s11 =	simm.s32 $0x2800;
	s29 =	ssub.s32 s9, s10  }
0xc: {  	s10 =	simm.s32 $0x93E00;
	s13 =	sadd.s32 s30, s2;
	s7 =	sadd.s32 s7, s5  }
0xd: {  	s10 =	simm.s32 @!p0 $0x6C600;
	s8 =	smax.u32 s29, $0x1;
	s13 =	sshrl.u32 s13, $0x3  }
0xe: {  	s5 =	sadd.s32 $0x9600, s7;
	s6 =	sadd.s32 $0x13600, s7;
	s7 =	sadd.s32 $0x1D600, s12  }
0xf: {  	s9 =	sadd.s32 s10, s12;
	s10 =	simm.s32 $0x2;
	s12 =	sor.u32 $0x1C02, s31  }
.LBB2_1:
0x10: {  	[tilespmem:s3], [sflag:$0x2] =	stream.linear.gather [hbm4b:s5+s3], $0x2780, $0x38;
	[tilespmem:$0x1CC00] =	vst v63  }
0x11: {  	_ =	swait.ge [sflag:s10], $0x2780  }
0x12: {  	[sflag:s10] =	ssyncset.done $0x0  }
0x13: {  	[sflag:s10] =	ssyncadd.s32 $0xFFFFD880  }
0x14: {  	[tilespmem:s11], [sflag:$0x2] =	stream.linear.gather [hbm4b:s6+s3], $0x2780, $0x38;
	[tilespmem:$0x1CC00] =	vst v63  }
0x15: {  	_ =	swait.ge [sflag:s10], $0x2780  }
0x16: {  	[sflag:s10] =	ssyncset.done $0x0  }
0x17: {  	[sflag:s10] =	ssyncadd.s32 $0xFFFFD880  }
0x18: {  	[spmem:s13], [sflag:s12] =	dma.local [hbm:s7], $0x2780  }
0x19: {  	_ =	swait.ge [sflag:s10], $0x2780  }
0x1a: {  	[sflag:s10] =	ssyncset.done $0x0  }
0x1b: {  	[sflag:s10] =	ssyncadd.s32 $0xFFFFD880  }
0x1c: {  	s18 =	simm.s32 $0x0;
	[bflag:$0x0] =	sbarrier.arrive $0xFFFF  }
0x1d: {  	[tilespmem:s15], [sflag:$0x1] =	stream.indirect.gather [hbm4b:s4+s14], $0x80, s18, s14, $0xb8;
	[tilespmem:$0x1CC00] =	vst v63  }
0x1e: {  	_ =	swait.ge [sflag:s16], $0x4000  }
0x1f: {  	[sflag:s16] =	ssyncset.done $0x0  }
0x20: {  	s31 =	simm.s32 $0x2800;
	[sflag:s16] =	ssyncadd.s32 $0xFFFFC000  }
0x21: {  	[spmem:s2] =	stream.indirect.scatter.add.f32 [tilespmem:s15], [sflag:$0x2], $0x80, s31, s14, $0xb8;
	[tilespmem:$0x1CC00] =	vst v63  }
0x22: {  	_ =	swait.ge [sflag:s10], $0x4000  }
0x23: {  	s19 =	simm.s32 $0x400;
	s18 =	simm.s32 $0x200;
	[sflag:s10] =	ssyncset.done $0x0  }
.LBB2_2:
0x24: {  	s20 =	sshra.s32 s18, $0x2  }
0x25: {  	[sflag:s10] =	ssyncadd.s32 $0xFFFFC000;
	s18 =	smov.u32 s19;
	s21 =	sadd.s32 $0x200, s19  }
0x26: {  	[tilespmem:s15], [sflag:$0x1] =	stream.indirect.gather [hbm4b:s4+s14], $0x80, s20, s14, $0xb8;
	[tilespmem:$0x1CC00] =	vst v63  }
0x27: {  	p0 =	sne.s32 s19, $0x9C00;
	_ =	swait.ge [sflag:s16], $0x4000  }
.Ltmp0:
0x28: {  	[sflag:s16] =	ssyncset.done $0x0;
	(pc) =	sbr.rel @p0 .LBB2_2-.Ltmp0, $4  }
0x29: {  	s19 =	sadd.s32 $0x2800, s20;
	[sflag:s16] =	ssyncadd.s32 $0xFFFFC000  }
0x2a: {  	[spmem:s2] =	stream.indirect.scatter.add.f32 [tilespmem:s15], [sflag:$0x2], $0x80, s19, s14, $0xb8;
	[tilespmem:$0x1CC00] =	vst v63  }
0x2b: {  	_ =	swait.ge [sflag:s10], $0x4000  }
0x2c: {  	s19 =	smov.u32 s21;
	[sflag:s10] =	ssyncset.done $0x0  }
0x2d: {  	s18 =	sshra.s32 s18, $0x2;
	[sflag:s10] =	ssyncadd.s32 $0xFFFFC000  }
0x2e: {  	[tilespmem:s15], [sflag:$0x1] =	stream.indirect.gather [hbm4b:s4+s14], $0x80, s18, s14, $0xb8;
	[tilespmem:$0x1CC00] =	vst v63  }
0x2f: {  	_ =	swait.ge [sflag:s16], $0x4000  }
0x30: {  	[sflag:s16] =	ssyncset.done $0x0  }
0x31: {  	s18 =	sadd.s32 $0x2800, s18;
	[sflag:s16] =	ssyncadd.s32 $0xFFFFC000  }
0x32: {  	[spmem:s2] =	stream.indirect.scatter.add.f32 [tilespmem:s15], [sflag:$0x2], $0x80, s18, s14, $0xb8;
	[tilespmem:$0x1CC00] =	vst v63  }
0x33: {  	_ =	swait.ge [sflag:s10], $0x4000  }
0x34: {  	s17 =	sadd.s32 $0x1, s17;
	[sflag:s10] =	ssyncset.done $0x0  }
0x35: {  	p0 =	sne.s32 s17, s8;
	[sflag:s10] =	ssyncadd.s32 $0xFFFFC000  }
.Ltmp1:
0x36: {  	[bflag:$0x0] =	sbarrier.arrive $0xFFFF;
	(pc) =	sbr.rel @p0 .LBB2_1-.Ltmp1, $4  }
0x37: {  	[hbm:s9], [sflag:s12] =	dma.local [spmem:s13], $0x2780  }
0x38: {  	_ =	swait.ge [sflag:s10], $0x2780  }
0x39: {  	[sflag:s10] =	ssyncset.done $0x0  }
0x3a: {  	[sflag:s10] =	ssyncadd.s32 $0xFFFFD880  }
0x3b: {  	_ =	sfence.sel $0x180000  }
0x3c: {  	[bflag:$0x0] =	sbarrier.arrive $0xFFFF  }
0x3d: {  	p0 =	sne.s32 s1, $0x0;
	_ =	strace $0x90000059  }
0x3e: {  	s0 =	sadd.s32 @!p0 $0x100000, s0;
	[bflag:$0x2] =	sbarrier.arrive $0xFFFF  }
0x3f: {  	[sflag:s0] =	ssyncadd.tile.s32 @!p0 $0x1;
	_ =	shalt  }
.Lfunc_end2:
_tile_overlayer_lowered:
.L_overlay_start_2:
0x40: {  	(tag) =	ssettag $0x2  }
0x41: {  	s0 =	rddreg [dreg:$0x0];
	s2 =	stileid.u32  }
0x42: {  	s1 =	rddreg [dreg:$0x1];
	p0 =	sne.s32 s2, $0x0  }
0x43: {  	s3 =	rddreg [dreg:$0x2];
	[bflag:$0x3] =	sbarrier.arrive $0xFFFF;
	s2 =	simm.s32 @!p0 $0x1C02  }
0x44: {  	[timem:s3], [sflag:s2] =	dma.local @!p0 [hbm:s0], s1  }
0x45: {  	s0 =	simm.s32 @!p0 $0x2  }
0x46: {  	_ =	swait.ge @!p0 [sflag:s0], s1  }
0x47: {  	s1 =	ssub.s32 @!p0 $0x0, s1;
	[sflag:s0] =	ssyncset.done @!p0 $0x0  }
0x48: {  	[sflag:s0] =	ssyncadd.s32 @!p0 s1  }
0x49: {  	[bflag:$0x3] =	sbarrier.arrive $0xFFFF  }
0x4a: {  	_ =	shalt  }

// kernel: kernel.42.cloned.1.call-start
scs
__scs_entry_jumppad:
0x0: {  	(pc) =	sbr.rel $0x88, $3  }
0x1: {  	(tag) =	ssettag $0x0;
	lr =	simm.s32 $0x1  }
0x2: {  	[smem:$0x3F8E] =	sst lr;
	_ =	strace $0xD0000000  }
0x3: {  	_ = 	snop  }
0x4: {  	_ = 	snop  }
0x5: {  	_ = 	snop  }
0x6: {  	_ = 	snop  }
0x7: {  	_ = 	snop  }
__scs_overlays_trampoline_lowered:
0x8: {  	[smem:$0x3F9D] =	sst s0  }
0x9: {  	[smem:$0x3F9E] =	sst s1  }
0xa: {  	[smem:$0x3F9F] =	sst s2  }
0xb: {  	[smem:$0x3FA0] =	sst s3  }
0xc: {  	[smem:$0x3FA1] =	sst s4  }
0xd: {  	[smem:$0x3FA2] =	sst s5  }
0xe: {  	[smem:$0x3FA3] =	sst s6  }
0xf: {  	[smem:$0x3FA4] =	sst s7  }
0x10: {  	[smem:$0x3FA5] =	sst s8  }
0x11: {  	[smem:$0x3FA6] =	sst s9;
	s0 =	simm.s32 @!p0 $0x0  }
0x12: {  	s1 =	sld [smem:$0x3F8C];
	s0 =	simm.s32 @p0 $0x1  }
0x13: {  	[smem:$0x3FA7] =	sst s0;
	s0 =	simm.s32 @!p1 $0x0  }
0x14: {  	s2 =	sld [smem:$0x3F8B];
	s0 =	simm.s32 @p1 $0x1  }
0x15: {  	[smem:$0x3FA8] =	sst s0;
	s0 =	simm.s32 @!p2 $0x0  }
0x16: {  	s3 =	sld [smem:$0x3FDB];
	s0 =	simm.s32 @p2 $0x1  }
0x17: {  	s4 =	simm.s32 $0x1BF5;
	[smem:$0x3FAA] =	sst s0  }
0x18: {  	s0 =	sld [smem:$0x3F8D];
	_ =	swait.ge [sflag:s4], $0x0  }
0x19: {  	s7 =	sld [smem:$0x3F8E]  }
0x1a: {  	s8 =	sadd.s32 $0xFFFFE003, lr  }
0x1b: {  	s9 =	sadd.s32 $0xFFFFFEF7, lr;
	s5 =	simm.s32 $0xFFFFFFFF;
	p2 =	slt.u32 s8, $0xFFFFF086  }
0x1c: {  	p1 =	slt.u32 s9, $0xF7A;
	s5 =	simm.s32 @!p2 $0x0  }
0x1d: {  	s5 =	simm.s32 @p1 $0x1;
	p0 =	seq.s32 s7, s2  }
0x1e: {  	s7 =	smul.u32 @!p0 $0xF7A, s2;
	p2 =	seq.s32 @!p0 s5, $0x0  }
0x1f: {  	s9 =	smul.u32 $0xF7A, s1;
	s8 =	simm.s32 @!p0 $0x1BF5;
	p2 =	por !p2, p0  }
0x20: {  	[sflag:s8] =	ssyncset.s32 @!p0 $0xFFFFF086;
	s6 =	sadd.s32 @!p0 s3, s7;
	s7 =	simm.s32 @!p0 $0x108  }
0x21: {  	s3 =	sadd.s32 s3, s9;
	s6 =	sadd.s32 @!p0 $0x88, s6;
	s7 =	simm.s32 @p2 $0x1082  }
0x22: {  	[simem:s7], [sflag:s8] =	dma.local @!p0 [hbm:s6], $0xF7A  }
0x23: {  	s9 =	sor.u32 $0xD0000000, s2;
	s6 =	simm.s32 $0x108;
	_ =	swait.ge @!p0 [sflag:s8], $0x0  }
0x24: {  	s3 =	sadd.s32 $0x88, s3;
	s6 =	simm.s32 @!p1 $0x1082;
	[sflag:s4] =	ssyncset.s32 $0xFFFFF086  }
0x25: {  	[simem:s6], [sflag:s4] =	dma.local [hbm:s3], $0xF7A  }
0x26: {  	[smem:$0x3F8E] =	sst s1;
	(tag) =	ssettag s2;
	_ =	strace s9  }
0x27: {  	s1 =	sld [smem:$0x3F9E]  }
0x28: {  	s2 =	sld [smem:$0x3F9F]  }
0x29: {  	s4 =	sld [smem:$0x3FA1]  }
0x2a: {  	p0 =	seq.s32 s5, $0x0;
	s5 =	sld [smem:$0x3FA2]  }
0x2b: {  	s6 =	sld [smem:$0x3FA3]  }
0x2c: {  	s7 =	sld [smem:$0x3FA4]  }
0x2d: {  	s3 =	simm.s32 $0x108;
	s8 =	sld [smem:$0x3FA5]  }
0x2e: {  	s3 =	simm.s32 @!p0 $0x1082;
	s9 =	sld [smem:$0x3FA6]  }
0x2f: {  	lr =	sadd.s32 s0, s3;
	s0 =	sld [smem:$0x3F9D]  }
0x30: {  	s3 =	sld [smem:$0x3FA0]  }
0x31: {  	[smem:$0x3FA9] =	sst s10  }
0x32: {  	s10 =	sld [smem:$0x3FA7];
	_ =	sdelay $0x3  }
0x33: {  	p0 =	seq.s32 s10, $0x1;
	s10 =	sld [smem:$0x3FA9];
	_ =	sdelay $0x3  }
0x34: {  	[smem:$0x3FA9] =	sst s10  }
0x35: {  	s10 =	sld [smem:$0x3FA8];
	_ =	sdelay $0x3  }
0x36: {  	p1 =	seq.s32 s10, $0x1;
	s10 =	sld [smem:$0x3FA9];
	_ =	sdelay $0x3  }
0x37: {  	[smem:$0x3FA9] =	sst s10  }
0x38: {  	s10 =	sld [smem:$0x3FAA]  }
0x39: {  	_ = 	snop;
	(pc) =	sbr.ind lr, $3  }
0x3a: {  	_ = 	snop  }
0x3b: {  	_ = 	snop  }
0x3c: {  	p2 =	seq.s32 s10, $0x1;
	s10 =	sld [smem:$0x3FA9]  }
0x3d: {  	_ =	shalt  }
0x3e: {  	_ =	shalt  }
0x3f: {  	_ =	shalt  }
0x40: {  	_ =	shalt  }
0x41: {  	_ =	shalt  }
0x42: {  	_ =	shalt  }
0x43: {  	_ =	shalt  }
0x44: {  	_ =	shalt  }
0x45: {  	_ =	shalt  }
0x46: {  	_ =	shalt  }
0x47: {  	_ =	shalt  }
0x48: {  	_ =	shalt  }
0x49: {  	_ =	shalt  }
0x4a: {  	_ =	shalt  }
0x4b: {  	_ =	shalt  }
0x4c: {  	_ =	shalt  }
0x4d: {  	_ =	shalt  }
0x4e: {  	_ =	shalt  }
0x4f: {  	_ =	shalt  }
0x50: {  	_ =	shalt  }
0x51: {  	_ =	shalt  }
0x52: {  	_ =	shalt  }
0x53: {  	_ =	shalt  }
0x54: {  	_ =	shalt  }
0x55: {  	_ =	shalt  }
0x56: {  	_ =	shalt  }
0x57: {  	_ =	shalt  }
0x58: {  	_ =	shalt  }
0x59: {  	_ =	shalt  }
0x5a: {  	_ =	shalt  }
0x5b: {  	_ =	shalt  }
0x5c: {  	_ =	shalt  }
0x5d: {  	_ =	shalt  }
0x5e: {  	_ =	shalt  }
0x5f: {  	_ =	shalt  }
0x60: {  	_ =	shalt  }
0x61: {  	_ =	shalt  }
0x62: {  	_ =	shalt  }
0x63: {  	_ =	shalt  }
0x64: {  	_ =	shalt  }
0x65: {  	_ =	shalt  }
0x66: {  	_ =	shalt  }
0x67: {  	_ =	shalt  }
0x68: {  	_ =	shalt  }
0x69: {  	_ =	shalt  }
0x6a: {  	_ =	shalt  }
0x6b: {  	_ =	shalt  }
0x6c: {  	_ =	shalt  }
0x6d: {  	_ =	shalt  }
0x6e: {  	_ =	shalt  }
0x6f: {  	_ =	shalt  }
0x70: {  	_ =	shalt  }
0x71: {  	_ =	shalt  }
0x72: {  	_ =	shalt  }
0x73: {  	_ =	shalt  }
0x74: {  	_ =	shalt  }
0x75: {  	_ =	shalt  }
0x76: {  	_ =	shalt  }
0x77: {  	_ =	shalt  }
0x78: {  	_ =	shalt  }
0x79: {  	_ =	shalt  }
0x7a: {  	_ =	shalt  }
0x7b: {  	_ =	shalt  }
0x7c: {  	_ =	shalt  }
0x7d: {  	_ =	shalt  }
0x7e: {  	_ =	shalt  }
0x7f: {  	_ =	shalt  }
0x80: {  	_ =	shalt  }
0x81: {  	_ =	shalt  }
0x82: {  	_ =	shalt  }
0x83: {  	_ =	shalt  }
0x84: {  	_ =	shalt  }
0x85: {  	_ =	shalt  }
0x86: {  	_ =	shalt  }
0x87: {  	_ =	shalt  }
.Lfunc_end0:
.L_simem_size_0:
called_computation.7_lowered:
.L_overlay_start_0:
0x88: {  	s2 =	sld [smem:$0x3FD9]  }
0x89: {  	s3 =	sld [smem:$0x3FFE];
	_ =	sdelay $0x1  }
0x8a: {  	s1 =	srdreg.scid  }
0x8b: {  	s0 =	sand.u32 $0x1, s1  }
0x8c: {  	s16 =	sshll.u32 s0, $0xA;
	s2 =	sadd.s32 s3, s2  }
0x8d: {  	s2 =	sadd.s32 s2, s16  }
0x8e: {  	[smem:$0x3FB5] =	sst s2  }
0x8f: {  	_ = 	snop  }
0x90: {  	(tm) =	ssettm $0x1  }
0x91: {  	s17 =	sld [smem:$0x3FFB];
	_ =	sdelay $0x3  }
0x92: {  	_ =	strace s17  }
0x93: {  	s2 =	sld [smem:$0x3FFC];
	_ =	sdelay $0x3  }
0x94: {  	_ =	strace s2  }
0x95: {  	s2 =	sld [smem:$0x3FFD];
	_ =	sdelay $0x3  }
0x96: {  	_ =	strace s2  }
0x97: {  	_ =	strace $0x8FFFFFFF  }
0x98: {  	s18 =	sld [smem:$0x3FDB];
	_ =	sdelay $0x1  }
0x99: {  	s19 =	simm.s32 $_scs_section_size  }
0x9a: {  	s4 =	simm.s32 $_size__tile_overlayer_lowered;
	s5 =	simm.s32 $_tile_overlayer_lowered  }
0x9b: {  	s22 =	simm.s32 $0x1BFF;
	s21 =	sshll.u32 s5, $0x1;
	s2 =	sadd.s32 s19, s18  }
0x9c: {  	s6 =	simm.s32 $0x0;
	s20 =	sshll.u32 s4, $0x1;
	s4 =	sadd.s32 s21, s2  }
0x9d: {  	[timem:s6], [sflag:s22] =	dma.local [hbm:s4], s20  }
0x9e: {  	_ =	swait.ge [sflag:s22], s20  }
0x9f: {  	s3 =	ssub.s32 $0x0, s20;
	[sflag:s22] =	ssyncset.done $0x0  }
0xa0: {  	[sflag:s22] =	ssyncadd.s32 s3;
	_ =	sdelay $0x1  }
0xa1: {  	s23 =	simm.s32 $0x1B8B  }
0xa2: {  	_ =	swait.ge [sflag:s23], $0x1  }
0xa3: {  	[sflag:s23] =	ssyncset.done $0x0  }
0xa4: {  	s25 =	simm.s32 $0x1B8E;
	s24 =	sld [smem:$0x3FFE];
	[sflag:s23] =	ssyncadd.s32 $0xFFFFFFFF  }
0xa5: {  	s26 =	simm.s32 $execute0_lowered;
	[smem:$0x3FD2] =	sst s25  }
0xa6: {  	s4 =	sshll.u32 s26, $0x1;
	_ =	strace $0x8000005B;
	[dreg:$0x1] =	wrdreg $0xFFFFFFFF  }
0xa7: {  	s28 =	simm.s32 $_size_execute0_lowered;
	s2 =	sadd.s32 s2, s4;
	[dreg:$0x0] =	wrdreg $0x0  }
0xa8: {  	s4 =	sshll.u32 s28, $0x1;
	[dreg:$0x2] =	wrdreg s2  }
0xa9: {  	[dreg:$0x3] =	wrdreg s4  }
0xaa: {  	[dreg:$0x4] =	wrdreg $0xC0  }
0xab: {  	_ =	task [dreg:s6], $0x5FFFF  }
0xac: {  	[dreg:$0x1] =	wrdreg $0xFFFFFFFF  }
0xad: {  	[dreg:$0x0] =	wrdreg $0x60  }
0xae: {  	[dreg:$0x2] =	wrdreg s24  }
0xaf: {  	[dreg:$0x3] =	wrdreg $0x90000  }
0xb0: {  	[dreg:$0x4] =	wrdreg $0x9  }
0xb1: {  	_ =	task.clear_ibuf [dreg:s6], $0x5FFFF;
	_ =	strace $0x9000005B  }
0xb2: {  	s29 =	simm.s32 $0x9;
	_ =	strace $0x8000005D  }
0xb3: {  	_ =	swait.ge [sflag:s29], $0x1  }
0xb4: {  	[sflag:s29] =	ssyncadd.s32 $0xFFFFFFFF  }
0xb5: {  	_ =	strace $0x9000005D  }
0xb6: {  	_ =	sfence  }
0xb7: {  	s30 =	sld [smem:$0x0];
	_ =	sdelay $0x2  }
0xb8: {  	s31 =	sshll.u32 s1, $0xD;
	s1 =	sshrl.u32 s1, $0x2  }
0xb9: {  	s3 =	sand.u32 $0x4000, s31;
	s1 =	sadd.s32 s1, s30  }
0xba: {  	s0 =	sor.u32 s3, s0;
	s1 =	sshll.u32 s1, $0x11  }
0xbb: {  	s0 =	sor.u32 s1, s0  }
0xbc: {  	s0 =	sadd.s32 $0x8F2B, s0  }
0xbd: {  	[sflag:s0] =	ssyncadd.remote.s32 $0x1  }
0xbe: {  	_ =	sfence.sel $0xFFFF  }
0xbf: {  	[dreg:$0x0] =	wrdreg $0xFFFFFFFF;
	(pc) =	sbr.abs _section_cstart, $3  }
0xc0: {  	[dreg:$0x1] =	wrdreg $0xFFFFFFFF  }
0xc1: {  	_ =	task.clear_ibuf [dreg:s6], $0x2FFFF;
	_ =	strace $0x9FFFFFFF  }
0xc2: {  	(tm) =	ssettm $0x7FFFFFFF  }
0xc3: {  	_ =	shalt  }
tec
execute0_lowered:
.L_overlay_start_1:
0x0: {  	(tag) =	ssettag $0x1  }
0x1: {  	s5 =	rddreg [dreg:$0x0]  }
0x2: {  	s2 =	rddreg [dreg:$0x1]  }
0x3: {  	s0 =	rddreg [dreg:$0x2]  }
0x4: {  	s4 =	srdreg.scid;
	s1 =	stileid.u32;
	s3 =	simm.s32 $0x0  }
0x5: {  	s14 =	simm.s32 $0x80;
	s15 =	simm.s32 $0x5000;
	s16 =	simm.s32 $0x1  }
0x6: {  	s17 =	simm.s32 $0x0;
	s6 =	sand.u32 $0x1, s4;
	s8 =	smul.u32 $0x2780, s1  }
0x7: {  	s28 =	sshll.u32 s1, $0x1;
	[smem:$0x7FF] =	sst s3;
	s11 =	smul.u32 $0x4F000, s1  }
0x8: {  	s31 =	sshll.u32 s1, $0x6;
	s4 =	sor.u32 s6, s28;
	_ =	strace $0x8000005C  }
0x9: {  	s9 =	ssub.s32 $0x2, s6;
	p0 =	seq.s32 s6, $0x1;
	s7 =	smul.u32 $0x500, s4  }
0xa: {  	s4 =	sadd.s32 $0x44E00, s5;
	s10 =	sshrl.u32 s9, $0x1;
	s12 =	sadd.s32 s8, s5  }
0xb: {  	s30 =	sshrl.u32 s11, $0x2;
	s11 =	simm.s32 $0x2800;
	s29 =	ssub.s32 s9, s10  }
0xc: {  	s10 =	simm.s32 $0x93E00;
	s13 =	sadd.s32 s30, s2;
	s7 =	sadd.s32 s7, s5  }
0xd: {  	s10 =	simm.s32 @!p0 $0x6C600;
	s8 =	smax.u32 s29, $0x1;
	s13 =	sshrl.u32 s13, $0x3  }
0xe: {  	s5 =	sadd.s32 $0x9600, s7;
	s6 =	sadd.s32 $0x13600, s7;
	s7 =	sadd.s32 $0x1D600, s12  }
0xf: {  	s9 =	sadd.s32 s10, s12;
	s10 =	simm.s32 $0x2;
	s12 =	sor.u32 $0x1C02, s31  }
.LBB2_1:
0x10: {  	[tilespmem:s3], [sflag:$0x2] =	stream.linear.gather [hbm4b:s5+s3], $0x2780, $0x38;
	[tilespmem:$0x1CC00] =	vst v63  }
0x11: {  	_ =	swait.ge [sflag:s10], $0x2780  }
0x12: {  	[sflag:s10] =	ssyncset.done $0x0  }
0x13: {  	[sflag:s10] =	ssyncadd.s32 $0xFFFFD880  }
0x14: {  	[tilespmem:s11], [sflag:$0x2] =	stream.linear.gather [hbm4b:s6+s3], $0x2780, $0x38;
	[tilespmem:$0x1CC00] =	vst v63  }
0x15: {  	_ =	swait.ge [sflag:s10], $0x2780  }
0x16: {  	[sflag:s10] =	ssyncset.done $0x0  }
0x17: {  	[sflag:s10] =	ssyncadd.s32 $0xFFFFD880  }
0x18: {  	[spmem:s13], [sflag:s12] =	dma.local [hbm:s7], $0x2780  }
0x19: {  	_ =	swait.ge [sflag:s10], $0x2780  }
0x1a: {  	[sflag:s10] =	ssyncset.done $0x0  }
0x1b: {  	[sflag:s10] =	ssyncadd.s32 $0xFFFFD880  }
0x1c: {  	s18 =	simm.s32 $0x0;
	[bflag:$0x0] =	sbarrier.arrive $0xFFFF  }
0x1d: {  	[tilespmem:s15], [sflag:$0x1] =	stream.indirect.gather [hbm4b:s4+s14], $0x80, s18, s14, $0xb8;
	[tilespmem:$0x1CC00] =	vst v63  }
0x1e: {  	_ =	swait.ge [sflag:s16], $0x4000  }
0x1f: {  	[sflag:s16] =	ssyncset.done $0x0  }
0x20: {  	s31 =	simm.s32 $0x2800;
	[sflag:s16] =	ssyncadd.s32 $0xFFFFC000  }
0x21: {  	[spmem:s2] =	stream.indirect.scatter.add.f32 [tilespmem:s15], [sflag:$0x2], $0x80, s31, s14, $0xb8;
	[tilespmem:$0x1CC00] =	vst v63  }
0x22: {  	_ =	swait.ge [sflag:s10], $0x4000  }
0x23: {  	s19 =	simm.s32 $0x400;
	s18 =	simm.s32 $0x200;
	[sflag:s10] =	ssyncset.done $0x0  }
.LBB2_2:
0x24: {  	s20 =	sshra.s32 s18, $0x2  }
0x25: {  	[sflag:s10] =	ssyncadd.s32 $0xFFFFC000;
	s18 =	smov.u32 s19;
	s21 =	sadd.s32 $0x200, s19  }
0x26: {  	[tilespmem:s15], [sflag:$0x1] =	stream.indirect.gather [hbm4b:s4+s14], $0x80, s20, s14, $0xb8;
	[tilespmem:$0x1CC00] =	vst v63  }
0x27: {  	p0 =	sne.s32 s19, $0x9C00;
	_ =	swait.ge [sflag:s16], $0x4000  }
.Ltmp0:
0x28: {  	[sflag:s16] =	ssyncset.done $0x0;
	(pc) =	sbr.rel @p0 .LBB2_2-.Ltmp0, $4  }
0x29: {  	s19 =	sadd.s32 $0x2800, s20;
	[sflag:s16] =	ssyncadd.s32 $0xFFFFC000  }
0x2a: {  	[spmem:s2] =	stream.indirect.scatter.add.f32 [tilespmem:s15], [sflag:$0x2], $0x80, s19, s14, $0xb8;
	[tilespmem:$0x1CC00] =	vst v63  }
0x2b: {  	_ =	swait.ge [sflag:s10], $0x4000  }
0x2c: {  	s19 =	smov.u32 s21;
	[sflag:s10] =	ssyncset.done $0x0  }
0x2d: {  	s18 =	sshra.s32 s18, $0x2;
	[sflag:s10] =	ssyncadd.s32 $0xFFFFC000  }
0x2e: {  	[tilespmem:s15], [sflag:$0x1] =	stream.indirect.gather [hbm4b:s4+s14], $0x80, s18, s14, $0xb8;
	[tilespmem:$0x1CC00] =	vst v63  }
0x2f: {  	_ =	swait.ge [sflag:s16], $0x4000  }
0x30: {  	[sflag:s16] =	ssyncset.done $0x0  }
0x31: {  	s18 =	sadd.s32 $0x2800, s18;
	[sflag:s16] =	ssyncadd.s32 $0xFFFFC000  }
0x32: {  	[spmem:s2] =	stream.indirect.scatter.add.f32 [tilespmem:s15], [sflag:$0x2], $0x80, s18, s14, $0xb8;
	[tilespmem:$0x1CC00] =	vst v63  }
0x33: {  	_ =	swait.ge [sflag:s10], $0x4000  }
0x34: {  	s17 =	sadd.s32 $0x1, s17;
	[sflag:s10] =	ssyncset.done $0x0  }
0x35: {  	p0 =	sne.s32 s17, s8;
	[sflag:s10] =	ssyncadd.s32 $0xFFFFC000  }
.Ltmp1:
0x36: {  	[bflag:$0x0] =	sbarrier.arrive $0xFFFF;
	(pc) =	sbr.rel @p0 .LBB2_1-.Ltmp1, $4  }
0x37: {  	[hbm:s9], [sflag:s12] =	dma.local [spmem:s13], $0x2780  }
0x38: {  	_ =	swait.ge [sflag:s10], $0x2780  }
0x39: {  	[sflag:s10] =	ssyncset.done $0x0  }
0x3a: {  	[sflag:s10] =	ssyncadd.s32 $0xFFFFD880  }
0x3b: {  	_ =	sfence.sel $0x180000  }
0x3c: {  	[bflag:$0x0] =	sbarrier.arrive $0xFFFF  }
0x3d: {  	p0 =	sne.s32 s1, $0x0;
	_ =	strace $0x9000005C  }
0x3e: {  	s0 =	sadd.s32 @!p0 $0x100000, s0;
	[bflag:$0x2] =	sbarrier.arrive $0xFFFF  }
0x3f: {  	[sflag:s0] =	ssyncadd.tile.s32 @!p0 $0x1;
	_ =	shalt  }
.Lfunc_end2:
_tile_overlayer_lowered:
.L_overlay_start_2:
0x40: {  	(tag) =	ssettag $0x2  }
0x41: {  	s0 =	rddreg [dreg:$0x0];
	s2 =	stileid.u32  }
0x42: {  	s1 =	rddreg [dreg:$0x1];
	p0 =	sne.s32 s2, $0x0  }
0x43: {  	s3 =	rddreg [dreg:$0x2];
	[bflag:$0x3] =	sbarrier.arrive $0xFFFF;
	s2 =	simm.s32 @!p0 $0x1C02  }
0x44: {  	[timem:s3], [sflag:s2] =	dma.local @!p0 [hbm:s0], s1  }
0x45: {  	s0 =	simm.s32 @!p0 $0x2  }
0x46: {  	_ =	swait.ge @!p0 [sflag:s0], s1  }
0x47: {  	s1 =	ssub.s32 @!p0 $0x0, s1;
	[sflag:s0] =	ssyncset.done @!p0 $0x0  }
0x48: {  	[sflag:s0] =	ssyncadd.s32 @!p0 s1  }
0x49: {  	[bflag:$0x3] =	sbarrier.arrive $0xFFFF  }
0x4a: {  	_ =	shalt  }

// kernel: kernel.45.cloned.1.call-start
scs
__scs_entry_jumppad:
0x0: {  	(pc) =	sbr.rel $0x88, $3  }
0x1: {  	(tag) =	ssettag $0x0;
	lr =	simm.s32 $0x1  }
0x2: {  	[smem:$0x3F8E] =	sst lr;
	_ =	strace $0xD0000000  }
0x3: {  	_ = 	snop  }
0x4: {  	_ = 	snop  }
0x5: {  	_ = 	snop  }
0x6: {  	_ = 	snop  }
0x7: {  	_ = 	snop  }
__scs_overlays_trampoline_lowered:
0x8: {  	[smem:$0x3F9D] =	sst s0  }
0x9: {  	[smem:$0x3F9E] =	sst s1  }
0xa: {  	[smem:$0x3F9F] =	sst s2  }
0xb: {  	[smem:$0x3FA0] =	sst s3  }
0xc: {  	[smem:$0x3FA1] =	sst s4  }
0xd: {  	[smem:$0x3FA2] =	sst s5  }
0xe: {  	[smem:$0x3FA3] =	sst s6  }
0xf: {  	[smem:$0x3FA4] =	sst s7  }
0x10: {  	[smem:$0x3FA5] =	sst s8  }
0x11: {  	[smem:$0x3FA6] =	sst s9;
	s0 =	simm.s32 @!p0 $0x0  }
0x12: {  	s1 =	sld [smem:$0x3F8C];
	s0 =	simm.s32 @p0 $0x1  }
0x13: {  	[smem:$0x3FA7] =	sst s0;
	s0 =	simm.s32 @!p1 $0x0  }
0x14: {  	s2 =	sld [smem:$0x3F8B];
	s0 =	simm.s32 @p1 $0x1  }
0x15: {  	[smem:$0x3FA8] =	sst s0;
	s0 =	simm.s32 @!p2 $0x0  }
0x16: {  	s3 =	sld [smem:$0x3FDB];
	s0 =	simm.s32 @p2 $0x1  }
0x17: {  	s4 =	simm.s32 $0x1BF5;
	[smem:$0x3FAA] =	sst s0  }
0x18: {  	s0 =	sld [smem:$0x3F8D];
	_ =	swait.ge [sflag:s4], $0x0  }
0x19: {  	s7 =	sld [smem:$0x3F8E]  }
0x1a: {  	s8 =	sadd.s32 $0xFFFFE003, lr  }
0x1b: {  	s9 =	sadd.s32 $0xFFFFFEF7, lr;
	s5 =	simm.s32 $0xFFFFFFFF;
	p2 =	slt.u32 s8, $0xFFFFF086  }
0x1c: {  	p1 =	slt.u32 s9, $0xF7A;
	s5 =	simm.s32 @!p2 $0x0  }
0x1d: {  	s5 =	simm.s32 @p1 $0x1;
	p0 =	seq.s32 s7, s2  }
0x1e: {  	s7 =	smul.u32 @!p0 $0xF7A, s2;
	p2 =	seq.s32 @!p0 s5, $0x0  }
0x1f: {  	s9 =	smul.u32 $0xF7A, s1;
	s8 =	simm.s32 @!p0 $0x1BF5;
	p2 =	por !p2, p0  }
0x20: {  	[sflag:s8] =	ssyncset.s32 @!p0 $0xFFFFF086;
	s6 =	sadd.s32 @!p0 s3, s7;
	s7 =	simm.s32 @!p0 $0x108  }
0x21: {  	s3 =	sadd.s32 s3, s9;
	s6 =	sadd.s32 @!p0 $0x88, s6;
	s7 =	simm.s32 @p2 $0x1082  }
0x22: {  	[simem:s7], [sflag:s8] =	dma.local @!p0 [hbm:s6], $0xF7A  }
0x23: {  	s9 =	sor.u32 $0xD0000000, s2;
	s6 =	simm.s32 $0x108;
	_ =	swait.ge @!p0 [sflag:s8], $0x0  }
0x24: {  	s3 =	sadd.s32 $0x88, s3;
	s6 =	simm.s32 @!p1 $0x1082;
	[sflag:s4] =	ssyncset.s32 $0xFFFFF086  }
0x25: {  	[simem:s6], [sflag:s4] =	dma.local [hbm:s3], $0xF7A  }
0x26: {  	[smem:$0x3F8E] =	sst s1;
	(tag) =	ssettag s2;
	_ =	strace s9  }
0x27: {  	s1 =	sld [smem:$0x3F9E]  }
0x28: {  	s2 =	sld [smem:$0x3F9F]  }
0x29: {  	s4 =	sld [smem:$0x3FA1]  }
0x2a: {  	p0 =	seq.s32 s5, $0x0;
	s5 =	sld [smem:$0x3FA2]  }
0x2b: {  	s6 =	sld [smem:$0x3FA3]  }
0x2c: {  	s7 =	sld [smem:$0x3FA4]  }
0x2d: {  	s3 =	simm.s32 $0x108;
	s8 =	sld [smem:$0x3FA5]  }
0x2e: {  	s3 =	simm.s32 @!p0 $0x1082;
	s9 =	sld [smem:$0x3FA6]  }
0x2f: {  	lr =	sadd.s32 s0, s3;
	s0 =	sld [smem:$0x3F9D]  }
0x30: {  	s3 =	sld [smem:$0x3FA0]  }
0x31: {  	[smem:$0x3FA9] =	sst s10  }
0x32: {  	s10 =	sld [smem:$0x3FA7];
	_ =	sdelay $0x3  }
0x33: {  	p0 =	seq.s32 s10, $0x1;
	s10 =	sld [smem:$0x3FA9];
	_ =	sdelay $0x3  }
0x34: {  	[smem:$0x3FA9] =	sst s10  }
0x35: {  	s10 =	sld [smem:$0x3FA8];
	_ =	sdelay $0x3  }
0x36: {  	p1 =	seq.s32 s10, $0x1;
	s10 =	sld [smem:$0x3FA9];
	_ =	sdelay $0x3  }
0x37: {  	[smem:$0x3FA9] =	sst s10  }
0x38: {  	s10 =	sld [smem:$0x3FAA]  }
0x39: {  	_ = 	snop;
	(pc) =	sbr.ind lr, $3  }
0x3a: {  	_ = 	snop  }
0x3b: {  	_ = 	snop  }
0x3c: {  	p2 =	seq.s32 s10, $0x1;
	s10 =	sld [smem:$0x3FA9]  }
0x3d: {  	_ =	shalt  }
0x3e: {  	_ =	shalt  }
0x3f: {  	_ =	shalt  }
0x40: {  	_ =	shalt  }
0x41: {  	_ =	shalt  }
0x42: {  	_ =	shalt  }
0x43: {  	_ =	shalt  }
0x44: {  	_ =	shalt  }
0x45: {  	_ =	shalt  }
0x46: {  	_ =	shalt  }
0x47: {  	_ =	shalt  }
0x48: {  	_ =	shalt  }
0x49: {  	_ =	shalt  }
0x4a: {  	_ =	shalt  }
0x4b: {  	_ =	shalt  }
0x4c: {  	_ =	shalt  }
0x4d: {  	_ =	shalt  }
0x4e: {  	_ =	shalt  }
0x4f: {  	_ =	shalt  }
0x50: {  	_ =	shalt  }
0x51: {  	_ =	shalt  }
0x52: {  	_ =	shalt  }
0x53: {  	_ =	shalt  }
0x54: {  	_ =	shalt  }
0x55: {  	_ =	shalt  }
0x56: {  	_ =	shalt  }
0x57: {  	_ =	shalt  }
0x58: {  	_ =	shalt  }
0x59: {  	_ =	shalt  }
0x5a: {  	_ =	shalt  }
0x5b: {  	_ =	shalt  }
0x5c: {  	_ =	shalt  }
0x5d: {  	_ =	shalt  }
0x5e: {  	_ =	shalt  }
0x5f: {  	_ =	shalt  }
0x60: {  	_ =	shalt  }
0x61: {  	_ =	shalt  }
0x62: {  	_ =	shalt  }
0x63: {  	_ =	shalt  }
0x64: {  	_ =	shalt  }
0x65: {  	_ =	shalt  }
0x66: {  	_ =	shalt  }
0x67: {  	_ =	shalt  }
0x68: {  	_ =	shalt  }
0x69: {  	_ =	shalt  }
0x6a: {  	_ =	shalt  }
0x6b: {  	_ =	shalt  }
0x6c: {  	_ =	shalt  }
0x6d: {  	_ =	shalt  }
0x6e: {  	_ =	shalt  }
0x6f: {  	_ =	shalt  }
0x70: {  	_ =	shalt  }
0x71: {  	_ =	shalt  }
0x72: {  	_ =	shalt  }
0x73: {  	_ =	shalt  }
0x74: {  	_ =	shalt  }
0x75: {  	_ =	shalt  }
0x76: {  	_ =	shalt  }
0x77: {  	_ =	shalt  }
0x78: {  	_ =	shalt  }
0x79: {  	_ =	shalt  }
0x7a: {  	_ =	shalt  }
0x7b: {  	_ =	shalt  }
0x7c: {  	_ =	shalt  }
0x7d: {  	_ =	shalt  }
0x7e: {  	_ =	shalt  }
0x7f: {  	_ =	shalt  }
0x80: {  	_ =	shalt  }
0x81: {  	_ =	shalt  }
0x82: {  	_ =	shalt  }
0x83: {  	_ =	shalt  }
0x84: {  	_ =	shalt  }
0x85: {  	_ =	shalt  }
0x86: {  	_ =	shalt  }
0x87: {  	_ =	shalt  }
.Lfunc_end0:
.L_simem_size_0:
called_computation.8_lowered:
.L_overlay_start_0:
0x88: {  	s2 =	sld [smem:$0x3FD9]  }
0x89: {  	s3 =	sld [smem:$0x3FFE];
	_ =	sdelay $0x1  }
0x8a: {  	s1 =	srdreg.scid  }
0x8b: {  	s0 =	sand.u32 $0x1, s1  }
0x8c: {  	s16 =	sshll.u32 s0, $0xA;
	s2 =	sadd.s32 s3, s2  }
0x8d: {  	s2 =	sadd.s32 s2, s16  }
0x8e: {  	[smem:$0x3FB5] =	sst s2  }
0x8f: {  	_ = 	snop  }
0x90: {  	(tm) =	ssettm $0x1  }
0x91: {  	s17 =	sld [smem:$0x3FFB];
	_ =	sdelay $0x3  }
0x92: {  	_ =	strace s17  }
0x93: {  	s2 =	sld [smem:$0x3FFC];
	_ =	sdelay $0x3  }
0x94: {  	_ =	strace s2  }
0x95: {  	s2 =	sld [smem:$0x3FFD];
	_ =	sdelay $0x3  }
0x96: {  	_ =	strace s2  }
0x97: {  	_ =	strace $0x8FFFFFFF  }
0x98: {  	s18 =	sld [smem:$0x3FDB];
	_ =	sdelay $0x1  }
0x99: {  	s19 =	simm.s32 $_scs_section_size  }
0x9a: {  	s4 =	simm.s32 $_size__tile_overlayer_lowered;
	s5 =	simm.s32 $_tile_overlayer_lowered  }
0x9b: {  	s22 =	simm.s32 $0x1BFF;
	s21 =	sshll.u32 s5, $0x1;
	s2 =	sadd.s32 s19, s18  }
0x9c: {  	s6 =	simm.s32 $0x0;
	s20 =	sshll.u32 s4, $0x1;
	s4 =	sadd.s32 s21, s2  }
0x9d: {  	[timem:s6], [sflag:s22] =	dma.local [hbm:s4], s20  }
0x9e: {  	_ =	swait.ge [sflag:s22], s20  }
0x9f: {  	s3 =	ssub.s32 $0x0, s20;
	[sflag:s22] =	ssyncset.done $0x0  }
0xa0: {  	[sflag:s22] =	ssyncadd.s32 s3;
	_ =	sdelay $0x1  }
0xa1: {  	s23 =	simm.s32 $0x1B8B  }
0xa2: {  	_ =	swait.ge [sflag:s23], $0x1  }
0xa3: {  	[sflag:s23] =	ssyncset.done $0x0  }
0xa4: {  	s25 =	simm.s32 $0x1B8E;
	s24 =	sld [smem:$0x3FFE];
	[sflag:s23] =	ssyncadd.s32 $0xFFFFFFFF  }
0xa5: {  	s26 =	simm.s32 $execute0_lowered;
	[smem:$0x3FD2] =	sst s25  }
0xa6: {  	s4 =	sshll.u32 s26, $0x1;
	_ =	strace $0x8000005E;
	[dreg:$0x1] =	wrdreg $0xFFFFFFFF  }
0xa7: {  	s28 =	simm.s32 $_size_execute0_lowered;
	s2 =	sadd.s32 s2, s4;
	[dreg:$0x0] =	wrdreg $0x0  }
0xa8: {  	s4 =	sshll.u32 s28, $0x1;
	[dreg:$0x2] =	wrdreg s2  }
0xa9: {  	[dreg:$0x3] =	wrdreg s4  }
0xaa: {  	[dreg:$0x4] =	wrdreg $0xC0  }
0xab: {  	_ =	task [dreg:s6], $0x5FFFF  }
0xac: {  	[dreg:$0x1] =	wrdreg $0xFFFFFFFF  }
0xad: {  	[dreg:$0x0] =	wrdreg $0x60  }
0xae: {  	[dreg:$0x2] =	wrdreg s24  }
0xaf: {  	[dreg:$0x3] =	wrdreg $0x90000  }
0xb0: {  	[dreg:$0x4] =	wrdreg $0x9  }
0xb1: {  	_ =	task.clear_ibuf [dreg:s6], $0x5FFFF;
	_ =	strace $0x9000005E  }
0xb2: {  	s29 =	simm.s32 $0x9;
	_ =	strace $0x80000060  }
0xb3: {  	_ =	swait.ge [sflag:s29], $0x1  }
0xb4: {  	[sflag:s29] =	ssyncadd.s32 $0xFFFFFFFF  }
0xb5: {  	_ =	strace $0x90000060  }
0xb6: {  	_ =	sfence  }
0xb7: {  	s30 =	sld [smem:$0x0];
	_ =	sdelay $0x2  }
0xb8: {  	s31 =	sshll.u32 s1, $0xD;
	s1 =	sshrl.u32 s1, $0x2  }
0xb9: {  	s3 =	sand.u32 $0x4000, s31;
	s1 =	sadd.s32 s1, s30  }
0xba: {  	s0 =	sor.u32 s3, s0;
	s1 =	sshll.u32 s1, $0x11  }
0xbb: {  	s0 =	sor.u32 s1, s0  }
0xbc: {  	s0 =	sadd.s32 $0x8F2B, s0  }
0xbd: {  	[sflag:s0] =	ssyncadd.remote.s32 $0x1  }
0xbe: {  	_ =	sfence.sel $0xFFFF  }
0xbf: {  	[dreg:$0x0] =	wrdreg $0xFFFFFFFF;
	(pc) =	sbr.abs _section_cstart, $3  }
0xc0: {  	[dreg:$0x1] =	wrdreg $0xFFFFFFFF  }
0xc1: {  	_ =	task.clear_ibuf [dreg:s6], $0x2FFFF;
	_ =	strace $0x9FFFFFFF  }
0xc2: {  	(tm) =	ssettm $0x7FFFFFFF  }
0xc3: {  	_ =	shalt  }
tec
execute0_lowered:
.L_overlay_start_1:
0x0: {  	(tag) =	ssettag $0x1  }
0x1: {  	s5 =	rddreg [dreg:$0x0]  }
0x2: {  	s2 =	rddreg [dreg:$0x1]  }
0x3: {  	s0 =	rddreg [dreg:$0x2]  }
0x4: {  	s4 =	srdreg.scid;
	s1 =	stileid.u32;
	s3 =	simm.s32 $0x0  }
0x5: {  	s14 =	simm.s32 $0x80;
	s15 =	simm.s32 $0x5000;
	s16 =	simm.s32 $0x1  }
0x6: {  	s17 =	simm.s32 $0x0;
	s6 =	sand.u32 $0x1, s4;
	s8 =	smul.u32 $0x2780, s1  }
0x7: {  	s28 =	sshll.u32 s1, $0x1;
	[smem:$0x7FF] =	sst s3;
	s11 =	smul.u32 $0x4F000, s1  }
0x8: {  	s31 =	sshll.u32 s1, $0x6;
	s4 =	sor.u32 s6, s28;
	_ =	strace $0x8000005F  }
0x9: {  	s9 =	ssub.s32 $0x2, s6;
	p0 =	seq.s32 s6, $0x1;
	s7 =	smul.u32 $0x500, s4  }
0xa: {  	s4 =	sadd.s32 $0x44E00, s5;
	s10 =	sshrl.u32 s9, $0x1;
	s12 =	sadd.s32 s8, s5  }
0xb: {  	s30 =	sshrl.u32 s11, $0x2;
	s11 =	simm.s32 $0x2800;
	s29 =	ssub.s32 s9, s10  }
0xc: {  	s10 =	simm.s32 $0xBB000;
	s13 =	sadd.s32 s30, s2;
	s7 =	sadd.s32 s7, s5  }
0xd: {  	s10 =	simm.s32 @!p0 $0x93800;
	s8 =	smax.u32 s29, $0x1;
	s13 =	sshrl.u32 s13, $0x3  }
0xe: {  	s5 =	sadd.s32 $0x9600, s7;
	s6 =	sadd.s32 $0x13600, s7;
	s7 =	sadd.s32 $0x1D600, s12  }
0xf: {  	s9 =	sadd.s32 s10, s12;
	s10 =	simm.s32 $0x2;
	s12 =	sor.u32 $0x1C02, s31  }
.LBB2_1:
0x10: {  	[tilespmem:s3], [sflag:$0x2] =	stream.linear.gather [hbm4b:s5+s3], $0x2780, $0x38;
	[tilespmem:$0x1CC00] =	vst v63  }
0x11: {  	_ =	swait.ge [sflag:s10], $0x2780  }
0x12: {  	[sflag:s10] =	ssyncset.done $0x0  }
0x13: {  	[sflag:s10] =	ssyncadd.s32 $0xFFFFD880  }
0x14: {  	[tilespmem:s11], [sflag:$0x2] =	stream.linear.gather [hbm4b:s6+s3], $0x2780, $0x38;
	[tilespmem:$0x1CC00] =	vst v63  }
0x15: {  	_ =	swait.ge [sflag:s10], $0x2780  }
0x16: {  	[sflag:s10] =	ssyncset.done $0x0  }
0x17: {  	[sflag:s10] =	ssyncadd.s32 $0xFFFFD880  }
0x18: {  	[spmem:s13], [sflag:s12] =	dma.local [hbm:s7], $0x2780  }
0x19: {  	_ =	swait.ge [sflag:s10], $0x2780  }
0x1a: {  	[sflag:s10] =	ssyncset.done $0x0  }
0x1b: {  	[sflag:s10] =	ssyncadd.s32 $0xFFFFD880  }
0x1c: {  	s18 =	simm.s32 $0x0;
	[bflag:$0x0] =	sbarrier.arrive $0xFFFF  }
0x1d: {  	[tilespmem:s15], [sflag:$0x1] =	stream.indirect.gather [hbm4b:s4+s14], $0x80, s18, s14, $0xb8;
	[tilespmem:$0x1CC00] =	vst v63  }
0x1e: {  	_ =	swait.ge [sflag:s16], $0x4000  }
0x1f: {  	[sflag:s16] =	ssyncset.done $0x0  }
0x20: {  	s31 =	simm.s32 $0x2800;
	[sflag:s16] =	ssyncadd.s32 $0xFFFFC000  }
0x21: {  	[spmem:s2] =	stream.indirect.scatter.add.f32 [tilespmem:s15], [sflag:$0x2], $0x80, s31, s14, $0xb8;
	[tilespmem:$0x1CC00] =	vst v63  }
0x22: {  	_ =	swait.ge [sflag:s10], $0x4000  }
0x23: {  	s19 =	simm.s32 $0x400;
	s18 =	simm.s32 $0x200;
	[sflag:s10] =	ssyncset.done $0x0  }
.LBB2_2:
0x24: {  	s20 =	sshra.s32 s18, $0x2  }
0x25: {  	[sflag:s10] =	ssyncadd.s32 $0xFFFFC000;
	s18 =	smov.u32 s19;
	s21 =	sadd.s32 $0x200, s19  }
0x26: {  	[tilespmem:s15], [sflag:$0x1] =	stream.indirect.gather [hbm4b:s4+s14], $0x80, s20, s14, $0xb8;
	[tilespmem:$0x1CC00] =	vst v63  }
0x27: {  	p0 =	sne.s32 s19, $0x9C00;
	_ =	swait.ge [sflag:s16], $0x4000  }
.Ltmp0:
0x28: {  	[sflag:s16] =	ssyncset.done $0x0;
	(pc) =	sbr.rel @p0 .LBB2_2-.Ltmp0, $4  }
0x29: {  	s19 =	sadd.s32 $0x2800, s20;
	[sflag:s16] =	ssyncadd.s32 $0xFFFFC000  }
0x2a: {  	[spmem:s2] =	stream.indirect.scatter.add.f32 [tilespmem:s15], [sflag:$0x2], $0x80, s19, s14, $0xb8;
	[tilespmem:$0x1CC00] =	vst v63  }
0x2b: {  	_ =	swait.ge [sflag:s10], $0x4000  }
0x2c: {  	s19 =	smov.u32 s21;
	[sflag:s10] =	ssyncset.done $0x0  }
0x2d: {  	s18 =	sshra.s32 s18, $0x2;
	[sflag:s10] =	ssyncadd.s32 $0xFFFFC000  }
0x2e: {  	[tilespmem:s15], [sflag:$0x1] =	stream.indirect.gather [hbm4b:s4+s14], $0x80, s18, s14, $0xb8;
	[tilespmem:$0x1CC00] =	vst v63  }
0x2f: {  	_ =	swait.ge [sflag:s16], $0x4000  }
0x30: {  	[sflag:s16] =	ssyncset.done $0x0  }
0x31: {  	s18 =	sadd.s32 $0x2800, s18;
	[sflag:s16] =	ssyncadd.s32 $0xFFFFC000  }
0x32: {  	[spmem:s2] =	stream.indirect.scatter.add.f32 [tilespmem:s15], [sflag:$0x2], $0x80, s18, s14, $0xb8;
	[tilespmem:$0x1CC00] =	vst v63  }
0x33: {  	_ =	swait.ge [sflag:s10], $0x4000  }
0x34: {  	s17 =	sadd.s32 $0x1, s17;
	[sflag:s10] =	ssyncset.done $0x0  }
0x35: {  	p0 =	sne.s32 s17, s8;
	[sflag:s10] =	ssyncadd.s32 $0xFFFFC000  }
.Ltmp1:
0x36: {  	[bflag:$0x0] =	sbarrier.arrive $0xFFFF;
	(pc) =	sbr.rel @p0 .LBB2_1-.Ltmp1, $4  }
0x37: {  	[hbm:s9], [sflag:s12] =	dma.local [spmem:s13], $0x2780  }
0x38: {  	_ =	swait.ge [sflag:s10], $0x2780  }
0x39: {  	[sflag:s10] =	ssyncset.done $0x0  }
0x3a: {  	[sflag:s10] =	ssyncadd.s32 $0xFFFFD880  }
0x3b: {  	_ =	sfence.sel $0x180000  }
0x3c: {  	[bflag:$0x0] =	sbarrier.arrive $0xFFFF  }
0x3d: {  	p0 =	sne.s32 s1, $0x0;
	_ =	strace $0x9000005F  }
0x3e: {  	s0 =	sadd.s32 @!p0 $0x100000, s0;
	[bflag:$0x2] =	sbarrier.arrive $0xFFFF  }
0x3f: {  	[sflag:s0] =	ssyncadd.tile.s32 @!p0 $0x1;
	_ =	shalt  }
.Lfunc_end2:
_tile_overlayer_lowered:
.L_overlay_start_2:
0x40: {  	(tag) =	ssettag $0x2  }
0x41: {  	s0 =	rddreg [dreg:$0x0];
	s2 =	stileid.u32  }
0x42: {  	s1 =	rddreg [dreg:$0x1];
	p0 =	sne.s32 s2, $0x0  }
0x43: {  	s3 =	rddreg [dreg:$0x2];
	[bflag:$0x3] =	sbarrier.arrive $0xFFFF;
	s2 =	simm.s32 @!p0 $0x1C02  }
0x44: {  	[timem:s3], [sflag:s2] =	dma.local @!p0 [hbm:s0], s1  }
0x45: {  	s0 =	simm.s32 @!p0 $0x2  }
0x46: {  	_ =	swait.ge @!p0 [sflag:s0], s1  }
0x47: {  	s1 =	ssub.s32 @!p0 $0x0, s1;
	[sflag:s0] =	ssyncset.done @!p0 $0x0  }
0x48: {  	[sflag:s0] =	ssyncadd.s32 @!p0 s1  }
0x49: {  	[bflag:$0x3] =	sbarrier.arrive $0xFFFF  }
0x4a: {  	_ =	shalt  }

</sc_bundles>
